<compile_context>
chip_gen: v7x
topology: tpu7x:2x2x1
jax: 0.10.2.dev20260603
libtpu: 0.0.44.dev20260713+nightly
codegen_flags: <defaults>
</compile_context>

<pallas_src>
import functools

import jax
import jax.numpy as jnp
from jax import lax
from jax.experimental import pallas as pl
from jax.experimental.pallas import tpu as pltpu
from jax.experimental.pallas import tpu_sc as plsc

N = 10000
WIDTH = 32
KER_IN = 4
DEPTH = 2

NC = 2
NS = 16
NW = NC * NS
N_PAD = 10240
RPS = N_PAD // NS
HW = 128
TE = 512
ROWT = 1000

_pallas_call = pl.pallas_call


def _mesh():
    return plsc.VectorSubcoreMesh(core_axis_name="c", subcore_axis_name="s",
                                  num_cores=NC, num_subcores=NS)



def _sc_gather(h, idx):
    e_pad = idx.shape[0]
    rows = e_pad // NW // 128
    chw = rows * 128
    q_n = rows // 4

    @functools.partial(
        pl.kernel, mesh=_mesh(),
        out_type=jax.ShapeDtypeStruct((e_pad, HW), jnp.float32),
        scratch_types=[pltpu.VMEM((chw,), jnp.int32)]
                      + [pltpu.VMEM((128, HW), jnp.float32)] * 4
                      + [pltpu.SemaphoreType.DMA] * 8)
    def k(h_hbm, idx_hbm, out_hbm, idx_v, b0, b1, b2, b3,
          g0, g1, g2, g3, w0, w1, w2, w3):
        wid = lax.axis_index("s") * NC + lax.axis_index("c")
        base = wid * rows
        bufs = (b0, b1, b2, b3)
        gs = (g0, g1, g2, g3)
        ws = (w0, w1, w2, w3)
        pltpu.sync_copy(idx_hbm.at[pl.ds(base * 128, chw)], idx_v)

        def g_desc(j, s):
            return pltpu.make_async_copy(
                h_hbm.at[idx_v.at[pl.ds(j * 128, 128)]], bufs[s], gs[s])

        def w_desc(j, s):
            return pltpu.make_async_copy(
                bufs[s], out_hbm.at[pl.ds((base + j) * 128, 128)], ws[s])

        for s in range(4):
            g_desc(s, s).start()

        @pl.loop(0, q_n)
        def _(q):
            for s in range(4):
                g_desc(q * 4 + s, s).wait()
                w_desc(q * 4 + s, s).start()
            for s in range(4):
                w_desc(q * 4 + s, s).wait()

                @pl.when(q < q_n - 1)
                def _():
                    g_desc(q * 4 + 4 + s, s).start()

    return k(h, idx)


def _sc_scatter_add(msg, idx):
    e_pad = idx.shape[0]
    rows = e_pad // NW // 128
    chw = rows * 128
    q_n = rows // 2
    zeros = jnp.zeros((RPS, HW), jnp.float32)

    @functools.partial(
        pl.kernel, mesh=_mesh(),
        out_type=jax.ShapeDtypeStruct((NC, N_PAD, HW), jnp.float32),
        scratch_types=[pltpu.VMEM_SHARED((N_PAD, HW), jnp.float32),
                       pltpu.VMEM((chw,), jnp.int32)]
                      + [pltpu.VMEM((128, HW), jnp.float32)] * 2
                      + [pltpu.SemaphoreType.DMA] * 4)
    def k(msg_hbm, idx_hbm, z_hbm, out_hbm, acc, idx_v, b0, b1,
          f0, f1, a0, a1):
        cc = lax.axis_index("c")
        ss = lax.axis_index("s")
        wid = ss * NC + cc
        sl = pl.ds(ss * RPS, RPS)
        base = wid * rows
        bufs = (b0, b1)
        fs = (f0, f1)
        as_ = (a0, a1)
        pltpu.sync_copy(z_hbm, acc.at[sl])
        pltpu.sync_copy(idx_hbm.at[pl.ds(base * 128, chw)], idx_v)
        plsc.subcore_barrier()

        def f_desc(j, s):
            return pltpu.make_async_copy(
                msg_hbm.at[pl.ds((base + j) * 128, 128)], bufs[s], fs[s])

        def a_desc(j, s):
            return pltpu.make_async_copy(
                bufs[s], acc.at[idx_v.at[pl.ds(j * 128, 128)]], as_[s])

        for s in range(2):
            f_desc(s, s).start()

        @pl.loop(0, q_n)
        def _(q):
            for s in range(2):
                f_desc(q * 2 + s, s).wait()
                a_desc(q * 2 + s, s).start(add=True)
            for s in range(2):
                a_desc(q * 2 + s, s).wait()

                @pl.when(q < q_n - 1)
                def _():
                    f_desc(q * 2 + 2 + s, s).start()

        plsc.subcore_barrier()
        pltpu.sync_copy(acc.at[sl], out_hbm.at[cc].at[sl])

    return k(msg, idx, zeros)



def _msg_body(ea_ref, xg_ref, w1_ref, b1_ref, w2_ref, b2_ref, w3_ref, b3_ref,
              r_ref, s_ref, out_ref):
    f32 = jnp.float32
    h1 = jnp.maximum(jnp.dot(ea_ref[...], w1_ref[...],
                             preferred_element_type=f32) + b1_ref[...], 0.0)
    h2 = jnp.maximum(jnp.dot(h1, w2_ref[...],
                             preferred_element_type=f32) + b2_ref[...], 0.0)
    w = jnp.dot(h2, w3_ref[...], preferred_element_type=f32) + b3_ref[...]
    xb = jnp.dot(xg_ref[...], r_ref[...], preferred_element_type=f32)
    pv = w * xb
    pv = pv[:, :512] + pv[:, 512:]
    pv = pv[:, :256] + pv[:, 256:]
    pv = pv[:, :128] + pv[:, 128:]
    m = jnp.dot(pv, s_ref[...], preferred_element_type=f32)
    te = m.shape[0]
    out_ref[...] = jnp.concatenate(
        [m, jnp.ones((te, 1), f32), jnp.zeros((te, HW - WIDTH - 1), f32)],
        axis=1)


def _msg_call(eap, xg, ker, rm, sm):
    (w1, b1), (w2, b2), (w3, b3) = ker
    e_pad = eap.shape[0]
    full = lambda a: pl.BlockSpec(a.shape, lambda i: tuple(0 for _ in a.shape))
    args = (eap, xg, w1, b1[None], w2, b2[None], w3, b3[None], rm, sm)
    return _pallas_call(
        _msg_body,
        grid=(e_pad // TE,),
        in_specs=[pl.BlockSpec((TE, KER_IN), lambda i: (i, 0)),
                  pl.BlockSpec((TE, HW), lambda i: (i, 0))]
                 + [full(a) for a in args[2:]],
        out_specs=pl.BlockSpec((TE, HW), lambda i: (i, 0)),
        out_shape=jax.ShapeDtypeStruct((e_pad, HW), jnp.float32),
    )(*args)


def _wide(res):
    return jnp.concatenate(
        [res, jnp.zeros((res.shape[0], HW - WIDTH), res.dtype)], axis=1)


def _x0_body(x_ref, w_ref, b_ref, out_ref):
    out_ref[...] = _wide(x_ref[...] * w_ref[...] + b_ref[...])


def _x0_call(x, w, b):
    return _pallas_call(
        _x0_body,
        grid=(N // ROWT,),
        in_specs=[pl.BlockSpec((ROWT, 1), lambda i: (i, 0)),
                  pl.BlockSpec((1, WIDTH), lambda i: (0, 0)),
                  pl.BlockSpec((1, WIDTH), lambda i: (0, 0))],
        out_specs=pl.BlockSpec((ROWT, HW), lambda i: (i, 0)),
        out_shape=jax.ShapeDtypeStruct((N, HW), jnp.float32),
    )(x, w[None, 0], b[None])


def _comb_body(h_ref, x0_ref, s1a, s1b, s2a, s2b,
               r1_ref, z1_ref, r2_ref, z2_ref, out_ref):
    f32 = jnp.float32
    h = h_ref[:, :WIDTH]
    t1 = s1a[...] + s1b[...]
    t2 = s2a[...] + s2b[...]
    agg1 = t1[:, :WIDTH] / jnp.maximum(t1[:, WIDTH:WIDTH + 1], 1.0)
    agg2 = t2[:, :WIDTH] / jnp.maximum(t2[:, WIDTH:WIDTH + 1], 1.0)
    t = (agg1 + jnp.dot(h, r1_ref[...], preferred_element_type=f32) + z1_ref[...]
         + agg2 + jnp.dot(h, r2_ref[...], preferred_element_type=f32) + z2_ref[...])
    out_ref[...] = _wide(jnp.maximum(t, 0.0) + x0_ref[:, :WIDTH])


def _comb_call(h, x0, s1, s2, r1, z1, r2, z2):
    full = lambda a: pl.BlockSpec(a.shape, lambda i: tuple(0 for _ in a.shape))
    rowh = pl.BlockSpec((ROWT, HW), lambda i: (i, 0))
    args = (h, x0, s1[0], s1[1], s2[0], s2[1], r1, z1[None], r2, z2[None])
    return _pallas_call(
        _comb_body,
        grid=(N // ROWT,),
        in_specs=[rowh, rowh, rowh, rowh, rowh, rowh]
                 + [full(a) for a in args[6:]],
        out_specs=rowh,
        out_shape=jax.ShapeDtypeStruct((N, HW), jnp.float32),
    )(*args)


def _epi_body(h_ref, w2_ref, b2_ref, w3_ref, b3_ref, out_ref):
    f32 = jnp.float32
    t = jnp.maximum(jnp.dot(h_ref[:, :WIDTH], w2_ref[...],
                            preferred_element_type=f32) + b2_ref[...], 0.0)
    out_ref[...] = jnp.dot(t, w3_ref[...], preferred_element_type=f32) + b3_ref[...]


def _epi_call(h, w2, b2, w3, b3):
    full = lambda a: pl.BlockSpec(a.shape, lambda i: tuple(0 for _ in a.shape))
    args = (h, w2, b2[None], w3, b3[None])
    return _pallas_call(
        _epi_body,
        grid=(N // ROWT,),
        in_specs=[pl.BlockSpec((ROWT, HW), lambda i: (i, 0))]
                 + [full(a) for a in args[1:]],
        out_specs=pl.BlockSpec((ROWT, 1), lambda i: (i, 0)),
        out_shape=jax.ShapeDtypeStruct((N, 1), jnp.float32),
    )(*args)



def _prep_edges(edge_index):
    e0 = edge_index.shape[1]
    e_pad = -(-e0 // (NW * 128)) * (NW * 128)
    src = jnp.concatenate(
        [edge_index[0], jnp.zeros((e_pad - e0,), jnp.int32)])
    dst = jnp.concatenate(
        [edge_index[1], jnp.full((e_pad - e0,), N, jnp.int32)])
    return e_pad, src, dst


def kernel(x, edge_attr, edge_attr_boundary, params, edge_index,
           edge_index_boundary):
    p = params
    f32 = jnp.float32

    e_pad1, src1, dst1 = _prep_edges(edge_index)
    e_pad2, src2, dst2 = _prep_edges(edge_index_boundary)
    ea1 = jnp.concatenate(
        [edge_attr, jnp.zeros((e_pad1 - edge_attr.shape[0], KER_IN), f32)])
    ea2 = jnp.concatenate(
        [edge_attr_boundary,
         jnp.zeros((e_pad2 - edge_attr_boundary.shape[0], KER_IN), f32)])

    rm = (jnp.arange(32 * WIDTH)[None, :] // WIDTH
          == jnp.arange(HW)[:, None]).astype(f32)
    sm = (jnp.arange(128)[:, None] % WIDTH
          == jnp.arange(WIDTH)[None, :]).astype(f32)

    x0 = _x0_call(x, p["fc1_w"], p["fc1_b"])
    h = x0
    for _ in range(DEPTH):
        xg1 = _sc_gather(h, src1)
        xg2 = _sc_gather(h, src2)
        m1 = _msg_call(ea1, xg1, p["ker1"], rm, sm)
        m2 = _msg_call(ea2, xg2, p["ker2"], rm, sm)
        s1 = _sc_scatter_add(m1, dst1)
        s2 = _sc_scatter_add(m2, dst2)
        h = _comb_call(h, x0, s1, s2,
                       p["root1"], p["bias1"], p["root2"], p["bias2"])

    return _epi_call(h, p["fc2_w"], p["fc2_b"], p["fc3_w"], p["fc3_b"])

# --- scband reference (transcript-rebuilt; emitter-appended) ---
"""Pipeline reference for scband-kernel-nnboundary-91164975825182 (READ-ONLY COPY).

The authoritative reference and input builder live on the scoring server;
editing this copy changes nothing except your own understanding.
"""

import jax, jax.numpy as jnp
import numpy as np

N = 10000
E = 160000
EB = 16000
WIDTH = 32
KER_WIDTH = 128
KER_IN = 4
DEPTH = 2
IN_WIDTH = 1


def _init_linear(key, fan_in, fan_out):
    k1, k2 = jax.random.split(key)
    lim = 1.0 / np.sqrt(fan_in)
    W = jax.random.uniform(k1, (fan_in, fan_out), minval=-lim, maxval=lim, dtype=jnp.float32)
    b = jax.random.uniform(k2, (fan_out,), minval=-lim, maxval=lim, dtype=jnp.float32)
    return W, b


def _init_kernel(key):
    dims = [KER_IN, KER_WIDTH // 2, KER_WIDTH, WIDTH * WIDTH]
    keys = jax.random.split(key, len(dims) - 1)
    return tuple(_init_linear(keys[i], dims[i], dims[i + 1]) for i in range(len(dims) - 1))


def setup_inputs(seed: int = 0):
    key = jax.random.key(seed)
    ks = jax.random.split(key, 16)
    x = jax.random.normal(ks[0], (N, IN_WIDTH), dtype=jnp.float32)
    edge_index = jax.random.randint(ks[1], (2, E), 0, N, dtype=jnp.int32)
    edge_attr = jax.random.uniform(ks[2], (E, KER_IN), dtype=jnp.float32)
    edge_index_boundary = jax.random.randint(ks[3], (2, EB), 0, N, dtype=jnp.int32)
    edge_attr_boundary = jax.random.uniform(ks[4], (EB, KER_IN), dtype=jnp.float32)
    fc1_w, fc1_b = _init_linear(ks[5], IN_WIDTH, WIDTH)
    fc2_w, fc2_b = _init_linear(ks[6], WIDTH, KER_WIDTH)
    fc3_w, fc3_b = _init_linear(ks[7], KER_WIDTH, 1)
    ker1 = _init_kernel(ks[8])
    ker2 = _init_kernel(ks[9])
    lim = 1.0 / np.sqrt(WIDTH)
    root1 = jax.random.uniform(ks[10], (WIDTH, WIDTH), minval=-lim, maxval=lim, dtype=jnp.float32)
    bias1 = jax.random.uniform(ks[11], (WIDTH,), minval=-lim, maxval=lim, dtype=jnp.float32)
    root2 = jax.random.uniform(ks[12], (WIDTH, WIDTH), minval=-lim, maxval=lim, dtype=jnp.float32)
    bias2 = jax.random.uniform(ks[13], (WIDTH,), minval=-lim, maxval=lim, dtype=jnp.float32)
    params = {"fc1_w": fc1_w, "fc1_b": fc1_b, "fc2_w": fc2_w, "fc2_b": fc2_b, "fc3_w": fc3_w, "fc3_b": fc3_b, "ker1": ker1, "ker2": ker2, "root1": root1, "bias1": bias1, "root2": root2, "bias2": bias2}
    return {"x": x, "edge_attr": edge_attr, "edge_attr_boundary": edge_attr_boundary, "params": params, "edge_index": edge_index, "edge_index_boundary": edge_index_boundary}


def _dense(layers, h):
    n = len(layers)
    for i, (W, b) in enumerate(layers):
        h = h @ W + b
        if i < n - 1:
            h = jax.nn.relu(h)
    return h


def _nnconv_mean(h, ei, ea, kernel, root, bias):
    # NNConv_old: per-edge weight matrix from edge-attr MLP, message = x_j @ W(e), mean-aggregate at dst, plus root transform + bias
    w = _dense(kernel, ea).reshape(-1, WIDTH, WIDTH)
    src = ei[0]
    dst = ei[1]
    x_j = h[src]
    msg = jnp.einsum('ei,eio->eo', x_j, w)
    s = jax.ops.segment_sum(msg, dst, num_segments=N)
    c = jax.ops.segment_sum(jnp.ones((msg.shape[0],), msg.dtype), dst, num_segments=N)
    agg = s / jnp.maximum(c, 1.0)[:, None]
    return agg + h @ root + bias


def reference(x, edge_attr, edge_attr_boundary, params, edge_index, edge_index_boundary):
    p = params
    x0 = x @ p["fc1_w"] + p["fc1_b"]
    h = x0
    for _ in range(DEPTH):
        h = _nnconv_mean(h, edge_index, edge_attr, p["ker1"], p["root1"], p["bias1"]) + _nnconv_mean(h, edge_index_boundary, edge_attr_boundary, p["ker2"], p["root2"], p["bias2"])
        h = jax.nn.relu(h) + x0
    h = jax.nn.relu(h @ p["fc2_w"] + p["fc2_b"])
    return h @ p["fc3_w"] + p["fc3_b"]

if __name__ == "__main__":
    import jax
    _d = setup_inputs()
    print(jax.jit(kernel)(*tuple(_d.values())))

</pallas_src>

<mosaic_0001>
#map = affine_map<(d0, d1) -> (0, 0)>
#map1 = affine_map<(d0, d1) -> (0)>
module attributes {stable_mosaic.version = 14 : i64} {
  func.func @k(%arg0: i32, %arg1: i32, %arg2: memref<10000x128xf32, #tpu.memory_space<hbm>>, %arg3: memref<16384xi32, #tpu.memory_space<hbm>>, %arg4: memref<16384x128xf32, #tpu.memory_space<hbm>>, %arg5: memref<512xi32, #tpu.memory_space<vmem>>, %arg6: memref<128x128xf32, #tpu.memory_space<vmem>>, %arg7: memref<128x128xf32, #tpu.memory_space<vmem>>, %arg8: memref<128x128xf32, #tpu.memory_space<vmem>>, %arg9: memref<128x128xf32, #tpu.memory_space<vmem>>, %arg10: memref<!tpu.dma_semaphore, #tpu.memory_space<semaphore_mem>>, %arg11: memref<!tpu.dma_semaphore, #tpu.memory_space<semaphore_mem>>, %arg12: memref<!tpu.dma_semaphore, #tpu.memory_space<semaphore_mem>>, %arg13: memref<!tpu.dma_semaphore, #tpu.memory_space<semaphore_mem>>, %arg14: memref<!tpu.dma_semaphore, #tpu.memory_space<semaphore_mem>>, %arg15: memref<!tpu.dma_semaphore, #tpu.memory_space<semaphore_mem>>, %arg16: memref<!tpu.dma_semaphore, #tpu.memory_space<semaphore_mem>>, %arg17: memref<!tpu.dma_semaphore, #tpu.memory_space<semaphore_mem>>) attributes {dimension_semantics = [#tpu.dimension_semantics<core_parallel>, #tpu.dimension_semantics<subcore_parallel>], iteration_bounds = array<i64: 2, 16>, scalar_prefetch = 0 : i64, scratch_operands = 13 : i64, tpu.core_type = #tpu.core_type<sc_vector_subcore>, window_params = [{transform_indices = #map}, {transform_indices = #map1}, {transform_indices = #map}]} {
    %mul3A = arith.constant 2 : i32
    %mul3A_0 = arith.muli %arg1, %mul3A : i32
    %add3A = arith.addi %mul3A_0, %arg0 : i32
    %mul3A_1 = arith.constant 4 : i32
    %mul3A_2 = arith.muli %add3A, %mul3A_1 : i32
    %mul3A_3 = arith.constant 128 : i32
    %mul3A_4 = arith.muli %mul3A_2, %mul3A_3 : i32
    "tpu.region"() ({
      %run_scoped3A = tpu.sem_alloc : memref<!tpu.dma_semaphore, #tpu.memory_space<semaphore_mem>>
      %dma_start3A_173 = tpu.memref_slice %arg3[%mul3A_4] : memref<16384xi32, #tpu.memory_space<hbm>> -> memref<512xi32, #tpu.memory_space<hbm>>
      %dma_start3A_174 = tpu.memref_slice %arg3[%mul3A_4] : memref<16384xi32, #tpu.memory_space<hbm>> -> memref<512xi32, #tpu.memory_space<hbm>>
      tpu.enqueue_dma source(%dma_start3A_174 : memref<512xi32, #tpu.memory_space<hbm>>) target(%arg5 : memref<512xi32, #tpu.memory_space<vmem>>) target_semaphore(%run_scoped3A : memref<!tpu.dma_semaphore, #tpu.memory_space<semaphore_mem>>)
      %dma_wait3A_175 = tpu.memref_slice %arg3[%mul3A_4] : memref<16384xi32, #tpu.memory_space<hbm>> -> memref<512xi32, #tpu.memory_space<hbm>>
      %dma_wait3A_176 = tpu.memref_slice %arg3[%mul3A_4] : memref<16384xi32, #tpu.memory_space<hbm>> -> memref<512xi32, #tpu.memory_space<hbm>>
      tpu.wait_dma2 semaphore(%run_scoped3A : memref<!tpu.dma_semaphore, #tpu.memory_space<semaphore_mem>>) src(%dma_wait3A_176 : memref<512xi32, #tpu.memory_space<hbm>>) dst(%arg5 : memref<512xi32, #tpu.memory_space<vmem>>)
      tpu.yield
    }) : () -> ()
    %dma_start3A = arith.constant 0 : i32
    %dma_start3A_5 = tpu.memref_slice %arg5[%dma_start3A] : memref<512xi32, #tpu.memory_space<vmem>> -> memref<128xi32, #tpu.memory_space<vmem>>
    %dma_start3A_6 = arith.constant 0 : i32
    %dma_start3A_7 = arith.constant 0 : i32
    %dma_start3A_8 = tpu.memref_slice %arg2[%dma_start3A_6, %dma_start3A_7] : memref<10000x128xf32, #tpu.memory_space<hbm>> -> memref<10000x128xf32, #tpu.memory_space<hbm>>
    tpu.enqueue_indirect_dma source(%dma_start3A_8 : memref<10000x128xf32, #tpu.memory_space<hbm>>) target(%arg6 : memref<128x128xf32, #tpu.memory_space<vmem>>) offsets(%dma_start3A_5 : memref<128xi32, #tpu.memory_space<vmem>>) semaphore(%arg10 : memref<!tpu.dma_semaphore, #tpu.memory_space<semaphore_mem>>)
    %dma_start3A_9 = arith.constant 128 : i32
    %dma_start3A_10 = tpu.memref_slice %arg5[%dma_start3A_9] : memref<512xi32, #tpu.memory_space<vmem>> -> memref<128xi32, #tpu.memory_space<vmem>>
    %dma_start3A_11 = arith.constant 0 : i32
    %dma_start3A_12 = arith.constant 0 : i32
    %dma_start3A_13 = tpu.memref_slice %arg2[%dma_start3A_11, %dma_start3A_12] : memref<10000x128xf32, #tpu.memory_space<hbm>> -> memref<10000x128xf32, #tpu.memory_space<hbm>>
    tpu.enqueue_indirect_dma source(%dma_start3A_13 : memref<10000x128xf32, #tpu.memory_space<hbm>>) target(%arg7 : memref<128x128xf32, #tpu.memory_space<vmem>>) offsets(%dma_start3A_10 : memref<128xi32, #tpu.memory_space<vmem>>) semaphore(%arg11 : memref<!tpu.dma_semaphore, #tpu.memory_space<semaphore_mem>>)
    %dma_start3A_14 = arith.constant 256 : i32
    %dma_start3A_15 = tpu.memref_slice %arg5[%dma_start3A_14] : memref<512xi32, #tpu.memory_space<vmem>> -> memref<128xi32, #tpu.memory_space<vmem>>
    %dma_start3A_16 = arith.constant 0 : i32
    %dma_start3A_17 = arith.constant 0 : i32
    %dma_start3A_18 = tpu.memref_slice %arg2[%dma_start3A_16, %dma_start3A_17] : memref<10000x128xf32, #tpu.memory_space<hbm>> -> memref<10000x128xf32, #tpu.memory_space<hbm>>
    tpu.enqueue_indirect_dma source(%dma_start3A_18 : memref<10000x128xf32, #tpu.memory_space<hbm>>) target(%arg8 : memref<128x128xf32, #tpu.memory_space<vmem>>) offsets(%dma_start3A_15 : memref<128xi32, #tpu.memory_space<vmem>>) semaphore(%arg12 : memref<!tpu.dma_semaphore, #tpu.memory_space<semaphore_mem>>)
    %dma_start3A_19 = arith.constant 384 : i32
    %dma_start3A_20 = tpu.memref_slice %arg5[%dma_start3A_19] : memref<512xi32, #tpu.memory_space<vmem>> -> memref<128xi32, #tpu.memory_space<vmem>>
    %dma_start3A_21 = arith.constant 0 : i32
    %dma_start3A_22 = arith.constant 0 : i32
    %dma_start3A_23 = tpu.memref_slice %arg2[%dma_start3A_21, %dma_start3A_22] : memref<10000x128xf32, #tpu.memory_space<hbm>> -> memref<10000x128xf32, #tpu.memory_space<hbm>>
    tpu.enqueue_indirect_dma source(%dma_start3A_23 : memref<10000x128xf32, #tpu.memory_space<hbm>>) target(%arg9 : memref<128x128xf32, #tpu.memory_space<vmem>>) offsets(%dma_start3A_20 : memref<128xi32, #tpu.memory_space<vmem>>) semaphore(%arg13 : memref<!tpu.dma_semaphore, #tpu.memory_space<semaphore_mem>>)
    %scan3A = arith.constant 0 : i32
    %mul3A_24 = arith.constant 1 : i32
    %mul3A_25 = arith.muli %scan3A, %mul3A_24 : i32
    %add3A_26 = arith.constant 0 : i32
    %add3A_27 = arith.addi %add3A_26, %mul3A_25 : i32
    %mul3A_28 = arith.constant 4 : i32
    %mul3A_29 = arith.muli %add3A_27, %mul3A_28 : i32
    %add3A_30 = arith.constant 0 : i32
    %add3A_31 = arith.addi %mul3A_29, %add3A_30 : i32
    %mul3A_32 = arith.constant 128 : i32
    %mul3A_33 = arith.muli %add3A_31, %mul3A_32 : i32
    %dma_wait3A = tpu.memref_slice %arg5[%mul3A_33] : memref<512xi32, #tpu.memory_space<vmem>> -> memref<128xi32, #tpu.memory_space<vmem>>
    %dma_wait3A_34 = arith.constant 0 : i32
    %dma_wait3A_35 = arith.constant 0 : i32
    %dma_wait3A_36 = tpu.memref_slice %arg2[%dma_wait3A_34, %dma_wait3A_35] : memref<10000x128xf32, #tpu.memory_space<hbm>> -> memref<10000x128xf32, #tpu.memory_space<hbm>>
    tpu.wait_indirect_dma semaphore(%arg10 : memref<!tpu.dma_semaphore, #tpu.memory_space<semaphore_mem>>) src(%dma_wait3A_36 : memref<10000x128xf32, #tpu.memory_space<hbm>>) dst(%arg6 : memref<128x128xf32, #tpu.memory_space<vmem>>)
    %mul3A_37 = arith.constant 4 : i32
    %mul3A_38 = arith.muli %add3A_27, %mul3A_37 : i32
    %add3A_39 = arith.constant 0 : i32
    %add3A_40 = arith.addi %mul3A_38, %add3A_39 : i32
    %add3A_41 = arith.addi %mul3A_2, %add3A_40 : i32
    %mul3A_42 = arith.constant 128 : i32
    %mul3A_43 = arith.muli %add3A_41, %mul3A_42 : i32
    %dma_start3A_44 = arith.constant 0 : i32
    %dma_start3A_45 = tpu.memref_slice %arg4[%mul3A_43, %dma_start3A_44] : memref<16384x128xf32, #tpu.memory_space<hbm>> -> memref<128x128xf32, #tpu.memory_space<hbm>>
    %dma_start3A_46 = arith.constant 0 : i32
    %dma_start3A_47 = tpu.memref_slice %arg4[%mul3A_43, %dma_start3A_46] : memref<16384x128xf32, #tpu.memory_space<hbm>> -> memref<128x128xf32, #tpu.memory_space<hbm>>
    tpu.enqueue_dma source(%arg6 : memref<128x128xf32, #tpu.memory_space<vmem>>) target(%dma_start3A_47 : memref<128x128xf32, #tpu.memory_space<hbm>>) target_semaphore(%arg14 : memref<!tpu.dma_semaphore, #tpu.memory_space<semaphore_mem>>)
    %mul3A_48 = arith.constant 4 : i32
    %mul3A_49 = arith.muli %add3A_27, %mul3A_48 : i32
    %add3A_50 = arith.constant 1 : i32
    %add3A_51 = arith.addi %mul3A_49, %add3A_50 : i32
    %mul3A_52 = arith.constant 128 : i32
    %mul3A_53 = arith.muli %add3A_51, %mul3A_52 : i32
    %dma_wait3A_54 = tpu.memref_slice %arg5[%mul3A_53] : memref<512xi32, #tpu.memory_space<vmem>> -> memref<128xi32, #tpu.memory_space<vmem>>
    %dma_wait3A_55 = arith.constant 0 : i32
    %dma_wait3A_56 = arith.constant 0 : i32
    %dma_wait3A_57 = tpu.memref_slice %arg2[%dma_wait3A_55, %dma_wait3A_56] : memref<10000x128xf32, #tpu.memory_space<hbm>> -> memref<10000x128xf32, #tpu.memory_space<hbm>>
    tpu.wait_indirect_dma semaphore(%arg11 : memref<!tpu.dma_semaphore, #tpu.memory_space<semaphore_mem>>) src(%dma_wait3A_57 : memref<10000x128xf32, #tpu.memory_space<hbm>>) dst(%arg7 : memref<128x128xf32, #tpu.memory_space<vmem>>)
    %mul3A_58 = arith.constant 4 : i32
    %mul3A_59 = arith.muli %add3A_27, %mul3A_58 : i32
    %add3A_60 = arith.constant 1 : i32
    %add3A_61 = arith.addi %mul3A_59, %add3A_60 : i32
    %add3A_62 = arith.addi %mul3A_2, %add3A_61 : i32
    %mul3A_63 = arith.constant 128 : i32
    %mul3A_64 = arith.muli %add3A_62, %mul3A_63 : i32
    %dma_start3A_65 = arith.constant 0 : i32
    %dma_start3A_66 = tpu.memref_slice %arg4[%mul3A_64, %dma_start3A_65] : memref<16384x128xf32, #tpu.memory_space<hbm>> -> memref<128x128xf32, #tpu.memory_space<hbm>>
    %dma_start3A_67 = arith.constant 0 : i32
    %dma_start3A_68 = tpu.memref_slice %arg4[%mul3A_64, %dma_start3A_67] : memref<16384x128xf32, #tpu.memory_space<hbm>> -> memref<128x128xf32, #tpu.memory_space<hbm>>
    tpu.enqueue_dma source(%arg7 : memref<128x128xf32, #tpu.memory_space<vmem>>) target(%dma_start3A_68 : memref<128x128xf32, #tpu.memory_space<hbm>>) target_semaphore(%arg15 : memref<!tpu.dma_semaphore, #tpu.memory_space<semaphore_mem>>)
    %mul3A_69 = arith.constant 4 : i32
    %mul3A_70 = arith.muli %add3A_27, %mul3A_69 : i32
    %add3A_71 = arith.constant 2 : i32
    %add3A_72 = arith.addi %mul3A_70, %add3A_71 : i32
    %mul3A_73 = arith.constant 128 : i32
    %mul3A_74 = arith.muli %add3A_72, %mul3A_73 : i32
    %dma_wait3A_75 = tpu.memref_slice %arg5[%mul3A_74] : memref<512xi32, #tpu.memory_space<vmem>> -> memref<128xi32, #tpu.memory_space<vmem>>
    %dma_wait3A_76 = arith.constant 0 : i32
    %dma_wait3A_77 = arith.constant 0 : i32
    %dma_wait3A_78 = tpu.memref_slice %arg2[%dma_wait3A_76, %dma_wait3A_77] : memref<10000x128xf32, #tpu.memory_space<hbm>> -> memref<10000x128xf32, #tpu.memory_space<hbm>>
    tpu.wait_indirect_dma semaphore(%arg12 : memref<!tpu.dma_semaphore, #tpu.memory_space<semaphore_mem>>) src(%dma_wait3A_78 : memref<10000x128xf32, #tpu.memory_space<hbm>>) dst(%arg8 : memref<128x128xf32, #tpu.memory_space<vmem>>)
    %mul3A_79 = arith.constant 4 : i32
    %mul3A_80 = arith.muli %add3A_27, %mul3A_79 : i32
    %add3A_81 = arith.constant 2 : i32
    %add3A_82 = arith.addi %mul3A_80, %add3A_81 : i32
    %add3A_83 = arith.addi %mul3A_2, %add3A_82 : i32
    %mul3A_84 = arith.constant 128 : i32
    %mul3A_85 = arith.muli %add3A_83, %mul3A_84 : i32
    %dma_start3A_86 = arith.constant 0 : i32
    %dma_start3A_87 = tpu.memref_slice %arg4[%mul3A_85, %dma_start3A_86] : memref<16384x128xf32, #tpu.memory_space<hbm>> -> memref<128x128xf32, #tpu.memory_space<hbm>>
    %dma_start3A_88 = arith.constant 0 : i32
    %dma_start3A_89 = tpu.memref_slice %arg4[%mul3A_85, %dma_start3A_88] : memref<16384x128xf32, #tpu.memory_space<hbm>> -> memref<128x128xf32, #tpu.memory_space<hbm>>
    tpu.enqueue_dma source(%arg8 : memref<128x128xf32, #tpu.memory_space<vmem>>) target(%dma_start3A_89 : memref<128x128xf32, #tpu.memory_space<hbm>>) target_semaphore(%arg16 : memref<!tpu.dma_semaphore, #tpu.memory_space<semaphore_mem>>)
    %mul3A_90 = arith.constant 4 : i32
    %mul3A_91 = arith.muli %add3A_27, %mul3A_90 : i32
    %add3A_92 = arith.constant 3 : i32
    %add3A_93 = arith.addi %mul3A_91, %add3A_92 : i32
    %mul3A_94 = arith.constant 128 : i32
    %mul3A_95 = arith.muli %add3A_93, %mul3A_94 : i32
    %dma_wait3A_96 = tpu.memref_slice %arg5[%mul3A_95] : memref<512xi32, #tpu.memory_space<vmem>> -> memref<128xi32, #tpu.memory_space<vmem>>
    %dma_wait3A_97 = arith.constant 0 : i32
    %dma_wait3A_98 = arith.constant 0 : i32
    %dma_wait3A_99 = tpu.memref_slice %arg2[%dma_wait3A_97, %dma_wait3A_98] : memref<10000x128xf32, #tpu.memory_space<hbm>> -> memref<10000x128xf32, #tpu.memory_space<hbm>>
    tpu.wait_indirect_dma semaphore(%arg13 : memref<!tpu.dma_semaphore, #tpu.memory_space<semaphore_mem>>) src(%dma_wait3A_99 : memref<10000x128xf32, #tpu.memory_space<hbm>>) dst(%arg9 : memref<128x128xf32, #tpu.memory_space<vmem>>)
    %mul3A_100 = arith.constant 4 : i32
    %mul3A_101 = arith.muli %add3A_27, %mul3A_100 : i32
    %add3A_102 = arith.constant 3 : i32
    %add3A_103 = arith.addi %mul3A_101, %add3A_102 : i32
    %add3A_104 = arith.addi %mul3A_2, %add3A_103 : i32
    %mul3A_105 = arith.constant 128 : i32
    %mul3A_106 = arith.muli %add3A_104, %mul3A_105 : i32
    %dma_start3A_107 = arith.constant 0 : i32
    %dma_start3A_108 = tpu.memref_slice %arg4[%mul3A_106, %dma_start3A_107] : memref<16384x128xf32, #tpu.memory_space<hbm>> -> memref<128x128xf32, #tpu.memory_space<hbm>>
    %dma_start3A_109 = arith.constant 0 : i32
    %dma_start3A_110 = tpu.memref_slice %arg4[%mul3A_106, %dma_start3A_109] : memref<16384x128xf32, #tpu.memory_space<hbm>> -> memref<128x128xf32, #tpu.memory_space<hbm>>
    tpu.enqueue_dma source(%arg9 : memref<128x128xf32, #tpu.memory_space<vmem>>) target(%dma_start3A_110 : memref<128x128xf32, #tpu.memory_space<hbm>>) target_semaphore(%arg17 : memref<!tpu.dma_semaphore, #tpu.memory_space<semaphore_mem>>)
    %mul3A_111 = arith.constant 4 : i32
    %mul3A_112 = arith.muli %add3A_27, %mul3A_111 : i32
    %add3A_113 = arith.constant 0 : i32
    %add3A_114 = arith.addi %mul3A_112, %add3A_113 : i32
    %add3A_115 = arith.addi %mul3A_2, %add3A_114 : i32
    %mul3A_116 = arith.constant 128 : i32
    %mul3A_117 = arith.muli %add3A_115, %mul3A_116 : i32
    %dma_wait3A_118 = arith.constant 0 : i32
    %dma_wait3A_119 = tpu.memref_slice %arg4[%mul3A_117, %dma_wait3A_118] : memref<16384x128xf32, #tpu.memory_space<hbm>> -> memref<128x128xf32, #tpu.memory_space<hbm>>
    %dma_wait3A_120 = arith.constant 0 : i32
    %dma_wait3A_121 = tpu.memref_slice %arg4[%mul3A_117, %dma_wait3A_120] : memref<16384x128xf32, #tpu.memory_space<hbm>> -> memref<128x128xf32, #tpu.memory_space<hbm>>
    tpu.wait_dma2 semaphore(%arg14 : memref<!tpu.dma_semaphore, #tpu.memory_space<semaphore_mem>>) src(%arg6 : memref<128x128xf32, #tpu.memory_space<vmem>>) dst(%dma_wait3A_121 : memref<128x128xf32, #tpu.memory_space<hbm>>)
    %lt3A = arith.constant 0 : i32
    %lt3A_122 = arith.cmpi slt, %add3A_27, %lt3A : i32
    %convert_element_type3A = arith.extui %lt3A_122 : i1 to i32
    %cond3A = arith.constant 0 : i32
    %cond3A_123 = arith.cmpi ne, %convert_element_type3A, %cond3A : i32
    scf.if %cond3A_123 {
      %mul3A_173 = arith.constant 4 : i32
      %mul3A_174 = arith.muli %add3A_27, %mul3A_173 : i32
      %add3A_175 = arith.constant 4 : i32
      %add3A_176 = arith.addi %mul3A_174, %add3A_175 : i32
      %add3A_177 = arith.constant 0 : i32
      %add3A_178 = arith.addi %add3A_176, %add3A_177 : i32
      %mul3A_179 = arith.constant 128 : i32
      %mul3A_180 = arith.muli %add3A_178, %mul3A_179 : i32
      %dma_start3A_181 = tpu.memref_slice %arg5[%mul3A_180] : memref<512xi32, #tpu.memory_space<vmem>> -> memref<128xi32, #tpu.memory_space<vmem>>
      %dma_start3A_182 = arith.constant 0 : i32
      %dma_start3A_183 = arith.constant 0 : i32
      %dma_start3A_184 = tpu.memref_slice %arg2[%dma_start3A_182, %dma_start3A_183] : memref<10000x128xf32, #tpu.memory_space<hbm>> -> memref<10000x128xf32, #tpu.memory_space<hbm>>
      tpu.enqueue_indirect_dma source(%dma_start3A_184 : memref<10000x128xf32, #tpu.memory_space<hbm>>) target(%arg6 : memref<128x128xf32, #tpu.memory_space<vmem>>) offsets(%dma_start3A_181 : memref<128xi32, #tpu.memory_space<vmem>>) semaphore(%arg10 : memref<!tpu.dma_semaphore, #tpu.memory_space<semaphore_mem>>)
    } else {
    }
    %mul3A_124 = arith.constant 4 : i32
    %mul3A_125 = arith.muli %add3A_27, %mul3A_124 : i32
    %add3A_126 = arith.constant 1 : i32
    %add3A_127 = arith.addi %mul3A_125, %add3A_126 : i32
    %add3A_128 = arith.addi %mul3A_2, %add3A_127 : i32
    %mul3A_129 = arith.constant 128 : i32
    %mul3A_130 = arith.muli %add3A_128, %mul3A_129 : i32
    %dma_wait3A_131 = arith.constant 0 : i32
    %dma_wait3A_132 = tpu.memref_slice %arg4[%mul3A_130, %dma_wait3A_131] : memref<16384x128xf32, #tpu.memory_space<hbm>> -> memref<128x128xf32, #tpu.memory_space<hbm>>
    %dma_wait3A_133 = arith.constant 0 : i32
    %dma_wait3A_134 = tpu.memref_slice %arg4[%mul3A_130, %dma_wait3A_133] : memref<16384x128xf32, #tpu.memory_space<hbm>> -> memref<128x128xf32, #tpu.memory_space<hbm>>
    tpu.wait_dma2 semaphore(%arg15 : memref<!tpu.dma_semaphore, #tpu.memory_space<semaphore_mem>>) src(%arg7 : memref<128x128xf32, #tpu.memory_space<vmem>>) dst(%dma_wait3A_134 : memref<128x128xf32, #tpu.memory_space<hbm>>)
    %lt3A_135 = arith.constant 0 : i32
    %lt3A_136 = arith.cmpi slt, %add3A_27, %lt3A_135 : i32
    %convert_element_type3A_137 = arith.extui %lt3A_136 : i1 to i32
    %cond3A_138 = arith.constant 0 : i32
    %cond3A_139 = arith.cmpi ne, %convert_element_type3A_137, %cond3A_138 : i32
    scf.if %cond3A_139 {
      %mul3A_173 = arith.constant 4 : i32
      %mul3A_174 = arith.muli %add3A_27, %mul3A_173 : i32
      %add3A_175 = arith.constant 4 : i32
      %add3A_176 = arith.addi %mul3A_174, %add3A_175 : i32
      %add3A_177 = arith.constant 1 : i32
      %add3A_178 = arith.addi %add3A_176, %add3A_177 : i32
      %mul3A_179 = arith.constant 128 : i32
      %mul3A_180 = arith.muli %add3A_178, %mul3A_179 : i32
      %dma_start3A_181 = tpu.memref_slice %arg5[%mul3A_180] : memref<512xi32, #tpu.memory_space<vmem>> -> memref<128xi32, #tpu.memory_space<vmem>>
      %dma_start3A_182 = arith.constant 0 : i32
      %dma_start3A_183 = arith.constant 0 : i32
      %dma_start3A_184 = tpu.memref_slice %arg2[%dma_start3A_182, %dma_start3A_183] : memref<10000x128xf32, #tpu.memory_space<hbm>> -> memref<10000x128xf32, #tpu.memory_space<hbm>>
      tpu.enqueue_indirect_dma source(%dma_start3A_184 : memref<10000x128xf32, #tpu.memory_space<hbm>>) target(%arg7 : memref<128x128xf32, #tpu.memory_space<vmem>>) offsets(%dma_start3A_181 : memref<128xi32, #tpu.memory_space<vmem>>) semaphore(%arg11 : memref<!tpu.dma_semaphore, #tpu.memory_space<semaphore_mem>>)
    } else {
    }
    %mul3A_140 = arith.constant 4 : i32
    %mul3A_141 = arith.muli %add3A_27, %mul3A_140 : i32
    %add3A_142 = arith.constant 2 : i32
    %add3A_143 = arith.addi %mul3A_141, %add3A_142 : i32
    %add3A_144 = arith.addi %mul3A_2, %add3A_143 : i32
    %mul3A_145 = arith.constant 128 : i32
    %mul3A_146 = arith.muli %add3A_144, %mul3A_145 : i32
    %dma_wait3A_147 = arith.constant 0 : i32
    %dma_wait3A_148 = tpu.memref_slice %arg4[%mul3A_146, %dma_wait3A_147] : memref<16384x128xf32, #tpu.memory_space<hbm>> -> memref<128x128xf32, #tpu.memory_space<hbm>>
    %dma_wait3A_149 = arith.constant 0 : i32
    %dma_wait3A_150 = tpu.memref_slice %arg4[%mul3A_146, %dma_wait3A_149] : memref<16384x128xf32, #tpu.memory_space<hbm>> -> memref<128x128xf32, #tpu.memory_space<hbm>>
    tpu.wait_dma2 semaphore(%arg16 : memref<!tpu.dma_semaphore, #tpu.memory_space<semaphore_mem>>) src(%arg8 : memref<128x128xf32, #tpu.memory_space<vmem>>) dst(%dma_wait3A_150 : memref<128x128xf32, #tpu.memory_space<hbm>>)
    %lt3A_151 = arith.constant 0 : i32
    %lt3A_152 = arith.cmpi slt, %add3A_27, %lt3A_151 : i32
    %convert_element_type3A_153 = arith.extui %lt3A_152 : i1 to i32
    %cond3A_154 = arith.constant 0 : i32
    %cond3A_155 = arith.cmpi ne, %convert_element_type3A_153, %cond3A_154 : i32
    scf.if %cond3A_155 {
      %mul3A_173 = arith.constant 4 : i32
      %mul3A_174 = arith.muli %add3A_27, %mul3A_173 : i32
      %add3A_175 = arith.constant 4 : i32
      %add3A_176 = arith.addi %mul3A_174, %add3A_175 : i32
      %add3A_177 = arith.constant 2 : i32
      %add3A_178 = arith.addi %add3A_176, %add3A_177 : i32
      %mul3A_179 = arith.constant 128 : i32
      %mul3A_180 = arith.muli %add3A_178, %mul3A_179 : i32
      %dma_start3A_181 = tpu.memref_slice %arg5[%mul3A_180] : memref<512xi32, #tpu.memory_space<vmem>> -> memref<128xi32, #tpu.memory_space<vmem>>
      %dma_start3A_182 = arith.constant 0 : i32
      %dma_start3A_183 = arith.constant 0 : i32
      %dma_start3A_184 = tpu.memref_slice %arg2[%dma_start3A_182, %dma_start3A_183] : memref<10000x128xf32, #tpu.memory_space<hbm>> -> memref<10000x128xf32, #tpu.memory_space<hbm>>
      tpu.enqueue_indirect_dma source(%dma_start3A_184 : memref<10000x128xf32, #tpu.memory_space<hbm>>) target(%arg8 : memref<128x128xf32, #tpu.memory_space<vmem>>) offsets(%dma_start3A_181 : memref<128xi32, #tpu.memory_space<vmem>>) semaphore(%arg12 : memref<!tpu.dma_semaphore, #tpu.memory_space<semaphore_mem>>)
    } else {
    }
    %mul3A_156 = arith.constant 4 : i32
    %mul3A_157 = arith.muli %add3A_27, %mul3A_156 : i32
    %add3A_158 = arith.constant 3 : i32
    %add3A_159 = arith.addi %mul3A_157, %add3A_158 : i32
    %add3A_160 = arith.addi %mul3A_2, %add3A_159 : i32
    %mul3A_161 = arith.constant 128 : i32
    %mul3A_162 = arith.muli %add3A_160, %mul3A_161 : i32
    %dma_wait3A_163 = arith.constant 0 : i32
    %dma_wait3A_164 = tpu.memref_slice %arg4[%mul3A_162, %dma_wait3A_163] : memref<16384x128xf32, #tpu.memory_space<hbm>> -> memref<128x128xf32, #tpu.memory_space<hbm>>
    %dma_wait3A_165 = arith.constant 0 : i32
    %dma_wait3A_166 = tpu.memref_slice %arg4[%mul3A_162, %dma_wait3A_165] : memref<16384x128xf32, #tpu.memory_space<hbm>> -> memref<128x128xf32, #tpu.memory_space<hbm>>
    tpu.wait_dma2 semaphore(%arg17 : memref<!tpu.dma_semaphore, #tpu.memory_space<semaphore_mem>>) src(%arg9 : memref<128x128xf32, #tpu.memory_space<vmem>>) dst(%dma_wait3A_166 : memref<128x128xf32, #tpu.memory_space<hbm>>)
    %lt3A_167 = arith.constant 0 : i32
    %lt3A_168 = arith.cmpi slt, %add3A_27, %lt3A_167 : i32
    %convert_element_type3A_169 = arith.extui %lt3A_168 : i1 to i32
    %cond3A_170 = arith.constant 0 : i32
    %cond3A_171 = arith.cmpi ne, %convert_element_type3A_169, %cond3A_170 : i32
    scf.if %cond3A_171 {
      %mul3A_173 = arith.constant 4 : i32
      %mul3A_174 = arith.muli %add3A_27, %mul3A_173 : i32
      %add3A_175 = arith.constant 4 : i32
      %add3A_176 = arith.addi %mul3A_174, %add3A_175 : i32
      %add3A_177 = arith.constant 3 : i32
      %add3A_178 = arith.addi %add3A_176, %add3A_177 : i32
      %mul3A_179 = arith.constant 128 : i32
      %mul3A_180 = arith.muli %add3A_178, %mul3A_179 : i32
      %dma_start3A_181 = tpu.memref_slice %arg5[%mul3A_180] : memref<512xi32, #tpu.memory_space<vmem>> -> memref<128xi32, #tpu.memory_space<vmem>>
      %dma_start3A_182 = arith.constant 0 : i32
      %dma_start3A_183 = arith.constant 0 : i32
      %dma_start3A_184 = tpu.memref_slice %arg2[%dma_start3A_182, %dma_start3A_183] : memref<10000x128xf32, #tpu.memory_space<hbm>> -> memref<10000x128xf32, #tpu.memory_space<hbm>>
      tpu.enqueue_indirect_dma source(%dma_start3A_184 : memref<10000x128xf32, #tpu.memory_space<hbm>>) target(%arg9 : memref<128x128xf32, #tpu.memory_space<vmem>>) offsets(%dma_start3A_181 : memref<128xi32, #tpu.memory_space<vmem>>) semaphore(%arg13 : memref<!tpu.dma_semaphore, #tpu.memory_space<semaphore_mem>>)
    } else {
    }
    %scan3A_172 = arith.constant 1 : i32
    return
  }
}

#map = affine_map<(d0, d1) -> (0, 0)>
#map1 = affine_map<(d0, d1) -> (0)>
module attributes {stable_mosaic.version = 14 : i64} {
  func.func @k(%arg0: i32, %arg1: i32, %arg2: memref<10000x128xf32, #tpu.memory_space<hbm>>, %arg3: memref<163840xi32, #tpu.memory_space<hbm>>, %arg4: memref<163840x128xf32, #tpu.memory_space<hbm>>, %arg5: memref<5120xi32, #tpu.memory_space<vmem>>, %arg6: memref<128x128xf32, #tpu.memory_space<vmem>>, %arg7: memref<128x128xf32, #tpu.memory_space<vmem>>, %arg8: memref<128x128xf32, #tpu.memory_space<vmem>>, %arg9: memref<128x128xf32, #tpu.memory_space<vmem>>, %arg10: memref<!tpu.dma_semaphore, #tpu.memory_space<semaphore_mem>>, %arg11: memref<!tpu.dma_semaphore, #tpu.memory_space<semaphore_mem>>, %arg12: memref<!tpu.dma_semaphore, #tpu.memory_space<semaphore_mem>>, %arg13: memref<!tpu.dma_semaphore, #tpu.memory_space<semaphore_mem>>, %arg14: memref<!tpu.dma_semaphore, #tpu.memory_space<semaphore_mem>>, %arg15: memref<!tpu.dma_semaphore, #tpu.memory_space<semaphore_mem>>, %arg16: memref<!tpu.dma_semaphore, #tpu.memory_space<semaphore_mem>>, %arg17: memref<!tpu.dma_semaphore, #tpu.memory_space<semaphore_mem>>) attributes {dimension_semantics = [#tpu.dimension_semantics<core_parallel>, #tpu.dimension_semantics<subcore_parallel>], iteration_bounds = array<i64: 2, 16>, scalar_prefetch = 0 : i64, scratch_operands = 13 : i64, tpu.core_type = #tpu.core_type<sc_vector_subcore>, window_params = [{transform_indices = #map}, {transform_indices = #map1}, {transform_indices = #map}]} {
    %mul3A = arith.constant 2 : i32
    %mul3A_0 = arith.muli %arg1, %mul3A : i32
    %add3A = arith.addi %mul3A_0, %arg0 : i32
    %mul3A_1 = arith.constant 40 : i32
    %mul3A_2 = arith.muli %add3A, %mul3A_1 : i32
    %mul3A_3 = arith.constant 128 : i32
    %mul3A_4 = arith.muli %mul3A_2, %mul3A_3 : i32
    "tpu.region"() ({
      %run_scoped3A = tpu.sem_alloc : memref<!tpu.dma_semaphore, #tpu.memory_space<semaphore_mem>>
      %dma_start3A_28 = tpu.memref_slice %arg3[%mul3A_4] : memref<163840xi32, #tpu.memory_space<hbm>> -> memref<5120xi32, #tpu.memory_space<hbm>>
      %dma_start3A_29 = tpu.memref_slice %arg3[%mul3A_4] : memref<163840xi32, #tpu.memory_space<hbm>> -> memref<5120xi32, #tpu.memory_space<hbm>>
      tpu.enqueue_dma source(%dma_start3A_29 : memref<5120xi32, #tpu.memory_space<hbm>>) target(%arg5 : memref<5120xi32, #tpu.memory_space<vmem>>) target_semaphore(%run_scoped3A : memref<!tpu.dma_semaphore, #tpu.memory_space<semaphore_mem>>)
      %dma_wait3A = tpu.memref_slice %arg3[%mul3A_4] : memref<163840xi32, #tpu.memory_space<hbm>> -> memref<5120xi32, #tpu.memory_space<hbm>>
      %dma_wait3A_30 = tpu.memref_slice %arg3[%mul3A_4] : memref<163840xi32, #tpu.memory_space<hbm>> -> memref<5120xi32, #tpu.memory_space<hbm>>
      tpu.wait_dma2 semaphore(%run_scoped3A : memref<!tpu.dma_semaphore, #tpu.memory_space<semaphore_mem>>) src(%dma_wait3A_30 : memref<5120xi32, #tpu.memory_space<hbm>>) dst(%arg5 : memref<5120xi32, #tpu.memory_space<vmem>>)
      tpu.yield
    }) : () -> ()
    %dma_start3A = arith.constant 0 : i32
    %dma_start3A_5 = tpu.memref_slice %arg5[%dma_start3A] : memref<5120xi32, #tpu.memory_space<vmem>> -> memref<128xi32, #tpu.memory_space<vmem>>
    %dma_start3A_6 = arith.constant 0 : i32
    %dma_start3A_7 = arith.constant 0 : i32
    %dma_start3A_8 = tpu.memref_slice %arg2[%dma_start3A_6, %dma_start3A_7] : memref<10000x128xf32, #tpu.memory_space<hbm>> -> memref<10000x128xf32, #tpu.memory_space<hbm>>
    tpu.enqueue_indirect_dma source(%dma_start3A_8 : memref<10000x128xf32, #tpu.memory_space<hbm>>) target(%arg6 : memref<128x128xf32, #tpu.memory_space<vmem>>) offsets(%dma_start3A_5 : memref<128xi32, #tpu.memory_space<vmem>>) semaphore(%arg10 : memref<!tpu.dma_semaphore, #tpu.memory_space<semaphore_mem>>)
    %dma_start3A_9 = arith.constant 128 : i32
    %dma_start3A_10 = tpu.memref_slice %arg5[%dma_start3A_9] : memref<5120xi32, #tpu.memory_space<vmem>> -> memref<128xi32, #tpu.memory_space<vmem>>
    %dma_start3A_11 = arith.constant 0 : i32
    %dma_start3A_12 = arith.constant 0 : i32
    %dma_start3A_13 = tpu.memref_slice %arg2[%dma_start3A_11, %dma_start3A_12] : memref<10000x128xf32, #tpu.memory_space<hbm>> -> memref<10000x128xf32, #tpu.memory_space<hbm>>
    tpu.enqueue_indirect_dma source(%dma_start3A_13 : memref<10000x128xf32, #tpu.memory_space<hbm>>) target(%arg7 : memref<128x128xf32, #tpu.memory_space<vmem>>) offsets(%dma_start3A_10 : memref<128xi32, #tpu.memory_space<vmem>>) semaphore(%arg11 : memref<!tpu.dma_semaphore, #tpu.memory_space<semaphore_mem>>)
    %dma_start3A_14 = arith.constant 256 : i32
    %dma_start3A_15 = tpu.memref_slice %arg5[%dma_start3A_14] : memref<5120xi32, #tpu.memory_space<vmem>> -> memref<128xi32, #tpu.memory_space<vmem>>
    %dma_start3A_16 = arith.constant 0 : i32
    %dma_start3A_17 = arith.constant 0 : i32
    %dma_start3A_18 = tpu.memref_slice %arg2[%dma_start3A_16, %dma_start3A_17] : memref<10000x128xf32, #tpu.memory_space<hbm>> -> memref<10000x128xf32, #tpu.memory_space<hbm>>
    tpu.enqueue_indirect_dma source(%dma_start3A_18 : memref<10000x128xf32, #tpu.memory_space<hbm>>) target(%arg8 : memref<128x128xf32, #tpu.memory_space<vmem>>) offsets(%dma_start3A_15 : memref<128xi32, #tpu.memory_space<vmem>>) semaphore(%arg12 : memref<!tpu.dma_semaphore, #tpu.memory_space<semaphore_mem>>)
    %dma_start3A_19 = arith.constant 384 : i32
    %dma_start3A_20 = tpu.memref_slice %arg5[%dma_start3A_19] : memref<5120xi32, #tpu.memory_space<vmem>> -> memref<128xi32, #tpu.memory_space<vmem>>
    %dma_start3A_21 = arith.constant 0 : i32
    %dma_start3A_22 = arith.constant 0 : i32
    %dma_start3A_23 = tpu.memref_slice %arg2[%dma_start3A_21, %dma_start3A_22] : memref<10000x128xf32, #tpu.memory_space<hbm>> -> memref<10000x128xf32, #tpu.memory_space<hbm>>
    tpu.enqueue_indirect_dma source(%dma_start3A_23 : memref<10000x128xf32, #tpu.memory_space<hbm>>) target(%arg9 : memref<128x128xf32, #tpu.memory_space<vmem>>) offsets(%dma_start3A_20 : memref<128xi32, #tpu.memory_space<vmem>>) semaphore(%arg13 : memref<!tpu.dma_semaphore, #tpu.memory_space<semaphore_mem>>)
    %scan3A = arith.constant 0 : i32
    %scan3A_24 = arith.constant 10 : i32
    %scan3A_25 = arith.addi %scan3A, %scan3A_24 : i32
    %scan3A_26 = arith.constant 1 : i32
    scf.for %scan3A_28 = %scan3A to %scan3A_25 step %scan3A_26  : i32 {
      %mul3A_29 = arith.constant 1 : i32
      %mul3A_30 = arith.muli %scan3A_28, %mul3A_29 : i32
      %add3A_31 = arith.constant 0 : i32
      %add3A_32 = arith.addi %add3A_31, %mul3A_30 : i32
      %mul3A_33 = arith.constant 4 : i32
      %mul3A_34 = arith.muli %add3A_32, %mul3A_33 : i32
      %add3A_35 = arith.constant 0 : i32
      %add3A_36 = arith.addi %mul3A_34, %add3A_35 : i32
      %mul3A_37 = arith.constant 128 : i32
      %mul3A_38 = arith.muli %add3A_36, %mul3A_37 : i32
      %dma_wait3A = tpu.memref_slice %arg5[%mul3A_38] : memref<5120xi32, #tpu.memory_space<vmem>> -> memref<128xi32, #tpu.memory_space<vmem>>
      %dma_wait3A_39 = arith.constant 0 : i32
      %dma_wait3A_40 = arith.constant 0 : i32
      %dma_wait3A_41 = tpu.memref_slice %arg2[%dma_wait3A_39, %dma_wait3A_40] : memref<10000x128xf32, #tpu.memory_space<hbm>> -> memref<10000x128xf32, #tpu.memory_space<hbm>>
      tpu.wait_indirect_dma semaphore(%arg10 : memref<!tpu.dma_semaphore, #tpu.memory_space<semaphore_mem>>) src(%dma_wait3A_41 : memref<10000x128xf32, #tpu.memory_space<hbm>>) dst(%arg6 : memref<128x128xf32, #tpu.memory_space<vmem>>)
      %mul3A_42 = arith.constant 4 : i32
      %mul3A_43 = arith.muli %add3A_32, %mul3A_42 : i32
      %add3A_44 = arith.constant 0 : i32
      %add3A_45 = arith.addi %mul3A_43, %add3A_44 : i32
      %add3A_46 = arith.addi %mul3A_2, %add3A_45 : i32
      %mul3A_47 = arith.constant 128 : i32
      %mul3A_48 = arith.muli %add3A_46, %mul3A_47 : i32
      %dma_start3A_49 = arith.constant 0 : i32
      %dma_start3A_50 = tpu.memref_slice %arg4[%mul3A_48, %dma_start3A_49] : memref<163840x128xf32, #tpu.memory_space<hbm>> -> memref<128x128xf32, #tpu.memory_space<hbm>>
      %dma_start3A_51 = arith.constant 0 : i32
      %dma_start3A_52 = tpu.memref_slice %arg4[%mul3A_48, %dma_start3A_51] : memref<163840x128xf32, #tpu.memory_space<hbm>> -> memref<128x128xf32, #tpu.memory_space<hbm>>
      tpu.enqueue_dma source(%arg6 : memref<128x128xf32, #tpu.memory_space<vmem>>) target(%dma_start3A_52 : memref<128x128xf32, #tpu.memory_space<hbm>>) target_semaphore(%arg14 : memref<!tpu.dma_semaphore, #tpu.memory_space<semaphore_mem>>)
      %mul3A_53 = arith.constant 4 : i32
      %mul3A_54 = arith.muli %add3A_32, %mul3A_53 : i32
      %add3A_55 = arith.constant 1 : i32
      %add3A_56 = arith.addi %mul3A_54, %add3A_55 : i32
      %mul3A_57 = arith.constant 128 : i32
      %mul3A_58 = arith.muli %add3A_56, %mul3A_57 : i32
      %dma_wait3A_59 = tpu.memref_slice %arg5[%mul3A_58] : memref<5120xi32, #tpu.memory_space<vmem>> -> memref<128xi32, #tpu.memory_space<vmem>>
      %dma_wait3A_60 = arith.constant 0 : i32
      %dma_wait3A_61 = arith.constant 0 : i32
      %dma_wait3A_62 = tpu.memref_slice %arg2[%dma_wait3A_60, %dma_wait3A_61] : memref<10000x128xf32, #tpu.memory_space<hbm>> -> memref<10000x128xf32, #tpu.memory_space<hbm>>
      tpu.wait_indirect_dma semaphore(%arg11 : memref<!tpu.dma_semaphore, #tpu.memory_space<semaphore_mem>>) src(%dma_wait3A_62 : memref<10000x128xf32, #tpu.memory_space<hbm>>) dst(%arg7 : memref<128x128xf32, #tpu.memory_space<vmem>>)
      %mul3A_63 = arith.constant 4 : i32
      %mul3A_64 = arith.muli %add3A_32, %mul3A_63 : i32
      %add3A_65 = arith.constant 1 : i32
      %add3A_66 = arith.addi %mul3A_64, %add3A_65 : i32
      %add3A_67 = arith.addi %mul3A_2, %add3A_66 : i32
      %mul3A_68 = arith.constant 128 : i32
      %mul3A_69 = arith.muli %add3A_67, %mul3A_68 : i32
      %dma_start3A_70 = arith.constant 0 : i32
      %dma_start3A_71 = tpu.memref_slice %arg4[%mul3A_69, %dma_start3A_70] : memref<163840x128xf32, #tpu.memory_space<hbm>> -> memref<128x128xf32, #tpu.memory_space<hbm>>
      %dma_start3A_72 = arith.constant 0 : i32
      %dma_start3A_73 = tpu.memref_slice %arg4[%mul3A_69, %dma_start3A_72] : memref<163840x128xf32, #tpu.memory_space<hbm>> -> memref<128x128xf32, #tpu.memory_space<hbm>>
      tpu.enqueue_dma source(%arg7 : memref<128x128xf32, #tpu.memory_space<vmem>>) target(%dma_start3A_73 : memref<128x128xf32, #tpu.memory_space<hbm>>) target_semaphore(%arg15 : memref<!tpu.dma_semaphore, #tpu.memory_space<semaphore_mem>>)
      %mul3A_74 = arith.constant 4 : i32
      %mul3A_75 = arith.muli %add3A_32, %mul3A_74 : i32
      %add3A_76 = arith.constant 2 : i32
      %add3A_77 = arith.addi %mul3A_75, %add3A_76 : i32
      %mul3A_78 = arith.constant 128 : i32
      %mul3A_79 = arith.muli %add3A_77, %mul3A_78 : i32
      %dma_wait3A_80 = tpu.memref_slice %arg5[%mul3A_79] : memref<5120xi32, #tpu.memory_space<vmem>> -> memref<128xi32, #tpu.memory_space<vmem>>
      %dma_wait3A_81 = arith.constant 0 : i32
      %dma_wait3A_82 = arith.constant 0 : i32
      %dma_wait3A_83 = tpu.memref_slice %arg2[%dma_wait3A_81, %dma_wait3A_82] : memref<10000x128xf32, #tpu.memory_space<hbm>> -> memref<10000x128xf32, #tpu.memory_space<hbm>>
      tpu.wait_indirect_dma semaphore(%arg12 : memref<!tpu.dma_semaphore, #tpu.memory_space<semaphore_mem>>) src(%dma_wait3A_83 : memref<10000x128xf32, #tpu.memory_space<hbm>>) dst(%arg8 : memref<128x128xf32, #tpu.memory_space<vmem>>)
      %mul3A_84 = arith.constant 4 : i32
      %mul3A_85 = arith.muli %add3A_32, %mul3A_84 : i32
      %add3A_86 = arith.constant 2 : i32
      %add3A_87 = arith.addi %mul3A_85, %add3A_86 : i32
      %add3A_88 = arith.addi %mul3A_2, %add3A_87 : i32
      %mul3A_89 = arith.constant 128 : i32
      %mul3A_90 = arith.muli %add3A_88, %mul3A_89 : i32
      %dma_start3A_91 = arith.constant 0 : i32
      %dma_start3A_92 = tpu.memref_slice %arg4[%mul3A_90, %dma_start3A_91] : memref<163840x128xf32, #tpu.memory_space<hbm>> -> memref<128x128xf32, #tpu.memory_space<hbm>>
      %dma_start3A_93 = arith.constant 0 : i32
      %dma_start3A_94 = tpu.memref_slice %arg4[%mul3A_90, %dma_start3A_93] : memref<163840x128xf32, #tpu.memory_space<hbm>> -> memref<128x128xf32, #tpu.memory_space<hbm>>
      tpu.enqueue_dma source(%arg8 : memref<128x128xf32, #tpu.memory_space<vmem>>) target(%dma_start3A_94 : memref<128x128xf32, #tpu.memory_space<hbm>>) target_semaphore(%arg16 : memref<!tpu.dma_semaphore, #tpu.memory_space<semaphore_mem>>)
      %mul3A_95 = arith.constant 4 : i32
      %mul3A_96 = arith.muli %add3A_32, %mul3A_95 : i32
      %add3A_97 = arith.constant 3 : i32
      %add3A_98 = arith.addi %mul3A_96, %add3A_97 : i32
      %mul3A_99 = arith.constant 128 : i32
      %mul3A_100 = arith.muli %add3A_98, %mul3A_99 : i32
      %dma_wait3A_101 = tpu.memref_slice %arg5[%mul3A_100] : memref<5120xi32, #tpu.memory_space<vmem>> -> memref<128xi32, #tpu.memory_space<vmem>>
      %dma_wait3A_102 = arith.constant 0 : i32
      %dma_wait3A_103 = arith.constant 0 : i32
      %dma_wait3A_104 = tpu.memref_slice %arg2[%dma_wait3A_102, %dma_wait3A_103] : memref<10000x128xf32, #tpu.memory_space<hbm>> -> memref<10000x128xf32, #tpu.memory_space<hbm>>
      tpu.wait_indirect_dma semaphore(%arg13 : memref<!tpu.dma_semaphore, #tpu.memory_space<semaphore_mem>>) src(%dma_wait3A_104 : memref<10000x128xf32, #tpu.memory_space<hbm>>) dst(%arg9 : memref<128x128xf32, #tpu.memory_space<vmem>>)
      %mul3A_105 = arith.constant 4 : i32
      %mul3A_106 = arith.muli %add3A_32, %mul3A_105 : i32
      %add3A_107 = arith.constant 3 : i32
      %add3A_108 = arith.addi %mul3A_106, %add3A_107 : i32
      %add3A_109 = arith.addi %mul3A_2, %add3A_108 : i32
      %mul3A_110 = arith.constant 128 : i32
      %mul3A_111 = arith.muli %add3A_109, %mul3A_110 : i32
      %dma_start3A_112 = arith.constant 0 : i32
      %dma_start3A_113 = tpu.memref_slice %arg4[%mul3A_111, %dma_start3A_112] : memref<163840x128xf32, #tpu.memory_space<hbm>> -> memref<128x128xf32, #tpu.memory_space<hbm>>
      %dma_start3A_114 = arith.constant 0 : i32
      %dma_start3A_115 = tpu.memref_slice %arg4[%mul3A_111, %dma_start3A_114] : memref<163840x128xf32, #tpu.memory_space<hbm>> -> memref<128x128xf32, #tpu.memory_space<hbm>>
      tpu.enqueue_dma source(%arg9 : memref<128x128xf32, #tpu.memory_space<vmem>>) target(%dma_start3A_115 : memref<128x128xf32, #tpu.memory_space<hbm>>) target_semaphore(%arg17 : memref<!tpu.dma_semaphore, #tpu.memory_space<semaphore_mem>>)
      %mul3A_116 = arith.constant 4 : i32
      %mul3A_117 = arith.muli %add3A_32, %mul3A_116 : i32
      %add3A_118 = arith.constant 0 : i32
      %add3A_119 = arith.addi %mul3A_117, %add3A_118 : i32
      %add3A_120 = arith.addi %mul3A_2, %add3A_119 : i32
      %mul3A_121 = arith.constant 128 : i32
      %mul3A_122 = arith.muli %add3A_120, %mul3A_121 : i32
      %dma_wait3A_123 = arith.constant 0 : i32
      %dma_wait3A_124 = tpu.memref_slice %arg4[%mul3A_122, %dma_wait3A_123] : memref<163840x128xf32, #tpu.memory_space<hbm>> -> memref<128x128xf32, #tpu.memory_space<hbm>>
      %dma_wait3A_125 = arith.constant 0 : i32
      %dma_wait3A_126 = tpu.memref_slice %arg4[%mul3A_122, %dma_wait3A_125] : memref<163840x128xf32, #tpu.memory_space<hbm>> -> memref<128x128xf32, #tpu.memory_space<hbm>>
      tpu.wait_dma2 semaphore(%arg14 : memref<!tpu.dma_semaphore, #tpu.memory_space<semaphore_mem>>) src(%arg6 : memref<128x128xf32, #tpu.memory_space<vmem>>) dst(%dma_wait3A_126 : memref<128x128xf32, #tpu.memory_space<hbm>>)
      %lt3A = arith.constant 9 : i32
      %lt3A_127 = arith.cmpi slt, %add3A_32, %lt3A : i32
      %convert_element_type3A = arith.extui %lt3A_127 : i1 to i32
      %cond3A = arith.constant 0 : i32
      %cond3A_128 = arith.cmpi ne, %convert_element_type3A, %cond3A : i32
      scf.if %cond3A_128 {
        %mul3A_177 = arith.constant 4 : i32
        %mul3A_178 = arith.muli %add3A_32, %mul3A_177 : i32
        %add3A_179 = arith.constant 4 : i32
        %add3A_180 = arith.addi %mul3A_178, %add3A_179 : i32
        %add3A_181 = arith.constant 0 : i32
        %add3A_182 = arith.addi %add3A_180, %add3A_181 : i32
        %mul3A_183 = arith.constant 128 : i32
        %mul3A_184 = arith.muli %add3A_182, %mul3A_183 : i32
        %dma_start3A_185 = tpu.memref_slice %arg5[%mul3A_184] : memref<5120xi32, #tpu.memory_space<vmem>> -> memref<128xi32, #tpu.memory_space<vmem>>
        %dma_start3A_186 = arith.constant 0 : i32
        %dma_start3A_187 = arith.constant 0 : i32
        %dma_start3A_188 = tpu.memref_slice %arg2[%dma_start3A_186, %dma_start3A_187] : memref<10000x128xf32, #tpu.memory_space<hbm>> -> memref<10000x128xf32, #tpu.memory_space<hbm>>
        tpu.enqueue_indirect_dma source(%dma_start3A_188 : memref<10000x128xf32, #tpu.memory_space<hbm>>) target(%arg6 : memref<128x128xf32, #tpu.memory_space<vmem>>) offsets(%dma_start3A_185 : memref<128xi32, #tpu.memory_space<vmem>>) semaphore(%arg10 : memref<!tpu.dma_semaphore, #tpu.memory_space<semaphore_mem>>)
      } else {
      }
      %mul3A_129 = arith.constant 4 : i32
      %mul3A_130 = arith.muli %add3A_32, %mul3A_129 : i32
      %add3A_131 = arith.constant 1 : i32
      %add3A_132 = arith.addi %mul3A_130, %add3A_131 : i32
      %add3A_133 = arith.addi %mul3A_2, %add3A_132 : i32
      %mul3A_134 = arith.constant 128 : i32
      %mul3A_135 = arith.muli %add3A_133, %mul3A_134 : i32
      %dma_wait3A_136 = arith.constant 0 : i32
      %dma_wait3A_137 = tpu.memref_slice %arg4[%mul3A_135, %dma_wait3A_136] : memref<163840x128xf32, #tpu.memory_space<hbm>> -> memref<128x128xf32, #tpu.memory_space<hbm>>
      %dma_wait3A_138 = arith.constant 0 : i32
      %dma_wait3A_139 = tpu.memref_slice %arg4[%mul3A_135, %dma_wait3A_138] : memref<163840x128xf32, #tpu.memory_space<hbm>> -> memref<128x128xf32, #tpu.memory_space<hbm>>
      tpu.wait_dma2 semaphore(%arg15 : memref<!tpu.dma_semaphore, #tpu.memory_space<semaphore_mem>>) src(%arg7 : memref<128x128xf32, #tpu.memory_space<vmem>>) dst(%dma_wait3A_139 : memref<128x128xf32, #tpu.memory_space<hbm>>)
      %lt3A_140 = arith.constant 9 : i32
      %lt3A_141 = arith.cmpi slt, %add3A_32, %lt3A_140 : i32
      %convert_element_type3A_142 = arith.extui %lt3A_141 : i1 to i32
      %cond3A_143 = arith.constant 0 : i32
      %cond3A_144 = arith.cmpi ne, %convert_element_type3A_142, %cond3A_143 : i32
      scf.if %cond3A_144 {
        %mul3A_177 = arith.constant 4 : i32
        %mul3A_178 = arith.muli %add3A_32, %mul3A_177 : i32
        %add3A_179 = arith.constant 4 : i32
        %add3A_180 = arith.addi %mul3A_178, %add3A_179 : i32
        %add3A_181 = arith.constant 1 : i32
        %add3A_182 = arith.addi %add3A_180, %add3A_181 : i32
        %mul3A_183 = arith.constant 128 : i32
        %mul3A_184 = arith.muli %add3A_182, %mul3A_183 : i32
        %dma_start3A_185 = tpu.memref_slice %arg5[%mul3A_184] : memref<5120xi32, #tpu.memory_space<vmem>> -> memref<128xi32, #tpu.memory_space<vmem>>
        %dma_start3A_186 = arith.constant 0 : i32
        %dma_start3A_187 = arith.constant 0 : i32
        %dma_start3A_188 = tpu.memref_slice %arg2[%dma_start3A_186, %dma_start3A_187] : memref<10000x128xf32, #tpu.memory_space<hbm>> -> memref<10000x128xf32, #tpu.memory_space<hbm>>
        tpu.enqueue_indirect_dma source(%dma_start3A_188 : memref<10000x128xf32, #tpu.memory_space<hbm>>) target(%arg7 : memref<128x128xf32, #tpu.memory_space<vmem>>) offsets(%dma_start3A_185 : memref<128xi32, #tpu.memory_space<vmem>>) semaphore(%arg11 : memref<!tpu.dma_semaphore, #tpu.memory_space<semaphore_mem>>)
      } else {
      }
      %mul3A_145 = arith.constant 4 : i32
      %mul3A_146 = arith.muli %add3A_32, %mul3A_145 : i32
      %add3A_147 = arith.constant 2 : i32
      %add3A_148 = arith.addi %mul3A_146, %add3A_147 : i32
      %add3A_149 = arith.addi %mul3A_2, %add3A_148 : i32
      %mul3A_150 = arith.constant 128 : i32
      %mul3A_151 = arith.muli %add3A_149, %mul3A_150 : i32
      %dma_wait3A_152 = arith.constant 0 : i32
      %dma_wait3A_153 = tpu.memref_slice %arg4[%mul3A_151, %dma_wait3A_152] : memref<163840x128xf32, #tpu.memory_space<hbm>> -> memref<128x128xf32, #tpu.memory_space<hbm>>
      %dma_wait3A_154 = arith.constant 0 : i32
      %dma_wait3A_155 = tpu.memref_slice %arg4[%mul3A_151, %dma_wait3A_154] : memref<163840x128xf32, #tpu.memory_space<hbm>> -> memref<128x128xf32, #tpu.memory_space<hbm>>
      tpu.wait_dma2 semaphore(%arg16 : memref<!tpu.dma_semaphore, #tpu.memory_space<semaphore_mem>>) src(%arg8 : memref<128x128xf32, #tpu.memory_space<vmem>>) dst(%dma_wait3A_155 : memref<128x128xf32, #tpu.memory_space<hbm>>)
      %lt3A_156 = arith.constant 9 : i32
      %lt3A_157 = arith.cmpi slt, %add3A_32, %lt3A_156 : i32
      %convert_element_type3A_158 = arith.extui %lt3A_157 : i1 to i32
      %cond3A_159 = arith.constant 0 : i32
      %cond3A_160 = arith.cmpi ne, %convert_element_type3A_158, %cond3A_159 : i32
      scf.if %cond3A_160 {
        %mul3A_177 = arith.constant 4 : i32
        %mul3A_178 = arith.muli %add3A_32, %mul3A_177 : i32
        %add3A_179 = arith.constant 4 : i32
        %add3A_180 = arith.addi %mul3A_178, %add3A_179 : i32
        %add3A_181 = arith.constant 2 : i32
        %add3A_182 = arith.addi %add3A_180, %add3A_181 : i32
        %mul3A_183 = arith.constant 128 : i32
        %mul3A_184 = arith.muli %add3A_182, %mul3A_183 : i32
        %dma_start3A_185 = tpu.memref_slice %arg5[%mul3A_184] : memref<5120xi32, #tpu.memory_space<vmem>> -> memref<128xi32, #tpu.memory_space<vmem>>
        %dma_start3A_186 = arith.constant 0 : i32
        %dma_start3A_187 = arith.constant 0 : i32
        %dma_start3A_188 = tpu.memref_slice %arg2[%dma_start3A_186, %dma_start3A_187] : memref<10000x128xf32, #tpu.memory_space<hbm>> -> memref<10000x128xf32, #tpu.memory_space<hbm>>
        tpu.enqueue_indirect_dma source(%dma_start3A_188 : memref<10000x128xf32, #tpu.memory_space<hbm>>) target(%arg8 : memref<128x128xf32, #tpu.memory_space<vmem>>) offsets(%dma_start3A_185 : memref<128xi32, #tpu.memory_space<vmem>>) semaphore(%arg12 : memref<!tpu.dma_semaphore, #tpu.memory_space<semaphore_mem>>)
      } else {
      }
      %mul3A_161 = arith.constant 4 : i32
      %mul3A_162 = arith.muli %add3A_32, %mul3A_161 : i32
      %add3A_163 = arith.constant 3 : i32
      %add3A_164 = arith.addi %mul3A_162, %add3A_163 : i32
      %add3A_165 = arith.addi %mul3A_2, %add3A_164 : i32
      %mul3A_166 = arith.constant 128 : i32
      %mul3A_167 = arith.muli %add3A_165, %mul3A_166 : i32
      %dma_wait3A_168 = arith.constant 0 : i32
      %dma_wait3A_169 = tpu.memref_slice %arg4[%mul3A_167, %dma_wait3A_168] : memref<163840x128xf32, #tpu.memory_space<hbm>> -> memref<128x128xf32, #tpu.memory_space<hbm>>
      %dma_wait3A_170 = arith.constant 0 : i32
      %dma_wait3A_171 = tpu.memref_slice %arg4[%mul3A_167, %dma_wait3A_170] : memref<163840x128xf32, #tpu.memory_space<hbm>> -> memref<128x128xf32, #tpu.memory_space<hbm>>
      tpu.wait_dma2 semaphore(%arg17 : memref<!tpu.dma_semaphore, #tpu.memory_space<semaphore_mem>>) src(%arg9 : memref<128x128xf32, #tpu.memory_space<vmem>>) dst(%dma_wait3A_171 : memref<128x128xf32, #tpu.memory_space<hbm>>)
      %lt3A_172 = arith.constant 9 : i32
      %lt3A_173 = arith.cmpi slt, %add3A_32, %lt3A_172 : i32
      %convert_element_type3A_174 = arith.extui %lt3A_173 : i1 to i32
      %cond3A_175 = arith.constant 0 : i32
      %cond3A_176 = arith.cmpi ne, %convert_element_type3A_174, %cond3A_175 : i32
      scf.if %cond3A_176 {
        %mul3A_177 = arith.constant 4 : i32
        %mul3A_178 = arith.muli %add3A_32, %mul3A_177 : i32
        %add3A_179 = arith.constant 4 : i32
        %add3A_180 = arith.addi %mul3A_178, %add3A_179 : i32
        %add3A_181 = arith.constant 3 : i32
        %add3A_182 = arith.addi %add3A_180, %add3A_181 : i32
        %mul3A_183 = arith.constant 128 : i32
        %mul3A_184 = arith.muli %add3A_182, %mul3A_183 : i32
        %dma_start3A_185 = tpu.memref_slice %arg5[%mul3A_184] : memref<5120xi32, #tpu.memory_space<vmem>> -> memref<128xi32, #tpu.memory_space<vmem>>
        %dma_start3A_186 = arith.constant 0 : i32
        %dma_start3A_187 = arith.constant 0 : i32
        %dma_start3A_188 = tpu.memref_slice %arg2[%dma_start3A_186, %dma_start3A_187] : memref<10000x128xf32, #tpu.memory_space<hbm>> -> memref<10000x128xf32, #tpu.memory_space<hbm>>
        tpu.enqueue_indirect_dma source(%dma_start3A_188 : memref<10000x128xf32, #tpu.memory_space<hbm>>) target(%arg9 : memref<128x128xf32, #tpu.memory_space<vmem>>) offsets(%dma_start3A_185 : memref<128xi32, #tpu.memory_space<vmem>>) semaphore(%arg13 : memref<!tpu.dma_semaphore, #tpu.memory_space<semaphore_mem>>)
      } else {
      }
    }
    %scan3A_27 = arith.constant 10 : i32
    return
  }
}

#map = affine_map<(d0, d1) -> (0, 0)>
#map1 = affine_map<(d0, d1) -> (0)>
#map2 = affine_map<(d0, d1) -> (0, 0, 0)>
module attributes {stable_mosaic.version = 14 : i64} {
  func.func @k(%arg0: i32, %arg1: i32, %arg2: memref<163840x128xf32, #tpu.memory_space<hbm>>, %arg3: memref<163840xi32, #tpu.memory_space<hbm>>, %arg4: memref<640x128xf32, #tpu.memory_space<hbm>>, %arg5: memref<2x10240x128xf32, #tpu.memory_space<hbm>>, %arg6: memref<10240x128xf32, #tpu.memory_space<vmem_shared>>, %arg7: memref<5120xi32, #tpu.memory_space<vmem>>, %arg8: memref<128x128xf32, #tpu.memory_space<vmem>>, %arg9: memref<128x128xf32, #tpu.memory_space<vmem>>, %arg10: memref<!tpu.dma_semaphore, #tpu.memory_space<semaphore_mem>>, %arg11: memref<!tpu.dma_semaphore, #tpu.memory_space<semaphore_mem>>, %arg12: memref<!tpu.dma_semaphore, #tpu.memory_space<semaphore_mem>>, %arg13: memref<!tpu.dma_semaphore, #tpu.memory_space<semaphore_mem>>) attributes {dimension_semantics = [#tpu.dimension_semantics<core_parallel>, #tpu.dimension_semantics<subcore_parallel>], iteration_bounds = array<i64: 2, 16>, scalar_prefetch = 0 : i64, scratch_operands = 8 : i64, tpu.core_type = #tpu.core_type<sc_vector_subcore>, window_params = [{transform_indices = #map}, {transform_indices = #map1}, {transform_indices = #map}, {transform_indices = #map2}]} {
    %mul3A = arith.constant 2 : i32
    %mul3A_0 = arith.muli %arg1, %mul3A : i32
    %add3A = arith.addi %mul3A_0, %arg0 : i32
    %mul3A_1 = arith.constant 640 : i32
    %mul3A_2 = arith.muli %arg1, %mul3A_1 : i32
    %mul3A_3 = arith.constant 40 : i32
    %mul3A_4 = arith.muli %add3A, %mul3A_3 : i32
    "tpu.region"() ({
      %run_scoped3A = tpu.sem_alloc : memref<!tpu.dma_semaphore, #tpu.memory_space<semaphore_mem>>
      %dma_start3A_27 = arith.constant 0 : i32
      %dma_start3A_28 = tpu.memref_slice %arg6[%mul3A_2, %dma_start3A_27] : memref<10240x128xf32, #tpu.memory_space<vmem_shared>> -> memref<640x128xf32, #tpu.memory_space<vmem_shared>>
      tpu.enqueue_dma source(%arg4 : memref<640x128xf32, #tpu.memory_space<hbm>>) target(%dma_start3A_28 : memref<640x128xf32, #tpu.memory_space<vmem_shared>>) target_semaphore(%run_scoped3A : memref<!tpu.dma_semaphore, #tpu.memory_space<semaphore_mem>>)
      %dma_wait3A = arith.constant 0 : i32
      %dma_wait3A_29 = tpu.memref_slice %arg6[%mul3A_2, %dma_wait3A] : memref<10240x128xf32, #tpu.memory_space<vmem_shared>> -> memref<640x128xf32, #tpu.memory_space<vmem_shared>>
      tpu.wait_dma2 semaphore(%run_scoped3A : memref<!tpu.dma_semaphore, #tpu.memory_space<semaphore_mem>>) src(%arg4 : memref<640x128xf32, #tpu.memory_space<hbm>>) dst(%dma_wait3A_29 : memref<640x128xf32, #tpu.memory_space<vmem_shared>>)
      tpu.yield
    }) : () -> ()
    %mul3A_5 = arith.constant 128 : i32
    %mul3A_6 = arith.muli %mul3A_4, %mul3A_5 : i32
    "tpu.region"() ({
      %run_scoped3A = tpu.sem_alloc : memref<!tpu.dma_semaphore, #tpu.memory_space<semaphore_mem>>
      %dma_start3A_27 = tpu.memref_slice %arg3[%mul3A_6] : memref<163840xi32, #tpu.memory_space<hbm>> -> memref<5120xi32, #tpu.memory_space<hbm>>
      %dma_start3A_28 = tpu.memref_slice %arg3[%mul3A_6] : memref<163840xi32, #tpu.memory_space<hbm>> -> memref<5120xi32, #tpu.memory_space<hbm>>
      tpu.enqueue_dma source(%dma_start3A_28 : memref<5120xi32, #tpu.memory_space<hbm>>) target(%arg7 : memref<5120xi32, #tpu.memory_space<vmem>>) target_semaphore(%run_scoped3A : memref<!tpu.dma_semaphore, #tpu.memory_space<semaphore_mem>>)
      %dma_wait3A = tpu.memref_slice %arg3[%mul3A_6] : memref<163840xi32, #tpu.memory_space<hbm>> -> memref<5120xi32, #tpu.memory_space<hbm>>
      %dma_wait3A_29 = tpu.memref_slice %arg3[%mul3A_6] : memref<163840xi32, #tpu.memory_space<hbm>> -> memref<5120xi32, #tpu.memory_space<hbm>>
      tpu.wait_dma2 semaphore(%run_scoped3A : memref<!tpu.dma_semaphore, #tpu.memory_space<semaphore_mem>>) src(%dma_wait3A_29 : memref<5120xi32, #tpu.memory_space<hbm>>) dst(%arg7 : memref<5120xi32, #tpu.memory_space<vmem>>)
      tpu.yield
    }) : () -> ()
    %barrier3A = arith.constant 0 : index
    tpu.barrier barrier_id(%barrier3A)
    %add3A_7 = arith.constant 0 : i32
    %add3A_8 = arith.addi %mul3A_4, %add3A_7 : i32
    %mul3A_9 = arith.constant 128 : i32
    %mul3A_10 = arith.muli %add3A_8, %mul3A_9 : i32
    %dma_start3A = arith.constant 0 : i32
    %dma_start3A_11 = tpu.memref_slice %arg2[%mul3A_10, %dma_start3A] : memref<163840x128xf32, #tpu.memory_space<hbm>> -> memref<128x128xf32, #tpu.memory_space<hbm>>
    %dma_start3A_12 = arith.constant 0 : i32
    %dma_start3A_13 = tpu.memref_slice %arg2[%mul3A_10, %dma_start3A_12] : memref<163840x128xf32, #tpu.memory_space<hbm>> -> memref<128x128xf32, #tpu.memory_space<hbm>>
    tpu.enqueue_dma source(%dma_start3A_13 : memref<128x128xf32, #tpu.memory_space<hbm>>) target(%arg8 : memref<128x128xf32, #tpu.memory_space<vmem>>) target_semaphore(%arg10 : memref<!tpu.dma_semaphore, #tpu.memory_space<semaphore_mem>>)
    %add3A_14 = arith.constant 1 : i32
    %add3A_15 = arith.addi %mul3A_4, %add3A_14 : i32
    %mul3A_16 = arith.constant 128 : i32
    %mul3A_17 = arith.muli %add3A_15, %mul3A_16 : i32
    %dma_start3A_18 = arith.constant 0 : i32
    %dma_start3A_19 = tpu.memref_slice %arg2[%mul3A_17, %dma_start3A_18] : memref<163840x128xf32, #tpu.memory_space<hbm>> -> memref<128x128xf32, #tpu.memory_space<hbm>>
    %dma_start3A_20 = arith.constant 0 : i32
    %dma_start3A_21 = tpu.memref_slice %arg2[%mul3A_17, %dma_start3A_20] : memref<163840x128xf32, #tpu.memory_space<hbm>> -> memref<128x128xf32, #tpu.memory_space<hbm>>
    tpu.enqueue_dma source(%dma_start3A_21 : memref<128x128xf32, #tpu.memory_space<hbm>>) target(%arg9 : memref<128x128xf32, #tpu.memory_space<vmem>>) target_semaphore(%arg11 : memref<!tpu.dma_semaphore, #tpu.memory_space<semaphore_mem>>)
    %scan3A = arith.constant 0 : i32
    %scan3A_22 = arith.constant 20 : i32
    %scan3A_23 = arith.addi %scan3A, %scan3A_22 : i32
    %scan3A_24 = arith.constant 1 : i32
    scf.for %scan3A_27 = %scan3A to %scan3A_23 step %scan3A_24  : i32 {
      %mul3A_28 = arith.constant 1 : i32
      %mul3A_29 = arith.muli %scan3A_27, %mul3A_28 : i32
      %add3A_30 = arith.constant 0 : i32
      %add3A_31 = arith.addi %add3A_30, %mul3A_29 : i32
      %mul3A_32 = arith.constant 2 : i32
      %mul3A_33 = arith.muli %add3A_31, %mul3A_32 : i32
      %add3A_34 = arith.constant 0 : i32
      %add3A_35 = arith.addi %mul3A_33, %add3A_34 : i32
      %add3A_36 = arith.addi %mul3A_4, %add3A_35 : i32
      %mul3A_37 = arith.constant 128 : i32
      %mul3A_38 = arith.muli %add3A_36, %mul3A_37 : i32
      %dma_wait3A = arith.constant 0 : i32
      %dma_wait3A_39 = tpu.memref_slice %arg2[%mul3A_38, %dma_wait3A] : memref<163840x128xf32, #tpu.memory_space<hbm>> -> memref<128x128xf32, #tpu.memory_space<hbm>>
      %dma_wait3A_40 = arith.constant 0 : i32
      %dma_wait3A_41 = tpu.memref_slice %arg2[%mul3A_38, %dma_wait3A_40] : memref<163840x128xf32, #tpu.memory_space<hbm>> -> memref<128x128xf32, #tpu.memory_space<hbm>>
      tpu.wait_dma2 semaphore(%arg10 : memref<!tpu.dma_semaphore, #tpu.memory_space<semaphore_mem>>) src(%dma_wait3A_41 : memref<128x128xf32, #tpu.memory_space<hbm>>) dst(%arg8 : memref<128x128xf32, #tpu.memory_space<vmem>>)
      %mul3A_42 = arith.constant 2 : i32
      %mul3A_43 = arith.muli %add3A_31, %mul3A_42 : i32
      %add3A_44 = arith.constant 0 : i32
      %add3A_45 = arith.addi %mul3A_43, %add3A_44 : i32
      %mul3A_46 = arith.constant 128 : i32
      %mul3A_47 = arith.muli %add3A_45, %mul3A_46 : i32
      %dma_start3A_48 = tpu.memref_slice %arg7[%mul3A_47] : memref<5120xi32, #tpu.memory_space<vmem>> -> memref<128xi32, #tpu.memory_space<vmem>>
      %dma_start3A_49 = arith.constant 0 : i32
      %dma_start3A_50 = arith.constant 0 : i32
      %dma_start3A_51 = tpu.memref_slice %arg6[%dma_start3A_49, %dma_start3A_50] : memref<10240x128xf32, #tpu.memory_space<vmem_shared>> -> memref<10240x128xf32, #tpu.memory_space<vmem_shared>>
      tpu.enqueue_indirect_dma source(%arg8 : memref<128x128xf32, #tpu.memory_space<vmem>>) target(%dma_start3A_51 : memref<10240x128xf32, #tpu.memory_space<vmem_shared>>) offsets(%dma_start3A_48 : memref<128xi32, #tpu.memory_space<vmem>>) semaphore(%arg12 : memref<!tpu.dma_semaphore, #tpu.memory_space<semaphore_mem>>) {add = true}
      %mul3A_52 = arith.constant 2 : i32
      %mul3A_53 = arith.muli %add3A_31, %mul3A_52 : i32
      %add3A_54 = arith.constant 1 : i32
      %add3A_55 = arith.addi %mul3A_53, %add3A_54 : i32
      %add3A_56 = arith.addi %mul3A_4, %add3A_55 : i32
      %mul3A_57 = arith.constant 128 : i32
      %mul3A_58 = arith.muli %add3A_56, %mul3A_57 : i32
      %dma_wait3A_59 = arith.constant 0 : i32
      %dma_wait3A_60 = tpu.memref_slice %arg2[%mul3A_58, %dma_wait3A_59] : memref<163840x128xf32, #tpu.memory_space<hbm>> -> memref<128x128xf32, #tpu.memory_space<hbm>>
      %dma_wait3A_61 = arith.constant 0 : i32
      %dma_wait3A_62 = tpu.memref_slice %arg2[%mul3A_58, %dma_wait3A_61] : memref<163840x128xf32, #tpu.memory_space<hbm>> -> memref<128x128xf32, #tpu.memory_space<hbm>>
      tpu.wait_dma2 semaphore(%arg11 : memref<!tpu.dma_semaphore, #tpu.memory_space<semaphore_mem>>) src(%dma_wait3A_62 : memref<128x128xf32, #tpu.memory_space<hbm>>) dst(%arg9 : memref<128x128xf32, #tpu.memory_space<vmem>>)
      %mul3A_63 = arith.constant 2 : i32
      %mul3A_64 = arith.muli %add3A_31, %mul3A_63 : i32
      %add3A_65 = arith.constant 1 : i32
      %add3A_66 = arith.addi %mul3A_64, %add3A_65 : i32
      %mul3A_67 = arith.constant 128 : i32
      %mul3A_68 = arith.muli %add3A_66, %mul3A_67 : i32
      %dma_start3A_69 = tpu.memref_slice %arg7[%mul3A_68] : memref<5120xi32, #tpu.memory_space<vmem>> -> memref<128xi32, #tpu.memory_space<vmem>>
      %dma_start3A_70 = arith.constant 0 : i32
      %dma_start3A_71 = arith.constant 0 : i32
      %dma_start3A_72 = tpu.memref_slice %arg6[%dma_start3A_70, %dma_start3A_71] : memref<10240x128xf32, #tpu.memory_space<vmem_shared>> -> memref<10240x128xf32, #tpu.memory_space<vmem_shared>>
      tpu.enqueue_indirect_dma source(%arg9 : memref<128x128xf32, #tpu.memory_space<vmem>>) target(%dma_start3A_72 : memref<10240x128xf32, #tpu.memory_space<vmem_shared>>) offsets(%dma_start3A_69 : memref<128xi32, #tpu.memory_space<vmem>>) semaphore(%arg13 : memref<!tpu.dma_semaphore, #tpu.memory_space<semaphore_mem>>) {add = true}
      %mul3A_73 = arith.constant 2 : i32
      %mul3A_74 = arith.muli %add3A_31, %mul3A_73 : i32
      %add3A_75 = arith.constant 0 : i32
      %add3A_76 = arith.addi %mul3A_74, %add3A_75 : i32
      %mul3A_77 = arith.constant 128 : i32
      %mul3A_78 = arith.muli %add3A_76, %mul3A_77 : i32
      %dma_wait3A_79 = tpu.memref_slice %arg7[%mul3A_78] : memref<5120xi32, #tpu.memory_space<vmem>> -> memref<128xi32, #tpu.memory_space<vmem>>
      %dma_wait3A_80 = arith.constant 0 : i32
      %dma_wait3A_81 = arith.constant 0 : i32
      %dma_wait3A_82 = tpu.memref_slice %arg6[%dma_wait3A_80, %dma_wait3A_81] : memref<10240x128xf32, #tpu.memory_space<vmem_shared>> -> memref<10240x128xf32, #tpu.memory_space<vmem_shared>>
      tpu.wait_indirect_dma semaphore(%arg12 : memref<!tpu.dma_semaphore, #tpu.memory_space<semaphore_mem>>) src(%arg8 : memref<128x128xf32, #tpu.memory_space<vmem>>) dst(%dma_wait3A_82 : memref<10240x128xf32, #tpu.memory_space<vmem_shared>>)
      %lt3A = arith.constant 19 : i32
      %lt3A_83 = arith.cmpi slt, %add3A_31, %lt3A : i32
      %convert_element_type3A = arith.extui %lt3A_83 : i1 to i32
      %cond3A = arith.constant 0 : i32
      %cond3A_84 = arith.cmpi ne, %convert_element_type3A, %cond3A : i32
      scf.if %cond3A_84 {
        %mul3A_100 = arith.constant 2 : i32
        %mul3A_101 = arith.muli %add3A_31, %mul3A_100 : i32
        %add3A_102 = arith.constant 2 : i32
        %add3A_103 = arith.addi %mul3A_101, %add3A_102 : i32
        %add3A_104 = arith.constant 0 : i32
        %add3A_105 = arith.addi %add3A_103, %add3A_104 : i32
        %add3A_106 = arith.addi %mul3A_4, %add3A_105 : i32
        %mul3A_107 = arith.constant 128 : i32
        %mul3A_108 = arith.muli %add3A_106, %mul3A_107 : i32
        %dma_start3A_109 = arith.constant 0 : i32
        %dma_start3A_110 = tpu.memref_slice %arg2[%mul3A_108, %dma_start3A_109] : memref<163840x128xf32, #tpu.memory_space<hbm>> -> memref<128x128xf32, #tpu.memory_space<hbm>>
        %dma_start3A_111 = arith.constant 0 : i32
        %dma_start3A_112 = tpu.memref_slice %arg2[%mul3A_108, %dma_start3A_111] : memref<163840x128xf32, #tpu.memory_space<hbm>> -> memref<128x128xf32, #tpu.memory_space<hbm>>
        tpu.enqueue_dma source(%dma_start3A_112 : memref<128x128xf32, #tpu.memory_space<hbm>>) target(%arg8 : memref<128x128xf32, #tpu.memory_space<vmem>>) target_semaphore(%arg10 : memref<!tpu.dma_semaphore, #tpu.memory_space<semaphore_mem>>)
      } else {
      }
      %mul3A_85 = arith.constant 2 : i32
      %mul3A_86 = arith.muli %add3A_31, %mul3A_85 : i32
      %add3A_87 = arith.constant 1 : i32
      %add3A_88 = arith.addi %mul3A_86, %add3A_87 : i32
      %mul3A_89 = arith.constant 128 : i32
      %mul3A_90 = arith.muli %add3A_88, %mul3A_89 : i32
      %dma_wait3A_91 = tpu.memref_slice %arg7[%mul3A_90] : memref<5120xi32, #tpu.memory_space<vmem>> -> memref<128xi32, #tpu.memory_space<vmem>>
      %dma_wait3A_92 = arith.constant 0 : i32
      %dma_wait3A_93 = arith.constant 0 : i32
      %dma_wait3A_94 = tpu.memref_slice %arg6[%dma_wait3A_92, %dma_wait3A_93] : memref<10240x128xf32, #tpu.memory_space<vmem_shared>> -> memref<10240x128xf32, #tpu.memory_space<vmem_shared>>
      tpu.wait_indirect_dma semaphore(%arg13 : memref<!tpu.dma_semaphore, #tpu.memory_space<semaphore_mem>>) src(%arg9 : memref<128x128xf32, #tpu.memory_space<vmem>>) dst(%dma_wait3A_94 : memref<10240x128xf32, #tpu.memory_space<vmem_shared>>)
      %lt3A_95 = arith.constant 19 : i32
      %lt3A_96 = arith.cmpi slt, %add3A_31, %lt3A_95 : i32
      %convert_element_type3A_97 = arith.extui %lt3A_96 : i1 to i32
      %cond3A_98 = arith.constant 0 : i32
      %cond3A_99 = arith.cmpi ne, %convert_element_type3A_97, %cond3A_98 : i32
      scf.if %cond3A_99 {
        %mul3A_100 = arith.constant 2 : i32
        %mul3A_101 = arith.muli %add3A_31, %mul3A_100 : i32
        %add3A_102 = arith.constant 2 : i32
        %add3A_103 = arith.addi %mul3A_101, %add3A_102 : i32
        %add3A_104 = arith.constant 1 : i32
        %add3A_105 = arith.addi %add3A_103, %add3A_104 : i32
        %add3A_106 = arith.addi %mul3A_4, %add3A_105 : i32
        %mul3A_107 = arith.constant 128 : i32
        %mul3A_108 = arith.muli %add3A_106, %mul3A_107 : i32
        %dma_start3A_109 = arith.constant 0 : i32
        %dma_start3A_110 = tpu.memref_slice %arg2[%mul3A_108, %dma_start3A_109] : memref<163840x128xf32, #tpu.memory_space<hbm>> -> memref<128x128xf32, #tpu.memory_space<hbm>>
        %dma_start3A_111 = arith.constant 0 : i32
        %dma_start3A_112 = tpu.memref_slice %arg2[%mul3A_108, %dma_start3A_111] : memref<163840x128xf32, #tpu.memory_space<hbm>> -> memref<128x128xf32, #tpu.memory_space<hbm>>
        tpu.enqueue_dma source(%dma_start3A_112 : memref<128x128xf32, #tpu.memory_space<hbm>>) target(%arg9 : memref<128x128xf32, #tpu.memory_space<vmem>>) target_semaphore(%arg11 : memref<!tpu.dma_semaphore, #tpu.memory_space<semaphore_mem>>)
      } else {
      }
    }
    %scan3A_25 = arith.constant 20 : i32
    %barrier3A_26 = arith.constant 0 : index
    tpu.barrier barrier_id(%barrier3A_26)
    "tpu.region"() ({
      %run_scoped3A = tpu.sem_alloc : memref<!tpu.dma_semaphore, #tpu.memory_space<semaphore_mem>>
      %dma_start3A_27 = arith.constant 0 : i32
      %dma_start3A_28 = arith.constant 0 : i32
      %dma_start3A_29 = tpu.memref_slice %arg5[%arg0, %dma_start3A_27, %dma_start3A_28] : memref<2x10240x128xf32, #tpu.memory_space<hbm>> -> memref<1x10240x128xf32, #tpu.memory_space<hbm>>
      %dma_start3A_30 = tpu.memref_squeeze %dma_start3A_29 : memref<1x10240x128xf32, #tpu.memory_space<hbm>> -> memref<10240x128xf32, #tpu.memory_space<hbm>>
      %dma_start3A_31 = arith.constant 0 : i32
      %dma_start3A_32 = tpu.memref_slice %dma_start3A_30[%mul3A_2, %dma_start3A_31] : memref<10240x128xf32, #tpu.memory_space<hbm>> -> memref<640x128xf32, #tpu.memory_space<hbm>>
      %dma_start3A_33 = arith.constant 0 : i32
      %dma_start3A_34 = tpu.memref_slice %arg6[%mul3A_2, %dma_start3A_33] : memref<10240x128xf32, #tpu.memory_space<vmem_shared>> -> memref<640x128xf32, #tpu.memory_space<vmem_shared>>
      tpu.enqueue_dma source(%dma_start3A_34 : memref<640x128xf32, #tpu.memory_space<vmem_shared>>) target(%dma_start3A_32 : memref<640x128xf32, #tpu.memory_space<hbm>>) target_semaphore(%run_scoped3A : memref<!tpu.dma_semaphore, #tpu.memory_space<semaphore_mem>>)
      %dma_wait3A = arith.constant 0 : i32
      %dma_wait3A_35 = arith.constant 0 : i32
      %dma_wait3A_36 = tpu.memref_slice %arg5[%arg0, %dma_wait3A, %dma_wait3A_35] : memref<2x10240x128xf32, #tpu.memory_space<hbm>> -> memref<1x10240x128xf32, #tpu.memory_space<hbm>>
      %dma_wait3A_37 = tpu.memref_squeeze %dma_wait3A_36 : memref<1x10240x128xf32, #tpu.memory_space<hbm>> -> memref<10240x128xf32, #tpu.memory_space<hbm>>
      %dma_wait3A_38 = arith.constant 0 : i32
      %dma_wait3A_39 = tpu.memref_slice %dma_wait3A_37[%mul3A_2, %dma_wait3A_38] : memref<10240x128xf32, #tpu.memory_space<hbm>> -> memref<640x128xf32, #tpu.memory_space<hbm>>
      %dma_wait3A_40 = arith.constant 0 : i32
      %dma_wait3A_41 = tpu.memref_slice %arg6[%mul3A_2, %dma_wait3A_40] : memref<10240x128xf32, #tpu.memory_space<vmem_shared>> -> memref<640x128xf32, #tpu.memory_space<vmem_shared>>
      tpu.wait_dma2 semaphore(%run_scoped3A : memref<!tpu.dma_semaphore, #tpu.memory_space<semaphore_mem>>) src(%dma_wait3A_41 : memref<640x128xf32, #tpu.memory_space<vmem_shared>>) dst(%dma_wait3A_39 : memref<640x128xf32, #tpu.memory_space<hbm>>)
      tpu.yield
    }) : () -> ()
    return
  }
}

#map = affine_map<(d0, d1) -> (0, 0)>
#map1 = affine_map<(d0, d1) -> (0)>
#map2 = affine_map<(d0, d1) -> (0, 0, 0)>
module attributes {stable_mosaic.version = 14 : i64} {
  func.func @k(%arg0: i32, %arg1: i32, %arg2: memref<16384x128xf32, #tpu.memory_space<hbm>>, %arg3: memref<16384xi32, #tpu.memory_space<hbm>>, %arg4: memref<640x128xf32, #tpu.memory_space<hbm>>, %arg5: memref<2x10240x128xf32, #tpu.memory_space<hbm>>, %arg6: memref<10240x128xf32, #tpu.memory_space<vmem_shared>>, %arg7: memref<512xi32, #tpu.memory_space<vmem>>, %arg8: memref<128x128xf32, #tpu.memory_space<vmem>>, %arg9: memref<128x128xf32, #tpu.memory_space<vmem>>, %arg10: memref<!tpu.dma_semaphore, #tpu.memory_space<semaphore_mem>>, %arg11: memref<!tpu.dma_semaphore, #tpu.memory_space<semaphore_mem>>, %arg12: memref<!tpu.dma_semaphore, #tpu.memory_space<semaphore_mem>>, %arg13: memref<!tpu.dma_semaphore, #tpu.memory_space<semaphore_mem>>) attributes {dimension_semantics = [#tpu.dimension_semantics<core_parallel>, #tpu.dimension_semantics<subcore_parallel>], iteration_bounds = array<i64: 2, 16>, scalar_prefetch = 0 : i64, scratch_operands = 8 : i64, tpu.core_type = #tpu.core_type<sc_vector_subcore>, window_params = [{transform_indices = #map}, {transform_indices = #map1}, {transform_indices = #map}, {transform_indices = #map2}]} {
    %mul3A = arith.constant 2 : i32
    %mul3A_0 = arith.muli %arg1, %mul3A : i32
    %add3A = arith.addi %mul3A_0, %arg0 : i32
    %mul3A_1 = arith.constant 640 : i32
    %mul3A_2 = arith.muli %arg1, %mul3A_1 : i32
    %mul3A_3 = arith.constant 4 : i32
    %mul3A_4 = arith.muli %add3A, %mul3A_3 : i32
    "tpu.region"() ({
      %run_scoped3A = tpu.sem_alloc : memref<!tpu.dma_semaphore, #tpu.memory_space<semaphore_mem>>
      %dma_start3A_27 = arith.constant 0 : i32
      %dma_start3A_28 = tpu.memref_slice %arg6[%mul3A_2, %dma_start3A_27] : memref<10240x128xf32, #tpu.memory_space<vmem_shared>> -> memref<640x128xf32, #tpu.memory_space<vmem_shared>>
      tpu.enqueue_dma source(%arg4 : memref<640x128xf32, #tpu.memory_space<hbm>>) target(%dma_start3A_28 : memref<640x128xf32, #tpu.memory_space<vmem_shared>>) target_semaphore(%run_scoped3A : memref<!tpu.dma_semaphore, #tpu.memory_space<semaphore_mem>>)
      %dma_wait3A = arith.constant 0 : i32
      %dma_wait3A_29 = tpu.memref_slice %arg6[%mul3A_2, %dma_wait3A] : memref<10240x128xf32, #tpu.memory_space<vmem_shared>> -> memref<640x128xf32, #tpu.memory_space<vmem_shared>>
      tpu.wait_dma2 semaphore(%run_scoped3A : memref<!tpu.dma_semaphore, #tpu.memory_space<semaphore_mem>>) src(%arg4 : memref<640x128xf32, #tpu.memory_space<hbm>>) dst(%dma_wait3A_29 : memref<640x128xf32, #tpu.memory_space<vmem_shared>>)
      tpu.yield
    }) : () -> ()
    %mul3A_5 = arith.constant 128 : i32
    %mul3A_6 = arith.muli %mul3A_4, %mul3A_5 : i32
    "tpu.region"() ({
      %run_scoped3A = tpu.sem_alloc : memref<!tpu.dma_semaphore, #tpu.memory_space<semaphore_mem>>
      %dma_start3A_27 = tpu.memref_slice %arg3[%mul3A_6] : memref<16384xi32, #tpu.memory_space<hbm>> -> memref<512xi32, #tpu.memory_space<hbm>>
      %dma_start3A_28 = tpu.memref_slice %arg3[%mul3A_6] : memref<16384xi32, #tpu.memory_space<hbm>> -> memref<512xi32, #tpu.memory_space<hbm>>
      tpu.enqueue_dma source(%dma_start3A_28 : memref<512xi32, #tpu.memory_space<hbm>>) target(%arg7 : memref<512xi32, #tpu.memory_space<vmem>>) target_semaphore(%run_scoped3A : memref<!tpu.dma_semaphore, #tpu.memory_space<semaphore_mem>>)
      %dma_wait3A = tpu.memref_slice %arg3[%mul3A_6] : memref<16384xi32, #tpu.memory_space<hbm>> -> memref<512xi32, #tpu.memory_space<hbm>>
      %dma_wait3A_29 = tpu.memref_slice %arg3[%mul3A_6] : memref<16384xi32, #tpu.memory_space<hbm>> -> memref<512xi32, #tpu.memory_space<hbm>>
      tpu.wait_dma2 semaphore(%run_scoped3A : memref<!tpu.dma_semaphore, #tpu.memory_space<semaphore_mem>>) src(%dma_wait3A_29 : memref<512xi32, #tpu.memory_space<hbm>>) dst(%arg7 : memref<512xi32, #tpu.memory_space<vmem>>)
      tpu.yield
    }) : () -> ()
    %barrier3A = arith.constant 0 : index
    tpu.barrier barrier_id(%barrier3A)
    %add3A_7 = arith.constant 0 : i32
    %add3A_8 = arith.addi %mul3A_4, %add3A_7 : i32
    %mul3A_9 = arith.constant 128 : i32
    %mul3A_10 = arith.muli %add3A_8, %mul3A_9 : i32
    %dma_start3A = arith.constant 0 : i32
    %dma_start3A_11 = tpu.memref_slice %arg2[%mul3A_10, %dma_start3A] : memref<16384x128xf32, #tpu.memory_space<hbm>> -> memref<128x128xf32, #tpu.memory_space<hbm>>
    %dma_start3A_12 = arith.constant 0 : i32
    %dma_start3A_13 = tpu.memref_slice %arg2[%mul3A_10, %dma_start3A_12] : memref<16384x128xf32, #tpu.memory_space<hbm>> -> memref<128x128xf32, #tpu.memory_space<hbm>>
    tpu.enqueue_dma source(%dma_start3A_13 : memref<128x128xf32, #tpu.memory_space<hbm>>) target(%arg8 : memref<128x128xf32, #tpu.memory_space<vmem>>) target_semaphore(%arg10 : memref<!tpu.dma_semaphore, #tpu.memory_space<semaphore_mem>>)
    %add3A_14 = arith.constant 1 : i32
    %add3A_15 = arith.addi %mul3A_4, %add3A_14 : i32
    %mul3A_16 = arith.constant 128 : i32
    %mul3A_17 = arith.muli %add3A_15, %mul3A_16 : i32
    %dma_start3A_18 = arith.constant 0 : i32
    %dma_start3A_19 = tpu.memref_slice %arg2[%mul3A_17, %dma_start3A_18] : memref<16384x128xf32, #tpu.memory_space<hbm>> -> memref<128x128xf32, #tpu.memory_space<hbm>>
    %dma_start3A_20 = arith.constant 0 : i32
    %dma_start3A_21 = tpu.memref_slice %arg2[%mul3A_17, %dma_start3A_20] : memref<16384x128xf32, #tpu.memory_space<hbm>> -> memref<128x128xf32, #tpu.memory_space<hbm>>
    tpu.enqueue_dma source(%dma_start3A_21 : memref<128x128xf32, #tpu.memory_space<hbm>>) target(%arg9 : memref<128x128xf32, #tpu.memory_space<vmem>>) target_semaphore(%arg11 : memref<!tpu.dma_semaphore, #tpu.memory_space<semaphore_mem>>)
    %scan3A = arith.constant 0 : i32
    %scan3A_22 = arith.constant 2 : i32
    %scan3A_23 = arith.addi %scan3A, %scan3A_22 : i32
    %scan3A_24 = arith.constant 1 : i32
    scf.for %scan3A_27 = %scan3A to %scan3A_23 step %scan3A_24  : i32 {
      %mul3A_28 = arith.constant 1 : i32
      %mul3A_29 = arith.muli %scan3A_27, %mul3A_28 : i32
      %add3A_30 = arith.constant 0 : i32
      %add3A_31 = arith.addi %add3A_30, %mul3A_29 : i32
      %mul3A_32 = arith.constant 2 : i32
      %mul3A_33 = arith.muli %add3A_31, %mul3A_32 : i32
      %add3A_34 = arith.constant 0 : i32
      %add3A_35 = arith.addi %mul3A_33, %add3A_34 : i32
      %add3A_36 = arith.addi %mul3A_4, %add3A_35 : i32
      %mul3A_37 = arith.constant 128 : i32
      %mul3A_38 = arith.muli %add3A_36, %mul3A_37 : i32
      %dma_wait3A = arith.constant 0 : i32
      %dma_wait3A_39 = tpu.memref_slice %arg2[%mul3A_38, %dma_wait3A] : memref<16384x128xf32, #tpu.memory_space<hbm>> -> memref<128x128xf32, #tpu.memory_space<hbm>>
      %dma_wait3A_40 = arith.constant 0 : i32
      %dma_wait3A_41 = tpu.memref_slice %arg2[%mul3A_38, %dma_wait3A_40] : memref<16384x128xf32, #tpu.memory_space<hbm>> -> memref<128x128xf32, #tpu.memory_space<hbm>>
      tpu.wait_dma2 semaphore(%arg10 : memref<!tpu.dma_semaphore, #tpu.memory_space<semaphore_mem>>) src(%dma_wait3A_41 : memref<128x128xf32, #tpu.memory_space<hbm>>) dst(%arg8 : memref<128x128xf32, #tpu.memory_space<vmem>>)
      %mul3A_42 = arith.constant 2 : i32
      %mul3A_43 = arith.muli %add3A_31, %mul3A_42 : i32
      %add3A_44 = arith.constant 0 : i32
      %add3A_45 = arith.addi %mul3A_43, %add3A_44 : i32
      %mul3A_46 = arith.constant 128 : i32
      %mul3A_47 = arith.muli %add3A_45, %mul3A_46 : i32
      %dma_start3A_48 = tpu.memref_slice %arg7[%mul3A_47] : memref<512xi32, #tpu.memory_space<vmem>> -> memref<128xi32, #tpu.memory_space<vmem>>
      %dma_start3A_49 = arith.constant 0 : i32
      %dma_start3A_50 = arith.constant 0 : i32
      %dma_start3A_51 = tpu.memref_slice %arg6[%dma_start3A_49, %dma_start3A_50] : memref<10240x128xf32, #tpu.memory_space<vmem_shared>> -> memref<10240x128xf32, #tpu.memory_space<vmem_shared>>
      tpu.enqueue_indirect_dma source(%arg8 : memref<128x128xf32, #tpu.memory_space<vmem>>) target(%dma_start3A_51 : memref<10240x128xf32, #tpu.memory_space<vmem_shared>>) offsets(%dma_start3A_48 : memref<128xi32, #tpu.memory_space<vmem>>) semaphore(%arg12 : memref<!tpu.dma_semaphore, #tpu.memory_space<semaphore_mem>>) {add = true}
      %mul3A_52 = arith.constant 2 : i32
      %mul3A_53 = arith.muli %add3A_31, %mul3A_52 : i32
      %add3A_54 = arith.constant 1 : i32
      %add3A_55 = arith.addi %mul3A_53, %add3A_54 : i32
      %add3A_56 = arith.addi %mul3A_4, %add3A_55 : i32
      %mul3A_57 = arith.constant 128 : i32
      %mul3A_58 = arith.muli %add3A_56, %mul3A_57 : i32
      %dma_wait3A_59 = arith.constant 0 : i32
      %dma_wait3A_60 = tpu.memref_slice %arg2[%mul3A_58, %dma_wait3A_59] : memref<16384x128xf32, #tpu.memory_space<hbm>> -> memref<128x128xf32, #tpu.memory_space<hbm>>
      %dma_wait3A_61 = arith.constant 0 : i32
      %dma_wait3A_62 = tpu.memref_slice %arg2[%mul3A_58, %dma_wait3A_61] : memref<16384x128xf32, #tpu.memory_space<hbm>> -> memref<128x128xf32, #tpu.memory_space<hbm>>
      tpu.wait_dma2 semaphore(%arg11 : memref<!tpu.dma_semaphore, #tpu.memory_space<semaphore_mem>>) src(%dma_wait3A_62 : memref<128x128xf32, #tpu.memory_space<hbm>>) dst(%arg9 : memref<128x128xf32, #tpu.memory_space<vmem>>)
      %mul3A_63 = arith.constant 2 : i32
      %mul3A_64 = arith.muli %add3A_31, %mul3A_63 : i32
      %add3A_65 = arith.constant 1 : i32
      %add3A_66 = arith.addi %mul3A_64, %add3A_65 : i32
      %mul3A_67 = arith.constant 128 : i32
      %mul3A_68 = arith.muli %add3A_66, %mul3A_67 : i32
      %dma_start3A_69 = tpu.memref_slice %arg7[%mul3A_68] : memref<512xi32, #tpu.memory_space<vmem>> -> memref<128xi32, #tpu.memory_space<vmem>>
      %dma_start3A_70 = arith.constant 0 : i32
      %dma_start3A_71 = arith.constant 0 : i32
      %dma_start3A_72 = tpu.memref_slice %arg6[%dma_start3A_70, %dma_start3A_71] : memref<10240x128xf32, #tpu.memory_space<vmem_shared>> -> memref<10240x128xf32, #tpu.memory_space<vmem_shared>>
      tpu.enqueue_indirect_dma source(%arg9 : memref<128x128xf32, #tpu.memory_space<vmem>>) target(%dma_start3A_72 : memref<10240x128xf32, #tpu.memory_space<vmem_shared>>) offsets(%dma_start3A_69 : memref<128xi32, #tpu.memory_space<vmem>>) semaphore(%arg13 : memref<!tpu.dma_semaphore, #tpu.memory_space<semaphore_mem>>) {add = true}
      %mul3A_73 = arith.constant 2 : i32
      %mul3A_74 = arith.muli %add3A_31, %mul3A_73 : i32
      %add3A_75 = arith.constant 0 : i32
      %add3A_76 = arith.addi %mul3A_74, %add3A_75 : i32
      %mul3A_77 = arith.constant 128 : i32
      %mul3A_78 = arith.muli %add3A_76, %mul3A_77 : i32
      %dma_wait3A_79 = tpu.memref_slice %arg7[%mul3A_78] : memref<512xi32, #tpu.memory_space<vmem>> -> memref<128xi32, #tpu.memory_space<vmem>>
      %dma_wait3A_80 = arith.constant 0 : i32
      %dma_wait3A_81 = arith.constant 0 : i32
      %dma_wait3A_82 = tpu.memref_slice %arg6[%dma_wait3A_80, %dma_wait3A_81] : memref<10240x128xf32, #tpu.memory_space<vmem_shared>> -> memref<10240x128xf32, #tpu.memory_space<vmem_shared>>
      tpu.wait_indirect_dma semaphore(%arg12 : memref<!tpu.dma_semaphore, #tpu.memory_space<semaphore_mem>>) src(%arg8 : memref<128x128xf32, #tpu.memory_space<vmem>>) dst(%dma_wait3A_82 : memref<10240x128xf32, #tpu.memory_space<vmem_shared>>)
      %lt3A = arith.constant 1 : i32
      %lt3A_83 = arith.cmpi slt, %add3A_31, %lt3A : i32
      %convert_element_type3A = arith.extui %lt3A_83 : i1 to i32
      %cond3A = arith.constant 0 : i32
      %cond3A_84 = arith.cmpi ne, %convert_element_type3A, %cond3A : i32
      scf.if %cond3A_84 {
        %mul3A_100 = arith.constant 2 : i32
        %mul3A_101 = arith.muli %add3A_31, %mul3A_100 : i32
        %add3A_102 = arith.constant 2 : i32
        %add3A_103 = arith.addi %mul3A_101, %add3A_102 : i32
        %add3A_104 = arith.constant 0 : i32
        %add3A_105 = arith.addi %add3A_103, %add3A_104 : i32
        %add3A_106 = arith.addi %mul3A_4, %add3A_105 : i32
        %mul3A_107 = arith.constant 128 : i32
        %mul3A_108 = arith.muli %add3A_106, %mul3A_107 : i32
        %dma_start3A_109 = arith.constant 0 : i32
        %dma_start3A_110 = tpu.memref_slice %arg2[%mul3A_108, %dma_start3A_109] : memref<16384x128xf32, #tpu.memory_space<hbm>> -> memref<128x128xf32, #tpu.memory_space<hbm>>
        %dma_start3A_111 = arith.constant 0 : i32
        %dma_start3A_112 = tpu.memref_slice %arg2[%mul3A_108, %dma_start3A_111] : memref<16384x128xf32, #tpu.memory_space<hbm>> -> memref<128x128xf32, #tpu.memory_space<hbm>>
        tpu.enqueue_dma source(%dma_start3A_112 : memref<128x128xf32, #tpu.memory_space<hbm>>) target(%arg8 : memref<128x128xf32, #tpu.memory_space<vmem>>) target_semaphore(%arg10 : memref<!tpu.dma_semaphore, #tpu.memory_space<semaphore_mem>>)
      } else {
      }
      %mul3A_85 = arith.constant 2 : i32
      %mul3A_86 = arith.muli %add3A_31, %mul3A_85 : i32
      %add3A_87 = arith.constant 1 : i32
      %add3A_88 = arith.addi %mul3A_86, %add3A_87 : i32
      %mul3A_89 = arith.constant 128 : i32
      %mul3A_90 = arith.muli %add3A_88, %mul3A_89 : i32
      %dma_wait3A_91 = tpu.memref_slice %arg7[%mul3A_90] : memref<512xi32, #tpu.memory_space<vmem>> -> memref<128xi32, #tpu.memory_space<vmem>>
      %dma_wait3A_92 = arith.constant 0 : i32
      %dma_wait3A_93 = arith.constant 0 : i32
      %dma_wait3A_94 = tpu.memref_slice %arg6[%dma_wait3A_92, %dma_wait3A_93] : memref<10240x128xf32, #tpu.memory_space<vmem_shared>> -> memref<10240x128xf32, #tpu.memory_space<vmem_shared>>
      tpu.wait_indirect_dma semaphore(%arg13 : memref<!tpu.dma_semaphore, #tpu.memory_space<semaphore_mem>>) src(%arg9 : memref<128x128xf32, #tpu.memory_space<vmem>>) dst(%dma_wait3A_94 : memref<10240x128xf32, #tpu.memory_space<vmem_shared>>)
      %lt3A_95 = arith.constant 1 : i32
      %lt3A_96 = arith.cmpi slt, %add3A_31, %lt3A_95 : i32
      %convert_element_type3A_97 = arith.extui %lt3A_96 : i1 to i32
      %cond3A_98 = arith.constant 0 : i32
      %cond3A_99 = arith.cmpi ne, %convert_element_type3A_97, %cond3A_98 : i32
      scf.if %cond3A_99 {
        %mul3A_100 = arith.constant 2 : i32
        %mul3A_101 = arith.muli %add3A_31, %mul3A_100 : i32
        %add3A_102 = arith.constant 2 : i32
        %add3A_103 = arith.addi %mul3A_101, %add3A_102 : i32
        %add3A_104 = arith.constant 1 : i32
        %add3A_105 = arith.addi %add3A_103, %add3A_104 : i32
        %add3A_106 = arith.addi %mul3A_4, %add3A_105 : i32
        %mul3A_107 = arith.constant 128 : i32
        %mul3A_108 = arith.muli %add3A_106, %mul3A_107 : i32
        %dma_start3A_109 = arith.constant 0 : i32
        %dma_start3A_110 = tpu.memref_slice %arg2[%mul3A_108, %dma_start3A_109] : memref<16384x128xf32, #tpu.memory_space<hbm>> -> memref<128x128xf32, #tpu.memory_space<hbm>>
        %dma_start3A_111 = arith.constant 0 : i32
        %dma_start3A_112 = tpu.memref_slice %arg2[%mul3A_108, %dma_start3A_111] : memref<16384x128xf32, #tpu.memory_space<hbm>> -> memref<128x128xf32, #tpu.memory_space<hbm>>
        tpu.enqueue_dma source(%dma_start3A_112 : memref<128x128xf32, #tpu.memory_space<hbm>>) target(%arg9 : memref<128x128xf32, #tpu.memory_space<vmem>>) target_semaphore(%arg11 : memref<!tpu.dma_semaphore, #tpu.memory_space<semaphore_mem>>)
      } else {
      }
    }
    %scan3A_25 = arith.constant 2 : i32
    %barrier3A_26 = arith.constant 0 : index
    tpu.barrier barrier_id(%barrier3A_26)
    "tpu.region"() ({
      %run_scoped3A = tpu.sem_alloc : memref<!tpu.dma_semaphore, #tpu.memory_space<semaphore_mem>>
      %dma_start3A_27 = arith.constant 0 : i32
      %dma_start3A_28 = arith.constant 0 : i32
      %dma_start3A_29 = tpu.memref_slice %arg5[%arg0, %dma_start3A_27, %dma_start3A_28] : memref<2x10240x128xf32, #tpu.memory_space<hbm>> -> memref<1x10240x128xf32, #tpu.memory_space<hbm>>
      %dma_start3A_30 = tpu.memref_squeeze %dma_start3A_29 : memref<1x10240x128xf32, #tpu.memory_space<hbm>> -> memref<10240x128xf32, #tpu.memory_space<hbm>>
      %dma_start3A_31 = arith.constant 0 : i32
      %dma_start3A_32 = tpu.memref_slice %dma_start3A_30[%mul3A_2, %dma_start3A_31] : memref<10240x128xf32, #tpu.memory_space<hbm>> -> memref<640x128xf32, #tpu.memory_space<hbm>>
      %dma_start3A_33 = arith.constant 0 : i32
      %dma_start3A_34 = tpu.memref_slice %arg6[%mul3A_2, %dma_start3A_33] : memref<10240x128xf32, #tpu.memory_space<vmem_shared>> -> memref<640x128xf32, #tpu.memory_space<vmem_shared>>
      tpu.enqueue_dma source(%dma_start3A_34 : memref<640x128xf32, #tpu.memory_space<vmem_shared>>) target(%dma_start3A_32 : memref<640x128xf32, #tpu.memory_space<hbm>>) target_semaphore(%run_scoped3A : memref<!tpu.dma_semaphore, #tpu.memory_space<semaphore_mem>>)
      %dma_wait3A = arith.constant 0 : i32
      %dma_wait3A_35 = arith.constant 0 : i32
      %dma_wait3A_36 = tpu.memref_slice %arg5[%arg0, %dma_wait3A, %dma_wait3A_35] : memref<2x10240x128xf32, #tpu.memory_space<hbm>> -> memref<1x10240x128xf32, #tpu.memory_space<hbm>>
      %dma_wait3A_37 = tpu.memref_squeeze %dma_wait3A_36 : memref<1x10240x128xf32, #tpu.memory_space<hbm>> -> memref<10240x128xf32, #tpu.memory_space<hbm>>
      %dma_wait3A_38 = arith.constant 0 : i32
      %dma_wait3A_39 = tpu.memref_slice %dma_wait3A_37[%mul3A_2, %dma_wait3A_38] : memref<10240x128xf32, #tpu.memory_space<hbm>> -> memref<640x128xf32, #tpu.memory_space<hbm>>
      %dma_wait3A_40 = arith.constant 0 : i32
      %dma_wait3A_41 = tpu.memref_slice %arg6[%mul3A_2, %dma_wait3A_40] : memref<10240x128xf32, #tpu.memory_space<vmem_shared>> -> memref<640x128xf32, #tpu.memory_space<vmem_shared>>
      tpu.wait_dma2 semaphore(%run_scoped3A : memref<!tpu.dma_semaphore, #tpu.memory_space<semaphore_mem>>) src(%dma_wait3A_41 : memref<640x128xf32, #tpu.memory_space<vmem_shared>>) dst(%dma_wait3A_39 : memref<640x128xf32, #tpu.memory_space<hbm>>)
      tpu.yield
    }) : () -> ()
    return
  }
}

#map = affine_map<(d0, d1) -> (0, 0)>
#map1 = affine_map<(d0, d1) -> (0)>
module attributes {stable_mosaic.version = 14 : i64} {
  func.func @k(%arg0: i32, %arg1: i32, %arg2: memref<10000x128xf32, #tpu.memory_space<hbm>>, %arg3: memref<163840xi32, #tpu.memory_space<hbm>>, %arg4: memref<163840x128xf32, #tpu.memory_space<hbm>>, %arg5: memref<5120xi32, #tpu.memory_space<vmem>>, %arg6: memref<128x128xf32, #tpu.memory_space<vmem>>, %arg7: memref<128x128xf32, #tpu.memory_space<vmem>>, %arg8: memref<128x128xf32, #tpu.memory_space<vmem>>, %arg9: memref<128x128xf32, #tpu.memory_space<vmem>>, %arg10: memref<!tpu.dma_semaphore, #tpu.memory_space<semaphore_mem>>, %arg11: memref<!tpu.dma_semaphore, #tpu.memory_space<semaphore_mem>>, %arg12: memref<!tpu.dma_semaphore, #tpu.memory_space<semaphore_mem>>, %arg13: memref<!tpu.dma_semaphore, #tpu.memory_space<semaphore_mem>>, %arg14: memref<!tpu.dma_semaphore, #tpu.memory_space<semaphore_mem>>, %arg15: memref<!tpu.dma_semaphore, #tpu.memory_space<semaphore_mem>>, %arg16: memref<!tpu.dma_semaphore, #tpu.memory_space<semaphore_mem>>, %arg17: memref<!tpu.dma_semaphore, #tpu.memory_space<semaphore_mem>>) attributes {dimension_semantics = [#tpu.dimension_semantics<core_parallel>, #tpu.dimension_semantics<subcore_parallel>], iteration_bounds = array<i64: 2, 16>, scalar_prefetch = 0 : i64, scratch_operands = 13 : i64, tpu.core_type = #tpu.core_type<sc_vector_subcore>, window_params = [{transform_indices = #map}, {transform_indices = #map1}, {transform_indices = #map}]} {
    %mul3A = arith.constant 2 : i32
    %mul3A_0 = arith.muli %arg1, %mul3A : i32
    %add3A = arith.addi %mul3A_0, %arg0 : i32
    %mul3A_1 = arith.constant 40 : i32
    %mul3A_2 = arith.muli %add3A, %mul3A_1 : i32
    %mul3A_3 = arith.constant 128 : i32
    %mul3A_4 = arith.muli %mul3A_2, %mul3A_3 : i32
    "tpu.region"() ({
      %run_scoped3A = tpu.sem_alloc : memref<!tpu.dma_semaphore, #tpu.memory_space<semaphore_mem>>
      %dma_start3A_28 = tpu.memref_slice %arg3[%mul3A_4] : memref<163840xi32, #tpu.memory_space<hbm>> -> memref<5120xi32, #tpu.memory_space<hbm>>
      %dma_start3A_29 = tpu.memref_slice %arg3[%mul3A_4] : memref<163840xi32, #tpu.memory_space<hbm>> -> memref<5120xi32, #tpu.memory_space<hbm>>
      tpu.enqueue_dma source(%dma_start3A_29 : memref<5120xi32, #tpu.memory_space<hbm>>) target(%arg5 : memref<5120xi32, #tpu.memory_space<vmem>>) target_semaphore(%run_scoped3A : memref<!tpu.dma_semaphore, #tpu.memory_space<semaphore_mem>>)
      %dma_wait3A = tpu.memref_slice %arg3[%mul3A_4] : memref<163840xi32, #tpu.memory_space<hbm>> -> memref<5120xi32, #tpu.memory_space<hbm>>
      %dma_wait3A_30 = tpu.memref_slice %arg3[%mul3A_4] : memref<163840xi32, #tpu.memory_space<hbm>> -> memref<5120xi32, #tpu.memory_space<hbm>>
      tpu.wait_dma2 semaphore(%run_scoped3A : memref<!tpu.dma_semaphore, #tpu.memory_space<semaphore_mem>>) src(%dma_wait3A_30 : memref<5120xi32, #tpu.memory_space<hbm>>) dst(%arg5 : memref<5120xi32, #tpu.memory_space<vmem>>)
      tpu.yield
    }) : () -> ()
    %dma_start3A = arith.constant 0 : i32
    %dma_start3A_5 = tpu.memref_slice %arg5[%dma_start3A] : memref<5120xi32, #tpu.memory_space<vmem>> -> memref<128xi32, #tpu.memory_space<vmem>>
    %dma_start3A_6 = arith.constant 0 : i32
    %dma_start3A_7 = arith.constant 0 : i32
    %dma_start3A_8 = tpu.memref_slice %arg2[%dma_start3A_6, %dma_start3A_7] : memref<10000x128xf32, #tpu.memory_space<hbm>> -> memref<10000x128xf32, #tpu.memory_space<hbm>>
    tpu.enqueue_indirect_dma source(%dma_start3A_8 : memref<10000x128xf32, #tpu.memory_space<hbm>>) target(%arg6 : memref<128x128xf32, #tpu.memory_space<vmem>>) offsets(%dma_start3A_5 : memref<128xi32, #tpu.memory_space<vmem>>) semaphore(%arg10 : memref<!tpu.dma_semaphore, #tpu.memory_space<semaphore_mem>>)
    %dma_start3A_9 = arith.constant 128 : i32
    %dma_start3A_10 = tpu.memref_slice %arg5[%dma_start3A_9] : memref<5120xi32, #tpu.memory_space<vmem>> -> memref<128xi32, #tpu.memory_space<vmem>>
    %dma_start3A_11 = arith.constant 0 : i32
    %dma_start3A_12 = arith.constant 0 : i32
    %dma_start3A_13 = tpu.memref_slice %arg2[%dma_start3A_11, %dma_start3A_12] : memref<10000x128xf32, #tpu.memory_space<hbm>> -> memref<10000x128xf32, #tpu.memory_space<hbm>>
    tpu.enqueue_indirect_dma source(%dma_start3A_13 : memref<10000x128xf32, #tpu.memory_space<hbm>>) target(%arg7 : memref<128x128xf32, #tpu.memory_space<vmem>>) offsets(%dma_start3A_10 : memref<128xi32, #tpu.memory_space<vmem>>) semaphore(%arg11 : memref<!tpu.dma_semaphore, #tpu.memory_space<semaphore_mem>>)
    %dma_start3A_14 = arith.constant 256 : i32
    %dma_start3A_15 = tpu.memref_slice %arg5[%dma_start3A_14] : memref<5120xi32, #tpu.memory_space<vmem>> -> memref<128xi32, #tpu.memory_space<vmem>>
    %dma_start3A_16 = arith.constant 0 : i32
    %dma_start3A_17 = arith.constant 0 : i32
    %dma_start3A_18 = tpu.memref_slice %arg2[%dma_start3A_16, %dma_start3A_17] : memref<10000x128xf32, #tpu.memory_space<hbm>> -> memref<10000x128xf32, #tpu.memory_space<hbm>>
    tpu.enqueue_indirect_dma source(%dma_start3A_18 : memref<10000x128xf32, #tpu.memory_space<hbm>>) target(%arg8 : memref<128x128xf32, #tpu.memory_space<vmem>>) offsets(%dma_start3A_15 : memref<128xi32, #tpu.memory_space<vmem>>) semaphore(%arg12 : memref<!tpu.dma_semaphore, #tpu.memory_space<semaphore_mem>>)
    %dma_start3A_19 = arith.constant 384 : i32
    %dma_start3A_20 = tpu.memref_slice %arg5[%dma_start3A_19] : memref<5120xi32, #tpu.memory_space<vmem>> -> memref<128xi32, #tpu.memory_space<vmem>>
    %dma_start3A_21 = arith.constant 0 : i32
    %dma_start3A_22 = arith.constant 0 : i32
    %dma_start3A_23 = tpu.memref_slice %arg2[%dma_start3A_21, %dma_start3A_22] : memref<10000x128xf32, #tpu.memory_space<hbm>> -> memref<10000x128xf32, #tpu.memory_space<hbm>>
    tpu.enqueue_indirect_dma source(%dma_start3A_23 : memref<10000x128xf32, #tpu.memory_space<hbm>>) target(%arg9 : memref<128x128xf32, #tpu.memory_space<vmem>>) offsets(%dma_start3A_20 : memref<128xi32, #tpu.memory_space<vmem>>) semaphore(%arg13 : memref<!tpu.dma_semaphore, #tpu.memory_space<semaphore_mem>>)
    %scan3A = arith.constant 0 : i32
    %scan3A_24 = arith.constant 10 : i32
    %scan3A_25 = arith.addi %scan3A, %scan3A_24 : i32
    %scan3A_26 = arith.constant 1 : i32
    scf.for %scan3A_28 = %scan3A to %scan3A_25 step %scan3A_26  : i32 {
      %mul3A_29 = arith.constant 1 : i32
      %mul3A_30 = arith.muli %scan3A_28, %mul3A_29 : i32
      %add3A_31 = arith.constant 0 : i32
      %add3A_32 = arith.addi %add3A_31, %mul3A_30 : i32
      %mul3A_33 = arith.constant 4 : i32
      %mul3A_34 = arith.muli %add3A_32, %mul3A_33 : i32
      %add3A_35 = arith.constant 0 : i32
      %add3A_36 = arith.addi %mul3A_34, %add3A_35 : i32
      %mul3A_37 = arith.constant 128 : i32
      %mul3A_38 = arith.muli %add3A_36, %mul3A_37 : i32
      %dma_wait3A = tpu.memref_slice %arg5[%mul3A_38] : memref<5120xi32, #tpu.memory_space<vmem>> -> memref<128xi32, #tpu.memory_space<vmem>>
      %dma_wait3A_39 = arith.constant 0 : i32
      %dma_wait3A_40 = arith.constant 0 : i32
      %dma_wait3A_41 = tpu.memref_slice %arg2[%dma_wait3A_39, %dma_wait3A_40] : memref<10000x128xf32, #tpu.memory_space<hbm>> -> memref<10000x128xf32, #tpu.memory_space<hbm>>
      tpu.wait_indirect_dma semaphore(%arg10 : memref<!tpu.dma_semaphore, #tpu.memory_space<semaphore_mem>>) src(%dma_wait3A_41 : memref<10000x128xf32, #tpu.memory_space<hbm>>) dst(%arg6 : memref<128x128xf32, #tpu.memory_space<vmem>>)
      %mul3A_42 = arith.constant 4 : i32
      %mul3A_43 = arith.muli %add3A_32, %mul3A_42 : i32
      %add3A_44 = arith.constant 0 : i32
      %add3A_45 = arith.addi %mul3A_43, %add3A_44 : i32
      %add3A_46 = arith.addi %mul3A_2, %add3A_45 : i32
      %mul3A_47 = arith.constant 128 : i32
      %mul3A_48 = arith.muli %add3A_46, %mul3A_47 : i32
      %dma_start3A_49 = arith.constant 0 : i32
      %dma_start3A_50 = tpu.memref_slice %arg4[%mul3A_48, %dma_start3A_49] : memref<163840x128xf32, #tpu.memory_space<hbm>> -> memref<128x128xf32, #tpu.memory_space<hbm>>
      %dma_start3A_51 = arith.constant 0 : i32
      %dma_start3A_52 = tpu.memref_slice %arg4[%mul3A_48, %dma_start3A_51] : memref<163840x128xf32, #tpu.memory_space<hbm>> -> memref<128x128xf32, #tpu.memory_space<hbm>>
      tpu.enqueue_dma source(%arg6 : memref<128x128xf32, #tpu.memory_space<vmem>>) target(%dma_start3A_52 : memref<128x128xf32, #tpu.memory_space<hbm>>) target_semaphore(%arg14 : memref<!tpu.dma_semaphore, #tpu.memory_space<semaphore_mem>>)
      %mul3A_53 = arith.constant 4 : i32
      %mul3A_54 = arith.muli %add3A_32, %mul3A_53 : i32
      %add3A_55 = arith.constant 1 : i32
      %add3A_56 = arith.addi %mul3A_54, %add3A_55 : i32
      %mul3A_57 = arith.constant 128 : i32
      %mul3A_58 = arith.muli %add3A_56, %mul3A_57 : i32
      %dma_wait3A_59 = tpu.memref_slice %arg5[%mul3A_58] : memref<5120xi32, #tpu.memory_space<vmem>> -> memref<128xi32, #tpu.memory_space<vmem>>
      %dma_wait3A_60 = arith.constant 0 : i32
      %dma_wait3A_61 = arith.constant 0 : i32
      %dma_wait3A_62 = tpu.memref_slice %arg2[%dma_wait3A_60, %dma_wait3A_61] : memref<10000x128xf32, #tpu.memory_space<hbm>> -> memref<10000x128xf32, #tpu.memory_space<hbm>>
      tpu.wait_indirect_dma semaphore(%arg11 : memref<!tpu.dma_semaphore, #tpu.memory_space<semaphore_mem>>) src(%dma_wait3A_62 : memref<10000x128xf32, #tpu.memory_space<hbm>>) dst(%arg7 : memref<128x128xf32, #tpu.memory_space<vmem>>)
      %mul3A_63 = arith.constant 4 : i32
      %mul3A_64 = arith.muli %add3A_32, %mul3A_63 : i32
      %add3A_65 = arith.constant 1 : i32
      %add3A_66 = arith.addi %mul3A_64, %add3A_65 : i32
      %add3A_67 = arith.addi %mul3A_2, %add3A_66 : i32
      %mul3A_68 = arith.constant 128 : i32
      %mul3A_69 = arith.muli %add3A_67, %mul3A_68 : i32
      %dma_start3A_70 = arith.constant 0 : i32
      %dma_start3A_71 = tpu.memref_slice %arg4[%mul3A_69, %dma_start3A_70] : memref<163840x128xf32, #tpu.memory_space<hbm>> -> memref<128x128xf32, #tpu.memory_space<hbm>>
      %dma_start3A_72 = arith.constant 0 : i32
      %dma_start3A_73 = tpu.memref_slice %arg4[%mul3A_69, %dma_start3A_72] : memref<163840x128xf32, #tpu.memory_space<hbm>> -> memref<128x128xf32, #tpu.memory_space<hbm>>
      tpu.enqueue_dma source(%arg7 : memref<128x128xf32, #tpu.memory_space<vmem>>) target(%dma_start3A_73 : memref<128x128xf32, #tpu.memory_space<hbm>>) target_semaphore(%arg15 : memref<!tpu.dma_semaphore, #tpu.memory_space<semaphore_mem>>)
      %mul3A_74 = arith.constant 4 : i32
      %mul3A_75 = arith.muli %add3A_32, %mul3A_74 : i32
      %add3A_76 = arith.constant 2 : i32
      %add3A_77 = arith.addi %mul3A_75, %add3A_76 : i32
      %mul3A_78 = arith.constant 128 : i32
      %mul3A_79 = arith.muli %add3A_77, %mul3A_78 : i32
      %dma_wait3A_80 = tpu.memref_slice %arg5[%mul3A_79] : memref<5120xi32, #tpu.memory_space<vmem>> -> memref<128xi32, #tpu.memory_space<vmem>>
      %dma_wait3A_81 = arith.constant 0 : i32
      %dma_wait3A_82 = arith.constant 0 : i32
      %dma_wait3A_83 = tpu.memref_slice %arg2[%dma_wait3A_81, %dma_wait3A_82] : memref<10000x128xf32, #tpu.memory_space<hbm>> -> memref<10000x128xf32, #tpu.memory_space<hbm>>
      tpu.wait_indirect_dma semaphore(%arg12 : memref<!tpu.dma_semaphore, #tpu.memory_space<semaphore_mem>>) src(%dma_wait3A_83 : memref<10000x128xf32, #tpu.memory_space<hbm>>) dst(%arg8 : memref<128x128xf32, #tpu.memory_space<vmem>>)
      %mul3A_84 = arith.constant 4 : i32
      %mul3A_85 = arith.muli %add3A_32, %mul3A_84 : i32
      %add3A_86 = arith.constant 2 : i32
      %add3A_87 = arith.addi %mul3A_85, %add3A_86 : i32
      %add3A_88 = arith.addi %mul3A_2, %add3A_87 : i32
      %mul3A_89 = arith.constant 128 : i32
      %mul3A_90 = arith.muli %add3A_88, %mul3A_89 : i32
      %dma_start3A_91 = arith.constant 0 : i32
      %dma_start3A_92 = tpu.memref_slice %arg4[%mul3A_90, %dma_start3A_91] : memref<163840x128xf32, #tpu.memory_space<hbm>> -> memref<128x128xf32, #tpu.memory_space<hbm>>
      %dma_start3A_93 = arith.constant 0 : i32
      %dma_start3A_94 = tpu.memref_slice %arg4[%mul3A_90, %dma_start3A_93] : memref<163840x128xf32, #tpu.memory_space<hbm>> -> memref<128x128xf32, #tpu.memory_space<hbm>>
      tpu.enqueue_dma source(%arg8 : memref<128x128xf32, #tpu.memory_space<vmem>>) target(%dma_start3A_94 : memref<128x128xf32, #tpu.memory_space<hbm>>) target_semaphore(%arg16 : memref<!tpu.dma_semaphore, #tpu.memory_space<semaphore_mem>>)
      %mul3A_95 = arith.constant 4 : i32
      %mul3A_96 = arith.muli %add3A_32, %mul3A_95 : i32
      %add3A_97 = arith.constant 3 : i32
      %add3A_98 = arith.addi %mul3A_96, %add3A_97 : i32
      %mul3A_99 = arith.constant 128 : i32
      %mul3A_100 = arith.muli %add3A_98, %mul3A_99 : i32
      %dma_wait3A_101 = tpu.memref_slice %arg5[%mul3A_100] : memref<5120xi32, #tpu.memory_space<vmem>> -> memref<128xi32, #tpu.memory_space<vmem>>
      %dma_wait3A_102 = arith.constant 0 : i32
      %dma_wait3A_103 = arith.constant 0 : i32
      %dma_wait3A_104 = tpu.memref_slice %arg2[%dma_wait3A_102, %dma_wait3A_103] : memref<10000x128xf32, #tpu.memory_space<hbm>> -> memref<10000x128xf32, #tpu.memory_space<hbm>>
      tpu.wait_indirect_dma semaphore(%arg13 : memref<!tpu.dma_semaphore, #tpu.memory_space<semaphore_mem>>) src(%dma_wait3A_104 : memref<10000x128xf32, #tpu.memory_space<hbm>>) dst(%arg9 : memref<128x128xf32, #tpu.memory_space<vmem>>)
      %mul3A_105 = arith.constant 4 : i32
      %mul3A_106 = arith.muli %add3A_32, %mul3A_105 : i32
      %add3A_107 = arith.constant 3 : i32
      %add3A_108 = arith.addi %mul3A_106, %add3A_107 : i32
      %add3A_109 = arith.addi %mul3A_2, %add3A_108 : i32
      %mul3A_110 = arith.constant 128 : i32
      %mul3A_111 = arith.muli %add3A_109, %mul3A_110 : i32
      %dma_start3A_112 = arith.constant 0 : i32
      %dma_start3A_113 = tpu.memref_slice %arg4[%mul3A_111, %dma_start3A_112] : memref<163840x128xf32, #tpu.memory_space<hbm>> -> memref<128x128xf32, #tpu.memory_space<hbm>>
      %dma_start3A_114 = arith.constant 0 : i32
      %dma_start3A_115 = tpu.memref_slice %arg4[%mul3A_111, %dma_start3A_114] : memref<163840x128xf32, #tpu.memory_space<hbm>> -> memref<128x128xf32, #tpu.memory_space<hbm>>
      tpu.enqueue_dma source(%arg9 : memref<128x128xf32, #tpu.memory_space<vmem>>) target(%dma_start3A_115 : memref<128x128xf32, #tpu.memory_space<hbm>>) target_semaphore(%arg17 : memref<!tpu.dma_semaphore, #tpu.memory_space<semaphore_mem>>)
      %mul3A_116 = arith.constant 4 : i32
      %mul3A_117 = arith.muli %add3A_32, %mul3A_116 : i32
      %add3A_118 = arith.constant 0 : i32
      %add3A_119 = arith.addi %mul3A_117, %add3A_118 : i32
      %add3A_120 = arith.addi %mul3A_2, %add3A_119 : i32
      %mul3A_121 = arith.constant 128 : i32
      %mul3A_122 = arith.muli %add3A_120, %mul3A_121 : i32
      %dma_wait3A_123 = arith.constant 0 : i32
      %dma_wait3A_124 = tpu.memref_slice %arg4[%mul3A_122, %dma_wait3A_123] : memref<163840x128xf32, #tpu.memory_space<hbm>> -> memref<128x128xf32, #tpu.memory_space<hbm>>
      %dma_wait3A_125 = arith.constant 0 : i32
      %dma_wait3A_126 = tpu.memref_slice %arg4[%mul3A_122, %dma_wait3A_125] : memref<163840x128xf32, #tpu.memory_space<hbm>> -> memref<128x128xf32, #tpu.memory_space<hbm>>
      tpu.wait_dma2 semaphore(%arg14 : memref<!tpu.dma_semaphore, #tpu.memory_space<semaphore_mem>>) src(%arg6 : memref<128x128xf32, #tpu.memory_space<vmem>>) dst(%dma_wait3A_126 : memref<128x128xf32, #tpu.memory_space<hbm>>)
      %lt3A = arith.constant 9 : i32
      %lt3A_127 = arith.cmpi slt, %add3A_32, %lt3A : i32
      %convert_element_type3A = arith.extui %lt3A_127 : i1 to i32
      %cond3A = arith.constant 0 : i32
      %cond3A_128 = arith.cmpi ne, %convert_element_type3A, %cond3A : i32
      scf.if %cond3A_128 {
        %mul3A_177 = arith.constant 4 : i32
        %mul3A_178 = arith.muli %add3A_32, %mul3A_177 : i32
        %add3A_179 = arith.constant 4 : i32
        %add3A_180 = arith.addi %mul3A_178, %add3A_179 : i32
        %add3A_181 = arith.constant 0 : i32
        %add3A_182 = arith.addi %add3A_180, %add3A_181 : i32
        %mul3A_183 = arith.constant 128 : i32
        %mul3A_184 = arith.muli %add3A_182, %mul3A_183 : i32
        %dma_start3A_185 = tpu.memref_slice %arg5[%mul3A_184] : memref<5120xi32, #tpu.memory_space<vmem>> -> memref<128xi32, #tpu.memory_space<vmem>>
        %dma_start3A_186 = arith.constant 0 : i32
        %dma_start3A_187 = arith.constant 0 : i32
        %dma_start3A_188 = tpu.memref_slice %arg2[%dma_start3A_186, %dma_start3A_187] : memref<10000x128xf32, #tpu.memory_space<hbm>> -> memref<10000x128xf32, #tpu.memory_space<hbm>>
        tpu.enqueue_indirect_dma source(%dma_start3A_188 : memref<10000x128xf32, #tpu.memory_space<hbm>>) target(%arg6 : memref<128x128xf32, #tpu.memory_space<vmem>>) offsets(%dma_start3A_185 : memref<128xi32, #tpu.memory_space<vmem>>) semaphore(%arg10 : memref<!tpu.dma_semaphore, #tpu.memory_space<semaphore_mem>>)
      } else {
      }
      %mul3A_129 = arith.constant 4 : i32
      %mul3A_130 = arith.muli %add3A_32, %mul3A_129 : i32
      %add3A_131 = arith.constant 1 : i32
      %add3A_132 = arith.addi %mul3A_130, %add3A_131 : i32
      %add3A_133 = arith.addi %mul3A_2, %add3A_132 : i32
      %mul3A_134 = arith.constant 128 : i32
      %mul3A_135 = arith.muli %add3A_133, %mul3A_134 : i32
      %dma_wait3A_136 = arith.constant 0 : i32
      %dma_wait3A_137 = tpu.memref_slice %arg4[%mul3A_135, %dma_wait3A_136] : memref<163840x128xf32, #tpu.memory_space<hbm>> -> memref<128x128xf32, #tpu.memory_space<hbm>>
      %dma_wait3A_138 = arith.constant 0 : i32
      %dma_wait3A_139 = tpu.memref_slice %arg4[%mul3A_135, %dma_wait3A_138] : memref<163840x128xf32, #tpu.memory_space<hbm>> -> memref<128x128xf32, #tpu.memory_space<hbm>>
      tpu.wait_dma2 semaphore(%arg15 : memref<!tpu.dma_semaphore, #tpu.memory_space<semaphore_mem>>) src(%arg7 : memref<128x128xf32, #tpu.memory_space<vmem>>) dst(%dma_wait3A_139 : memref<128x128xf32, #tpu.memory_space<hbm>>)
      %lt3A_140 = arith.constant 9 : i32
      %lt3A_141 = arith.cmpi slt, %add3A_32, %lt3A_140 : i32
      %convert_element_type3A_142 = arith.extui %lt3A_141 : i1 to i32
      %cond3A_143 = arith.constant 0 : i32
      %cond3A_144 = arith.cmpi ne, %convert_element_type3A_142, %cond3A_143 : i32
      scf.if %cond3A_144 {
        %mul3A_177 = arith.constant 4 : i32
        %mul3A_178 = arith.muli %add3A_32, %mul3A_177 : i32
        %add3A_179 = arith.constant 4 : i32
        %add3A_180 = arith.addi %mul3A_178, %add3A_179 : i32
        %add3A_181 = arith.constant 1 : i32
        %add3A_182 = arith.addi %add3A_180, %add3A_181 : i32
        %mul3A_183 = arith.constant 128 : i32
        %mul3A_184 = arith.muli %add3A_182, %mul3A_183 : i32
        %dma_start3A_185 = tpu.memref_slice %arg5[%mul3A_184] : memref<5120xi32, #tpu.memory_space<vmem>> -> memref<128xi32, #tpu.memory_space<vmem>>
        %dma_start3A_186 = arith.constant 0 : i32
        %dma_start3A_187 = arith.constant 0 : i32
        %dma_start3A_188 = tpu.memref_slice %arg2[%dma_start3A_186, %dma_start3A_187] : memref<10000x128xf32, #tpu.memory_space<hbm>> -> memref<10000x128xf32, #tpu.memory_space<hbm>>
        tpu.enqueue_indirect_dma source(%dma_start3A_188 : memref<10000x128xf32, #tpu.memory_space<hbm>>) target(%arg7 : memref<128x128xf32, #tpu.memory_space<vmem>>) offsets(%dma_start3A_185 : memref<128xi32, #tpu.memory_space<vmem>>) semaphore(%arg11 : memref<!tpu.dma_semaphore, #tpu.memory_space<semaphore_mem>>)
      } else {
      }
      %mul3A_145 = arith.constant 4 : i32
      %mul3A_146 = arith.muli %add3A_32, %mul3A_145 : i32
      %add3A_147 = arith.constant 2 : i32
      %add3A_148 = arith.addi %mul3A_146, %add3A_147 : i32
      %add3A_149 = arith.addi %mul3A_2, %add3A_148 : i32
      %mul3A_150 = arith.constant 128 : i32
      %mul3A_151 = arith.muli %add3A_149, %mul3A_150 : i32
      %dma_wait3A_152 = arith.constant 0 : i32
      %dma_wait3A_153 = tpu.memref_slice %arg4[%mul3A_151, %dma_wait3A_152] : memref<163840x128xf32, #tpu.memory_space<hbm>> -> memref<128x128xf32, #tpu.memory_space<hbm>>
      %dma_wait3A_154 = arith.constant 0 : i32
      %dma_wait3A_155 = tpu.memref_slice %arg4[%mul3A_151, %dma_wait3A_154] : memref<163840x128xf32, #tpu.memory_space<hbm>> -> memref<128x128xf32, #tpu.memory_space<hbm>>
      tpu.wait_dma2 semaphore(%arg16 : memref<!tpu.dma_semaphore, #tpu.memory_space<semaphore_mem>>) src(%arg8 : memref<128x128xf32, #tpu.memory_space<vmem>>) dst(%dma_wait3A_155 : memref<128x128xf32, #tpu.memory_space<hbm>>)
      %lt3A_156 = arith.constant 9 : i32
      %lt3A_157 = arith.cmpi slt, %add3A_32, %lt3A_156 : i32
      %convert_element_type3A_158 = arith.extui %lt3A_157 : i1 to i32
      %cond3A_159 = arith.constant 0 : i32
      %cond3A_160 = arith.cmpi ne, %convert_element_type3A_158, %cond3A_159 : i32
      scf.if %cond3A_160 {
        %mul3A_177 = arith.constant 4 : i32
        %mul3A_178 = arith.muli %add3A_32, %mul3A_177 : i32
        %add3A_179 = arith.constant 4 : i32
        %add3A_180 = arith.addi %mul3A_178, %add3A_179 : i32
        %add3A_181 = arith.constant 2 : i32
        %add3A_182 = arith.addi %add3A_180, %add3A_181 : i32
        %mul3A_183 = arith.constant 128 : i32
        %mul3A_184 = arith.muli %add3A_182, %mul3A_183 : i32
        %dma_start3A_185 = tpu.memref_slice %arg5[%mul3A_184] : memref<5120xi32, #tpu.memory_space<vmem>> -> memref<128xi32, #tpu.memory_space<vmem>>
        %dma_start3A_186 = arith.constant 0 : i32
        %dma_start3A_187 = arith.constant 0 : i32
        %dma_start3A_188 = tpu.memref_slice %arg2[%dma_start3A_186, %dma_start3A_187] : memref<10000x128xf32, #tpu.memory_space<hbm>> -> memref<10000x128xf32, #tpu.memory_space<hbm>>
        tpu.enqueue_indirect_dma source(%dma_start3A_188 : memref<10000x128xf32, #tpu.memory_space<hbm>>) target(%arg8 : memref<128x128xf32, #tpu.memory_space<vmem>>) offsets(%dma_start3A_185 : memref<128xi32, #tpu.memory_space<vmem>>) semaphore(%arg12 : memref<!tpu.dma_semaphore, #tpu.memory_space<semaphore_mem>>)
      } else {
      }
      %mul3A_161 = arith.constant 4 : i32
      %mul3A_162 = arith.muli %add3A_32, %mul3A_161 : i32
      %add3A_163 = arith.constant 3 : i32
      %add3A_164 = arith.addi %mul3A_162, %add3A_163 : i32
      %add3A_165 = arith.addi %mul3A_2, %add3A_164 : i32
      %mul3A_166 = arith.constant 128 : i32
      %mul3A_167 = arith.muli %add3A_165, %mul3A_166 : i32
      %dma_wait3A_168 = arith.constant 0 : i32
      %dma_wait3A_169 = tpu.memref_slice %arg4[%mul3A_167, %dma_wait3A_168] : memref<163840x128xf32, #tpu.memory_space<hbm>> -> memref<128x128xf32, #tpu.memory_space<hbm>>
      %dma_wait3A_170 = arith.constant 0 : i32
      %dma_wait3A_171 = tpu.memref_slice %arg4[%mul3A_167, %dma_wait3A_170] : memref<163840x128xf32, #tpu.memory_space<hbm>> -> memref<128x128xf32, #tpu.memory_space<hbm>>
      tpu.wait_dma2 semaphore(%arg17 : memref<!tpu.dma_semaphore, #tpu.memory_space<semaphore_mem>>) src(%arg9 : memref<128x128xf32, #tpu.memory_space<vmem>>) dst(%dma_wait3A_171 : memref<128x128xf32, #tpu.memory_space<hbm>>)
      %lt3A_172 = arith.constant 9 : i32
      %lt3A_173 = arith.cmpi slt, %add3A_32, %lt3A_172 : i32
      %convert_element_type3A_174 = arith.extui %lt3A_173 : i1 to i32
      %cond3A_175 = arith.constant 0 : i32
      %cond3A_176 = arith.cmpi ne, %convert_element_type3A_174, %cond3A_175 : i32
      scf.if %cond3A_176 {
        %mul3A_177 = arith.constant 4 : i32
        %mul3A_178 = arith.muli %add3A_32, %mul3A_177 : i32
        %add3A_179 = arith.constant 4 : i32
        %add3A_180 = arith.addi %mul3A_178, %add3A_179 : i32
        %add3A_181 = arith.constant 3 : i32
        %add3A_182 = arith.addi %add3A_180, %add3A_181 : i32
        %mul3A_183 = arith.constant 128 : i32
        %mul3A_184 = arith.muli %add3A_182, %mul3A_183 : i32
        %dma_start3A_185 = tpu.memref_slice %arg5[%mul3A_184] : memref<5120xi32, #tpu.memory_space<vmem>> -> memref<128xi32, #tpu.memory_space<vmem>>
        %dma_start3A_186 = arith.constant 0 : i32
        %dma_start3A_187 = arith.constant 0 : i32
        %dma_start3A_188 = tpu.memref_slice %arg2[%dma_start3A_186, %dma_start3A_187] : memref<10000x128xf32, #tpu.memory_space<hbm>> -> memref<10000x128xf32, #tpu.memory_space<hbm>>
        tpu.enqueue_indirect_dma source(%dma_start3A_188 : memref<10000x128xf32, #tpu.memory_space<hbm>>) target(%arg9 : memref<128x128xf32, #tpu.memory_space<vmem>>) offsets(%dma_start3A_185 : memref<128xi32, #tpu.memory_space<vmem>>) semaphore(%arg13 : memref<!tpu.dma_semaphore, #tpu.memory_space<semaphore_mem>>)
      } else {
      }
    }
    %scan3A_27 = arith.constant 10 : i32
    return
  }
}

#map = affine_map<(d0, d1) -> (0, 0)>
#map1 = affine_map<(d0, d1) -> (0)>
module attributes {stable_mosaic.version = 14 : i64} {
  func.func @k(%arg0: i32, %arg1: i32, %arg2: memref<10000x128xf32, #tpu.memory_space<hbm>>, %arg3: memref<16384xi32, #tpu.memory_space<hbm>>, %arg4: memref<16384x128xf32, #tpu.memory_space<hbm>>, %arg5: memref<512xi32, #tpu.memory_space<vmem>>, %arg6: memref<128x128xf32, #tpu.memory_space<vmem>>, %arg7: memref<128x128xf32, #tpu.memory_space<vmem>>, %arg8: memref<128x128xf32, #tpu.memory_space<vmem>>, %arg9: memref<128x128xf32, #tpu.memory_space<vmem>>, %arg10: memref<!tpu.dma_semaphore, #tpu.memory_space<semaphore_mem>>, %arg11: memref<!tpu.dma_semaphore, #tpu.memory_space<semaphore_mem>>, %arg12: memref<!tpu.dma_semaphore, #tpu.memory_space<semaphore_mem>>, %arg13: memref<!tpu.dma_semaphore, #tpu.memory_space<semaphore_mem>>, %arg14: memref<!tpu.dma_semaphore, #tpu.memory_space<semaphore_mem>>, %arg15: memref<!tpu.dma_semaphore, #tpu.memory_space<semaphore_mem>>, %arg16: memref<!tpu.dma_semaphore, #tpu.memory_space<semaphore_mem>>, %arg17: memref<!tpu.dma_semaphore, #tpu.memory_space<semaphore_mem>>) attributes {dimension_semantics = [#tpu.dimension_semantics<core_parallel>, #tpu.dimension_semantics<subcore_parallel>], iteration_bounds = array<i64: 2, 16>, scalar_prefetch = 0 : i64, scratch_operands = 13 : i64, tpu.core_type = #tpu.core_type<sc_vector_subcore>, window_params = [{transform_indices = #map}, {transform_indices = #map1}, {transform_indices = #map}]} {
    %mul3A = arith.constant 2 : i32
    %mul3A_0 = arith.muli %arg1, %mul3A : i32
    %add3A = arith.addi %mul3A_0, %arg0 : i32
    %mul3A_1 = arith.constant 4 : i32
    %mul3A_2 = arith.muli %add3A, %mul3A_1 : i32
    %mul3A_3 = arith.constant 128 : i32
    %mul3A_4 = arith.muli %mul3A_2, %mul3A_3 : i32
    "tpu.region"() ({
      %run_scoped3A = tpu.sem_alloc : memref<!tpu.dma_semaphore, #tpu.memory_space<semaphore_mem>>
      %dma_start3A_173 = tpu.memref_slice %arg3[%mul3A_4] : memref<16384xi32, #tpu.memory_space<hbm>> -> memref<512xi32, #tpu.memory_space<hbm>>
      %dma_start3A_174 = tpu.memref_slice %arg3[%mul3A_4] : memref<16384xi32, #tpu.memory_space<hbm>> -> memref<512xi32, #tpu.memory_space<hbm>>
      tpu.enqueue_dma source(%dma_start3A_174 : memref<512xi32, #tpu.memory_space<hbm>>) target(%arg5 : memref<512xi32, #tpu.memory_space<vmem>>) target_semaphore(%run_scoped3A : memref<!tpu.dma_semaphore, #tpu.memory_space<semaphore_mem>>)
      %dma_wait3A_175 = tpu.memref_slice %arg3[%mul3A_4] : memref<16384xi32, #tpu.memory_space<hbm>> -> memref<512xi32, #tpu.memory_space<hbm>>
      %dma_wait3A_176 = tpu.memref_slice %arg3[%mul3A_4] : memref<16384xi32, #tpu.memory_space<hbm>> -> memref<512xi32, #tpu.memory_space<hbm>>
      tpu.wait_dma2 semaphore(%run_scoped3A : memref<!tpu.dma_semaphore, #tpu.memory_space<semaphore_mem>>) src(%dma_wait3A_176 : memref<512xi32, #tpu.memory_space<hbm>>) dst(%arg5 : memref<512xi32, #tpu.memory_space<vmem>>)
      tpu.yield
    }) : () -> ()
    %dma_start3A = arith.constant 0 : i32
    %dma_start3A_5 = tpu.memref_slice %arg5[%dma_start3A] : memref<512xi32, #tpu.memory_space<vmem>> -> memref<128xi32, #tpu.memory_space<vmem>>
    %dma_start3A_6 = arith.constant 0 : i32
    %dma_start3A_7 = arith.constant 0 : i32
    %dma_start3A_8 = tpu.memref_slice %arg2[%dma_start3A_6, %dma_start3A_7] : memref<10000x128xf32, #tpu.memory_space<hbm>> -> memref<10000x128xf32, #tpu.memory_space<hbm>>
    tpu.enqueue_indirect_dma source(%dma_start3A_8 : memref<10000x128xf32, #tpu.memory_space<hbm>>) target(%arg6 : memref<128x128xf32, #tpu.memory_space<vmem>>) offsets(%dma_start3A_5 : memref<128xi32, #tpu.memory_space<vmem>>) semaphore(%arg10 : memref<!tpu.dma_semaphore, #tpu.memory_space<semaphore_mem>>)
    %dma_start3A_9 = arith.constant 128 : i32
    %dma_start3A_10 = tpu.memref_slice %arg5[%dma_start3A_9] : memref<512xi32, #tpu.memory_space<vmem>> -> memref<128xi32, #tpu.memory_space<vmem>>
    %dma_start3A_11 = arith.constant 0 : i32
    %dma_start3A_12 = arith.constant 0 : i32
    %dma_start3A_13 = tpu.memref_slice %arg2[%dma_start3A_11, %dma_start3A_12] : memref<10000x128xf32, #tpu.memory_space<hbm>> -> memref<10000x128xf32, #tpu.memory_space<hbm>>
    tpu.enqueue_indirect_dma source(%dma_start3A_13 : memref<10000x128xf32, #tpu.memory_space<hbm>>) target(%arg7 : memref<128x128xf32, #tpu.memory_space<vmem>>) offsets(%dma_start3A_10 : memref<128xi32, #tpu.memory_space<vmem>>) semaphore(%arg11 : memref<!tpu.dma_semaphore, #tpu.memory_space<semaphore_mem>>)
    %dma_start3A_14 = arith.constant 256 : i32
    %dma_start3A_15 = tpu.memref_slice %arg5[%dma_start3A_14] : memref<512xi32, #tpu.memory_space<vmem>> -> memref<128xi32, #tpu.memory_space<vmem>>
    %dma_start3A_16 = arith.constant 0 : i32
    %dma_start3A_17 = arith.constant 0 : i32
    %dma_start3A_18 = tpu.memref_slice %arg2[%dma_start3A_16, %dma_start3A_17] : memref<10000x128xf32, #tpu.memory_space<hbm>> -> memref<10000x128xf32, #tpu.memory_space<hbm>>
    tpu.enqueue_indirect_dma source(%dma_start3A_18 : memref<10000x128xf32, #tpu.memory_space<hbm>>) target(%arg8 : memref<128x128xf32, #tpu.memory_space<vmem>>) offsets(%dma_start3A_15 : memref<128xi32, #tpu.memory_space<vmem>>) semaphore(%arg12 : memref<!tpu.dma_semaphore, #tpu.memory_space<semaphore_mem>>)
    %dma_start3A_19 = arith.constant 384 : i32
    %dma_start3A_20 = tpu.memref_slice %arg5[%dma_start3A_19] : memref<512xi32, #tpu.memory_space<vmem>> -> memref<128xi32, #tpu.memory_space<vmem>>
    %dma_start3A_21 = arith.constant 0 : i32
    %dma_start3A_22 = arith.constant 0 : i32
    %dma_start3A_23 = tpu.memref_slice %arg2[%dma_start3A_21, %dma_start3A_22] : memref<10000x128xf32, #tpu.memory_space<hbm>> -> memref<10000x128xf32, #tpu.memory_space<hbm>>
    tpu.enqueue_indirect_dma source(%dma_start3A_23 : memref<10000x128xf32, #tpu.memory_space<hbm>>) target(%arg9 : memref<128x128xf32, #tpu.memory_space<vmem>>) offsets(%dma_start3A_20 : memref<128xi32, #tpu.memory_space<vmem>>) semaphore(%arg13 : memref<!tpu.dma_semaphore, #tpu.memory_space<semaphore_mem>>)
    %scan3A = arith.constant 0 : i32
    %mul3A_24 = arith.constant 1 : i32
    %mul3A_25 = arith.muli %scan3A, %mul3A_24 : i32
    %add3A_26 = arith.constant 0 : i32
    %add3A_27 = arith.addi %add3A_26, %mul3A_25 : i32
    %mul3A_28 = arith.constant 4 : i32
    %mul3A_29 = arith.muli %add3A_27, %mul3A_28 : i32
    %add3A_30 = arith.constant 0 : i32
    %add3A_31 = arith.addi %mul3A_29, %add3A_30 : i32
    %mul3A_32 = arith.constant 128 : i32
    %mul3A_33 = arith.muli %add3A_31, %mul3A_32 : i32
    %dma_wait3A = tpu.memref_slice %arg5[%mul3A_33] : memref<512xi32, #tpu.memory_space<vmem>> -> memref<128xi32, #tpu.memory_space<vmem>>
    %dma_wait3A_34 = arith.constant 0 : i32
    %dma_wait3A_35 = arith.constant 0 : i32
    %dma_wait3A_36 = tpu.memref_slice %arg2[%dma_wait3A_34, %dma_wait3A_35] : memref<10000x128xf32, #tpu.memory_space<hbm>> -> memref<10000x128xf32, #tpu.memory_space<hbm>>
    tpu.wait_indirect_dma semaphore(%arg10 : memref<!tpu.dma_semaphore, #tpu.memory_space<semaphore_mem>>) src(%dma_wait3A_36 : memref<10000x128xf32, #tpu.memory_space<hbm>>) dst(%arg6 : memref<128x128xf32, #tpu.memory_space<vmem>>)
    %mul3A_37 = arith.constant 4 : i32
    %mul3A_38 = arith.muli %add3A_27, %mul3A_37 : i32
    %add3A_39 = arith.constant 0 : i32
    %add3A_40 = arith.addi %mul3A_38, %add3A_39 : i32
    %add3A_41 = arith.addi %mul3A_2, %add3A_40 : i32
    %mul3A_42 = arith.constant 128 : i32
    %mul3A_43 = arith.muli %add3A_41, %mul3A_42 : i32
    %dma_start3A_44 = arith.constant 0 : i32
    %dma_start3A_45 = tpu.memref_slice %arg4[%mul3A_43, %dma_start3A_44] : memref<16384x128xf32, #tpu.memory_space<hbm>> -> memref<128x128xf32, #tpu.memory_space<hbm>>
    %dma_start3A_46 = arith.constant 0 : i32
    %dma_start3A_47 = tpu.memref_slice %arg4[%mul3A_43, %dma_start3A_46] : memref<16384x128xf32, #tpu.memory_space<hbm>> -> memref<128x128xf32, #tpu.memory_space<hbm>>
    tpu.enqueue_dma source(%arg6 : memref<128x128xf32, #tpu.memory_space<vmem>>) target(%dma_start3A_47 : memref<128x128xf32, #tpu.memory_space<hbm>>) target_semaphore(%arg14 : memref<!tpu.dma_semaphore, #tpu.memory_space<semaphore_mem>>)
    %mul3A_48 = arith.constant 4 : i32
    %mul3A_49 = arith.muli %add3A_27, %mul3A_48 : i32
    %add3A_50 = arith.constant 1 : i32
    %add3A_51 = arith.addi %mul3A_49, %add3A_50 : i32
    %mul3A_52 = arith.constant 128 : i32
    %mul3A_53 = arith.muli %add3A_51, %mul3A_52 : i32
    %dma_wait3A_54 = tpu.memref_slice %arg5[%mul3A_53] : memref<512xi32, #tpu.memory_space<vmem>> -> memref<128xi32, #tpu.memory_space<vmem>>
    %dma_wait3A_55 = arith.constant 0 : i32
    %dma_wait3A_56 = arith.constant 0 : i32
    %dma_wait3A_57 = tpu.memref_slice %arg2[%dma_wait3A_55, %dma_wait3A_56] : memref<10000x128xf32, #tpu.memory_space<hbm>> -> memref<10000x128xf32, #tpu.memory_space<hbm>>
    tpu.wait_indirect_dma semaphore(%arg11 : memref<!tpu.dma_semaphore, #tpu.memory_space<semaphore_mem>>) src(%dma_wait3A_57 : memref<10000x128xf32, #tpu.memory_space<hbm>>) dst(%arg7 : memref<128x128xf32, #tpu.memory_space<vmem>>)
    %mul3A_58 = arith.constant 4 : i32
    %mul3A_59 = arith.muli %add3A_27, %mul3A_58 : i32
    %add3A_60 = arith.constant 1 : i32
    %add3A_61 = arith.addi %mul3A_59, %add3A_60 : i32
    %add3A_62 = arith.addi %mul3A_2, %add3A_61 : i32
    %mul3A_63 = arith.constant 128 : i32
    %mul3A_64 = arith.muli %add3A_62, %mul3A_63 : i32
    %dma_start3A_65 = arith.constant 0 : i32
    %dma_start3A_66 = tpu.memref_slice %arg4[%mul3A_64, %dma_start3A_65] : memref<16384x128xf32, #tpu.memory_space<hbm>> -> memref<128x128xf32, #tpu.memory_space<hbm>>
    %dma_start3A_67 = arith.constant 0 : i32
    %dma_start3A_68 = tpu.memref_slice %arg4[%mul3A_64, %dma_start3A_67] : memref<16384x128xf32, #tpu.memory_space<hbm>> -> memref<128x128xf32, #tpu.memory_space<hbm>>
    tpu.enqueue_dma source(%arg7 : memref<128x128xf32, #tpu.memory_space<vmem>>) target(%dma_start3A_68 : memref<128x128xf32, #tpu.memory_space<hbm>>) target_semaphore(%arg15 : memref<!tpu.dma_semaphore, #tpu.memory_space<semaphore_mem>>)
    %mul3A_69 = arith.constant 4 : i32
    %mul3A_70 = arith.muli %add3A_27, %mul3A_69 : i32
    %add3A_71 = arith.constant 2 : i32
    %add3A_72 = arith.addi %mul3A_70, %add3A_71 : i32
    %mul3A_73 = arith.constant 128 : i32
    %mul3A_74 = arith.muli %add3A_72, %mul3A_73 : i32
    %dma_wait3A_75 = tpu.memref_slice %arg5[%mul3A_74] : memref<512xi32, #tpu.memory_space<vmem>> -> memref<128xi32, #tpu.memory_space<vmem>>
    %dma_wait3A_76 = arith.constant 0 : i32
    %dma_wait3A_77 = arith.constant 0 : i32
    %dma_wait3A_78 = tpu.memref_slice %arg2[%dma_wait3A_76, %dma_wait3A_77] : memref<10000x128xf32, #tpu.memory_space<hbm>> -> memref<10000x128xf32, #tpu.memory_space<hbm>>
    tpu.wait_indirect_dma semaphore(%arg12 : memref<!tpu.dma_semaphore, #tpu.memory_space<semaphore_mem>>) src(%dma_wait3A_78 : memref<10000x128xf32, #tpu.memory_space<hbm>>) dst(%arg8 : memref<128x128xf32, #tpu.memory_space<vmem>>)
    %mul3A_79 = arith.constant 4 : i32
    %mul3A_80 = arith.muli %add3A_27, %mul3A_79 : i32
    %add3A_81 = arith.constant 2 : i32
    %add3A_82 = arith.addi %mul3A_80, %add3A_81 : i32
    %add3A_83 = arith.addi %mul3A_2, %add3A_82 : i32
    %mul3A_84 = arith.constant 128 : i32
    %mul3A_85 = arith.muli %add3A_83, %mul3A_84 : i32
    %dma_start3A_86 = arith.constant 0 : i32
    %dma_start3A_87 = tpu.memref_slice %arg4[%mul3A_85, %dma_start3A_86] : memref<16384x128xf32, #tpu.memory_space<hbm>> -> memref<128x128xf32, #tpu.memory_space<hbm>>
    %dma_start3A_88 = arith.constant 0 : i32
    %dma_start3A_89 = tpu.memref_slice %arg4[%mul3A_85, %dma_start3A_88] : memref<16384x128xf32, #tpu.memory_space<hbm>> -> memref<128x128xf32, #tpu.memory_space<hbm>>
    tpu.enqueue_dma source(%arg8 : memref<128x128xf32, #tpu.memory_space<vmem>>) target(%dma_start3A_89 : memref<128x128xf32, #tpu.memory_space<hbm>>) target_semaphore(%arg16 : memref<!tpu.dma_semaphore, #tpu.memory_space<semaphore_mem>>)
    %mul3A_90 = arith.constant 4 : i32
    %mul3A_91 = arith.muli %add3A_27, %mul3A_90 : i32
    %add3A_92 = arith.constant 3 : i32
    %add3A_93 = arith.addi %mul3A_91, %add3A_92 : i32
    %mul3A_94 = arith.constant 128 : i32
    %mul3A_95 = arith.muli %add3A_93, %mul3A_94 : i32
    %dma_wait3A_96 = tpu.memref_slice %arg5[%mul3A_95] : memref<512xi32, #tpu.memory_space<vmem>> -> memref<128xi32, #tpu.memory_space<vmem>>
    %dma_wait3A_97 = arith.constant 0 : i32
    %dma_wait3A_98 = arith.constant 0 : i32
    %dma_wait3A_99 = tpu.memref_slice %arg2[%dma_wait3A_97, %dma_wait3A_98] : memref<10000x128xf32, #tpu.memory_space<hbm>> -> memref<10000x128xf32, #tpu.memory_space<hbm>>
    tpu.wait_indirect_dma semaphore(%arg13 : memref<!tpu.dma_semaphore, #tpu.memory_space<semaphore_mem>>) src(%dma_wait3A_99 : memref<10000x128xf32, #tpu.memory_space<hbm>>) dst(%arg9 : memref<128x128xf32, #tpu.memory_space<vmem>>)
    %mul3A_100 = arith.constant 4 : i32
    %mul3A_101 = arith.muli %add3A_27, %mul3A_100 : i32
    %add3A_102 = arith.constant 3 : i32
    %add3A_103 = arith.addi %mul3A_101, %add3A_102 : i32
    %add3A_104 = arith.addi %mul3A_2, %add3A_103 : i32
    %mul3A_105 = arith.constant 128 : i32
    %mul3A_106 = arith.muli %add3A_104, %mul3A_105 : i32
    %dma_start3A_107 = arith.constant 0 : i32
    %dma_start3A_108 = tpu.memref_slice %arg4[%mul3A_106, %dma_start3A_107] : memref<16384x128xf32, #tpu.memory_space<hbm>> -> memref<128x128xf32, #tpu.memory_space<hbm>>
    %dma_start3A_109 = arith.constant 0 : i32
    %dma_start3A_110 = tpu.memref_slice %arg4[%mul3A_106, %dma_start3A_109] : memref<16384x128xf32, #tpu.memory_space<hbm>> -> memref<128x128xf32, #tpu.memory_space<hbm>>
    tpu.enqueue_dma source(%arg9 : memref<128x128xf32, #tpu.memory_space<vmem>>) target(%dma_start3A_110 : memref<128x128xf32, #tpu.memory_space<hbm>>) target_semaphore(%arg17 : memref<!tpu.dma_semaphore, #tpu.memory_space<semaphore_mem>>)
    %mul3A_111 = arith.constant 4 : i32
    %mul3A_112 = arith.muli %add3A_27, %mul3A_111 : i32
    %add3A_113 = arith.constant 0 : i32
    %add3A_114 = arith.addi %mul3A_112, %add3A_113 : i32
    %add3A_115 = arith.addi %mul3A_2, %add3A_114 : i32
    %mul3A_116 = arith.constant 128 : i32
    %mul3A_117 = arith.muli %add3A_115, %mul3A_116 : i32
    %dma_wait3A_118 = arith.constant 0 : i32
    %dma_wait3A_119 = tpu.memref_slice %arg4[%mul3A_117, %dma_wait3A_118] : memref<16384x128xf32, #tpu.memory_space<hbm>> -> memref<128x128xf32, #tpu.memory_space<hbm>>
    %dma_wait3A_120 = arith.constant 0 : i32
    %dma_wait3A_121 = tpu.memref_slice %arg4[%mul3A_117, %dma_wait3A_120] : memref<16384x128xf32, #tpu.memory_space<hbm>> -> memref<128x128xf32, #tpu.memory_space<hbm>>
    tpu.wait_dma2 semaphore(%arg14 : memref<!tpu.dma_semaphore, #tpu.memory_space<semaphore_mem>>) src(%arg6 : memref<128x128xf32, #tpu.memory_space<vmem>>) dst(%dma_wait3A_121 : memref<128x128xf32, #tpu.memory_space<hbm>>)
    %lt3A = arith.constant 0 : i32
    %lt3A_122 = arith.cmpi slt, %add3A_27, %lt3A : i32
    %convert_element_type3A = arith.extui %lt3A_122 : i1 to i32
    %cond3A = arith.constant 0 : i32
    %cond3A_123 = arith.cmpi ne, %convert_element_type3A, %cond3A : i32
    scf.if %cond3A_123 {
      %mul3A_173 = arith.constant 4 : i32
      %mul3A_174 = arith.muli %add3A_27, %mul3A_173 : i32
      %add3A_175 = arith.constant 4 : i32
      %add3A_176 = arith.addi %mul3A_174, %add3A_175 : i32
      %add3A_177 = arith.constant 0 : i32
      %add3A_178 = arith.addi %add3A_176, %add3A_177 : i32
      %mul3A_179 = arith.constant 128 : i32
      %mul3A_180 = arith.muli %add3A_178, %mul3A_179 : i32
      %dma_start3A_181 = tpu.memref_slice %arg5[%mul3A_180] : memref<512xi32, #tpu.memory_space<vmem>> -> memref<128xi32, #tpu.memory_space<vmem>>
      %dma_start3A_182 = arith.constant 0 : i32
      %dma_start3A_183 = arith.constant 0 : i32
      %dma_start3A_184 = tpu.memref_slice %arg2[%dma_start3A_182, %dma_start3A_183] : memref<10000x128xf32, #tpu.memory_space<hbm>> -> memref<10000x128xf32, #tpu.memory_space<hbm>>
      tpu.enqueue_indirect_dma source(%dma_start3A_184 : memref<10000x128xf32, #tpu.memory_space<hbm>>) target(%arg6 : memref<128x128xf32, #tpu.memory_space<vmem>>) offsets(%dma_start3A_181 : memref<128xi32, #tpu.memory_space<vmem>>) semaphore(%arg10 : memref<!tpu.dma_semaphore, #tpu.memory_space<semaphore_mem>>)
    } else {
    }
    %mul3A_124 = arith.constant 4 : i32
    %mul3A_125 = arith.muli %add3A_27, %mul3A_124 : i32
    %add3A_126 = arith.constant 1 : i32
    %add3A_127 = arith.addi %mul3A_125, %add3A_126 : i32
    %add3A_128 = arith.addi %mul3A_2, %add3A_127 : i32
    %mul3A_129 = arith.constant 128 : i32
    %mul3A_130 = arith.muli %add3A_128, %mul3A_129 : i32
    %dma_wait3A_131 = arith.constant 0 : i32
    %dma_wait3A_132 = tpu.memref_slice %arg4[%mul3A_130, %dma_wait3A_131] : memref<16384x128xf32, #tpu.memory_space<hbm>> -> memref<128x128xf32, #tpu.memory_space<hbm>>
    %dma_wait3A_133 = arith.constant 0 : i32
    %dma_wait3A_134 = tpu.memref_slice %arg4[%mul3A_130, %dma_wait3A_133] : memref<16384x128xf32, #tpu.memory_space<hbm>> -> memref<128x128xf32, #tpu.memory_space<hbm>>
    tpu.wait_dma2 semaphore(%arg15 : memref<!tpu.dma_semaphore, #tpu.memory_space<semaphore_mem>>) src(%arg7 : memref<128x128xf32, #tpu.memory_space<vmem>>) dst(%dma_wait3A_134 : memref<128x128xf32, #tpu.memory_space<hbm>>)
    %lt3A_135 = arith.constant 0 : i32
    %lt3A_136 = arith.cmpi slt, %add3A_27, %lt3A_135 : i32
    %convert_element_type3A_137 = arith.extui %lt3A_136 : i1 to i32
    %cond3A_138 = arith.constant 0 : i32
    %cond3A_139 = arith.cmpi ne, %convert_element_type3A_137, %cond3A_138 : i32
    scf.if %cond3A_139 {
      %mul3A_173 = arith.constant 4 : i32
      %mul3A_174 = arith.muli %add3A_27, %mul3A_173 : i32
      %add3A_175 = arith.constant 4 : i32
      %add3A_176 = arith.addi %mul3A_174, %add3A_175 : i32
      %add3A_177 = arith.constant 1 : i32
      %add3A_178 = arith.addi %add3A_176, %add3A_177 : i32
      %mul3A_179 = arith.constant 128 : i32
      %mul3A_180 = arith.muli %add3A_178, %mul3A_179 : i32
      %dma_start3A_181 = tpu.memref_slice %arg5[%mul3A_180] : memref<512xi32, #tpu.memory_space<vmem>> -> memref<128xi32, #tpu.memory_space<vmem>>
      %dma_start3A_182 = arith.constant 0 : i32
      %dma_start3A_183 = arith.constant 0 : i32
      %dma_start3A_184 = tpu.memref_slice %arg2[%dma_start3A_182, %dma_start3A_183] : memref<10000x128xf32, #tpu.memory_space<hbm>> -> memref<10000x128xf32, #tpu.memory_space<hbm>>
      tpu.enqueue_indirect_dma source(%dma_start3A_184 : memref<10000x128xf32, #tpu.memory_space<hbm>>) target(%arg7 : memref<128x128xf32, #tpu.memory_space<vmem>>) offsets(%dma_start3A_181 : memref<128xi32, #tpu.memory_space<vmem>>) semaphore(%arg11 : memref<!tpu.dma_semaphore, #tpu.memory_space<semaphore_mem>>)
    } else {
    }
    %mul3A_140 = arith.constant 4 : i32
    %mul3A_141 = arith.muli %add3A_27, %mul3A_140 : i32
    %add3A_142 = arith.constant 2 : i32
    %add3A_143 = arith.addi %mul3A_141, %add3A_142 : i32
    %add3A_144 = arith.addi %mul3A_2, %add3A_143 : i32
    %mul3A_145 = arith.constant 128 : i32
    %mul3A_146 = arith.muli %add3A_144, %mul3A_145 : i32
    %dma_wait3A_147 = arith.constant 0 : i32
    %dma_wait3A_148 = tpu.memref_slice %arg4[%mul3A_146, %dma_wait3A_147] : memref<16384x128xf32, #tpu.memory_space<hbm>> -> memref<128x128xf32, #tpu.memory_space<hbm>>
    %dma_wait3A_149 = arith.constant 0 : i32
    %dma_wait3A_150 = tpu.memref_slice %arg4[%mul3A_146, %dma_wait3A_149] : memref<16384x128xf32, #tpu.memory_space<hbm>> -> memref<128x128xf32, #tpu.memory_space<hbm>>
    tpu.wait_dma2 semaphore(%arg16 : memref<!tpu.dma_semaphore, #tpu.memory_space<semaphore_mem>>) src(%arg8 : memref<128x128xf32, #tpu.memory_space<vmem>>) dst(%dma_wait3A_150 : memref<128x128xf32, #tpu.memory_space<hbm>>)
    %lt3A_151 = arith.constant 0 : i32
    %lt3A_152 = arith.cmpi slt, %add3A_27, %lt3A_151 : i32
    %convert_element_type3A_153 = arith.extui %lt3A_152 : i1 to i32
    %cond3A_154 = arith.constant 0 : i32
    %cond3A_155 = arith.cmpi ne, %convert_element_type3A_153, %cond3A_154 : i32
    scf.if %cond3A_155 {
      %mul3A_173 = arith.constant 4 : i32
      %mul3A_174 = arith.muli %add3A_27, %mul3A_173 : i32
      %add3A_175 = arith.constant 4 : i32
      %add3A_176 = arith.addi %mul3A_174, %add3A_175 : i32
      %add3A_177 = arith.constant 2 : i32
      %add3A_178 = arith.addi %add3A_176, %add3A_177 : i32
      %mul3A_179 = arith.constant 128 : i32
      %mul3A_180 = arith.muli %add3A_178, %mul3A_179 : i32
      %dma_start3A_181 = tpu.memref_slice %arg5[%mul3A_180] : memref<512xi32, #tpu.memory_space<vmem>> -> memref<128xi32, #tpu.memory_space<vmem>>
      %dma_start3A_182 = arith.constant 0 : i32
      %dma_start3A_183 = arith.constant 0 : i32
      %dma_start3A_184 = tpu.memref_slice %arg2[%dma_start3A_182, %dma_start3A_183] : memref<10000x128xf32, #tpu.memory_space<hbm>> -> memref<10000x128xf32, #tpu.memory_space<hbm>>
      tpu.enqueue_indirect_dma source(%dma_start3A_184 : memref<10000x128xf32, #tpu.memory_space<hbm>>) target(%arg8 : memref<128x128xf32, #tpu.memory_space<vmem>>) offsets(%dma_start3A_181 : memref<128xi32, #tpu.memory_space<vmem>>) semaphore(%arg12 : memref<!tpu.dma_semaphore, #tpu.memory_space<semaphore_mem>>)
    } else {
    }
    %mul3A_156 = arith.constant 4 : i32
    %mul3A_157 = arith.muli %add3A_27, %mul3A_156 : i32
    %add3A_158 = arith.constant 3 : i32
    %add3A_159 = arith.addi %mul3A_157, %add3A_158 : i32
    %add3A_160 = arith.addi %mul3A_2, %add3A_159 : i32
    %mul3A_161 = arith.constant 128 : i32
    %mul3A_162 = arith.muli %add3A_160, %mul3A_161 : i32
    %dma_wait3A_163 = arith.constant 0 : i32
    %dma_wait3A_164 = tpu.memref_slice %arg4[%mul3A_162, %dma_wait3A_163] : memref<16384x128xf32, #tpu.memory_space<hbm>> -> memref<128x128xf32, #tpu.memory_space<hbm>>
    %dma_wait3A_165 = arith.constant 0 : i32
    %dma_wait3A_166 = tpu.memref_slice %arg4[%mul3A_162, %dma_wait3A_165] : memref<16384x128xf32, #tpu.memory_space<hbm>> -> memref<128x128xf32, #tpu.memory_space<hbm>>
    tpu.wait_dma2 semaphore(%arg17 : memref<!tpu.dma_semaphore, #tpu.memory_space<semaphore_mem>>) src(%arg9 : memref<128x128xf32, #tpu.memory_space<vmem>>) dst(%dma_wait3A_166 : memref<128x128xf32, #tpu.memory_space<hbm>>)
    %lt3A_167 = arith.constant 0 : i32
    %lt3A_168 = arith.cmpi slt, %add3A_27, %lt3A_167 : i32
    %convert_element_type3A_169 = arith.extui %lt3A_168 : i1 to i32
    %cond3A_170 = arith.constant 0 : i32
    %cond3A_171 = arith.cmpi ne, %convert_element_type3A_169, %cond3A_170 : i32
    scf.if %cond3A_171 {
      %mul3A_173 = arith.constant 4 : i32
      %mul3A_174 = arith.muli %add3A_27, %mul3A_173 : i32
      %add3A_175 = arith.constant 4 : i32
      %add3A_176 = arith.addi %mul3A_174, %add3A_175 : i32
      %add3A_177 = arith.constant 3 : i32
      %add3A_178 = arith.addi %add3A_176, %add3A_177 : i32
      %mul3A_179 = arith.constant 128 : i32
      %mul3A_180 = arith.muli %add3A_178, %mul3A_179 : i32
      %dma_start3A_181 = tpu.memref_slice %arg5[%mul3A_180] : memref<512xi32, #tpu.memory_space<vmem>> -> memref<128xi32, #tpu.memory_space<vmem>>
      %dma_start3A_182 = arith.constant 0 : i32
      %dma_start3A_183 = arith.constant 0 : i32
      %dma_start3A_184 = tpu.memref_slice %arg2[%dma_start3A_182, %dma_start3A_183] : memref<10000x128xf32, #tpu.memory_space<hbm>> -> memref<10000x128xf32, #tpu.memory_space<hbm>>
      tpu.enqueue_indirect_dma source(%dma_start3A_184 : memref<10000x128xf32, #tpu.memory_space<hbm>>) target(%arg9 : memref<128x128xf32, #tpu.memory_space<vmem>>) offsets(%dma_start3A_181 : memref<128xi32, #tpu.memory_space<vmem>>) semaphore(%arg13 : memref<!tpu.dma_semaphore, #tpu.memory_space<semaphore_mem>>)
    } else {
    }
    %scan3A_172 = arith.constant 1 : i32
    return
  }
}

#map = affine_map<(d0, d1) -> (0, 0)>
#map1 = affine_map<(d0, d1) -> (0)>
#map2 = affine_map<(d0, d1) -> (0, 0, 0)>
module attributes {stable_mosaic.version = 14 : i64} {
  func.func @k(%arg0: i32, %arg1: i32, %arg2: memref<163840x128xf32, #tpu.memory_space<hbm>>, %arg3: memref<163840xi32, #tpu.memory_space<hbm>>, %arg4: memref<640x128xf32, #tpu.memory_space<hbm>>, %arg5: memref<2x10240x128xf32, #tpu.memory_space<hbm>>, %arg6: memref<10240x128xf32, #tpu.memory_space<vmem_shared>>, %arg7: memref<5120xi32, #tpu.memory_space<vmem>>, %arg8: memref<128x128xf32, #tpu.memory_space<vmem>>, %arg9: memref<128x128xf32, #tpu.memory_space<vmem>>, %arg10: memref<!tpu.dma_semaphore, #tpu.memory_space<semaphore_mem>>, %arg11: memref<!tpu.dma_semaphore, #tpu.memory_space<semaphore_mem>>, %arg12: memref<!tpu.dma_semaphore, #tpu.memory_space<semaphore_mem>>, %arg13: memref<!tpu.dma_semaphore, #tpu.memory_space<semaphore_mem>>) attributes {dimension_semantics = [#tpu.dimension_semantics<core_parallel>, #tpu.dimension_semantics<subcore_parallel>], iteration_bounds = array<i64: 2, 16>, scalar_prefetch = 0 : i64, scratch_operands = 8 : i64, tpu.core_type = #tpu.core_type<sc_vector_subcore>, window_params = [{transform_indices = #map}, {transform_indices = #map1}, {transform_indices = #map}, {transform_indices = #map2}]} {
    %mul3A = arith.constant 2 : i32
    %mul3A_0 = arith.muli %arg1, %mul3A : i32
    %add3A = arith.addi %mul3A_0, %arg0 : i32
    %mul3A_1 = arith.constant 640 : i32
    %mul3A_2 = arith.muli %arg1, %mul3A_1 : i32
    %mul3A_3 = arith.constant 40 : i32
    %mul3A_4 = arith.muli %add3A, %mul3A_3 : i32
    "tpu.region"() ({
      %run_scoped3A = tpu.sem_alloc : memref<!tpu.dma_semaphore, #tpu.memory_space<semaphore_mem>>
      %dma_start3A_27 = arith.constant 0 : i32
      %dma_start3A_28 = tpu.memref_slice %arg6[%mul3A_2, %dma_start3A_27] : memref<10240x128xf32, #tpu.memory_space<vmem_shared>> -> memref<640x128xf32, #tpu.memory_space<vmem_shared>>
      tpu.enqueue_dma source(%arg4 : memref<640x128xf32, #tpu.memory_space<hbm>>) target(%dma_start3A_28 : memref<640x128xf32, #tpu.memory_space<vmem_shared>>) target_semaphore(%run_scoped3A : memref<!tpu.dma_semaphore, #tpu.memory_space<semaphore_mem>>)
      %dma_wait3A = arith.constant 0 : i32
      %dma_wait3A_29 = tpu.memref_slice %arg6[%mul3A_2, %dma_wait3A] : memref<10240x128xf32, #tpu.memory_space<vmem_shared>> -> memref<640x128xf32, #tpu.memory_space<vmem_shared>>
      tpu.wait_dma2 semaphore(%run_scoped3A : memref<!tpu.dma_semaphore, #tpu.memory_space<semaphore_mem>>) src(%arg4 : memref<640x128xf32, #tpu.memory_space<hbm>>) dst(%dma_wait3A_29 : memref<640x128xf32, #tpu.memory_space<vmem_shared>>)
      tpu.yield
    }) : () -> ()
    %mul3A_5 = arith.constant 128 : i32
    %mul3A_6 = arith.muli %mul3A_4, %mul3A_5 : i32
    "tpu.region"() ({
      %run_scoped3A = tpu.sem_alloc : memref<!tpu.dma_semaphore, #tpu.memory_space<semaphore_mem>>
      %dma_start3A_27 = tpu.memref_slice %arg3[%mul3A_6] : memref<163840xi32, #tpu.memory_space<hbm>> -> memref<5120xi32, #tpu.memory_space<hbm>>
      %dma_start3A_28 = tpu.memref_slice %arg3[%mul3A_6] : memref<163840xi32, #tpu.memory_space<hbm>> -> memref<5120xi32, #tpu.memory_space<hbm>>
      tpu.enqueue_dma source(%dma_start3A_28 : memref<5120xi32, #tpu.memory_space<hbm>>) target(%arg7 : memref<5120xi32, #tpu.memory_space<vmem>>) target_semaphore(%run_scoped3A : memref<!tpu.dma_semaphore, #tpu.memory_space<semaphore_mem>>)
      %dma_wait3A = tpu.memref_slice %arg3[%mul3A_6] : memref<163840xi32, #tpu.memory_space<hbm>> -> memref<5120xi32, #tpu.memory_space<hbm>>
      %dma_wait3A_29 = tpu.memref_slice %arg3[%mul3A_6] : memref<163840xi32, #tpu.memory_space<hbm>> -> memref<5120xi32, #tpu.memory_space<hbm>>
      tpu.wait_dma2 semaphore(%run_scoped3A : memref<!tpu.dma_semaphore, #tpu.memory_space<semaphore_mem>>) src(%dma_wait3A_29 : memref<5120xi32, #tpu.memory_space<hbm>>) dst(%arg7 : memref<5120xi32, #tpu.memory_space<vmem>>)
      tpu.yield
    }) : () -> ()
    %barrier3A = arith.constant 0 : index
    tpu.barrier barrier_id(%barrier3A)
    %add3A_7 = arith.constant 0 : i32
    %add3A_8 = arith.addi %mul3A_4, %add3A_7 : i32
    %mul3A_9 = arith.constant 128 : i32
    %mul3A_10 = arith.muli %add3A_8, %mul3A_9 : i32
    %dma_start3A = arith.constant 0 : i32
    %dma_start3A_11 = tpu.memref_slice %arg2[%mul3A_10, %dma_start3A] : memref<163840x128xf32, #tpu.memory_space<hbm>> -> memref<128x128xf32, #tpu.memory_space<hbm>>
    %dma_start3A_12 = arith.constant 0 : i32
    %dma_start3A_13 = tpu.memref_slice %arg2[%mul3A_10, %dma_start3A_12] : memref<163840x128xf32, #tpu.memory_space<hbm>> -> memref<128x128xf32, #tpu.memory_space<hbm>>
    tpu.enqueue_dma source(%dma_start3A_13 : memref<128x128xf32, #tpu.memory_space<hbm>>) target(%arg8 : memref<128x128xf32, #tpu.memory_space<vmem>>) target_semaphore(%arg10 : memref<!tpu.dma_semaphore, #tpu.memory_space<semaphore_mem>>)
    %add3A_14 = arith.constant 1 : i32
    %add3A_15 = arith.addi %mul3A_4, %add3A_14 : i32
    %mul3A_16 = arith.constant 128 : i32
    %mul3A_17 = arith.muli %add3A_15, %mul3A_16 : i32
    %dma_start3A_18 = arith.constant 0 : i32
    %dma_start3A_19 = tpu.memref_slice %arg2[%mul3A_17, %dma_start3A_18] : memref<163840x128xf32, #tpu.memory_space<hbm>> -> memref<128x128xf32, #tpu.memory_space<hbm>>
    %dma_start3A_20 = arith.constant 0 : i32
    %dma_start3A_21 = tpu.memref_slice %arg2[%mul3A_17, %dma_start3A_20] : memref<163840x128xf32, #tpu.memory_space<hbm>> -> memref<128x128xf32, #tpu.memory_space<hbm>>
    tpu.enqueue_dma source(%dma_start3A_21 : memref<128x128xf32, #tpu.memory_space<hbm>>) target(%arg9 : memref<128x128xf32, #tpu.memory_space<vmem>>) target_semaphore(%arg11 : memref<!tpu.dma_semaphore, #tpu.memory_space<semaphore_mem>>)
    %scan3A = arith.constant 0 : i32
    %scan3A_22 = arith.constant 20 : i32
    %scan3A_23 = arith.addi %scan3A, %scan3A_22 : i32
    %scan3A_24 = arith.constant 1 : i32
    scf.for %scan3A_27 = %scan3A to %scan3A_23 step %scan3A_24  : i32 {
      %mul3A_28 = arith.constant 1 : i32
      %mul3A_29 = arith.muli %scan3A_27, %mul3A_28 : i32
      %add3A_30 = arith.constant 0 : i32
      %add3A_31 = arith.addi %add3A_30, %mul3A_29 : i32
      %mul3A_32 = arith.constant 2 : i32
      %mul3A_33 = arith.muli %add3A_31, %mul3A_32 : i32
      %add3A_34 = arith.constant 0 : i32
      %add3A_35 = arith.addi %mul3A_33, %add3A_34 : i32
      %add3A_36 = arith.addi %mul3A_4, %add3A_35 : i32
      %mul3A_37 = arith.constant 128 : i32
      %mul3A_38 = arith.muli %add3A_36, %mul3A_37 : i32
      %dma_wait3A = arith.constant 0 : i32
      %dma_wait3A_39 = tpu.memref_slice %arg2[%mul3A_38, %dma_wait3A] : memref<163840x128xf32, #tpu.memory_space<hbm>> -> memref<128x128xf32, #tpu.memory_space<hbm>>
      %dma_wait3A_40 = arith.constant 0 : i32
      %dma_wait3A_41 = tpu.memref_slice %arg2[%mul3A_38, %dma_wait3A_40] : memref<163840x128xf32, #tpu.memory_space<hbm>> -> memref<128x128xf32, #tpu.memory_space<hbm>>
      tpu.wait_dma2 semaphore(%arg10 : memref<!tpu.dma_semaphore, #tpu.memory_space<semaphore_mem>>) src(%dma_wait3A_41 : memref<128x128xf32, #tpu.memory_space<hbm>>) dst(%arg8 : memref<128x128xf32, #tpu.memory_space<vmem>>)
      %mul3A_42 = arith.constant 2 : i32
      %mul3A_43 = arith.muli %add3A_31, %mul3A_42 : i32
      %add3A_44 = arith.constant 0 : i32
      %add3A_45 = arith.addi %mul3A_43, %add3A_44 : i32
      %mul3A_46 = arith.constant 128 : i32
      %mul3A_47 = arith.muli %add3A_45, %mul3A_46 : i32
      %dma_start3A_48 = tpu.memref_slice %arg7[%mul3A_47] : memref<5120xi32, #tpu.memory_space<vmem>> -> memref<128xi32, #tpu.memory_space<vmem>>
      %dma_start3A_49 = arith.constant 0 : i32
      %dma_start3A_50 = arith.constant 0 : i32
      %dma_start3A_51 = tpu.memref_slice %arg6[%dma_start3A_49, %dma_start3A_50] : memref<10240x128xf32, #tpu.memory_space<vmem_shared>> -> memref<10240x128xf32, #tpu.memory_space<vmem_shared>>
      tpu.enqueue_indirect_dma source(%arg8 : memref<128x128xf32, #tpu.memory_space<vmem>>) target(%dma_start3A_51 : memref<10240x128xf32, #tpu.memory_space<vmem_shared>>) offsets(%dma_start3A_48 : memref<128xi32, #tpu.memory_space<vmem>>) semaphore(%arg12 : memref<!tpu.dma_semaphore, #tpu.memory_space<semaphore_mem>>) {add = true}
      %mul3A_52 = arith.constant 2 : i32
      %mul3A_53 = arith.muli %add3A_31, %mul3A_52 : i32
      %add3A_54 = arith.constant 1 : i32
      %add3A_55 = arith.addi %mul3A_53, %add3A_54 : i32
      %add3A_56 = arith.addi %mul3A_4, %add3A_55 : i32
      %mul3A_57 = arith.constant 128 : i32
      %mul3A_58 = arith.muli %add3A_56, %mul3A_57 : i32
      %dma_wait3A_59 = arith.constant 0 : i32
      %dma_wait3A_60 = tpu.memref_slice %arg2[%mul3A_58, %dma_wait3A_59] : memref<163840x128xf32, #tpu.memory_space<hbm>> -> memref<128x128xf32, #tpu.memory_space<hbm>>
      %dma_wait3A_61 = arith.constant 0 : i32
      %dma_wait3A_62 = tpu.memref_slice %arg2[%mul3A_58, %dma_wait3A_61] : memref<163840x128xf32, #tpu.memory_space<hbm>> -> memref<128x128xf32, #tpu.memory_space<hbm>>
      tpu.wait_dma2 semaphore(%arg11 : memref<!tpu.dma_semaphore, #tpu.memory_space<semaphore_mem>>) src(%dma_wait3A_62 : memref<128x128xf32, #tpu.memory_space<hbm>>) dst(%arg9 : memref<128x128xf32, #tpu.memory_space<vmem>>)
      %mul3A_63 = arith.constant 2 : i32
      %mul3A_64 = arith.muli %add3A_31, %mul3A_63 : i32
      %add3A_65 = arith.constant 1 : i32
      %add3A_66 = arith.addi %mul3A_64, %add3A_65 : i32
      %mul3A_67 = arith.constant 128 : i32
      %mul3A_68 = arith.muli %add3A_66, %mul3A_67 : i32
      %dma_start3A_69 = tpu.memref_slice %arg7[%mul3A_68] : memref<5120xi32, #tpu.memory_space<vmem>> -> memref<128xi32, #tpu.memory_space<vmem>>
      %dma_start3A_70 = arith.constant 0 : i32
      %dma_start3A_71 = arith.constant 0 : i32
      %dma_start3A_72 = tpu.memref_slice %arg6[%dma_start3A_70, %dma_start3A_71] : memref<10240x128xf32, #tpu.memory_space<vmem_shared>> -> memref<10240x128xf32, #tpu.memory_space<vmem_shared>>
      tpu.enqueue_indirect_dma source(%arg9 : memref<128x128xf32, #tpu.memory_space<vmem>>) target(%dma_start3A_72 : memref<10240x128xf32, #tpu.memory_space<vmem_shared>>) offsets(%dma_start3A_69 : memref<128xi32, #tpu.memory_space<vmem>>) semaphore(%arg13 : memref<!tpu.dma_semaphore, #tpu.memory_space<semaphore_mem>>) {add = true}
      %mul3A_73 = arith.constant 2 : i32
      %mul3A_74 = arith.muli %add3A_31, %mul3A_73 : i32
      %add3A_75 = arith.constant 0 : i32
      %add3A_76 = arith.addi %mul3A_74, %add3A_75 : i32
      %mul3A_77 = arith.constant 128 : i32
      %mul3A_78 = arith.muli %add3A_76, %mul3A_77 : i32
      %dma_wait3A_79 = tpu.memref_slice %arg7[%mul3A_78] : memref<5120xi32, #tpu.memory_space<vmem>> -> memref<128xi32, #tpu.memory_space<vmem>>
      %dma_wait3A_80 = arith.constant 0 : i32
      %dma_wait3A_81 = arith.constant 0 : i32
      %dma_wait3A_82 = tpu.memref_slice %arg6[%dma_wait3A_80, %dma_wait3A_81] : memref<10240x128xf32, #tpu.memory_space<vmem_shared>> -> memref<10240x128xf32, #tpu.memory_space<vmem_shared>>
      tpu.wait_indirect_dma semaphore(%arg12 : memref<!tpu.dma_semaphore, #tpu.memory_space<semaphore_mem>>) src(%arg8 : memref<128x128xf32, #tpu.memory_space<vmem>>) dst(%dma_wait3A_82 : memref<10240x128xf32, #tpu.memory_space<vmem_shared>>)
      %lt3A = arith.constant 19 : i32
      %lt3A_83 = arith.cmpi slt, %add3A_31, %lt3A : i32
      %convert_element_type3A = arith.extui %lt3A_83 : i1 to i32
      %cond3A = arith.constant 0 : i32
      %cond3A_84 = arith.cmpi ne, %convert_element_type3A, %cond3A : i32
      scf.if %cond3A_84 {
        %mul3A_100 = arith.constant 2 : i32
        %mul3A_101 = arith.muli %add3A_31, %mul3A_100 : i32
        %add3A_102 = arith.constant 2 : i32
        %add3A_103 = arith.addi %mul3A_101, %add3A_102 : i32
        %add3A_104 = arith.constant 0 : i32
        %add3A_105 = arith.addi %add3A_103, %add3A_104 : i32
        %add3A_106 = arith.addi %mul3A_4, %add3A_105 : i32
        %mul3A_107 = arith.constant 128 : i32
        %mul3A_108 = arith.muli %add3A_106, %mul3A_107 : i32
        %dma_start3A_109 = arith.constant 0 : i32
        %dma_start3A_110 = tpu.memref_slice %arg2[%mul3A_108, %dma_start3A_109] : memref<163840x128xf32, #tpu.memory_space<hbm>> -> memref<128x128xf32, #tpu.memory_space<hbm>>
        %dma_start3A_111 = arith.constant 0 : i32
        %dma_start3A_112 = tpu.memref_slice %arg2[%mul3A_108, %dma_start3A_111] : memref<163840x128xf32, #tpu.memory_space<hbm>> -> memref<128x128xf32, #tpu.memory_space<hbm>>
        tpu.enqueue_dma source(%dma_start3A_112 : memref<128x128xf32, #tpu.memory_space<hbm>>) target(%arg8 : memref<128x128xf32, #tpu.memory_space<vmem>>) target_semaphore(%arg10 : memref<!tpu.dma_semaphore, #tpu.memory_space<semaphore_mem>>)
      } else {
      }
      %mul3A_85 = arith.constant 2 : i32
      %mul3A_86 = arith.muli %add3A_31, %mul3A_85 : i32
      %add3A_87 = arith.constant 1 : i32
      %add3A_88 = arith.addi %mul3A_86, %add3A_87 : i32
      %mul3A_89 = arith.constant 128 : i32
      %mul3A_90 = arith.muli %add3A_88, %mul3A_89 : i32
      %dma_wait3A_91 = tpu.memref_slice %arg7[%mul3A_90] : memref<5120xi32, #tpu.memory_space<vmem>> -> memref<128xi32, #tpu.memory_space<vmem>>
      %dma_wait3A_92 = arith.constant 0 : i32
      %dma_wait3A_93 = arith.constant 0 : i32
      %dma_wait3A_94 = tpu.memref_slice %arg6[%dma_wait3A_92, %dma_wait3A_93] : memref<10240x128xf32, #tpu.memory_space<vmem_shared>> -> memref<10240x128xf32, #tpu.memory_space<vmem_shared>>
      tpu.wait_indirect_dma semaphore(%arg13 : memref<!tpu.dma_semaphore, #tpu.memory_space<semaphore_mem>>) src(%arg9 : memref<128x128xf32, #tpu.memory_space<vmem>>) dst(%dma_wait3A_94 : memref<10240x128xf32, #tpu.memory_space<vmem_shared>>)
      %lt3A_95 = arith.constant 19 : i32
      %lt3A_96 = arith.cmpi slt, %add3A_31, %lt3A_95 : i32
      %convert_element_type3A_97 = arith.extui %lt3A_96 : i1 to i32
      %cond3A_98 = arith.constant 0 : i32
      %cond3A_99 = arith.cmpi ne, %convert_element_type3A_97, %cond3A_98 : i32
      scf.if %cond3A_99 {
        %mul3A_100 = arith.constant 2 : i32
        %mul3A_101 = arith.muli %add3A_31, %mul3A_100 : i32
        %add3A_102 = arith.constant 2 : i32
        %add3A_103 = arith.addi %mul3A_101, %add3A_102 : i32
        %add3A_104 = arith.constant 1 : i32
        %add3A_105 = arith.addi %add3A_103, %add3A_104 : i32
        %add3A_106 = arith.addi %mul3A_4, %add3A_105 : i32
        %mul3A_107 = arith.constant 128 : i32
        %mul3A_108 = arith.muli %add3A_106, %mul3A_107 : i32
        %dma_start3A_109 = arith.constant 0 : i32
        %dma_start3A_110 = tpu.memref_slice %arg2[%mul3A_108, %dma_start3A_109] : memref<163840x128xf32, #tpu.memory_space<hbm>> -> memref<128x128xf32, #tpu.memory_space<hbm>>
        %dma_start3A_111 = arith.constant 0 : i32
        %dma_start3A_112 = tpu.memref_slice %arg2[%mul3A_108, %dma_start3A_111] : memref<163840x128xf32, #tpu.memory_space<hbm>> -> memref<128x128xf32, #tpu.memory_space<hbm>>
        tpu.enqueue_dma source(%dma_start3A_112 : memref<128x128xf32, #tpu.memory_space<hbm>>) target(%arg9 : memref<128x128xf32, #tpu.memory_space<vmem>>) target_semaphore(%arg11 : memref<!tpu.dma_semaphore, #tpu.memory_space<semaphore_mem>>)
      } else {
      }
    }
    %scan3A_25 = arith.constant 20 : i32
    %barrier3A_26 = arith.constant 0 : index
    tpu.barrier barrier_id(%barrier3A_26)
    "tpu.region"() ({
      %run_scoped3A = tpu.sem_alloc : memref<!tpu.dma_semaphore, #tpu.memory_space<semaphore_mem>>
      %dma_start3A_27 = arith.constant 0 : i32
      %dma_start3A_28 = arith.constant 0 : i32
      %dma_start3A_29 = tpu.memref_slice %arg5[%arg0, %dma_start3A_27, %dma_start3A_28] : memref<2x10240x128xf32, #tpu.memory_space<hbm>> -> memref<1x10240x128xf32, #tpu.memory_space<hbm>>
      %dma_start3A_30 = tpu.memref_squeeze %dma_start3A_29 : memref<1x10240x128xf32, #tpu.memory_space<hbm>> -> memref<10240x128xf32, #tpu.memory_space<hbm>>
      %dma_start3A_31 = arith.constant 0 : i32
      %dma_start3A_32 = tpu.memref_slice %dma_start3A_30[%mul3A_2, %dma_start3A_31] : memref<10240x128xf32, #tpu.memory_space<hbm>> -> memref<640x128xf32, #tpu.memory_space<hbm>>
      %dma_start3A_33 = arith.constant 0 : i32
      %dma_start3A_34 = tpu.memref_slice %arg6[%mul3A_2, %dma_start3A_33] : memref<10240x128xf32, #tpu.memory_space<vmem_shared>> -> memref<640x128xf32, #tpu.memory_space<vmem_shared>>
      tpu.enqueue_dma source(%dma_start3A_34 : memref<640x128xf32, #tpu.memory_space<vmem_shared>>) target(%dma_start3A_32 : memref<640x128xf32, #tpu.memory_space<hbm>>) target_semaphore(%run_scoped3A : memref<!tpu.dma_semaphore, #tpu.memory_space<semaphore_mem>>)
      %dma_wait3A = arith.constant 0 : i32
      %dma_wait3A_35 = arith.constant 0 : i32
      %dma_wait3A_36 = tpu.memref_slice %arg5[%arg0, %dma_wait3A, %dma_wait3A_35] : memref<2x10240x128xf32, #tpu.memory_space<hbm>> -> memref<1x10240x128xf32, #tpu.memory_space<hbm>>
      %dma_wait3A_37 = tpu.memref_squeeze %dma_wait3A_36 : memref<1x10240x128xf32, #tpu.memory_space<hbm>> -> memref<10240x128xf32, #tpu.memory_space<hbm>>
      %dma_wait3A_38 = arith.constant 0 : i32
      %dma_wait3A_39 = tpu.memref_slice %dma_wait3A_37[%mul3A_2, %dma_wait3A_38] : memref<10240x128xf32, #tpu.memory_space<hbm>> -> memref<640x128xf32, #tpu.memory_space<hbm>>
      %dma_wait3A_40 = arith.constant 0 : i32
      %dma_wait3A_41 = tpu.memref_slice %arg6[%mul3A_2, %dma_wait3A_40] : memref<10240x128xf32, #tpu.memory_space<vmem_shared>> -> memref<640x128xf32, #tpu.memory_space<vmem_shared>>
      tpu.wait_dma2 semaphore(%run_scoped3A : memref<!tpu.dma_semaphore, #tpu.memory_space<semaphore_mem>>) src(%dma_wait3A_41 : memref<640x128xf32, #tpu.memory_space<vmem_shared>>) dst(%dma_wait3A_39 : memref<640x128xf32, #tpu.memory_space<hbm>>)
      tpu.yield
    }) : () -> ()
    return
  }
}

#map = affine_map<(d0, d1) -> (0, 0)>
#map1 = affine_map<(d0, d1) -> (0)>
#map2 = affine_map<(d0, d1) -> (0, 0, 0)>
module attributes {stable_mosaic.version = 14 : i64} {
  func.func @k(%arg0: i32, %arg1: i32, %arg2: memref<16384x128xf32, #tpu.memory_space<hbm>>, %arg3: memref<16384xi32, #tpu.memory_space<hbm>>, %arg4: memref<640x128xf32, #tpu.memory_space<hbm>>, %arg5: memref<2x10240x128xf32, #tpu.memory_space<hbm>>, %arg6: memref<10240x128xf32, #tpu.memory_space<vmem_shared>>, %arg7: memref<512xi32, #tpu.memory_space<vmem>>, %arg8: memref<128x128xf32, #tpu.memory_space<vmem>>, %arg9: memref<128x128xf32, #tpu.memory_space<vmem>>, %arg10: memref<!tpu.dma_semaphore, #tpu.memory_space<semaphore_mem>>, %arg11: memref<!tpu.dma_semaphore, #tpu.memory_space<semaphore_mem>>, %arg12: memref<!tpu.dma_semaphore, #tpu.memory_space<semaphore_mem>>, %arg13: memref<!tpu.dma_semaphore, #tpu.memory_space<semaphore_mem>>) attributes {dimension_semantics = [#tpu.dimension_semantics<core_parallel>, #tpu.dimension_semantics<subcore_parallel>], iteration_bounds = array<i64: 2, 16>, scalar_prefetch = 0 : i64, scratch_operands = 8 : i64, tpu.core_type = #tpu.core_type<sc_vector_subcore>, window_params = [{transform_indices = #map}, {transform_indices = #map1}, {transform_indices = #map}, {transform_indices = #map2}]} {
    %mul3A = arith.constant 2 : i32
    %mul3A_0 = arith.muli %arg1, %mul3A : i32
    %add3A = arith.addi %mul3A_0, %arg0 : i32
    %mul3A_1 = arith.constant 640 : i32
    %mul3A_2 = arith.muli %arg1, %mul3A_1 : i32
    %mul3A_3 = arith.constant 4 : i32
    %mul3A_4 = arith.muli %add3A, %mul3A_3 : i32
    "tpu.region"() ({
      %run_scoped3A = tpu.sem_alloc : memref<!tpu.dma_semaphore, #tpu.memory_space<semaphore_mem>>
      %dma_start3A_27 = arith.constant 0 : i32
      %dma_start3A_28 = tpu.memref_slice %arg6[%mul3A_2, %dma_start3A_27] : memref<10240x128xf32, #tpu.memory_space<vmem_shared>> -> memref<640x128xf32, #tpu.memory_space<vmem_shared>>
      tpu.enqueue_dma source(%arg4 : memref<640x128xf32, #tpu.memory_space<hbm>>) target(%dma_start3A_28 : memref<640x128xf32, #tpu.memory_space<vmem_shared>>) target_semaphore(%run_scoped3A : memref<!tpu.dma_semaphore, #tpu.memory_space<semaphore_mem>>)
      %dma_wait3A = arith.constant 0 : i32
      %dma_wait3A_29 = tpu.memref_slice %arg6[%mul3A_2, %dma_wait3A] : memref<10240x128xf32, #tpu.memory_space<vmem_shared>> -> memref<640x128xf32, #tpu.memory_space<vmem_shared>>
      tpu.wait_dma2 semaphore(%run_scoped3A : memref<!tpu.dma_semaphore, #tpu.memory_space<semaphore_mem>>) src(%arg4 : memref<640x128xf32, #tpu.memory_space<hbm>>) dst(%dma_wait3A_29 : memref<640x128xf32, #tpu.memory_space<vmem_shared>>)
      tpu.yield
    }) : () -> ()
    %mul3A_5 = arith.constant 128 : i32
    %mul3A_6 = arith.muli %mul3A_4, %mul3A_5 : i32
    "tpu.region"() ({
      %run_scoped3A = tpu.sem_alloc : memref<!tpu.dma_semaphore, #tpu.memory_space<semaphore_mem>>
      %dma_start3A_27 = tpu.memref_slice %arg3[%mul3A_6] : memref<16384xi32, #tpu.memory_space<hbm>> -> memref<512xi32, #tpu.memory_space<hbm>>
      %dma_start3A_28 = tpu.memref_slice %arg3[%mul3A_6] : memref<16384xi32, #tpu.memory_space<hbm>> -> memref<512xi32, #tpu.memory_space<hbm>>
      tpu.enqueue_dma source(%dma_start3A_28 : memref<512xi32, #tpu.memory_space<hbm>>) target(%arg7 : memref<512xi32, #tpu.memory_space<vmem>>) target_semaphore(%run_scoped3A : memref<!tpu.dma_semaphore, #tpu.memory_space<semaphore_mem>>)
      %dma_wait3A = tpu.memref_slice %arg3[%mul3A_6] : memref<16384xi32, #tpu.memory_space<hbm>> -> memref<512xi32, #tpu.memory_space<hbm>>
      %dma_wait3A_29 = tpu.memref_slice %arg3[%mul3A_6] : memref<16384xi32, #tpu.memory_space<hbm>> -> memref<512xi32, #tpu.memory_space<hbm>>
      tpu.wait_dma2 semaphore(%run_scoped3A : memref<!tpu.dma_semaphore, #tpu.memory_space<semaphore_mem>>) src(%dma_wait3A_29 : memref<512xi32, #tpu.memory_space<hbm>>) dst(%arg7 : memref<512xi32, #tpu.memory_space<vmem>>)
      tpu.yield
    }) : () -> ()
    %barrier3A = arith.constant 0 : index
    tpu.barrier barrier_id(%barrier3A)
    %add3A_7 = arith.constant 0 : i32
    %add3A_8 = arith.addi %mul3A_4, %add3A_7 : i32
    %mul3A_9 = arith.constant 128 : i32
    %mul3A_10 = arith.muli %add3A_8, %mul3A_9 : i32
    %dma_start3A = arith.constant 0 : i32
    %dma_start3A_11 = tpu.memref_slice %arg2[%mul3A_10, %dma_start3A] : memref<16384x128xf32, #tpu.memory_space<hbm>> -> memref<128x128xf32, #tpu.memory_space<hbm>>
    %dma_start3A_12 = arith.constant 0 : i32
    %dma_start3A_13 = tpu.memref_slice %arg2[%mul3A_10, %dma_start3A_12] : memref<16384x128xf32, #tpu.memory_space<hbm>> -> memref<128x128xf32, #tpu.memory_space<hbm>>
    tpu.enqueue_dma source(%dma_start3A_13 : memref<128x128xf32, #tpu.memory_space<hbm>>) target(%arg8 : memref<128x128xf32, #tpu.memory_space<vmem>>) target_semaphore(%arg10 : memref<!tpu.dma_semaphore, #tpu.memory_space<semaphore_mem>>)
    %add3A_14 = arith.constant 1 : i32
    %add3A_15 = arith.addi %mul3A_4, %add3A_14 : i32
    %mul3A_16 = arith.constant 128 : i32
    %mul3A_17 = arith.muli %add3A_15, %mul3A_16 : i32
    %dma_start3A_18 = arith.constant 0 : i32
    %dma_start3A_19 = tpu.memref_slice %arg2[%mul3A_17, %dma_start3A_18] : memref<16384x128xf32, #tpu.memory_space<hbm>> -> memref<128x128xf32, #tpu.memory_space<hbm>>
    %dma_start3A_20 = arith.constant 0 : i32
    %dma_start3A_21 = tpu.memref_slice %arg2[%mul3A_17, %dma_start3A_20] : memref<16384x128xf32, #tpu.memory_space<hbm>> -> memref<128x128xf32, #tpu.memory_space<hbm>>
    tpu.enqueue_dma source(%dma_start3A_21 : memref<128x128xf32, #tpu.memory_space<hbm>>) target(%arg9 : memref<128x128xf32, #tpu.memory_space<vmem>>) target_semaphore(%arg11 : memref<!tpu.dma_semaphore, #tpu.memory_space<semaphore_mem>>)
    %scan3A = arith.constant 0 : i32
    %scan3A_22 = arith.constant 2 : i32
    %scan3A_23 = arith.addi %scan3A, %scan3A_22 : i32
    %scan3A_24 = arith.constant 1 : i32
    scf.for %scan3A_27 = %scan3A to %scan3A_23 step %scan3A_24  : i32 {
      %mul3A_28 = arith.constant 1 : i32
      %mul3A_29 = arith.muli %scan3A_27, %mul3A_28 : i32
      %add3A_30 = arith.constant 0 : i32
      %add3A_31 = arith.addi %add3A_30, %mul3A_29 : i32
      %mul3A_32 = arith.constant 2 : i32
      %mul3A_33 = arith.muli %add3A_31, %mul3A_32 : i32
      %add3A_34 = arith.constant 0 : i32
      %add3A_35 = arith.addi %mul3A_33, %add3A_34 : i32
      %add3A_36 = arith.addi %mul3A_4, %add3A_35 : i32
      %mul3A_37 = arith.constant 128 : i32
      %mul3A_38 = arith.muli %add3A_36, %mul3A_37 : i32
      %dma_wait3A = arith.constant 0 : i32
      %dma_wait3A_39 = tpu.memref_slice %arg2[%mul3A_38, %dma_wait3A] : memref<16384x128xf32, #tpu.memory_space<hbm>> -> memref<128x128xf32, #tpu.memory_space<hbm>>
      %dma_wait3A_40 = arith.constant 0 : i32
      %dma_wait3A_41 = tpu.memref_slice %arg2[%mul3A_38, %dma_wait3A_40] : memref<16384x128xf32, #tpu.memory_space<hbm>> -> memref<128x128xf32, #tpu.memory_space<hbm>>
      tpu.wait_dma2 semaphore(%arg10 : memref<!tpu.dma_semaphore, #tpu.memory_space<semaphore_mem>>) src(%dma_wait3A_41 : memref<128x128xf32, #tpu.memory_space<hbm>>) dst(%arg8 : memref<128x128xf32, #tpu.memory_space<vmem>>)
      %mul3A_42 = arith.constant 2 : i32
      %mul3A_43 = arith.muli %add3A_31, %mul3A_42 : i32
      %add3A_44 = arith.constant 0 : i32
      %add3A_45 = arith.addi %mul3A_43, %add3A_44 : i32
      %mul3A_46 = arith.constant 128 : i32
      %mul3A_47 = arith.muli %add3A_45, %mul3A_46 : i32
      %dma_start3A_48 = tpu.memref_slice %arg7[%mul3A_47] : memref<512xi32, #tpu.memory_space<vmem>> -> memref<128xi32, #tpu.memory_space<vmem>>
      %dma_start3A_49 = arith.constant 0 : i32
      %dma_start3A_50 = arith.constant 0 : i32
      %dma_start3A_51 = tpu.memref_slice %arg6[%dma_start3A_49, %dma_start3A_50] : memref<10240x128xf32, #tpu.memory_space<vmem_shared>> -> memref<10240x128xf32, #tpu.memory_space<vmem_shared>>
      tpu.enqueue_indirect_dma source(%arg8 : memref<128x128xf32, #tpu.memory_space<vmem>>) target(%dma_start3A_51 : memref<10240x128xf32, #tpu.memory_space<vmem_shared>>) offsets(%dma_start3A_48 : memref<128xi32, #tpu.memory_space<vmem>>) semaphore(%arg12 : memref<!tpu.dma_semaphore, #tpu.memory_space<semaphore_mem>>) {add = true}
      %mul3A_52 = arith.constant 2 : i32
      %mul3A_53 = arith.muli %add3A_31, %mul3A_52 : i32
      %add3A_54 = arith.constant 1 : i32
      %add3A_55 = arith.addi %mul3A_53, %add3A_54 : i32
      %add3A_56 = arith.addi %mul3A_4, %add3A_55 : i32
      %mul3A_57 = arith.constant 128 : i32
      %mul3A_58 = arith.muli %add3A_56, %mul3A_57 : i32
      %dma_wait3A_59 = arith.constant 0 : i32
      %dma_wait3A_60 = tpu.memref_slice %arg2[%mul3A_58, %dma_wait3A_59] : memref<16384x128xf32, #tpu.memory_space<hbm>> -> memref<128x128xf32, #tpu.memory_space<hbm>>
      %dma_wait3A_61 = arith.constant 0 : i32
      %dma_wait3A_62 = tpu.memref_slice %arg2[%mul3A_58, %dma_wait3A_61] : memref<16384x128xf32, #tpu.memory_space<hbm>> -> memref<128x128xf32, #tpu.memory_space<hbm>>
      tpu.wait_dma2 semaphore(%arg11 : memref<!tpu.dma_semaphore, #tpu.memory_space<semaphore_mem>>) src(%dma_wait3A_62 : memref<128x128xf32, #tpu.memory_space<hbm>>) dst(%arg9 : memref<128x128xf32, #tpu.memory_space<vmem>>)
      %mul3A_63 = arith.constant 2 : i32
      %mul3A_64 = arith.muli %add3A_31, %mul3A_63 : i32
      %add3A_65 = arith.constant 1 : i32
      %add3A_66 = arith.addi %mul3A_64, %add3A_65 : i32
      %mul3A_67 = arith.constant 128 : i32
      %mul3A_68 = arith.muli %add3A_66, %mul3A_67 : i32
      %dma_start3A_69 = tpu.memref_slice %arg7[%mul3A_68] : memref<512xi32, #tpu.memory_space<vmem>> -> memref<128xi32, #tpu.memory_space<vmem>>
      %dma_start3A_70 = arith.constant 0 : i32
      %dma_start3A_71 = arith.constant 0 : i32
      %dma_start3A_72 = tpu.memref_slice %arg6[%dma_start3A_70, %dma_start3A_71] : memref<10240x128xf32, #tpu.memory_space<vmem_shared>> -> memref<10240x128xf32, #tpu.memory_space<vmem_shared>>
      tpu.enqueue_indirect_dma source(%arg9 : memref<128x128xf32, #tpu.memory_space<vmem>>) target(%dma_start3A_72 : memref<10240x128xf32, #tpu.memory_space<vmem_shared>>) offsets(%dma_start3A_69 : memref<128xi32, #tpu.memory_space<vmem>>) semaphore(%arg13 : memref<!tpu.dma_semaphore, #tpu.memory_space<semaphore_mem>>) {add = true}
      %mul3A_73 = arith.constant 2 : i32
      %mul3A_74 = arith.muli %add3A_31, %mul3A_73 : i32
      %add3A_75 = arith.constant 0 : i32
      %add3A_76 = arith.addi %mul3A_74, %add3A_75 : i32
      %mul3A_77 = arith.constant 128 : i32
      %mul3A_78 = arith.muli %add3A_76, %mul3A_77 : i32
      %dma_wait3A_79 = tpu.memref_slice %arg7[%mul3A_78] : memref<512xi32, #tpu.memory_space<vmem>> -> memref<128xi32, #tpu.memory_space<vmem>>
      %dma_wait3A_80 = arith.constant 0 : i32
      %dma_wait3A_81 = arith.constant 0 : i32
      %dma_wait3A_82 = tpu.memref_slice %arg6[%dma_wait3A_80, %dma_wait3A_81] : memref<10240x128xf32, #tpu.memory_space<vmem_shared>> -> memref<10240x128xf32, #tpu.memory_space<vmem_shared>>
      tpu.wait_indirect_dma semaphore(%arg12 : memref<!tpu.dma_semaphore, #tpu.memory_space<semaphore_mem>>) src(%arg8 : memref<128x128xf32, #tpu.memory_space<vmem>>) dst(%dma_wait3A_82 : memref<10240x128xf32, #tpu.memory_space<vmem_shared>>)
      %lt3A = arith.constant 1 : i32
      %lt3A_83 = arith.cmpi slt, %add3A_31, %lt3A : i32
      %convert_element_type3A = arith.extui %lt3A_83 : i1 to i32
      %cond3A = arith.constant 0 : i32
      %cond3A_84 = arith.cmpi ne, %convert_element_type3A, %cond3A : i32
      scf.if %cond3A_84 {
        %mul3A_100 = arith.constant 2 : i32
        %mul3A_101 = arith.muli %add3A_31, %mul3A_100 : i32
        %add3A_102 = arith.constant 2 : i32
        %add3A_103 = arith.addi %mul3A_101, %add3A_102 : i32
        %add3A_104 = arith.constant 0 : i32
        %add3A_105 = arith.addi %add3A_103, %add3A_104 : i32
        %add3A_106 = arith.addi %mul3A_4, %add3A_105 : i32
        %mul3A_107 = arith.constant 128 : i32
        %mul3A_108 = arith.muli %add3A_106, %mul3A_107 : i32
        %dma_start3A_109 = arith.constant 0 : i32
        %dma_start3A_110 = tpu.memref_slice %arg2[%mul3A_108, %dma_start3A_109] : memref<16384x128xf32, #tpu.memory_space<hbm>> -> memref<128x128xf32, #tpu.memory_space<hbm>>
        %dma_start3A_111 = arith.constant 0 : i32
        %dma_start3A_112 = tpu.memref_slice %arg2[%mul3A_108, %dma_start3A_111] : memref<16384x128xf32, #tpu.memory_space<hbm>> -> memref<128x128xf32, #tpu.memory_space<hbm>>
        tpu.enqueue_dma source(%dma_start3A_112 : memref<128x128xf32, #tpu.memory_space<hbm>>) target(%arg8 : memref<128x128xf32, #tpu.memory_space<vmem>>) target_semaphore(%arg10 : memref<!tpu.dma_semaphore, #tpu.memory_space<semaphore_mem>>)
      } else {
      }
      %mul3A_85 = arith.constant 2 : i32
      %mul3A_86 = arith.muli %add3A_31, %mul3A_85 : i32
      %add3A_87 = arith.constant 1 : i32
      %add3A_88 = arith.addi %mul3A_86, %add3A_87 : i32
      %mul3A_89 = arith.constant 128 : i32
      %mul3A_90 = arith.muli %add3A_88, %mul3A_89 : i32
      %dma_wait3A_91 = tpu.memref_slice %arg7[%mul3A_90] : memref<512xi32, #tpu.memory_space<vmem>> -> memref<128xi32, #tpu.memory_space<vmem>>
      %dma_wait3A_92 = arith.constant 0 : i32
      %dma_wait3A_93 = arith.constant 0 : i32
      %dma_wait3A_94 = tpu.memref_slice %arg6[%dma_wait3A_92, %dma_wait3A_93] : memref<10240x128xf32, #tpu.memory_space<vmem_shared>> -> memref<10240x128xf32, #tpu.memory_space<vmem_shared>>
      tpu.wait_indirect_dma semaphore(%arg13 : memref<!tpu.dma_semaphore, #tpu.memory_space<semaphore_mem>>) src(%arg9 : memref<128x128xf32, #tpu.memory_space<vmem>>) dst(%dma_wait3A_94 : memref<10240x128xf32, #tpu.memory_space<vmem_shared>>)
      %lt3A_95 = arith.constant 1 : i32
      %lt3A_96 = arith.cmpi slt, %add3A_31, %lt3A_95 : i32
      %convert_element_type3A_97 = arith.extui %lt3A_96 : i1 to i32
      %cond3A_98 = arith.constant 0 : i32
      %cond3A_99 = arith.cmpi ne, %convert_element_type3A_97, %cond3A_98 : i32
      scf.if %cond3A_99 {
        %mul3A_100 = arith.constant 2 : i32
        %mul3A_101 = arith.muli %add3A_31, %mul3A_100 : i32
        %add3A_102 = arith.constant 2 : i32
        %add3A_103 = arith.addi %mul3A_101, %add3A_102 : i32
        %add3A_104 = arith.constant 1 : i32
        %add3A_105 = arith.addi %add3A_103, %add3A_104 : i32
        %add3A_106 = arith.addi %mul3A_4, %add3A_105 : i32
        %mul3A_107 = arith.constant 128 : i32
        %mul3A_108 = arith.muli %add3A_106, %mul3A_107 : i32
        %dma_start3A_109 = arith.constant 0 : i32
        %dma_start3A_110 = tpu.memref_slice %arg2[%mul3A_108, %dma_start3A_109] : memref<16384x128xf32, #tpu.memory_space<hbm>> -> memref<128x128xf32, #tpu.memory_space<hbm>>
        %dma_start3A_111 = arith.constant 0 : i32
        %dma_start3A_112 = tpu.memref_slice %arg2[%mul3A_108, %dma_start3A_111] : memref<16384x128xf32, #tpu.memory_space<hbm>> -> memref<128x128xf32, #tpu.memory_space<hbm>>
        tpu.enqueue_dma source(%dma_start3A_112 : memref<128x128xf32, #tpu.memory_space<hbm>>) target(%arg9 : memref<128x128xf32, #tpu.memory_space<vmem>>) target_semaphore(%arg11 : memref<!tpu.dma_semaphore, #tpu.memory_space<semaphore_mem>>)
      } else {
      }
    }
    %scan3A_25 = arith.constant 2 : i32
    %barrier3A_26 = arith.constant 0 : index
    tpu.barrier barrier_id(%barrier3A_26)
    "tpu.region"() ({
      %run_scoped3A = tpu.sem_alloc : memref<!tpu.dma_semaphore, #tpu.memory_space<semaphore_mem>>
      %dma_start3A_27 = arith.constant 0 : i32
      %dma_start3A_28 = arith.constant 0 : i32
      %dma_start3A_29 = tpu.memref_slice %arg5[%arg0, %dma_start3A_27, %dma_start3A_28] : memref<2x10240x128xf32, #tpu.memory_space<hbm>> -> memref<1x10240x128xf32, #tpu.memory_space<hbm>>
      %dma_start3A_30 = tpu.memref_squeeze %dma_start3A_29 : memref<1x10240x128xf32, #tpu.memory_space<hbm>> -> memref<10240x128xf32, #tpu.memory_space<hbm>>
      %dma_start3A_31 = arith.constant 0 : i32
      %dma_start3A_32 = tpu.memref_slice %dma_start3A_30[%mul3A_2, %dma_start3A_31] : memref<10240x128xf32, #tpu.memory_space<hbm>> -> memref<640x128xf32, #tpu.memory_space<hbm>>
      %dma_start3A_33 = arith.constant 0 : i32
      %dma_start3A_34 = tpu.memref_slice %arg6[%mul3A_2, %dma_start3A_33] : memref<10240x128xf32, #tpu.memory_space<vmem_shared>> -> memref<640x128xf32, #tpu.memory_space<vmem_shared>>
      tpu.enqueue_dma source(%dma_start3A_34 : memref<640x128xf32, #tpu.memory_space<vmem_shared>>) target(%dma_start3A_32 : memref<640x128xf32, #tpu.memory_space<hbm>>) target_semaphore(%run_scoped3A : memref<!tpu.dma_semaphore, #tpu.memory_space<semaphore_mem>>)
      %dma_wait3A = arith.constant 0 : i32
      %dma_wait3A_35 = arith.constant 0 : i32
      %dma_wait3A_36 = tpu.memref_slice %arg5[%arg0, %dma_wait3A, %dma_wait3A_35] : memref<2x10240x128xf32, #tpu.memory_space<hbm>> -> memref<1x10240x128xf32, #tpu.memory_space<hbm>>
      %dma_wait3A_37 = tpu.memref_squeeze %dma_wait3A_36 : memref<1x10240x128xf32, #tpu.memory_space<hbm>> -> memref<10240x128xf32, #tpu.memory_space<hbm>>
      %dma_wait3A_38 = arith.constant 0 : i32
      %dma_wait3A_39 = tpu.memref_slice %dma_wait3A_37[%mul3A_2, %dma_wait3A_38] : memref<10240x128xf32, #tpu.memory_space<hbm>> -> memref<640x128xf32, #tpu.memory_space<hbm>>
      %dma_wait3A_40 = arith.constant 0 : i32
      %dma_wait3A_41 = tpu.memref_slice %arg6[%mul3A_2, %dma_wait3A_40] : memref<10240x128xf32, #tpu.memory_space<vmem_shared>> -> memref<640x128xf32, #tpu.memory_space<vmem_shared>>
      tpu.wait_dma2 semaphore(%run_scoped3A : memref<!tpu.dma_semaphore, #tpu.memory_space<semaphore_mem>>) src(%dma_wait3A_41 : memref<640x128xf32, #tpu.memory_space<vmem_shared>>) dst(%dma_wait3A_39 : memref<640x128xf32, #tpu.memory_space<hbm>>)
      tpu.yield
    }) : () -> ()
    return
  }
}

module attributes {stable_mosaic.version = 14 : i64} {
  func.func @_x0_body(%arg0: i32, %arg1: memref<1000x1xf32, #tpu.memory_space<vmem>>, %arg2: memref<1x32xf32, #tpu.memory_space<vmem>>, %arg3: memref<1x32xf32, #tpu.memory_space<vmem>>, %arg4: memref<1000x128xf32, #tpu.memory_space<vmem>>) attributes {dimension_semantics = [#tpu.dimension_semantics<arbitrary>], iteration_bounds = array<i64: 10>, scalar_prefetch = 0 : i64, scratch_operands = 0 : i64, tpu.core_type = #tpu.core_type<tc>, window_params = [{transform_indices = @transform_0, window_bounds = array<i64: 1000, 1>}, {pipeline_mode = #tpu.pipeline_mode<synchronous>, transform_indices = @transform_1, window_bounds = array<i64: 1, 32>}, {pipeline_mode = #tpu.pipeline_mode<synchronous>, transform_indices = @transform_2, window_bounds = array<i64: 1, 32>}, {transform_indices = @transform_3, window_bounds = array<i64: 1000, 128>}]} {
    %get3A = arith.constant 0 : index
    %get3A_0 = arith.constant 0 : index
    %get3A_1 = vector.load %arg1[%get3A, %get3A_0] : memref<1000x1xf32, #tpu.memory_space<vmem>>, vector<1000x1xf32>
    %get3A_2 = arith.constant 0 : index
    %get3A_3 = arith.constant 0 : index
    %get3A_4 = vector.load %arg2[%get3A_2, %get3A_3] : memref<1x32xf32, #tpu.memory_space<vmem>>, vector<1x32xf32>
    %mul3A = vector.broadcast %get3A_1 : vector<1000x1xf32> to vector<1000x32xf32>
    %mul3A_5 = vector.broadcast %get3A_4 : vector<1x32xf32> to vector<1000x32xf32>
    %mul3A_6 = arith.mulf %mul3A, %mul3A_5 : vector<1000x32xf32>
    %get3A_7 = arith.constant 0 : index
    %get3A_8 = arith.constant 0 : index
    %get3A_9 = vector.load %arg3[%get3A_7, %get3A_8] : memref<1x32xf32, #tpu.memory_space<vmem>>, vector<1x32xf32>
    %add3A = vector.broadcast %get3A_9 : vector<1x32xf32> to vector<1000x32xf32>
    %add3A_10 = arith.addf %mul3A_6, %add3A : vector<1000x32xf32>
    %broadcast_in_dim3A = arith.constant 0.000000e+00 : f32
    %broadcast_in_dim3A_11 = vector.broadcast %broadcast_in_dim3A : f32 to vector<1000x96xf32>
    %concatenate3A = tpu.concatenate %add3A_10, %broadcast_in_dim3A_11 in 1 : vector<1000x32xf32>, vector<1000x96xf32> -> vector<1000x128xf32>
    %swap3A = arith.constant 0 : index
    %swap3A_12 = arith.constant 0 : index
    %swap3A_13 = vector.load %arg4[%swap3A, %swap3A_12] : memref<1000x128xf32, #tpu.memory_space<vmem>>, vector<1000x128xf32>
    tpu.vector_store %arg4[%swap3A, %swap3A_12], %concatenate3A {strides = array<i32>} : memref<1000x128xf32, #tpu.memory_space<vmem>>, vector<1000x128xf32>,
    return
  }
  func.func @transform_0(%arg0: i32) -> (i32, i32) {
    %c0_i32 = arith.constant 0 : i32
    %c0_i32_0 = arith.constant 0 : i32
    return %arg0, %c0_i32 : i32, i32
  }
  func.func @transform_1(%arg0: i32) -> (i32, i32) {
    %c0_i32 = arith.constant 0 : i32
    %c0_i32_0 = arith.constant 0 : i32
    %c0_i32_1 = arith.constant 0 : i32
    return %c0_i32, %c0_i32_0 : i32, i32
  }
  func.func @transform_2(%arg0: i32) -> (i32, i32) {
    %c0_i32 = arith.constant 0 : i32
    %c0_i32_0 = arith.constant 0 : i32
    %c0_i32_1 = arith.constant 0 : i32
    return %c0_i32, %c0_i32_0 : i32, i32
  }
  func.func @transform_3(%arg0: i32) -> (i32, i32) {
    %c0_i32 = arith.constant 0 : i32
    %c0_i32_0 = arith.constant 0 : i32
    return %arg0, %c0_i32 : i32, i32
  }
}

module attributes {stable_mosaic.version = 14 : i64} {
  func.func @_msg_body(%arg0: i32, %arg1: memref<512x4xf32, #tpu.memory_space<vmem>>, %arg2: memref<512x128xf32, #tpu.memory_space<vmem>>, %arg3: memref<4x64xf32, #tpu.memory_space<vmem>>, %arg4: memref<1x64xf32, #tpu.memory_space<vmem>>, %arg5: memref<64x128xf32, #tpu.memory_space<vmem>>, %arg6: memref<1x128xf32, #tpu.memory_space<vmem>>, %arg7: memref<128x1024xf32, #tpu.memory_space<vmem>>, %arg8: memref<1x1024xf32, #tpu.memory_space<vmem>>, %arg9: memref<128x1024xf32, #tpu.memory_space<vmem>>, %arg10: memref<128x32xf32, #tpu.memory_space<vmem>>, %arg11: memref<512x128xf32, #tpu.memory_space<vmem>>) attributes {dimension_semantics = [#tpu.dimension_semantics<arbitrary>], iteration_bounds = array<i64: 320>, scalar_prefetch = 0 : i64, scratch_operands = 0 : i64, tpu.core_type = #tpu.core_type<tc>, window_params = [{transform_indices = @transform_0, window_bounds = array<i64: 512, 4>}, {transform_indices = @transform_1, window_bounds = array<i64: 512, 128>}, {pipeline_mode = #tpu.pipeline_mode<synchronous>, transform_indices = @transform_2, window_bounds = array<i64: 4, 64>}, {pipeline_mode = #tpu.pipeline_mode<synchronous>, transform_indices = @transform_3, window_bounds = array<i64: 1, 64>}, {pipeline_mode = #tpu.pipeline_mode<synchronous>, transform_indices = @transform_4, window_bounds = array<i64: 64, 128>}, {pipeline_mode = #tpu.pipeline_mode<synchronous>, transform_indices = @transform_5, window_bounds = array<i64: 1, 128>}, {pipeline_mode = #tpu.pipeline_mode<synchronous>, transform_indices = @transform_6, window_bounds = array<i64: 128, 1024>}, {pipeline_mode = #tpu.pipeline_mode<synchronous>, transform_indices = @transform_7, window_bounds = array<i64: 1, 1024>}, {pipeline_mode = #tpu.pipeline_mode<synchronous>, transform_indices = @transform_8, window_bounds = array<i64: 128, 1024>}, {pipeline_mode = #tpu.pipeline_mode<synchronous>, transform_indices = @transform_9, window_bounds = array<i64: 128, 32>}, {transform_indices = @transform_10, window_bounds = array<i64: 512, 128>}]} {
    %get3A = arith.constant 0 : index
    %get3A_0 = arith.constant 0 : index
    %get3A_1 = vector.load %arg1[%get3A, %get3A_0] : memref<512x4xf32, #tpu.memory_space<vmem>>, vector<512x4xf32>
    %get3A_2 = arith.constant 0 : index
    %get3A_3 = arith.constant 0 : index
    %get3A_4 = vector.load %arg3[%get3A_2, %get3A_3] : memref<4x64xf32, #tpu.memory_space<vmem>>, vector<4x64xf32>
    %dot_general3A = arith.constant dense<0.000000e+00> : vector<512x64xf32>
    %dot_general3A_5 = tpu.matmul %get3A_1, %get3A_4, %dot_general3A {dimension_numbers = #tpu.dot_dimension_numbers<[1], [0], [0], [1], [0, 0, 1, 1], [], []>, transpose_lhs_hint = false} : vector<512x4xf32>, vector<4x64xf32>, vector<512x64xf32> -> vector<512x64xf32>
    %get3A_6 = arith.constant 0 : index
    %get3A_7 = arith.constant 0 : index
    %get3A_8 = vector.load %arg4[%get3A_6, %get3A_7] : memref<1x64xf32, #tpu.memory_space<vmem>>, vector<1x64xf32>
    %add3A = vector.broadcast %get3A_8 : vector<1x64xf32> to vector<512x64xf32>
    %add3A_9 = arith.addf %dot_general3A_5, %add3A : vector<512x64xf32>
    %max3A = arith.constant 0.000000e+00 : f32
    %max3A_10 = vector.broadcast %max3A : f32 to vector<512x64xf32>
    %max3A_11 = arith.maximumf %add3A_9, %max3A_10 : vector<512x64xf32>
    %get3A_12 = arith.constant 0 : index
    %get3A_13 = arith.constant 0 : index
    %get3A_14 = vector.load %arg5[%get3A_12, %get3A_13] : memref<64x128xf32, #tpu.memory_space<vmem>>, vector<64x128xf32>
    %dot_general3A_15 = arith.constant dense<0.000000e+00> : vector<512x128xf32>
    %dot_general3A_16 = tpu.matmul %max3A_11, %get3A_14, %dot_general3A_15 {dimension_numbers = #tpu.dot_dimension_numbers<[1], [0], [0], [1], [0, 0, 1, 1], [], []>, transpose_lhs_hint = false} : vector<512x64xf32>, vector<64x128xf32>, vector<512x128xf32> -> vector<512x128xf32>
    %get3A_17 = arith.constant 0 : index
    %get3A_18 = arith.constant 0 : index
    %get3A_19 = vector.load %arg6[%get3A_17, %get3A_18] : memref<1x128xf32, #tpu.memory_space<vmem>>, vector<1x128xf32>
    %add3A_20 = vector.broadcast %get3A_19 : vector<1x128xf32> to vector<512x128xf32>
    %add3A_21 = arith.addf %dot_general3A_16, %add3A_20 : vector<512x128xf32>
    %max3A_22 = arith.constant 0.000000e+00 : f32
    %max3A_23 = vector.broadcast %max3A_22 : f32 to vector<512x128xf32>
    %max3A_24 = arith.maximumf %add3A_21, %max3A_23 : vector<512x128xf32>
    %get3A_25 = arith.constant 0 : index
    %get3A_26 = arith.constant 0 : index
    %get3A_27 = vector.load %arg7[%get3A_25, %get3A_26] : memref<128x1024xf32, #tpu.memory_space<vmem>>, vector<128x1024xf32>
    %dot_general3A_28 = arith.constant dense<0.000000e+00> : vector<512x1024xf32>
    %dot_general3A_29 = tpu.matmul %max3A_24, %get3A_27, %dot_general3A_28 {dimension_numbers = #tpu.dot_dimension_numbers<[1], [0], [0], [1], [0, 0, 1, 1], [], []>, transpose_lhs_hint = false} : vector<512x128xf32>, vector<128x1024xf32>, vector<512x1024xf32> -> vector<512x1024xf32>
    %get3A_30 = arith.constant 0 : index
    %get3A_31 = arith.constant 0 : index
    %get3A_32 = vector.load %arg8[%get3A_30, %get3A_31] : memref<1x1024xf32, #tpu.memory_space<vmem>>, vector<1x1024xf32>
    %add3A_33 = vector.broadcast %get3A_32 : vector<1x1024xf32> to vector<512x1024xf32>
    %add3A_34 = arith.addf %dot_general3A_29, %add3A_33 : vector<512x1024xf32>
    %get3A_35 = arith.constant 0 : index
    %get3A_36 = arith.constant 0 : index
    %get3A_37 = vector.load %arg2[%get3A_35, %get3A_36] : memref<512x128xf32, #tpu.memory_space<vmem>>, vector<512x128xf32>
    %get3A_38 = arith.constant 0 : index
    %get3A_39 = arith.constant 0 : index
    %get3A_40 = vector.load %arg9[%get3A_38, %get3A_39] : memref<128x1024xf32, #tpu.memory_space<vmem>>, vector<128x1024xf32>
    %dot_general3A_41 = arith.constant dense<0.000000e+00> : vector<512x1024xf32>
    %dot_general3A_42 = tpu.matmul %get3A_37, %get3A_40, %dot_general3A_41 {dimension_numbers = #tpu.dot_dimension_numbers<[1], [0], [0], [1], [0, 0, 1, 1], [], []>, transpose_lhs_hint = false} : vector<512x128xf32>, vector<128x1024xf32>, vector<512x1024xf32> -> vector<512x1024xf32>
    %mul3A = arith.mulf %add3A_34, %dot_general3A_42 : vector<512x1024xf32>
    %slice3A = vector.extract_strided_slice %mul3A {offsets = [0, 0], sizes = [512, 512], strides = [1, 1]} : vector<512x1024xf32> to vector<512x512xf32>
    %slice3A_43 = vector.extract_strided_slice %mul3A {offsets = [0, 512], sizes = [512, 512], strides = [1, 1]} : vector<512x1024xf32> to vector<512x512xf32>
    %add3A_44 = arith.addf %slice3A, %slice3A_43 : vector<512x512xf32>
    %slice3A_45 = vector.extract_strided_slice %add3A_44 {offsets = [0, 0], sizes = [512, 256], strides = [1, 1]} : vector<512x512xf32> to vector<512x256xf32>
    %slice3A_46 = vector.extract_strided_slice %add3A_44 {offsets = [0, 256], sizes = [512, 256], strides = [1, 1]} : vector<512x512xf32> to vector<512x256xf32>
    %add3A_47 = arith.addf %slice3A_45, %slice3A_46 : vector<512x256xf32>
    %slice3A_48 = vector.extract_strided_slice %add3A_47 {offsets = [0, 0], sizes = [512, 128], strides = [1, 1]} : vector<512x256xf32> to vector<512x128xf32>
    %slice3A_49 = vector.extract_strided_slice %add3A_47 {offsets = [0, 128], sizes = [512, 128], strides = [1, 1]} : vector<512x256xf32> to vector<512x128xf32>
    %add3A_50 = arith.addf %slice3A_48, %slice3A_49 : vector<512x128xf32>
    %get3A_51 = arith.constant 0 : index
    %get3A_52 = arith.constant 0 : index
    %get3A_53 = vector.load %arg10[%get3A_51, %get3A_52] : memref<128x32xf32, #tpu.memory_space<vmem>>, vector<128x32xf32>
    %dot_general3A_54 = arith.constant dense<0.000000e+00> : vector<512x32xf32>
    %dot_general3A_55 = tpu.matmul %add3A_50, %get3A_53, %dot_general3A_54 {dimension_numbers = #tpu.dot_dimension_numbers<[1], [0], [0], [1], [0, 0, 1, 1], [], []>, transpose_lhs_hint = false} : vector<512x128xf32>, vector<128x32xf32>, vector<512x32xf32> -> vector<512x32xf32>
    %broadcast_in_dim3A = arith.constant 1.000000e+00 : f32
    %broadcast_in_dim3A_56 = vector.broadcast %broadcast_in_dim3A : f32 to vector<512x1xf32>
    %broadcast_in_dim3A_57 = arith.constant 0.000000e+00 : f32
    %broadcast_in_dim3A_58 = vector.broadcast %broadcast_in_dim3A_57 : f32 to vector<512x95xf32>
    %concatenate3A = tpu.concatenate %dot_general3A_55, %broadcast_in_dim3A_56, %broadcast_in_dim3A_58 in 1 : vector<512x32xf32>, vector<512x1xf32>, vector<512x95xf32> -> vector<512x128xf32>
    %swap3A = arith.constant 0 : index
    %swap3A_59 = arith.constant 0 : index
    %swap3A_60 = vector.load %arg11[%swap3A, %swap3A_59] : memref<512x128xf32, #tpu.memory_space<vmem>>, vector<512x128xf32>
    tpu.vector_store %arg11[%swap3A, %swap3A_59], %concatenate3A {strides = array<i32>} : memref<512x128xf32, #tpu.memory_space<vmem>>, vector<512x128xf32>,
    return
  }
  func.func @transform_0(%arg0: i32) -> (i32, i32) {
    %c0_i32 = arith.constant 0 : i32
    %c0_i32_0 = arith.constant 0 : i32
    return %arg0, %c0_i32 : i32, i32
  }
  func.func @transform_1(%arg0: i32) -> (i32, i32) {
    %c0_i32 = arith.constant 0 : i32
    %c0_i32_0 = arith.constant 0 : i32
    return %arg0, %c0_i32 : i32, i32
  }
  func.func @transform_2(%arg0: i32) -> (i32, i32) {
    %c0_i32 = arith.constant 0 : i32
    %c0_i32_0 = arith.constant 0 : i32
    %c0_i32_1 = arith.constant 0 : i32
    return %c0_i32, %c0_i32_0 : i32, i32
  }
  func.func @transform_3(%arg0: i32) -> (i32, i32) {
    %c0_i32 = arith.constant 0 : i32
    %c0_i32_0 = arith.constant 0 : i32
    %c0_i32_1 = arith.constant 0 : i32
    return %c0_i32, %c0_i32_0 : i32, i32
  }
  func.func @transform_4(%arg0: i32) -> (i32, i32) {
    %c0_i32 = arith.constant 0 : i32
    %c0_i32_0 = arith.constant 0 : i32
    %c0_i32_1 = arith.constant 0 : i32
    return %c0_i32, %c0_i32_0 : i32, i32
  }
  func.func @transform_5(%arg0: i32) -> (i32, i32) {
    %c0_i32 = arith.constant 0 : i32
    %c0_i32_0 = arith.constant 0 : i32
    %c0_i32_1 = arith.constant 0 : i32
    return %c0_i32, %c0_i32_0 : i32, i32
  }
  func.func @transform_6(%arg0: i32) -> (i32, i32) {
    %c0_i32 = arith.constant 0 : i32
    %c0_i32_0 = arith.constant 0 : i32
    %c0_i32_1 = arith.constant 0 : i32
    return %c0_i32, %c0_i32_0 : i32, i32
  }
  func.func @transform_7(%arg0: i32) -> (i32, i32) {
    %c0_i32 = arith.constant 0 : i32
    %c0_i32_0 = arith.constant 0 : i32
    %c0_i32_1 = arith.constant 0 : i32
    return %c0_i32, %c0_i32_0 : i32, i32
  }
  func.func @transform_8(%arg0: i32) -> (i32, i32) {
    %c0_i32 = arith.constant 0 : i32
    %c0_i32_0 = arith.constant 0 : i32
    %c0_i32_1 = arith.constant 0 : i32
    return %c0_i32, %c0_i32_0 : i32, i32
  }
  func.func @transform_9(%arg0: i32) -> (i32, i32) {
    %c0_i32 = arith.constant 0 : i32
    %c0_i32_0 = arith.constant 0 : i32
    %c0_i32_1 = arith.constant 0 : i32
    return %c0_i32, %c0_i32_0 : i32, i32
  }
  func.func @transform_10(%arg0: i32) -> (i32, i32) {
    %c0_i32 = arith.constant 0 : i32
    %c0_i32_0 = arith.constant 0 : i32
    return %arg0, %c0_i32 : i32, i32
  }
}

module attributes {stable_mosaic.version = 14 : i64} {
  func.func @_msg_body(%arg0: i32, %arg1: memref<512x4xf32, #tpu.memory_space<vmem>>, %arg2: memref<512x128xf32, #tpu.memory_space<vmem>>, %arg3: memref<4x64xf32, #tpu.memory_space<vmem>>, %arg4: memref<1x64xf32, #tpu.memory_space<vmem>>, %arg5: memref<64x128xf32, #tpu.memory_space<vmem>>, %arg6: memref<1x128xf32, #tpu.memory_space<vmem>>, %arg7: memref<128x1024xf32, #tpu.memory_space<vmem>>, %arg8: memref<1x1024xf32, #tpu.memory_space<vmem>>, %arg9: memref<128x1024xf32, #tpu.memory_space<vmem>>, %arg10: memref<128x32xf32, #tpu.memory_space<vmem>>, %arg11: memref<512x128xf32, #tpu.memory_space<vmem>>) attributes {dimension_semantics = [#tpu.dimension_semantics<arbitrary>], iteration_bounds = array<i64: 32>, scalar_prefetch = 0 : i64, scratch_operands = 0 : i64, tpu.core_type = #tpu.core_type<tc>, window_params = [{transform_indices = @transform_0, window_bounds = array<i64: 512, 4>}, {transform_indices = @transform_1, window_bounds = array<i64: 512, 128>}, {pipeline_mode = #tpu.pipeline_mode<synchronous>, transform_indices = @transform_2, window_bounds = array<i64: 4, 64>}, {pipeline_mode = #tpu.pipeline_mode<synchronous>, transform_indices = @transform_3, window_bounds = array<i64: 1, 64>}, {pipeline_mode = #tpu.pipeline_mode<synchronous>, transform_indices = @transform_4, window_bounds = array<i64: 64, 128>}, {pipeline_mode = #tpu.pipeline_mode<synchronous>, transform_indices = @transform_5, window_bounds = array<i64: 1, 128>}, {pipeline_mode = #tpu.pipeline_mode<synchronous>, transform_indices = @transform_6, window_bounds = array<i64: 128, 1024>}, {pipeline_mode = #tpu.pipeline_mode<synchronous>, transform_indices = @transform_7, window_bounds = array<i64: 1, 1024>}, {pipeline_mode = #tpu.pipeline_mode<synchronous>, transform_indices = @transform_8, window_bounds = array<i64: 128, 1024>}, {pipeline_mode = #tpu.pipeline_mode<synchronous>, transform_indices = @transform_9, window_bounds = array<i64: 128, 32>}, {transform_indices = @transform_10, window_bounds = array<i64: 512, 128>}]} {
    %get3A = arith.constant 0 : index
    %get3A_0 = arith.constant 0 : index
    %get3A_1 = vector.load %arg1[%get3A, %get3A_0] : memref<512x4xf32, #tpu.memory_space<vmem>>, vector<512x4xf32>
    %get3A_2 = arith.constant 0 : index
    %get3A_3 = arith.constant 0 : index
    %get3A_4 = vector.load %arg3[%get3A_2, %get3A_3] : memref<4x64xf32, #tpu.memory_space<vmem>>, vector<4x64xf32>
    %dot_general3A = arith.constant dense<0.000000e+00> : vector<512x64xf32>
    %dot_general3A_5 = tpu.matmul %get3A_1, %get3A_4, %dot_general3A {dimension_numbers = #tpu.dot_dimension_numbers<[1], [0], [0], [1], [0, 0, 1, 1], [], []>, transpose_lhs_hint = false} : vector<512x4xf32>, vector<4x64xf32>, vector<512x64xf32> -> vector<512x64xf32>
    %get3A_6 = arith.constant 0 : index
    %get3A_7 = arith.constant 0 : index
    %get3A_8 = vector.load %arg4[%get3A_6, %get3A_7] : memref<1x64xf32, #tpu.memory_space<vmem>>, vector<1x64xf32>
    %add3A = vector.broadcast %get3A_8 : vector<1x64xf32> to vector<512x64xf32>
    %add3A_9 = arith.addf %dot_general3A_5, %add3A : vector<512x64xf32>
    %max3A = arith.constant 0.000000e+00 : f32
    %max3A_10 = vector.broadcast %max3A : f32 to vector<512x64xf32>
    %max3A_11 = arith.maximumf %add3A_9, %max3A_10 : vector<512x64xf32>
    %get3A_12 = arith.constant 0 : index
    %get3A_13 = arith.constant 0 : index
    %get3A_14 = vector.load %arg5[%get3A_12, %get3A_13] : memref<64x128xf32, #tpu.memory_space<vmem>>, vector<64x128xf32>
    %dot_general3A_15 = arith.constant dense<0.000000e+00> : vector<512x128xf32>
    %dot_general3A_16 = tpu.matmul %max3A_11, %get3A_14, %dot_general3A_15 {dimension_numbers = #tpu.dot_dimension_numbers<[1], [0], [0], [1], [0, 0, 1, 1], [], []>, transpose_lhs_hint = false} : vector<512x64xf32>, vector<64x128xf32>, vector<512x128xf32> -> vector<512x128xf32>
    %get3A_17 = arith.constant 0 : index
    %get3A_18 = arith.constant 0 : index
    %get3A_19 = vector.load %arg6[%get3A_17, %get3A_18] : memref<1x128xf32, #tpu.memory_space<vmem>>, vector<1x128xf32>
    %add3A_20 = vector.broadcast %get3A_19 : vector<1x128xf32> to vector<512x128xf32>
    %add3A_21 = arith.addf %dot_general3A_16, %add3A_20 : vector<512x128xf32>
    %max3A_22 = arith.constant 0.000000e+00 : f32
    %max3A_23 = vector.broadcast %max3A_22 : f32 to vector<512x128xf32>
    %max3A_24 = arith.maximumf %add3A_21, %max3A_23 : vector<512x128xf32>
    %get3A_25 = arith.constant 0 : index
    %get3A_26 = arith.constant 0 : index
    %get3A_27 = vector.load %arg7[%get3A_25, %get3A_26] : memref<128x1024xf32, #tpu.memory_space<vmem>>, vector<128x1024xf32>
    %dot_general3A_28 = arith.constant dense<0.000000e+00> : vector<512x1024xf32>
    %dot_general3A_29 = tpu.matmul %max3A_24, %get3A_27, %dot_general3A_28 {dimension_numbers = #tpu.dot_dimension_numbers<[1], [0], [0], [1], [0, 0, 1, 1], [], []>, transpose_lhs_hint = false} : vector<512x128xf32>, vector<128x1024xf32>, vector<512x1024xf32> -> vector<512x1024xf32>
    %get3A_30 = arith.constant 0 : index
    %get3A_31 = arith.constant 0 : index
    %get3A_32 = vector.load %arg8[%get3A_30, %get3A_31] : memref<1x1024xf32, #tpu.memory_space<vmem>>, vector<1x1024xf32>
    %add3A_33 = vector.broadcast %get3A_32 : vector<1x1024xf32> to vector<512x1024xf32>
    %add3A_34 = arith.addf %dot_general3A_29, %add3A_33 : vector<512x1024xf32>
    %get3A_35 = arith.constant 0 : index
    %get3A_36 = arith.constant 0 : index
    %get3A_37 = vector.load %arg2[%get3A_35, %get3A_36] : memref<512x128xf32, #tpu.memory_space<vmem>>, vector<512x128xf32>
    %get3A_38 = arith.constant 0 : index
    %get3A_39 = arith.constant 0 : index
    %get3A_40 = vector.load %arg9[%get3A_38, %get3A_39] : memref<128x1024xf32, #tpu.memory_space<vmem>>, vector<128x1024xf32>
    %dot_general3A_41 = arith.constant dense<0.000000e+00> : vector<512x1024xf32>
    %dot_general3A_42 = tpu.matmul %get3A_37, %get3A_40, %dot_general3A_41 {dimension_numbers = #tpu.dot_dimension_numbers<[1], [0], [0], [1], [0, 0, 1, 1], [], []>, transpose_lhs_hint = false} : vector<512x128xf32>, vector<128x1024xf32>, vector<512x1024xf32> -> vector<512x1024xf32>
    %mul3A = arith.mulf %add3A_34, %dot_general3A_42 : vector<512x1024xf32>
    %slice3A = vector.extract_strided_slice %mul3A {offsets = [0, 0], sizes = [512, 512], strides = [1, 1]} : vector<512x1024xf32> to vector<512x512xf32>
    %slice3A_43 = vector.extract_strided_slice %mul3A {offsets = [0, 512], sizes = [512, 512], strides = [1, 1]} : vector<512x1024xf32> to vector<512x512xf32>
    %add3A_44 = arith.addf %slice3A, %slice3A_43 : vector<512x512xf32>
    %slice3A_45 = vector.extract_strided_slice %add3A_44 {offsets = [0, 0], sizes = [512, 256], strides = [1, 1]} : vector<512x512xf32> to vector<512x256xf32>
    %slice3A_46 = vector.extract_strided_slice %add3A_44 {offsets = [0, 256], sizes = [512, 256], strides = [1, 1]} : vector<512x512xf32> to vector<512x256xf32>
    %add3A_47 = arith.addf %slice3A_45, %slice3A_46 : vector<512x256xf32>
    %slice3A_48 = vector.extract_strided_slice %add3A_47 {offsets = [0, 0], sizes = [512, 128], strides = [1, 1]} : vector<512x256xf32> to vector<512x128xf32>
    %slice3A_49 = vector.extract_strided_slice %add3A_47 {offsets = [0, 128], sizes = [512, 128], strides = [1, 1]} : vector<512x256xf32> to vector<512x128xf32>
    %add3A_50 = arith.addf %slice3A_48, %slice3A_49 : vector<512x128xf32>
    %get3A_51 = arith.constant 0 : index
    %get3A_52 = arith.constant 0 : index
    %get3A_53 = vector.load %arg10[%get3A_51, %get3A_52] : memref<128x32xf32, #tpu.memory_space<vmem>>, vector<128x32xf32>
    %dot_general3A_54 = arith.constant dense<0.000000e+00> : vector<512x32xf32>
    %dot_general3A_55 = tpu.matmul %add3A_50, %get3A_53, %dot_general3A_54 {dimension_numbers = #tpu.dot_dimension_numbers<[1], [0], [0], [1], [0, 0, 1, 1], [], []>, transpose_lhs_hint = false} : vector<512x128xf32>, vector<128x32xf32>, vector<512x32xf32> -> vector<512x32xf32>
    %broadcast_in_dim3A = arith.constant 1.000000e+00 : f32
    %broadcast_in_dim3A_56 = vector.broadcast %broadcast_in_dim3A : f32 to vector<512x1xf32>
    %broadcast_in_dim3A_57 = arith.constant 0.000000e+00 : f32
    %broadcast_in_dim3A_58 = vector.broadcast %broadcast_in_dim3A_57 : f32 to vector<512x95xf32>
    %concatenate3A = tpu.concatenate %dot_general3A_55, %broadcast_in_dim3A_56, %broadcast_in_dim3A_58 in 1 : vector<512x32xf32>, vector<512x1xf32>, vector<512x95xf32> -> vector<512x128xf32>
    %swap3A = arith.constant 0 : index
    %swap3A_59 = arith.constant 0 : index
    %swap3A_60 = vector.load %arg11[%swap3A, %swap3A_59] : memref<512x128xf32, #tpu.memory_space<vmem>>, vector<512x128xf32>
    tpu.vector_store %arg11[%swap3A, %swap3A_59], %concatenate3A {strides = array<i32>} : memref<512x128xf32, #tpu.memory_space<vmem>>, vector<512x128xf32>,
    return
  }
  func.func @transform_0(%arg0: i32) -> (i32, i32) {
    %c0_i32 = arith.constant 0 : i32
    %c0_i32_0 = arith.constant 0 : i32
    return %arg0, %c0_i32 : i32, i32
  }
  func.func @transform_1(%arg0: i32) -> (i32, i32) {
    %c0_i32 = arith.constant 0 : i32
    %c0_i32_0 = arith.constant 0 : i32
    return %arg0, %c0_i32 : i32, i32
  }
  func.func @transform_2(%arg0: i32) -> (i32, i32) {
    %c0_i32 = arith.constant 0 : i32
    %c0_i32_0 = arith.constant 0 : i32
    %c0_i32_1 = arith.constant 0 : i32
    return %c0_i32, %c0_i32_0 : i32, i32
  }
  func.func @transform_3(%arg0: i32) -> (i32, i32) {
    %c0_i32 = arith.constant 0 : i32
    %c0_i32_0 = arith.constant 0 : i32
    %c0_i32_1 = arith.constant 0 : i32
    return %c0_i32, %c0_i32_0 : i32, i32
  }
  func.func @transform_4(%arg0: i32) -> (i32, i32) {
    %c0_i32 = arith.constant 0 : i32
    %c0_i32_0 = arith.constant 0 : i32
    %c0_i32_1 = arith.constant 0 : i32
    return %c0_i32, %c0_i32_0 : i32, i32
  }
  func.func @transform_5(%arg0: i32) -> (i32, i32) {
    %c0_i32 = arith.constant 0 : i32
    %c0_i32_0 = arith.constant 0 : i32
    %c0_i32_1 = arith.constant 0 : i32
    return %c0_i32, %c0_i32_0 : i32, i32
  }
  func.func @transform_6(%arg0: i32) -> (i32, i32) {
    %c0_i32 = arith.constant 0 : i32
    %c0_i32_0 = arith.constant 0 : i32
    %c0_i32_1 = arith.constant 0 : i32
    return %c0_i32, %c0_i32_0 : i32, i32
  }
  func.func @transform_7(%arg0: i32) -> (i32, i32) {
    %c0_i32 = arith.constant 0 : i32
    %c0_i32_0 = arith.constant 0 : i32
    %c0_i32_1 = arith.constant 0 : i32
    return %c0_i32, %c0_i32_0 : i32, i32
  }
  func.func @transform_8(%arg0: i32) -> (i32, i32) {
    %c0_i32 = arith.constant 0 : i32
    %c0_i32_0 = arith.constant 0 : i32
    %c0_i32_1 = arith.constant 0 : i32
    return %c0_i32, %c0_i32_0 : i32, i32
  }
  func.func @transform_9(%arg0: i32) -> (i32, i32) {
    %c0_i32 = arith.constant 0 : i32
    %c0_i32_0 = arith.constant 0 : i32
    %c0_i32_1 = arith.constant 0 : i32
    return %c0_i32, %c0_i32_0 : i32, i32
  }
  func.func @transform_10(%arg0: i32) -> (i32, i32) {
    %c0_i32 = arith.constant 0 : i32
    %c0_i32_0 = arith.constant 0 : i32
    return %arg0, %c0_i32 : i32, i32
  }
}

module attributes {stable_mosaic.version = 14 : i64} {
  func.func @_comb_body(%arg0: i32, %arg1: memref<1000x128xf32, #tpu.memory_space<vmem>>, %arg2: memref<1000x128xf32, #tpu.memory_space<vmem>>, %arg3: memref<1000x128xf32, #tpu.memory_space<vmem>>, %arg4: memref<1000x128xf32, #tpu.memory_space<vmem>>, %arg5: memref<1000x128xf32, #tpu.memory_space<vmem>>, %arg6: memref<1000x128xf32, #tpu.memory_space<vmem>>, %arg7: memref<32x32xf32, #tpu.memory_space<vmem>>, %arg8: memref<1x32xf32, #tpu.memory_space<vmem>>, %arg9: memref<32x32xf32, #tpu.memory_space<vmem>>, %arg10: memref<1x32xf32, #tpu.memory_space<vmem>>, %arg11: memref<1000x128xf32, #tpu.memory_space<vmem>>) attributes {dimension_semantics = [#tpu.dimension_semantics<arbitrary>], iteration_bounds = array<i64: 10>, scalar_prefetch = 0 : i64, scratch_operands = 0 : i64, tpu.core_type = #tpu.core_type<tc>, window_params = [{transform_indices = @transform_0, window_bounds = array<i64: 1000, 128>}, {transform_indices = @transform_1, window_bounds = array<i64: 1000, 128>}, {transform_indices = @transform_2, window_bounds = array<i64: 1000, 128>}, {transform_indices = @transform_3, window_bounds = array<i64: 1000, 128>}, {transform_indices = @transform_4, window_bounds = array<i64: 1000, 128>}, {transform_indices = @transform_5, window_bounds = array<i64: 1000, 128>}, {pipeline_mode = #tpu.pipeline_mode<synchronous>, transform_indices = @transform_6, window_bounds = array<i64: 32, 32>}, {pipeline_mode = #tpu.pipeline_mode<synchronous>, transform_indices = @transform_7, window_bounds = array<i64: 1, 32>}, {pipeline_mode = #tpu.pipeline_mode<synchronous>, transform_indices = @transform_8, window_bounds = array<i64: 32, 32>}, {pipeline_mode = #tpu.pipeline_mode<synchronous>, transform_indices = @transform_9, window_bounds = array<i64: 1, 32>}, {transform_indices = @transform_10, window_bounds = array<i64: 1000, 128>}]} {
    %get3A = arith.constant 0 : index
    %get3A_0 = arith.constant 0 : index
    %get3A_1 = vector.load %arg1[%get3A, %get3A_0] : memref<1000x128xf32, #tpu.memory_space<vmem>>, vector<1000x32xf32>
    %get3A_2 = arith.constant 0 : index
    %get3A_3 = arith.constant 0 : index
    %get3A_4 = vector.load %arg3[%get3A_2, %get3A_3] : memref<1000x128xf32, #tpu.memory_space<vmem>>, vector<1000x128xf32>
    %get3A_5 = arith.constant 0 : index
    %get3A_6 = arith.constant 0 : index
    %get3A_7 = vector.load %arg4[%get3A_5, %get3A_6] : memref<1000x128xf32, #tpu.memory_space<vmem>>, vector<1000x128xf32>
    %add3A = arith.addf %get3A_4, %get3A_7 : vector<1000x128xf32>
    %get3A_8 = arith.constant 0 : index
    %get3A_9 = arith.constant 0 : index
    %get3A_10 = vector.load %arg5[%get3A_8, %get3A_9] : memref<1000x128xf32, #tpu.memory_space<vmem>>, vector<1000x128xf32>
    %get3A_11 = arith.constant 0 : index
    %get3A_12 = arith.constant 0 : index
    %get3A_13 = vector.load %arg6[%get3A_11, %get3A_12] : memref<1000x128xf32, #tpu.memory_space<vmem>>, vector<1000x128xf32>
    %add3A_14 = arith.addf %get3A_10, %get3A_13 : vector<1000x128xf32>
    %slice3A = vector.extract_strided_slice %add3A {offsets = [0, 0], sizes = [1000, 32], strides = [1, 1]} : vector<1000x128xf32> to vector<1000x32xf32>
    %slice3A_15 = vector.extract_strided_slice %add3A {offsets = [0, 32], sizes = [1000, 1], strides = [1, 1]} : vector<1000x128xf32> to vector<1000x1xf32>
    %max3A = arith.constant 1.000000e+00 : f32
    %max3A_16 = vector.broadcast %max3A : f32 to vector<1000x1xf32>
    %max3A_17 = arith.maximumf %slice3A_15, %max3A_16 : vector<1000x1xf32>
    %div3A = vector.broadcast %max3A_17 : vector<1000x1xf32> to vector<1000x32xf32>
    %div3A_18 = arith.divf %slice3A, %div3A : vector<1000x32xf32>
    %slice3A_19 = vector.extract_strided_slice %add3A_14 {offsets = [0, 0], sizes = [1000, 32], strides = [1, 1]} : vector<1000x128xf32> to vector<1000x32xf32>
    %slice3A_20 = vector.extract_strided_slice %add3A_14 {offsets = [0, 32], sizes = [1000, 1], strides = [1, 1]} : vector<1000x128xf32> to vector<1000x1xf32>
    %max3A_21 = arith.constant 1.000000e+00 : f32
    %max3A_22 = vector.broadcast %max3A_21 : f32 to vector<1000x1xf32>
    %max3A_23 = arith.maximumf %slice3A_20, %max3A_22 : vector<1000x1xf32>
    %div3A_24 = vector.broadcast %max3A_23 : vector<1000x1xf32> to vector<1000x32xf32>
    %div3A_25 = arith.divf %slice3A_19, %div3A_24 : vector<1000x32xf32>
    %get3A_26 = arith.constant 0 : index
    %get3A_27 = arith.constant 0 : index
    %get3A_28 = vector.load %arg7[%get3A_26, %get3A_27] : memref<32x32xf32, #tpu.memory_space<vmem>>, vector<32x32xf32>
    %dot_general3A = arith.constant dense<0.000000e+00> : vector<1000x32xf32>
    %dot_general3A_29 = tpu.matmul %get3A_1, %get3A_28, %dot_general3A {dimension_numbers = #tpu.dot_dimension_numbers<[1], [0], [0], [1], [0, 0, 1, 1], [], []>, transpose_lhs_hint = false} : vector<1000x32xf32>, vector<32x32xf32>, vector<1000x32xf32> -> vector<1000x32xf32>
    %add3A_30 = arith.addf %div3A_18, %dot_general3A_29 : vector<1000x32xf32>
    %get3A_31 = arith.constant 0 : index
    %get3A_32 = arith.constant 0 : index
    %get3A_33 = vector.load %arg8[%get3A_31, %get3A_32] : memref<1x32xf32, #tpu.memory_space<vmem>>, vector<1x32xf32>
    %add3A_34 = vector.broadcast %get3A_33 : vector<1x32xf32> to vector<1000x32xf32>
    %add3A_35 = arith.addf %add3A_30, %add3A_34 : vector<1000x32xf32>
    %add3A_36 = arith.addf %add3A_35, %div3A_25 : vector<1000x32xf32>
    %get3A_37 = arith.constant 0 : index
    %get3A_38 = arith.constant 0 : index
    %get3A_39 = vector.load %arg9[%get3A_37, %get3A_38] : memref<32x32xf32, #tpu.memory_space<vmem>>, vector<32x32xf32>
    %dot_general3A_40 = arith.constant dense<0.000000e+00> : vector<1000x32xf32>
    %dot_general3A_41 = tpu.matmul %get3A_1, %get3A_39, %dot_general3A_40 {dimension_numbers = #tpu.dot_dimension_numbers<[1], [0], [0], [1], [0, 0, 1, 1], [], []>, transpose_lhs_hint = false} : vector<1000x32xf32>, vector<32x32xf32>, vector<1000x32xf32> -> vector<1000x32xf32>
    %add3A_42 = arith.addf %add3A_36, %dot_general3A_41 : vector<1000x32xf32>
    %get3A_43 = arith.constant 0 : index
    %get3A_44 = arith.constant 0 : index
    %get3A_45 = vector.load %arg10[%get3A_43, %get3A_44] : memref<1x32xf32, #tpu.memory_space<vmem>>, vector<1x32xf32>
    %add3A_46 = vector.broadcast %get3A_45 : vector<1x32xf32> to vector<1000x32xf32>
    %add3A_47 = arith.addf %add3A_42, %add3A_46 : vector<1000x32xf32>
    %max3A_48 = arith.constant 0.000000e+00 : f32
    %max3A_49 = vector.broadcast %max3A_48 : f32 to vector<1000x32xf32>
    %max3A_50 = arith.maximumf %add3A_47, %max3A_49 : vector<1000x32xf32>
    %get3A_51 = arith.constant 0 : index
    %get3A_52 = arith.constant 0 : index
    %get3A_53 = vector.load %arg2[%get3A_51, %get3A_52] : memref<1000x128xf32, #tpu.memory_space<vmem>>, vector<1000x32xf32>
    %add3A_54 = arith.addf %max3A_50, %get3A_53 : vector<1000x32xf32>
    %broadcast_in_dim3A = arith.constant 0.000000e+00 : f32
    %broadcast_in_dim3A_55 = vector.broadcast %broadcast_in_dim3A : f32 to vector<1000x96xf32>
    %concatenate3A = tpu.concatenate %add3A_54, %broadcast_in_dim3A_55 in 1 : vector<1000x32xf32>, vector<1000x96xf32> -> vector<1000x128xf32>
    %swap3A = arith.constant 0 : index
    %swap3A_56 = arith.constant 0 : index
    %swap3A_57 = vector.load %arg11[%swap3A, %swap3A_56] : memref<1000x128xf32, #tpu.memory_space<vmem>>, vector<1000x128xf32>
    tpu.vector_store %arg11[%swap3A, %swap3A_56], %concatenate3A {strides = array<i32>} : memref<1000x128xf32, #tpu.memory_space<vmem>>, vector<1000x128xf32>,
    return
  }
  func.func @transform_0(%arg0: i32) -> (i32, i32) {
    %c0_i32 = arith.constant 0 : i32
    %c0_i32_0 = arith.constant 0 : i32
    return %arg0, %c0_i32 : i32, i32
  }
  func.func @transform_1(%arg0: i32) -> (i32, i32) {
    %c0_i32 = arith.constant 0 : i32
    %c0_i32_0 = arith.constant 0 : i32
    return %arg0, %c0_i32 : i32, i32
  }
  func.func @transform_2(%arg0: i32) -> (i32, i32) {
    %c0_i32 = arith.constant 0 : i32
    %c0_i32_0 = arith.constant 0 : i32
    return %arg0, %c0_i32 : i32, i32
  }
  func.func @transform_3(%arg0: i32) -> (i32, i32) {
    %c0_i32 = arith.constant 0 : i32
    %c0_i32_0 = arith.constant 0 : i32
    return %arg0, %c0_i32 : i32, i32
  }
  func.func @transform_4(%arg0: i32) -> (i32, i32) {
    %c0_i32 = arith.constant 0 : i32
    %c0_i32_0 = arith.constant 0 : i32
    return %arg0, %c0_i32 : i32, i32
  }
  func.func @transform_5(%arg0: i32) -> (i32, i32) {
    %c0_i32 = arith.constant 0 : i32
    %c0_i32_0 = arith.constant 0 : i32
    return %arg0, %c0_i32 : i32, i32
  }
  func.func @transform_6(%arg0: i32) -> (i32, i32) {
    %c0_i32 = arith.constant 0 : i32
    %c0_i32_0 = arith.constant 0 : i32
    %c0_i32_1 = arith.constant 0 : i32
    return %c0_i32, %c0_i32_0 : i32, i32
  }
  func.func @transform_7(%arg0: i32) -> (i32, i32) {
    %c0_i32 = arith.constant 0 : i32
    %c0_i32_0 = arith.constant 0 : i32
    %c0_i32_1 = arith.constant 0 : i32
    return %c0_i32, %c0_i32_0 : i32, i32
  }
  func.func @transform_8(%arg0: i32) -> (i32, i32) {
    %c0_i32 = arith.constant 0 : i32
    %c0_i32_0 = arith.constant 0 : i32
    %c0_i32_1 = arith.constant 0 : i32
    return %c0_i32, %c0_i32_0 : i32, i32
  }
  func.func @transform_9(%arg0: i32) -> (i32, i32) {
    %c0_i32 = arith.constant 0 : i32
    %c0_i32_0 = arith.constant 0 : i32
    %c0_i32_1 = arith.constant 0 : i32
    return %c0_i32, %c0_i32_0 : i32, i32
  }
  func.func @transform_10(%arg0: i32) -> (i32, i32) {
    %c0_i32 = arith.constant 0 : i32
    %c0_i32_0 = arith.constant 0 : i32
    return %arg0, %c0_i32 : i32, i32
  }
}

module attributes {stable_mosaic.version = 14 : i64} {
  func.func @_comb_body(%arg0: i32, %arg1: memref<1000x128xf32, #tpu.memory_space<vmem>>, %arg2: memref<1000x128xf32, #tpu.memory_space<vmem>>, %arg3: memref<1000x128xf32, #tpu.memory_space<vmem>>, %arg4: memref<1000x128xf32, #tpu.memory_space<vmem>>, %arg5: memref<1000x128xf32, #tpu.memory_space<vmem>>, %arg6: memref<1000x128xf32, #tpu.memory_space<vmem>>, %arg7: memref<32x32xf32, #tpu.memory_space<vmem>>, %arg8: memref<1x32xf32, #tpu.memory_space<vmem>>, %arg9: memref<32x32xf32, #tpu.memory_space<vmem>>, %arg10: memref<1x32xf32, #tpu.memory_space<vmem>>, %arg11: memref<1000x128xf32, #tpu.memory_space<vmem>>) attributes {dimension_semantics = [#tpu.dimension_semantics<arbitrary>], iteration_bounds = array<i64: 10>, scalar_prefetch = 0 : i64, scratch_operands = 0 : i64, tpu.core_type = #tpu.core_type<tc>, window_params = [{transform_indices = @transform_0, window_bounds = array<i64: 1000, 128>}, {transform_indices = @transform_1, window_bounds = array<i64: 1000, 128>}, {transform_indices = @transform_2, window_bounds = array<i64: 1000, 128>}, {transform_indices = @transform_3, window_bounds = array<i64: 1000, 128>}, {transform_indices = @transform_4, window_bounds = array<i64: 1000, 128>}, {transform_indices = @transform_5, window_bounds = array<i64: 1000, 128>}, {pipeline_mode = #tpu.pipeline_mode<synchronous>, transform_indices = @transform_6, window_bounds = array<i64: 32, 32>}, {pipeline_mode = #tpu.pipeline_mode<synchronous>, transform_indices = @transform_7, window_bounds = array<i64: 1, 32>}, {pipeline_mode = #tpu.pipeline_mode<synchronous>, transform_indices = @transform_8, window_bounds = array<i64: 32, 32>}, {pipeline_mode = #tpu.pipeline_mode<synchronous>, transform_indices = @transform_9, window_bounds = array<i64: 1, 32>}, {transform_indices = @transform_10, window_bounds = array<i64: 1000, 128>}]} {
    %get3A = arith.constant 0 : index
    %get3A_0 = arith.constant 0 : index
    %get3A_1 = vector.load %arg1[%get3A, %get3A_0] : memref<1000x128xf32, #tpu.memory_space<vmem>>, vector<1000x32xf32>
    %get3A_2 = arith.constant 0 : index
    %get3A_3 = arith.constant 0 : index
    %get3A_4 = vector.load %arg3[%get3A_2, %get3A_3] : memref<1000x128xf32, #tpu.memory_space<vmem>>, vector<1000x128xf32>
    %get3A_5 = arith.constant 0 : index
    %get3A_6 = arith.constant 0 : index
    %get3A_7 = vector.load %arg4[%get3A_5, %get3A_6] : memref<1000x128xf32, #tpu.memory_space<vmem>>, vector<1000x128xf32>
    %add3A = arith.addf %get3A_4, %get3A_7 : vector<1000x128xf32>
    %get3A_8 = arith.constant 0 : index
    %get3A_9 = arith.constant 0 : index
    %get3A_10 = vector.load %arg5[%get3A_8, %get3A_9] : memref<1000x128xf32, #tpu.memory_space<vmem>>, vector<1000x128xf32>
    %get3A_11 = arith.constant 0 : index
    %get3A_12 = arith.constant 0 : index
    %get3A_13 = vector.load %arg6[%get3A_11, %get3A_12] : memref<1000x128xf32, #tpu.memory_space<vmem>>, vector<1000x128xf32>
    %add3A_14 = arith.addf %get3A_10, %get3A_13 : vector<1000x128xf32>
    %slice3A = vector.extract_strided_slice %add3A {offsets = [0, 0], sizes = [1000, 32], strides = [1, 1]} : vector<1000x128xf32> to vector<1000x32xf32>
    %slice3A_15 = vector.extract_strided_slice %add3A {offsets = [0, 32], sizes = [1000, 1], strides = [1, 1]} : vector<1000x128xf32> to vector<1000x1xf32>
    %max3A = arith.constant 1.000000e+00 : f32
    %max3A_16 = vector.broadcast %max3A : f32 to vector<1000x1xf32>
    %max3A_17 = arith.maximumf %slice3A_15, %max3A_16 : vector<1000x1xf32>
    %div3A = vector.broadcast %max3A_17 : vector<1000x1xf32> to vector<1000x32xf32>
    %div3A_18 = arith.divf %slice3A, %div3A : vector<1000x32xf32>
    %slice3A_19 = vector.extract_strided_slice %add3A_14 {offsets = [0, 0], sizes = [1000, 32], strides = [1, 1]} : vector<1000x128xf32> to vector<1000x32xf32>
    %slice3A_20 = vector.extract_strided_slice %add3A_14 {offsets = [0, 32], sizes = [1000, 1], strides = [1, 1]} : vector<1000x128xf32> to vector<1000x1xf32>
    %max3A_21 = arith.constant 1.000000e+00 : f32
    %max3A_22 = vector.broadcast %max3A_21 : f32 to vector<1000x1xf32>
    %max3A_23 = arith.maximumf %slice3A_20, %max3A_22 : vector<1000x1xf32>
    %div3A_24 = vector.broadcast %max3A_23 : vector<1000x1xf32> to vector<1000x32xf32>
    %div3A_25 = arith.divf %slice3A_19, %div3A_24 : vector<1000x32xf32>
    %get3A_26 = arith.constant 0 : index
    %get3A_27 = arith.constant 0 : index
    %get3A_28 = vector.load %arg7[%get3A_26, %get3A_27] : memref<32x32xf32, #tpu.memory_space<vmem>>, vector<32x32xf32>
    %dot_general3A = arith.constant dense<0.000000e+00> : vector<1000x32xf32>
    %dot_general3A_29 = tpu.matmul %get3A_1, %get3A_28, %dot_general3A {dimension_numbers = #tpu.dot_dimension_numbers<[1], [0], [0], [1], [0, 0, 1, 1], [], []>, transpose_lhs_hint = false} : vector<1000x32xf32>, vector<32x32xf32>, vector<1000x32xf32> -> vector<1000x32xf32>
    %add3A_30 = arith.addf %div3A_18, %dot_general3A_29 : vector<1000x32xf32>
    %get3A_31 = arith.constant 0 : index
    %get3A_32 = arith.constant 0 : index
    %get3A_33 = vector.load %arg8[%get3A_31, %get3A_32] : memref<1x32xf32, #tpu.memory_space<vmem>>, vector<1x32xf32>
    %add3A_34 = vector.broadcast %get3A_33 : vector<1x32xf32> to vector<1000x32xf32>
    %add3A_35 = arith.addf %add3A_30, %add3A_34 : vector<1000x32xf32>
    %add3A_36 = arith.addf %add3A_35, %div3A_25 : vector<1000x32xf32>
    %get3A_37 = arith.constant 0 : index
    %get3A_38 = arith.constant 0 : index
    %get3A_39 = vector.load %arg9[%get3A_37, %get3A_38] : memref<32x32xf32, #tpu.memory_space<vmem>>, vector<32x32xf32>
    %dot_general3A_40 = arith.constant dense<0.000000e+00> : vector<1000x32xf32>
    %dot_general3A_41 = tpu.matmul %get3A_1, %get3A_39, %dot_general3A_40 {dimension_numbers = #tpu.dot_dimension_numbers<[1], [0], [0], [1], [0, 0, 1, 1], [], []>, transpose_lhs_hint = false} : vector<1000x32xf32>, vector<32x32xf32>, vector<1000x32xf32> -> vector<1000x32xf32>
    %add3A_42 = arith.addf %add3A_36, %dot_general3A_41 : vector<1000x32xf32>
    %get3A_43 = arith.constant 0 : index
    %get3A_44 = arith.constant 0 : index
    %get3A_45 = vector.load %arg10[%get3A_43, %get3A_44] : memref<1x32xf32, #tpu.memory_space<vmem>>, vector<1x32xf32>
    %add3A_46 = vector.broadcast %get3A_45 : vector<1x32xf32> to vector<1000x32xf32>
    %add3A_47 = arith.addf %add3A_42, %add3A_46 : vector<1000x32xf32>
    %max3A_48 = arith.constant 0.000000e+00 : f32
    %max3A_49 = vector.broadcast %max3A_48 : f32 to vector<1000x32xf32>
    %max3A_50 = arith.maximumf %add3A_47, %max3A_49 : vector<1000x32xf32>
    %get3A_51 = arith.constant 0 : index
    %get3A_52 = arith.constant 0 : index
    %get3A_53 = vector.load %arg2[%get3A_51, %get3A_52] : memref<1000x128xf32, #tpu.memory_space<vmem>>, vector<1000x32xf32>
    %add3A_54 = arith.addf %max3A_50, %get3A_53 : vector<1000x32xf32>
    %broadcast_in_dim3A = arith.constant 0.000000e+00 : f32
    %broadcast_in_dim3A_55 = vector.broadcast %broadcast_in_dim3A : f32 to vector<1000x96xf32>
    %concatenate3A = tpu.concatenate %add3A_54, %broadcast_in_dim3A_55 in 1 : vector<1000x32xf32>, vector<1000x96xf32> -> vector<1000x128xf32>
    %swap3A = arith.constant 0 : index
    %swap3A_56 = arith.constant 0 : index
    %swap3A_57 = vector.load %arg11[%swap3A, %swap3A_56] : memref<1000x128xf32, #tpu.memory_space<vmem>>, vector<1000x128xf32>
    tpu.vector_store %arg11[%swap3A, %swap3A_56], %concatenate3A {strides = array<i32>} : memref<1000x128xf32, #tpu.memory_space<vmem>>, vector<1000x128xf32>,
    return
  }
  func.func @transform_0(%arg0: i32) -> (i32, i32) {
    %c0_i32 = arith.constant 0 : i32
    %c0_i32_0 = arith.constant 0 : i32
    return %arg0, %c0_i32 : i32, i32
  }
  func.func @transform_1(%arg0: i32) -> (i32, i32) {
    %c0_i32 = arith.constant 0 : i32
    %c0_i32_0 = arith.constant 0 : i32
    return %arg0, %c0_i32 : i32, i32
  }
  func.func @transform_2(%arg0: i32) -> (i32, i32) {
    %c0_i32 = arith.constant 0 : i32
    %c0_i32_0 = arith.constant 0 : i32
    return %arg0, %c0_i32 : i32, i32
  }
  func.func @transform_3(%arg0: i32) -> (i32, i32) {
    %c0_i32 = arith.constant 0 : i32
    %c0_i32_0 = arith.constant 0 : i32
    return %arg0, %c0_i32 : i32, i32
  }
  func.func @transform_4(%arg0: i32) -> (i32, i32) {
    %c0_i32 = arith.constant 0 : i32
    %c0_i32_0 = arith.constant 0 : i32
    return %arg0, %c0_i32 : i32, i32
  }
  func.func @transform_5(%arg0: i32) -> (i32, i32) {
    %c0_i32 = arith.constant 0 : i32
    %c0_i32_0 = arith.constant 0 : i32
    return %arg0, %c0_i32 : i32, i32
  }
  func.func @transform_6(%arg0: i32) -> (i32, i32) {
    %c0_i32 = arith.constant 0 : i32
    %c0_i32_0 = arith.constant 0 : i32
    %c0_i32_1 = arith.constant 0 : i32
    return %c0_i32, %c0_i32_0 : i32, i32
  }
  func.func @transform_7(%arg0: i32) -> (i32, i32) {
    %c0_i32 = arith.constant 0 : i32
    %c0_i32_0 = arith.constant 0 : i32
    %c0_i32_1 = arith.constant 0 : i32
    return %c0_i32, %c0_i32_0 : i32, i32
  }
  func.func @transform_8(%arg0: i32) -> (i32, i32) {
    %c0_i32 = arith.constant 0 : i32
    %c0_i32_0 = arith.constant 0 : i32
    %c0_i32_1 = arith.constant 0 : i32
    return %c0_i32, %c0_i32_0 : i32, i32
  }
  func.func @transform_9(%arg0: i32) -> (i32, i32) {
    %c0_i32 = arith.constant 0 : i32
    %c0_i32_0 = arith.constant 0 : i32
    %c0_i32_1 = arith.constant 0 : i32
    return %c0_i32, %c0_i32_0 : i32, i32
  }
  func.func @transform_10(%arg0: i32) -> (i32, i32) {
    %c0_i32 = arith.constant 0 : i32
    %c0_i32_0 = arith.constant 0 : i32
    return %arg0, %c0_i32 : i32, i32
  }
}

module attributes {stable_mosaic.version = 14 : i64} {
  func.func @_epi_body(%arg0: i32, %arg1: memref<1000x128xf32, #tpu.memory_space<vmem>>, %arg2: memref<32x128xf32, #tpu.memory_space<vmem>>, %arg3: memref<1x128xf32, #tpu.memory_space<vmem>>, %arg4: memref<128x1xf32, #tpu.memory_space<vmem>>, %arg5: memref<1x1xf32, #tpu.memory_space<vmem>>, %arg6: memref<1000x1xf32, #tpu.memory_space<vmem>>) attributes {dimension_semantics = [#tpu.dimension_semantics<arbitrary>], iteration_bounds = array<i64: 10>, scalar_prefetch = 0 : i64, scratch_operands = 0 : i64, tpu.core_type = #tpu.core_type<tc>, window_params = [{transform_indices = @transform_0, window_bounds = array<i64: 1000, 128>}, {pipeline_mode = #tpu.pipeline_mode<synchronous>, transform_indices = @transform_1, window_bounds = array<i64: 32, 128>}, {pipeline_mode = #tpu.pipeline_mode<synchronous>, transform_indices = @transform_2, window_bounds = array<i64: 1, 128>}, {pipeline_mode = #tpu.pipeline_mode<synchronous>, transform_indices = @transform_3, window_bounds = array<i64: 128, 1>}, {pipeline_mode = #tpu.pipeline_mode<synchronous>, transform_indices = @transform_4, window_bounds = array<i64: 1, 1>}, {transform_indices = @transform_5, window_bounds = array<i64: 1000, 1>}]} {
    %get3A = arith.constant 0 : index
    %get3A_0 = arith.constant 0 : index
    %get3A_1 = vector.load %arg1[%get3A, %get3A_0] : memref<1000x128xf32, #tpu.memory_space<vmem>>, vector<1000x32xf32>
    %get3A_2 = arith.constant 0 : index
    %get3A_3 = arith.constant 0 : index
    %get3A_4 = vector.load %arg2[%get3A_2, %get3A_3] : memref<32x128xf32, #tpu.memory_space<vmem>>, vector<32x128xf32>
    %dot_general3A = arith.constant dense<0.000000e+00> : vector<1000x128xf32>
    %dot_general3A_5 = tpu.matmul %get3A_1, %get3A_4, %dot_general3A {dimension_numbers = #tpu.dot_dimension_numbers<[1], [0], [0], [1], [0, 0, 1, 1], [], []>, transpose_lhs_hint = false} : vector<1000x32xf32>, vector<32x128xf32>, vector<1000x128xf32> -> vector<1000x128xf32>
    %get3A_6 = arith.constant 0 : index
    %get3A_7 = arith.constant 0 : index
    %get3A_8 = vector.load %arg3[%get3A_6, %get3A_7] : memref<1x128xf32, #tpu.memory_space<vmem>>, vector<1x128xf32>
    %add3A = vector.broadcast %get3A_8 : vector<1x128xf32> to vector<1000x128xf32>
    %add3A_9 = arith.addf %dot_general3A_5, %add3A : vector<1000x128xf32>
    %max3A = arith.constant 0.000000e+00 : f32
    %max3A_10 = vector.broadcast %max3A : f32 to vector<1000x128xf32>
    %max3A_11 = arith.maximumf %add3A_9, %max3A_10 : vector<1000x128xf32>
    %get3A_12 = arith.constant 0 : index
    %get3A_13 = arith.constant 0 : index
    %get3A_14 = vector.load %arg4[%get3A_12, %get3A_13] : memref<128x1xf32, #tpu.memory_space<vmem>>, vector<128x1xf32>
    %dot_general3A_15 = arith.constant dense<0.000000e+00> : vector<1000x1xf32>
    %dot_general3A_16 = tpu.matmul %max3A_11, %get3A_14, %dot_general3A_15 {dimension_numbers = #tpu.dot_dimension_numbers<[1], [0], [0], [1], [0, 0, 1, 1], [], []>, transpose_lhs_hint = false} : vector<1000x128xf32>, vector<128x1xf32>, vector<1000x1xf32> -> vector<1000x1xf32>
    %get3A_17 = arith.constant 0 : index
    %get3A_18 = arith.constant 0 : index
    %get3A_19 = vector.load %arg5[%get3A_17, %get3A_18] : memref<1x1xf32, #tpu.memory_space<vmem>>, vector<1x1xf32>
    %add3A_20 = vector.broadcast %get3A_19 : vector<1x1xf32> to vector<1000x1xf32>
    %add3A_21 = arith.addf %dot_general3A_16, %add3A_20 : vector<1000x1xf32>
    %swap3A = arith.constant 0 : index
    %swap3A_22 = arith.constant 0 : index
    %swap3A_23 = vector.load %arg6[%swap3A, %swap3A_22] : memref<1000x1xf32, #tpu.memory_space<vmem>>, vector<1000x1xf32>
    tpu.vector_store %arg6[%swap3A, %swap3A_22], %add3A_21 {strides = array<i32>} : memref<1000x1xf32, #tpu.memory_space<vmem>>, vector<1000x1xf32>,
    return
  }
  func.func @transform_0(%arg0: i32) -> (i32, i32) {
    %c0_i32 = arith.constant 0 : i32
    %c0_i32_0 = arith.constant 0 : i32
    return %arg0, %c0_i32 : i32, i32
  }
  func.func @transform_1(%arg0: i32) -> (i32, i32) {
    %c0_i32 = arith.constant 0 : i32
    %c0_i32_0 = arith.constant 0 : i32
    %c0_i32_1 = arith.constant 0 : i32
    return %c0_i32, %c0_i32_0 : i32, i32
  }
  func.func @transform_2(%arg0: i32) -> (i32, i32) {
    %c0_i32 = arith.constant 0 : i32
    %c0_i32_0 = arith.constant 0 : i32
    %c0_i32_1 = arith.constant 0 : i32
    return %c0_i32, %c0_i32_0 : i32, i32
  }
  func.func @transform_3(%arg0: i32) -> (i32, i32) {
    %c0_i32 = arith.constant 0 : i32
    %c0_i32_0 = arith.constant 0 : i32
    %c0_i32_1 = arith.constant 0 : i32
    return %c0_i32, %c0_i32_0 : i32, i32
  }
  func.func @transform_4(%arg0: i32) -> (i32, i32) {
    %c0_i32 = arith.constant 0 : i32
    %c0_i32_0 = arith.constant 0 : i32
    %c0_i32_1 = arith.constant 0 : i32
    return %c0_i32, %c0_i32_0 : i32, i32
  }
  func.func @transform_5(%arg0: i32) -> (i32, i32) {
    %c0_i32 = arith.constant 0 : i32
    %c0_i32_0 = arith.constant 0 : i32
    return %arg0, %c0_i32 : i32, i32
  }
}

</mosaic_0001>

<sc_bundles>
// kernel: kernel.18.cloned.1.call-start
scs
__scs_entry_jumppad:
0x0: {  	(pc) =	sbr.rel $0x88, $3  }
0x1: {  	(tag) =	ssettag $0x0;
	lr =	simm.s32 $0x1  }
0x2: {  	[smem:$0x3F86] =	sst lr;
	_ =	strace $0xD0000000  }
0x3: {  	_ = 	snop  }
0x4: {  	_ = 	snop  }
0x5: {  	_ = 	snop  }
0x6: {  	_ = 	snop  }
0x7: {  	_ = 	snop  }
__scs_overlays_trampoline_lowered:
0x8: {  	[smem:$0x3F95] =	sst s0  }
0x9: {  	[smem:$0x3F96] =	sst s1  }
0xa: {  	[smem:$0x3F97] =	sst s2  }
0xb: {  	[smem:$0x3F98] =	sst s3  }
0xc: {  	[smem:$0x3F99] =	sst s4  }
0xd: {  	[smem:$0x3F9A] =	sst s5  }
0xe: {  	[smem:$0x3F9B] =	sst s6  }
0xf: {  	[smem:$0x3F9C] =	sst s7  }
0x10: {  	[smem:$0x3F9D] =	sst s8  }
0x11: {  	[smem:$0x3F9E] =	sst s9;
	s0 =	simm.s32 @!p0 $0x0  }
0x12: {  	s1 =	sld [smem:$0x3F84];
	s0 =	simm.s32 @p0 $0x1  }
0x13: {  	[smem:$0x3F9F] =	sst s0;
	s0 =	simm.s32 @!p1 $0x0  }
0x14: {  	s2 =	sld [smem:$0x3F83];
	s0 =	simm.s32 @p1 $0x1  }
0x15: {  	[smem:$0x3FA0] =	sst s0;
	s0 =	simm.s32 @!p2 $0x0  }
0x16: {  	s3 =	sld [smem:$0x3FDB];
	s0 =	simm.s32 @p2 $0x1  }
0x17: {  	s4 =	simm.s32 $0x1BF5;
	[smem:$0x3FA2] =	sst s0  }
0x18: {  	s0 =	sld [smem:$0x3F85];
	_ =	swait.ge [sflag:s4], $0x0  }
0x19: {  	s7 =	sld [smem:$0x3F86]  }
0x1a: {  	s8 =	sadd.s32 $0xFFFFE003, lr  }
0x1b: {  	s9 =	sadd.s32 $0xFFFFFEF7, lr;
	s5 =	simm.s32 $0xFFFFFFFF;
	p2 =	slt.u32 s8, $0xFFFFF086  }
0x1c: {  	p1 =	slt.u32 s9, $0xF7A;
	s5 =	simm.s32 @!p2 $0x0  }
0x1d: {  	s5 =	simm.s32 @p1 $0x1;
	p0 =	seq.s32 s7, s2  }
0x1e: {  	s7 =	smul.u32 @!p0 $0xF7A, s2;
	p2 =	seq.s32 @!p0 s5, $0x0  }
0x1f: {  	s9 =	smul.u32 $0xF7A, s1;
	s8 =	simm.s32 @!p0 $0x1BF5;
	p2 =	por !p2, p0  }
0x20: {  	[sflag:s8] =	ssyncset.s32 @!p0 $0xFFFFF086;
	s6 =	sadd.s32 @!p0 s3, s7;
	s7 =	simm.s32 @!p0 $0x108  }
0x21: {  	s3 =	sadd.s32 s3, s9;
	s6 =	sadd.s32 @!p0 $0x88, s6;
	s7 =	simm.s32 @p2 $0x1082  }
0x22: {  	[simem:s7], [sflag:s8] =	dma.local @!p0 [hbm:s6], $0xF7A  }
0x23: {  	s9 =	sor.u32 $0xD0000000, s2;
	s6 =	simm.s32 $0x108;
	_ =	swait.ge @!p0 [sflag:s8], $0x0  }
0x24: {  	s3 =	sadd.s32 $0x88, s3;
	s6 =	simm.s32 @!p1 $0x1082;
	[sflag:s4] =	ssyncset.s32 $0xFFFFF086  }
0x25: {  	[simem:s6], [sflag:s4] =	dma.local [hbm:s3], $0xF7A  }
0x26: {  	[smem:$0x3F86] =	sst s1;
	(tag) =	ssettag s2;
	_ =	strace s9  }
0x27: {  	s1 =	sld [smem:$0x3F96]  }
0x28: {  	s2 =	sld [smem:$0x3F97]  }
0x29: {  	s4 =	sld [smem:$0x3F99]  }
0x2a: {  	p0 =	seq.s32 s5, $0x0;
	s5 =	sld [smem:$0x3F9A]  }
0x2b: {  	s6 =	sld [smem:$0x3F9B]  }
0x2c: {  	s7 =	sld [smem:$0x3F9C]  }
0x2d: {  	s3 =	simm.s32 $0x108;
	s8 =	sld [smem:$0x3F9D]  }
0x2e: {  	s3 =	simm.s32 @!p0 $0x1082;
	s9 =	sld [smem:$0x3F9E]  }
0x2f: {  	lr =	sadd.s32 s0, s3;
	s0 =	sld [smem:$0x3F95]  }
0x30: {  	s3 =	sld [smem:$0x3F98]  }
0x31: {  	[smem:$0x3FA1] =	sst s10  }
0x32: {  	s10 =	sld [smem:$0x3F9F];
	_ =	sdelay $0x3  }
0x33: {  	p0 =	seq.s32 s10, $0x1;
	s10 =	sld [smem:$0x3FA1];
	_ =	sdelay $0x3  }
0x34: {  	[smem:$0x3FA1] =	sst s10  }
0x35: {  	s10 =	sld [smem:$0x3FA0];
	_ =	sdelay $0x3  }
0x36: {  	p1 =	seq.s32 s10, $0x1;
	s10 =	sld [smem:$0x3FA1];
	_ =	sdelay $0x3  }
0x37: {  	[smem:$0x3FA1] =	sst s10  }
0x38: {  	s10 =	sld [smem:$0x3FA2]  }
0x39: {  	_ = 	snop;
	(pc) =	sbr.ind lr, $3  }
0x3a: {  	_ = 	snop  }
0x3b: {  	_ = 	snop  }
0x3c: {  	p2 =	seq.s32 s10, $0x1;
	s10 =	sld [smem:$0x3FA1]  }
0x3d: {  	_ =	shalt  }
0x3e: {  	_ =	shalt  }
0x3f: {  	_ =	shalt  }
0x40: {  	_ =	shalt  }
0x41: {  	_ =	shalt  }
0x42: {  	_ =	shalt  }
0x43: {  	_ =	shalt  }
0x44: {  	_ =	shalt  }
0x45: {  	_ =	shalt  }
0x46: {  	_ =	shalt  }
0x47: {  	_ =	shalt  }
0x48: {  	_ =	shalt  }
0x49: {  	_ =	shalt  }
0x4a: {  	_ =	shalt  }
0x4b: {  	_ =	shalt  }
0x4c: {  	_ =	shalt  }
0x4d: {  	_ =	shalt  }
0x4e: {  	_ =	shalt  }
0x4f: {  	_ =	shalt  }
0x50: {  	_ =	shalt  }
0x51: {  	_ =	shalt  }
0x52: {  	_ =	shalt  }
0x53: {  	_ =	shalt  }
0x54: {  	_ =	shalt  }
0x55: {  	_ =	shalt  }
0x56: {  	_ =	shalt  }
0x57: {  	_ =	shalt  }
0x58: {  	_ =	shalt  }
0x59: {  	_ =	shalt  }
0x5a: {  	_ =	shalt  }
0x5b: {  	_ =	shalt  }
0x5c: {  	_ =	shalt  }
0x5d: {  	_ =	shalt  }
0x5e: {  	_ =	shalt  }
0x5f: {  	_ =	shalt  }
0x60: {  	_ =	shalt  }
0x61: {  	_ =	shalt  }
0x62: {  	_ =	shalt  }
0x63: {  	_ =	shalt  }
0x64: {  	_ =	shalt  }
0x65: {  	_ =	shalt  }
0x66: {  	_ =	shalt  }
0x67: {  	_ =	shalt  }
0x68: {  	_ =	shalt  }
0x69: {  	_ =	shalt  }
0x6a: {  	_ =	shalt  }
0x6b: {  	_ =	shalt  }
0x6c: {  	_ =	shalt  }
0x6d: {  	_ =	shalt  }
0x6e: {  	_ =	shalt  }
0x6f: {  	_ =	shalt  }
0x70: {  	_ =	shalt  }
0x71: {  	_ =	shalt  }
0x72: {  	_ =	shalt  }
0x73: {  	_ =	shalt  }
0x74: {  	_ =	shalt  }
0x75: {  	_ =	shalt  }
0x76: {  	_ =	shalt  }
0x77: {  	_ =	shalt  }
0x78: {  	_ =	shalt  }
0x79: {  	_ =	shalt  }
0x7a: {  	_ =	shalt  }
0x7b: {  	_ =	shalt  }
0x7c: {  	_ =	shalt  }
0x7d: {  	_ =	shalt  }
0x7e: {  	_ =	shalt  }
0x7f: {  	_ =	shalt  }
0x80: {  	_ =	shalt  }
0x81: {  	_ =	shalt  }
0x82: {  	_ =	shalt  }
0x83: {  	_ =	shalt  }
0x84: {  	_ =	shalt  }
0x85: {  	_ =	shalt  }
0x86: {  	_ =	shalt  }
0x87: {  	_ =	shalt  }
.Lfunc_end0:
.L_simem_size_0:
called_computation_lowered:
.L_overlay_start_0:
0x88: {  	s2 =	sld [smem:$0x3FD9]  }
0x89: {  	s3 =	sld [smem:$0x3FFE];
	_ =	sdelay $0x1  }
0x8a: {  	s1 =	srdreg.scid  }
0x8b: {  	s0 =	sand.u32 $0x1, s1  }
0x8c: {  	s16 =	sshll.u32 s0, $0xA;
	s2 =	sadd.s32 s3, s2  }
0x8d: {  	s2 =	sadd.s32 s2, s16  }
0x8e: {  	[smem:$0x3FAD] =	sst s2  }
0x8f: {  	_ = 	snop  }
0x90: {  	(tm) =	ssettm $0x1  }
0x91: {  	s17 =	sld [smem:$0x3FFB];
	_ =	sdelay $0x3  }
0x92: {  	_ =	strace s17  }
0x93: {  	s2 =	sld [smem:$0x3FFC];
	_ =	sdelay $0x3  }
0x94: {  	_ =	strace s2  }
0x95: {  	s2 =	sld [smem:$0x3FFD];
	_ =	sdelay $0x3  }
0x96: {  	_ =	strace s2  }
0x97: {  	_ =	strace $0x8FFFFFFF  }
0x98: {  	s18 =	sld [smem:$0x3FDB];
	_ =	sdelay $0x1  }
0x99: {  	s19 =	simm.s32 $_scs_section_size  }
0x9a: {  	s4 =	simm.s32 $_size__tile_overlayer_lowered;
	s5 =	simm.s32 $_tile_overlayer_lowered  }
0x9b: {  	s22 =	simm.s32 $0x1BFF;
	s21 =	sshll.u32 s5, $0x1;
	s2 =	sadd.s32 s19, s18  }
0x9c: {  	s6 =	simm.s32 $0x0;
	s20 =	sshll.u32 s4, $0x1;
	s4 =	sadd.s32 s21, s2  }
0x9d: {  	[timem:s6], [sflag:s22] =	dma.local [hbm:s4], s20  }
0x9e: {  	_ =	swait.ge [sflag:s22], s20  }
0x9f: {  	s3 =	ssub.s32 $0x0, s20;
	[sflag:s22] =	ssyncset.done $0x0  }
0xa0: {  	[sflag:s22] =	ssyncadd.s32 s3;
	_ =	sdelay $0x1  }
0xa1: {  	s23 =	simm.s32 $0x1B8B  }
0xa2: {  	_ =	swait.ge [sflag:s23], $0x1  }
0xa3: {  	[sflag:s23] =	ssyncset.done $0x0  }
0xa4: {  	s25 =	simm.s32 $0x1B8E;
	s24 =	sld [smem:$0x3FFE];
	[sflag:s23] =	ssyncadd.s32 $0xFFFFFFFF  }
0xa5: {  	s26 =	simm.s32 $execute0_lowered;
	[smem:$0x3FD2] =	sst s25  }
0xa6: {  	s4 =	sshll.u32 s26, $0x1;
	_ =	strace $0x80000046;
	[dreg:$0x1] =	wrdreg $0xFFFFFFFF  }
0xa7: {  	s28 =	simm.s32 $_size_execute0_lowered;
	s2 =	sadd.s32 s2, s4;
	[dreg:$0x0] =	wrdreg $0x0  }
0xa8: {  	s4 =	sshll.u32 s28, $0x1;
	[dreg:$0x2] =	wrdreg s2  }
0xa9: {  	[dreg:$0x3] =	wrdreg s4  }
0xaa: {  	[dreg:$0x4] =	wrdreg $0xC0  }
0xab: {  	_ =	task [dreg:s6], $0x5FFFF  }
0xac: {  	[dreg:$0x1] =	wrdreg $0xFFFFFFFF  }
0xad: {  	[dreg:$0x0] =	wrdreg $0x60  }
0xae: {  	[dreg:$0x2] =	wrdreg s24  }
0xaf: {  	[dreg:$0x3] =	wrdreg $0xA  }
0xb0: {  	_ =	task.clear_ibuf [dreg:s6], $0x4FFFF;
	_ =	strace $0x90000046  }
0xb1: {  	s29 =	simm.s32 $0xA;
	_ =	strace $0x80000048  }
0xb2: {  	_ =	swait.ge [sflag:s29], $0x1  }
0xb3: {  	[sflag:s29] =	ssyncadd.s32 $0xFFFFFFFF  }
0xb4: {  	_ =	strace $0x90000048  }
0xb5: {  	_ =	sfence  }
0xb6: {  	s30 =	sld [smem:$0x0];
	_ =	sdelay $0x2  }
0xb7: {  	s31 =	sshll.u32 s1, $0xD;
	s1 =	sshrl.u32 s1, $0x2  }
0xb8: {  	s3 =	sand.u32 $0x4000, s31;
	s1 =	sadd.s32 s1, s30  }
0xb9: {  	s0 =	sor.u32 s3, s0;
	s1 =	sshll.u32 s1, $0x11  }
0xba: {  	s0 =	sor.u32 s1, s0  }
0xbb: {  	s0 =	sadd.s32 $0x8F2B, s0  }
0xbc: {  	[sflag:s0] =	ssyncadd.remote.s32 $0x1  }
0xbd: {  	_ =	sfence.sel $0xFFFF  }
0xbe: {  	[dreg:$0x0] =	wrdreg $0xFFFFFFFF;
	(pc) =	sbr.abs _section_cstart, $3  }
0xbf: {  	[dreg:$0x1] =	wrdreg $0xFFFFFFFF  }
0xc0: {  	_ =	task.clear_ibuf [dreg:s6], $0x2FFFF;
	_ =	strace $0x9FFFFFFF  }
0xc1: {  	(tm) =	ssettm $0x7FFFFFFF  }
tec
execute0_lowered:
.L_overlay_start_1:
0x0: {  	(tag) =	ssettag $0x1  }
0x1: {  	s1 =	srdreg.scid;
	s0 =	stileid.u32  }
0x2: {  	s4 =	rddreg [dreg:$0x0];
	s2 =	simm.s32 $0x0;
	s12 =	simm.s32 $0x5400  }
0x3: {  	s13 =	simm.s32 $0x100;
	s14 =	simm.s32 $0x9400;
	s15 =	simm.s32 $0x180  }
0x4: {  	s16 =	simm.s32 $0xD400;
	s17 =	simm.s32 $0x1;
	s18 =	simm.s32 $0x2  }
0x5: {  	s19 =	simm.s32 $0x3;
	s20 =	simm.s32 $0x4;
	s21 =	simm.s32 $0x5  }
0x6: {  	s22 =	simm.s32 $0x6;
	s23 =	simm.s32 $0x7;
	s24 =	simm.s32 $0x8  }
0x7: {  	s25 =	simm.s32 $0x0;
	s6 =	sand.u32 $0x1, s1;
	s7 =	smul.u32 $0x50, s0  }
0x8: {  	s29 =	sshll.u32 s0, $0x1;
	[smem:$0x7FF] =	sst s2;
	s30 =	smul.u32 $0x28000, s0  }
0x9: {  	s11 =	sadd.s32 $0x3AE00, s4;
	s3 =	sor.u32 s6, s29;
	s9 =	smul.u32 $0x28, s6  }
0xa: {  	_ =	strace $0x80000047;
	s8 =	ssub.s32 $0x2, s6;
	s31 =	smul.u32 $0x14000, s6  }
0xb: {  	s5 =	smul.u32 $0x280, s3;
	s3 =	sadd.s32 $0x13C00, s4;
	s10 =	sshrl.u32 s8, $0x1  }
.Ltmp0:
0xc: {  	s8 =	ssub.s32 s8, s10;
	s7 =	sadd.s32 s9, s7;
	(pc) =	sbr.rel .LBB2_1-.Ltmp0, $4  }
0xd: {  	s9 =	sadd.s32 s30, s11;
	s10 =	simm.s32 $0x80;
	s5 =	sadd.s32 s5, s4  }
0xe: {  	s7 =	sshll.u32 s7, $0xB;
	s4 =	sadd.s32 $0xEC00, s5;
	s5 =	smax.u32 s8, $0x1  }
0xf: {  	s7 =	sadd.s32 s7, s11;
	s8 =	sadd.s32 s31, s9;
	s9 =	simm.s32 $0x9  }
0x10: {  	s11 =	simm.s32 $0x1400;
	s6 =	sadd.s32 $0x1800, s7;
	s7 =	sadd.s32 $0x1000, s7  }
.LBB2_4:
0x11: {  	_ =	swait.ge [sflag:s22], $0x4000  }
0x12: {  	[sflag:s22] =	ssyncset.done $0x0  }
0x13: {  	s25 =	sadd.s32 $0x1, s25;
	[sflag:s22] =	ssyncadd.s32 $0xFFFFC000  }
0x14: {  	p0 =	sne.s32 s25, s5;
	_ =	swait.ge [sflag:s23], $0x4000  }
.Ltmp1:
0x15: {  	[sflag:s23] =	ssyncset.done $0x0;
	(pc) =	sbr.rel @!p0 .LBB2_5-.Ltmp1, $4  }
0x16: {  	[sflag:s23] =	ssyncadd.s32 $0xFFFFC000  }
0x17: {  	_ =	swait.ge [sflag:s24], $0x4000  }
0x18: {  	[sflag:s24] =	ssyncset.done $0x0  }
0x19: {  	[sflag:s24] =	ssyncadd.s32 $0xFFFFC000  }
.LBB2_1:
0x1a: {  	[tilespmem:s2], [sflag:$0x9] =	stream.linear.gather [hbm4b:s4+s2], $0x1400, $0x38;
	[tilespmem:$0x11400] =	vst v63  }
0x1b: {  	_ =	swait.ge [sflag:s9], $0x1400  }
0x1c: {  	[sflag:s9] =	ssyncset.done $0x0  }
0x1d: {  	[sflag:s9] =	ssyncadd.s32 $0xFFFFEC00  }
0x1e: {  	[tilespmem:s11], [sflag:$0x1] =	stream.indirect.gather [hbm4b:s3+s10], $0x80, s2, s10, $0xb8;
	[tilespmem:$0x11400] =	vst v63  }
0x1f: {  	_ = 	snop  }
0x20: {  	[tilespmem:s12], [sflag:$0x2] =	stream.indirect.gather [hbm4b:s3+s10], $0x80, s10, s10, $0xb8;
	[tilespmem:$0x11400] =	vst v63  }
0x21: {  	s26 =	smov.u32 s8  }
0x22: {  	[tilespmem:s14], [sflag:$0x3] =	stream.indirect.gather [hbm4b:s3+s10], $0x80, s13, s10, $0xb8;
	[tilespmem:$0x11400] =	vst v63  }
0x23: {  	s28 =	smov.u32 s7;
	s29 =	smov.u32 s6;
	s30 =	simm.s32 $0x0  }
0x24: {  	[tilespmem:s16], [sflag:$0x4] =	stream.indirect.gather [hbm4b:s3+s10], $0x80, s15, s10, $0xb8;
	[tilespmem:$0x11400] =	vst v63  }
.LBB2_2:
0x25: {  	_ =	swait.ge [sflag:s17], $0x4000  }
0x26: {  	[sflag:s17] =	ssyncset.done $0x0  }
0x27: {  	[sflag:s17] =	ssyncadd.s32 $0xFFFFC000  }
0x28: {  	[hbm4b:s26+s2] =	stream.linear.scatter [tilespmem:s11], [sflag:$0x5], $0x4000, $0x38;
	[tilespmem:$0x11400] =	vst v63  }
0x29: {  	_ =	swait.ge [sflag:s18], $0x4000  }
0x2a: {  	[sflag:s18] =	ssyncset.done $0x0  }
0x2b: {  	s31 =	sadd.s32 $0xFFFFF000, s29;
	[sflag:s18] =	ssyncadd.s32 $0xFFFFC000  }
0x2c: {  	[hbm4b:s31+s2] =	stream.linear.scatter [tilespmem:s12], [sflag:$0x6], $0x4000, $0x38;
	[tilespmem:$0x11400] =	vst v63  }
0x2d: {  	_ =	swait.ge [sflag:s19], $0x4000  }
0x2e: {  	[sflag:s19] =	ssyncset.done $0x0  }
0x2f: {  	[sflag:s19] =	ssyncadd.s32 $0xFFFFC000  }
0x30: {  	[hbm4b:s28+s2] =	stream.linear.scatter [tilespmem:s14], [sflag:$0x7], $0x4000, $0x38;
	[tilespmem:$0x11400] =	vst v63  }
0x31: {  	_ =	swait.ge [sflag:s20], $0x4000  }
0x32: {  	p0 =	seq.s32 s30, $0x4800;
	[sflag:s20] =	ssyncset.done $0x0  }
.Ltmp2:
0x33: {  	[sflag:s20] =	ssyncadd.s32 $0xFFFFC000;
	(pc) =	sbr.rel @p0 .LBB2_4-.Ltmp2, $4  }
0x34: {  	[hbm4b:s29+s2] =	stream.linear.scatter [tilespmem:s16], [sflag:$0x8], $0x4000, $0x38;
	[tilespmem:$0x11400] =	vst v63  }
0x35: {  	_ =	swait.ge [sflag:s21], $0x4000  }
0x36: {  	[sflag:s21] =	ssyncset.done $0x0  }
0x37: {  	[sflag:s21] =	ssyncadd.s32 $0xFFFFC000  }
0x38: {  	s31 =	sshra.s32 s30, $0x2  }
0x39: {  	s1 =	sadd.s32 $0x200, s31  }
0x3a: {  	[tilespmem:s11], [sflag:$0x1] =	stream.indirect.gather [hbm4b:s3+s10], $0x80, s1, s10, $0xb8;
	[tilespmem:$0x11400] =	vst v63  }
0x3b: {  	_ =	swait.ge [sflag:s22], $0x4000  }
0x3c: {  	[sflag:s22] =	ssyncset.done $0x0  }
0x3d: {  	s1 =	sadd.s32 $0x280, s31;
	[sflag:s22] =	ssyncadd.s32 $0xFFFFC000  }
0x3e: {  	[tilespmem:s12], [sflag:$0x2] =	stream.indirect.gather [hbm4b:s3+s10], $0x80, s1, s10, $0xb8;
	[tilespmem:$0x11400] =	vst v63  }
0x3f: {  	_ =	swait.ge [sflag:s23], $0x4000  }
0x40: {  	[sflag:s23] =	ssyncset.done $0x0  }
0x41: {  	s1 =	sadd.s32 $0x300, s31;
	[sflag:s23] =	ssyncadd.s32 $0xFFFFC000  }
0x42: {  	[tilespmem:s14], [sflag:$0x3] =	stream.indirect.gather [hbm4b:s3+s10], $0x80, s1, s10, $0xb8;
	[tilespmem:$0x11400] =	vst v63  }
.Ltmp3:
0x43: {  	_ = 	snop;
	(pc) =	sbr.rel .LBB2_2-.Ltmp3, $4  }
0x44: {  	s30 =	sadd.s32 $0x800, s30;
	_ =	swait.ge [sflag:s24], $0x4000  }
0x45: {  	s29 =	sadd.s32 $0x2000, s29;
	s28 =	sadd.s32 $0x2000, s28;
	[sflag:s24] =	ssyncset.done $0x0  }
0x46: {  	s26 =	sadd.s32 $0x2000, s26;
	s31 =	sadd.s32 $0x380, s31;
	[sflag:s24] =	ssyncadd.s32 $0xFFFFC000  }
0x47: {  	[tilespmem:s16], [sflag:$0x4] =	stream.indirect.gather [hbm4b:s3+s10], $0x80, s31, s10, $0xb8;
	[tilespmem:$0x11400] =	vst v63  }
.LBB2_5:
0x48: {  	_ =	sfence.sel $0x180000  }
0x49: {  	[bflag:$0x0] =	sbarrier.arrive $0xFFFF  }
0x4a: {  	_ =	strace $0x90000047  }
0x4b: {  	[bflag:$0x2] =	sbarrier.arrive $0xFFFF  }
0x4c: {  	p0 =	sne.s32 s0, $0x0;
	s0 =	rddreg [dreg:$0x1]  }
0x4d: {  	s0 =	sadd.s32 @!p0 $0x100000, s0  }
0x4e: {  	[sflag:s0] =	ssyncadd.tile.s32 @!p0 $0x1;
	_ =	shalt  }
.Lfunc_end2:
_tile_overlayer_lowered:
.L_overlay_start_2:
0x4f: {  	(tag) =	ssettag $0x2  }
0x50: {  	s0 =	rddreg [dreg:$0x0];
	s2 =	stileid.u32  }
0x51: {  	s1 =	rddreg [dreg:$0x1];
	p0 =	sne.s32 s2, $0x0  }
0x52: {  	s3 =	rddreg [dreg:$0x2];
	[bflag:$0x3] =	sbarrier.arrive $0xFFFF;
	s2 =	simm.s32 @!p0 $0x1C09  }
0x53: {  	[timem:s3], [sflag:s2] =	dma.local @!p0 [hbm:s0], s1  }
0x54: {  	s0 =	simm.s32 @!p0 $0x9  }
0x55: {  	_ =	swait.ge @!p0 [sflag:s0], s1  }
0x56: {  	s1 =	ssub.s32 @!p0 $0x0, s1;
	[sflag:s0] =	ssyncset.done @!p0 $0x0  }
0x57: {  	[sflag:s0] =	ssyncadd.s32 @!p0 s1  }
0x58: {  	[bflag:$0x3] =	sbarrier.arrive $0xFFFF  }
0x59: {  	_ =	shalt  }

// kernel: kernel.21.cloned.1.call-start
scs
__scs_entry_jumppad:
0x0: {  	(pc) =	sbr.rel $0x88, $3  }
0x1: {  	(tag) =	ssettag $0x0;
	lr =	simm.s32 $0x1  }
0x2: {  	[smem:$0x3F86] =	sst lr;
	_ =	strace $0xD0000000  }
0x3: {  	_ = 	snop  }
0x4: {  	_ = 	snop  }
0x5: {  	_ = 	snop  }
0x6: {  	_ = 	snop  }
0x7: {  	_ = 	snop  }
__scs_overlays_trampoline_lowered:
0x8: {  	[smem:$0x3F95] =	sst s0  }
0x9: {  	[smem:$0x3F96] =	sst s1  }
0xa: {  	[smem:$0x3F97] =	sst s2  }
0xb: {  	[smem:$0x3F98] =	sst s3  }
0xc: {  	[smem:$0x3F99] =	sst s4  }
0xd: {  	[smem:$0x3F9A] =	sst s5  }
0xe: {  	[smem:$0x3F9B] =	sst s6  }
0xf: {  	[smem:$0x3F9C] =	sst s7  }
0x10: {  	[smem:$0x3F9D] =	sst s8  }
0x11: {  	[smem:$0x3F9E] =	sst s9;
	s0 =	simm.s32 @!p0 $0x0  }
0x12: {  	s1 =	sld [smem:$0x3F84];
	s0 =	simm.s32 @p0 $0x1  }
0x13: {  	[smem:$0x3F9F] =	sst s0;
	s0 =	simm.s32 @!p1 $0x0  }
0x14: {  	s2 =	sld [smem:$0x3F83];
	s0 =	simm.s32 @p1 $0x1  }
0x15: {  	[smem:$0x3FA0] =	sst s0;
	s0 =	simm.s32 @!p2 $0x0  }
0x16: {  	s3 =	sld [smem:$0x3FDB];
	s0 =	simm.s32 @p2 $0x1  }
0x17: {  	s4 =	simm.s32 $0x1BF5;
	[smem:$0x3FA2] =	sst s0  }
0x18: {  	s0 =	sld [smem:$0x3F85];
	_ =	swait.ge [sflag:s4], $0x0  }
0x19: {  	s7 =	sld [smem:$0x3F86]  }
0x1a: {  	s8 =	sadd.s32 $0xFFFFE003, lr  }
0x1b: {  	s9 =	sadd.s32 $0xFFFFFEF7, lr;
	s5 =	simm.s32 $0xFFFFFFFF;
	p2 =	slt.u32 s8, $0xFFFFF086  }
0x1c: {  	p1 =	slt.u32 s9, $0xF7A;
	s5 =	simm.s32 @!p2 $0x0  }
0x1d: {  	s5 =	simm.s32 @p1 $0x1;
	p0 =	seq.s32 s7, s2  }
0x1e: {  	s7 =	smul.u32 @!p0 $0xF7A, s2;
	p2 =	seq.s32 @!p0 s5, $0x0  }
0x1f: {  	s9 =	smul.u32 $0xF7A, s1;
	s8 =	simm.s32 @!p0 $0x1BF5;
	p2 =	por !p2, p0  }
0x20: {  	[sflag:s8] =	ssyncset.s32 @!p0 $0xFFFFF086;
	s6 =	sadd.s32 @!p0 s3, s7;
	s7 =	simm.s32 @!p0 $0x108  }
0x21: {  	s3 =	sadd.s32 s3, s9;
	s6 =	sadd.s32 @!p0 $0x88, s6;
	s7 =	simm.s32 @p2 $0x1082  }
0x22: {  	[simem:s7], [sflag:s8] =	dma.local @!p0 [hbm:s6], $0xF7A  }
0x23: {  	s9 =	sor.u32 $0xD0000000, s2;
	s6 =	simm.s32 $0x108;
	_ =	swait.ge @!p0 [sflag:s8], $0x0  }
0x24: {  	s3 =	sadd.s32 $0x88, s3;
	s6 =	simm.s32 @!p1 $0x1082;
	[sflag:s4] =	ssyncset.s32 $0xFFFFF086  }
0x25: {  	[simem:s6], [sflag:s4] =	dma.local [hbm:s3], $0xF7A  }
0x26: {  	[smem:$0x3F86] =	sst s1;
	(tag) =	ssettag s2;
	_ =	strace s9  }
0x27: {  	s1 =	sld [smem:$0x3F96]  }
0x28: {  	s2 =	sld [smem:$0x3F97]  }
0x29: {  	s4 =	sld [smem:$0x3F99]  }
0x2a: {  	p0 =	seq.s32 s5, $0x0;
	s5 =	sld [smem:$0x3F9A]  }
0x2b: {  	s6 =	sld [smem:$0x3F9B]  }
0x2c: {  	s7 =	sld [smem:$0x3F9C]  }
0x2d: {  	s3 =	simm.s32 $0x108;
	s8 =	sld [smem:$0x3F9D]  }
0x2e: {  	s3 =	simm.s32 @!p0 $0x1082;
	s9 =	sld [smem:$0x3F9E]  }
0x2f: {  	lr =	sadd.s32 s0, s3;
	s0 =	sld [smem:$0x3F95]  }
0x30: {  	s3 =	sld [smem:$0x3F98]  }
0x31: {  	[smem:$0x3FA1] =	sst s10  }
0x32: {  	s10 =	sld [smem:$0x3F9F];
	_ =	sdelay $0x3  }
0x33: {  	p0 =	seq.s32 s10, $0x1;
	s10 =	sld [smem:$0x3FA1];
	_ =	sdelay $0x3  }
0x34: {  	[smem:$0x3FA1] =	sst s10  }
0x35: {  	s10 =	sld [smem:$0x3FA0];
	_ =	sdelay $0x3  }
0x36: {  	p1 =	seq.s32 s10, $0x1;
	s10 =	sld [smem:$0x3FA1];
	_ =	sdelay $0x3  }
0x37: {  	[smem:$0x3FA1] =	sst s10  }
0x38: {  	s10 =	sld [smem:$0x3FA2]  }
0x39: {  	_ = 	snop;
	(pc) =	sbr.ind lr, $3  }
0x3a: {  	_ = 	snop  }
0x3b: {  	_ = 	snop  }
0x3c: {  	p2 =	seq.s32 s10, $0x1;
	s10 =	sld [smem:$0x3FA1]  }
0x3d: {  	_ =	shalt  }
0x3e: {  	_ =	shalt  }
0x3f: {  	_ =	shalt  }
0x40: {  	_ =	shalt  }
0x41: {  	_ =	shalt  }
0x42: {  	_ =	shalt  }
0x43: {  	_ =	shalt  }
0x44: {  	_ =	shalt  }
0x45: {  	_ =	shalt  }
0x46: {  	_ =	shalt  }
0x47: {  	_ =	shalt  }
0x48: {  	_ =	shalt  }
0x49: {  	_ =	shalt  }
0x4a: {  	_ =	shalt  }
0x4b: {  	_ =	shalt  }
0x4c: {  	_ =	shalt  }
0x4d: {  	_ =	shalt  }
0x4e: {  	_ =	shalt  }
0x4f: {  	_ =	shalt  }
0x50: {  	_ =	shalt  }
0x51: {  	_ =	shalt  }
0x52: {  	_ =	shalt  }
0x53: {  	_ =	shalt  }
0x54: {  	_ =	shalt  }
0x55: {  	_ =	shalt  }
0x56: {  	_ =	shalt  }
0x57: {  	_ =	shalt  }
0x58: {  	_ =	shalt  }
0x59: {  	_ =	shalt  }
0x5a: {  	_ =	shalt  }
0x5b: {  	_ =	shalt  }
0x5c: {  	_ =	shalt  }
0x5d: {  	_ =	shalt  }
0x5e: {  	_ =	shalt  }
0x5f: {  	_ =	shalt  }
0x60: {  	_ =	shalt  }
0x61: {  	_ =	shalt  }
0x62: {  	_ =	shalt  }
0x63: {  	_ =	shalt  }
0x64: {  	_ =	shalt  }
0x65: {  	_ =	shalt  }
0x66: {  	_ =	shalt  }
0x67: {  	_ =	shalt  }
0x68: {  	_ =	shalt  }
0x69: {  	_ =	shalt  }
0x6a: {  	_ =	shalt  }
0x6b: {  	_ =	shalt  }
0x6c: {  	_ =	shalt  }
0x6d: {  	_ =	shalt  }
0x6e: {  	_ =	shalt  }
0x6f: {  	_ =	shalt  }
0x70: {  	_ =	shalt  }
0x71: {  	_ =	shalt  }
0x72: {  	_ =	shalt  }
0x73: {  	_ =	shalt  }
0x74: {  	_ =	shalt  }
0x75: {  	_ =	shalt  }
0x76: {  	_ =	shalt  }
0x77: {  	_ =	shalt  }
0x78: {  	_ =	shalt  }
0x79: {  	_ =	shalt  }
0x7a: {  	_ =	shalt  }
0x7b: {  	_ =	shalt  }
0x7c: {  	_ =	shalt  }
0x7d: {  	_ =	shalt  }
0x7e: {  	_ =	shalt  }
0x7f: {  	_ =	shalt  }
0x80: {  	_ =	shalt  }
0x81: {  	_ =	shalt  }
0x82: {  	_ =	shalt  }
0x83: {  	_ =	shalt  }
0x84: {  	_ =	shalt  }
0x85: {  	_ =	shalt  }
0x86: {  	_ =	shalt  }
0x87: {  	_ =	shalt  }
.Lfunc_end0:
.L_simem_size_0:
called_computation.1_lowered:
.L_overlay_start_0:
0x88: {  	s2 =	sld [smem:$0x3FD9]  }
0x89: {  	s3 =	sld [smem:$0x3FFE];
	_ =	sdelay $0x1  }
0x8a: {  	s1 =	srdreg.scid  }
0x8b: {  	s0 =	sand.u32 $0x1, s1  }
0x8c: {  	s17 =	sshll.u32 s0, $0xA;
	s2 =	sadd.s32 s3, s2  }
0x8d: {  	s2 =	sadd.s32 s2, s17  }
0x8e: {  	[smem:$0x3FAD] =	sst s2  }
0x8f: {  	_ = 	snop  }
0x90: {  	(tm) =	ssettm $0x1  }
0x91: {  	s18 =	sld [smem:$0x3FFB];
	_ =	sdelay $0x3  }
0x92: {  	_ =	strace s18  }
0x93: {  	s2 =	sld [smem:$0x3FFC];
	_ =	sdelay $0x3  }
0x94: {  	_ =	strace s2  }
0x95: {  	s2 =	sld [smem:$0x3FFD];
	_ =	sdelay $0x3  }
0x96: {  	_ =	strace s2  }
0x97: {  	_ =	strace $0x8FFFFFFF  }
0x98: {  	s19 =	sld [smem:$0x3FDB];
	_ =	sdelay $0x1  }
0x99: {  	s20 =	simm.s32 $_scs_section_size  }
0x9a: {  	s4 =	simm.s32 $_size__tile_overlayer_lowered;
	s5 =	simm.s32 $_tile_overlayer_lowered  }
0x9b: {  	s6 =	simm.s32 $0x1BFF;
	s21 =	sshll.u32 s5, $0x1;
	s3 =	sadd.s32 s20, s19  }
0x9c: {  	s22 =	simm.s32 $0x0;
	s4 =	sshll.u32 s4, $0x1;
	s5 =	sadd.s32 s21, s3  }
0x9d: {  	[timem:s22], [sflag:s6] =	dma.local [hbm:s5], s4  }
0x9e: {  	_ =	swait.ge [sflag:s6], s4  }
0x9f: {  	s4 =	ssub.s32 $0x0, s4;
	[sflag:s6] =	ssyncset.done $0x0  }
0xa0: {  	[sflag:s6] =	ssyncadd.s32 s4;
	_ =	sdelay $0x1  }
0xa1: {  	s23 =	simm.s32 $0x1B8B  }
0xa2: {  	_ =	swait.ge [sflag:s23], $0x1  }
0xa3: {  	[sflag:s23] =	ssyncset.done $0x0  }
0xa4: {  	[sflag:s23] =	ssyncadd.s32 $0xFFFFFFFF  }
0xa5: {  	s4 =	sld [smem:$0x0]  }
0xa6: {  	s5 =	sand.u32 $0xFFFFFFFE, s1  }
0xa7: {  	p0 =	sne.s32 s1, s5  }
0xa8: {  	s5 =	sshll.u32 @p0 s5, $0xE  }
0xa9: {  	s5 =	sadd.s32 @p0 $0x11B8D, s5;
	s6 =	sshll.u32 @p0 s4, $0x11  }
0xaa: {  	s5 =	sor.u32 @p0 s6, s5  }
0xab: {  	[sflag:s5] =	ssyncadd.remote.s32 @p0 $0x1;
	_ =	sdelay $0x1  }
0xac: {  	s5 =	simm.s32 @p0 $0x1B8D  }
0xad: {  	_ =	swait.eq @p0 [sflag:s5], $0x1  }
0xae: {  	[sflag:s5] =	ssyncadd.s32 @p0 $0xFFFFFFFF  }
0xaf: {  	s6 =	sshll.u32 @!p0 s1, $0xE  }
0xb0: {  	s6 =	sor.u32 @!p0 $0x4000, s6;
	s5 =	simm.s32 @!p0 $0x1B8D  }
0xb1: {  	s4 =	sshll.u32 @!p0 s4, $0x11;
	s6 =	sadd.s32 @!p0 $0x11B8D, s6;
	_ =	swait.eq @!p0 [sflag:s5], $0x1  }
0xb2: {  	s4 =	sor.u32 @!p0 s4, s6;
	[sflag:s5] =	ssyncadd.s32 @!p0 $0xFFFFFFFF  }
0xb3: {  	s25 =	simm.s32 $0x1B8E;
	s24 =	sld [smem:$0x3FFE];
	[sflag:s4] =	ssyncadd.remote.s32 @!p0 $0x1  }
0xb4: {  	s26 =	simm.s32 $execute0_lowered;
	[smem:$0x3FD2] =	sst s25  }
0xb5: {  	s5 =	sshll.u32 s26, $0x1;
	_ =	strace $0x80000049;
	[dreg:$0x1] =	wrdreg $0xFFFFFFFF  }
0xb6: {  	s28 =	simm.s32 $_size_execute0_lowered;
	s3 =	sadd.s32 s3, s5;
	[dreg:$0x0] =	wrdreg $0x0  }
0xb7: {  	s5 =	sshll.u32 s28, $0x1;
	[dreg:$0x2] =	wrdreg s3  }
0xb8: {  	[dreg:$0x3] =	wrdreg s5  }
0xb9: {  	[dreg:$0x4] =	wrdreg $0xC0  }
0xba: {  	_ =	task [dreg:s22], $0x5FFFF  }
0xbb: {  	[dreg:$0x1] =	wrdreg $0xFFFFFFFF  }
0xbc: {  	[dreg:$0x0] =	wrdreg $0x60  }
0xbd: {  	[dreg:$0x2] =	wrdreg s24  }
0xbe: {  	[dreg:$0x3] =	wrdreg $0x9  }
0xbf: {  	_ =	task.clear_ibuf [dreg:s22], $0x4FFFF;
	_ =	strace $0x90000049  }
0xc0: {  	s29 =	simm.s32 $0x9;
	_ =	strace $0x8000004B  }
0xc1: {  	_ =	swait.ge [sflag:s29], $0x1  }
0xc2: {  	[sflag:s29] =	ssyncadd.s32 $0xFFFFFFFF  }
0xc3: {  	_ =	strace $0x9000004B  }
0xc4: {  	_ =	sfence  }
0xc5: {  	s30 =	sld [smem:$0x0];
	_ =	sdelay $0x2  }
0xc6: {  	s31 =	sshll.u32 s1, $0xD;
	s1 =	sshrl.u32 s1, $0x2  }
0xc7: {  	s4 =	sand.u32 $0x4000, s31;
	s1 =	sadd.s32 s1, s30  }
0xc8: {  	s0 =	sor.u32 s4, s0;
	s1 =	sshll.u32 s1, $0x11  }
0xc9: {  	s0 =	sor.u32 s1, s0  }
0xca: {  	s0 =	sadd.s32 $0x8F2B, s0  }
0xcb: {  	[sflag:s0] =	ssyncadd.remote.s32 $0x1  }
0xcc: {  	_ =	sfence.sel $0xFFFF  }
0xcd: {  	[dreg:$0x0] =	wrdreg $0xFFFFFFFF;
	(pc) =	sbr.abs _section_cstart, $3  }
0xce: {  	[dreg:$0x1] =	wrdreg $0xFFFFFFFF  }
0xcf: {  	_ =	task.clear_ibuf [dreg:s22], $0x2FFFF;
	_ =	strace $0x9FFFFFFF  }
0xd0: {  	(tm) =	ssettm $0x7FFFFFFF  }
0xd1: {  	_ =	shalt  }
tec
execute0_lowered:
.L_overlay_start_1:
0x0: {  	(tag) =	ssettag $0x1  }
0x1: {  	s1 =	srdreg.scid;
	s0 =	stileid.u32  }
0x2: {  	s23 =	sand.u32 $0x1, s1;
	s3 =	sshll.u32 s0, $0x1  }
0x3: {  	s15 =	sor.u32 s23, s3  }
0x4: {  	s14 =	rddreg [dreg:$0x0];
	s2 =	simm.s32 $0x0;
	s3 =	sshll.u32 s15, $0x6  }
0x5: {  	s4 =	simm.s32 $0x9;
	[smem:$0x7FF] =	sst s2;
	s3 =	sadd.s32 s3, s14  }
0x6: {  	s1 =	rddreg [dreg:$0x1];
	_ =	strace $0x8000004A;
	s3 =	sadd.s32 $0x2BB600, s3  }
0x7: {  	[tilespmem:s2], [sflag:$0x9] =	stream.linear.gather [hbm4b:s3+s2], $0x200, $0x38;
	[tilespmem:$0x10200] =	vst v63  }
0x8: {  	_ =	swait.ge [sflag:s4], $0x200  }
0x9: {  	s6 =	simm.s32 $0x80;
	[sflag:s4] =	ssyncset.done $0x0  }
0xa: {  	s7 =	simm.s32 $0x200;
	s5 =	sadd.s32 $0x13C00, s14;
	[sflag:s4] =	ssyncadd.s32 $0xFFFFFE00  }
0xb: {  	[tilespmem:s7], [sflag:$0x1] =	stream.indirect.gather [hbm4b:s5+s6], $0x80, s2, s6, $0xb8;
	[tilespmem:$0x10200] =	vst v63  }
0xc: {  	s8 =	simm.s32 $0x4200  }
0xd: {  	[tilespmem:s8], [sflag:$0x2] =	stream.indirect.gather [hbm4b:s5+s6], $0x80, s6, s6, $0xb8;
	[tilespmem:$0x10200] =	vst v63  }
0xe: {  	s9 =	simm.s32 $0x100;
	s10 =	simm.s32 $0x8200  }
0xf: {  	[tilespmem:s10], [sflag:$0x3] =	stream.indirect.gather [hbm4b:s5+s6], $0x80, s9, s6, $0xb8;
	[tilespmem:$0x10200] =	vst v63  }
0x10: {  	s11 =	simm.s32 $0x180;
	s12 =	simm.s32 $0xC200;
	s13 =	simm.s32 $0x1  }
0x11: {  	[tilespmem:s12], [sflag:$0x4] =	stream.indirect.gather [hbm4b:s5+s6], $0x80, s11, s6, $0xb8;
	[tilespmem:$0x10200] =	vst v63  }
0x12: {  	s15 =	sshll.u32 s15, $0xD;
	_ =	swait.ge [sflag:s13], $0x4000  }
0x13: {  	s20 =	sadd.s32 s15, s14;
	[sflag:s13] =	ssyncset.done $0x0  }
0x14: {  	s15 =	simm.s32 $0x2;
	s14 =	sadd.s32 $0x2BBE00, s20;
	[sflag:s13] =	ssyncadd.s32 $0xFFFFC000  }
0x15: {  	[hbm4b:s14+s2] =	stream.linear.scatter [tilespmem:s7], [sflag:$0x5], $0x4000, $0x38;
	[tilespmem:$0x10200] =	vst v63  }
0x16: {  	_ =	swait.ge [sflag:s15], $0x4000  }
0x17: {  	[sflag:s15] =	ssyncset.done $0x0  }
0x18: {  	s17 =	simm.s32 $0x3;
	s16 =	sadd.s32 $0x2BC600, s20;
	[sflag:s15] =	ssyncadd.s32 $0xFFFFC000  }
0x19: {  	[hbm4b:s16+s2] =	stream.linear.scatter [tilespmem:s8], [sflag:$0x6], $0x4000, $0x38;
	[tilespmem:$0x10200] =	vst v63  }
0x1a: {  	_ =	swait.ge [sflag:s17], $0x4000  }
0x1b: {  	[sflag:s17] =	ssyncset.done $0x0  }
0x1c: {  	s19 =	simm.s32 $0x4;
	s18 =	sadd.s32 $0x2BCE00, s20;
	[sflag:s17] =	ssyncadd.s32 $0xFFFFC000  }
0x1d: {  	[hbm4b:s18+s2] =	stream.linear.scatter [tilespmem:s10], [sflag:$0x7], $0x4000, $0x38;
	[tilespmem:$0x10200] =	vst v63  }
0x1e: {  	_ =	swait.ge [sflag:s19], $0x4000  }
0x1f: {  	[sflag:s19] =	ssyncset.done $0x0  }
0x20: {  	s21 =	simm.s32 $0x5;
	s20 =	sadd.s32 $0x2BD600, s20;
	[sflag:s19] =	ssyncadd.s32 $0xFFFFC000  }
0x21: {  	[hbm4b:s20+s2] =	stream.linear.scatter [tilespmem:s12], [sflag:$0x8], $0x4000, $0x38;
	[tilespmem:$0x10200] =	vst v63  }
0x22: {  	_ =	swait.ge [sflag:s21], $0x4000  }
0x23: {  	s24 =	ssub.s32 $0x2, s23;
	[sflag:s21] =	ssyncset.done $0x0  }
0x24: {  	s22 =	simm.s32 $0x6;
	s25 =	sshrl.u32 s24, $0x1;
	[sflag:s21] =	ssyncadd.s32 $0xFFFFC000  }
0x25: {  	s24 =	ssub.s32 s24, s25;
	_ =	swait.ge [sflag:s22], $0x4000  }
0x26: {  	s25 =	smax.u32 s24, $0x1;
	[sflag:s22] =	ssyncset.done $0x0  }
0x27: {  	s23 =	simm.s32 $0x7;
	p0 =	sne.s32 s25, $0x1;
	[sflag:s22] =	ssyncadd.s32 $0xFFFFC000  }
.Ltmp0:
0x28: {  	_ =	swait.ge [sflag:s23], $0x4000;
	(pc) =	sbr.rel @!p0 .LBB2_2-.Ltmp0, $4  }
0x29: {  	[sflag:s23] =	ssyncset.done $0x0  }
0x2a: {  	s24 =	simm.s32 $0x8;
	[sflag:s23] =	ssyncadd.s32 $0xFFFFC000  }
0x2b: {  	_ =	swait.ge [sflag:s24], $0x4000  }
0x2c: {  	s25 =	sadd.s32 $0xFFFFFFFF, s25;
	[sflag:s24] =	ssyncset.done $0x0  }
.LBB2_1:
0x2d: {  	p0 =	sne.s32 s25, $0x1;
	s25 =	sadd.s32 $0xFFFFFFFF, s25;
	[sflag:s24] =	ssyncadd.s32 $0xFFFFC000  }
0x2e: {  	[tilespmem:s2], [sflag:$0x9] =	stream.linear.gather [hbm4b:s3+s2], $0x200, $0x38;
	[tilespmem:$0x10200] =	vst v63  }
0x2f: {  	_ =	swait.ge [sflag:s4], $0x200  }
0x30: {  	[sflag:s4] =	ssyncset.done $0x0  }
0x31: {  	[sflag:s4] =	ssyncadd.s32 $0xFFFFFE00  }
0x32: {  	[tilespmem:s7], [sflag:$0x1] =	stream.indirect.gather [hbm4b:s5+s6], $0x80, s2, s6, $0xb8;
	[tilespmem:$0x10200] =	vst v63  }
0x33: {  	_ = 	snop  }
0x34: {  	[tilespmem:s8], [sflag:$0x2] =	stream.indirect.gather [hbm4b:s5+s6], $0x80, s6, s6, $0xb8;
	[tilespmem:$0x10200] =	vst v63  }
0x35: {  	_ = 	snop  }
0x36: {  	[tilespmem:s10], [sflag:$0x3] =	stream.indirect.gather [hbm4b:s5+s6], $0x80, s9, s6, $0xb8;
	[tilespmem:$0x10200] =	vst v63  }
0x37: {  	_ = 	snop  }
0x38: {  	[tilespmem:s12], [sflag:$0x4] =	stream.indirect.gather [hbm4b:s5+s6], $0x80, s11, s6, $0xb8;
	[tilespmem:$0x10200] =	vst v63  }
0x39: {  	_ =	swait.ge [sflag:s13], $0x4000  }
0x3a: {  	[sflag:s13] =	ssyncset.done $0x0  }
0x3b: {  	[sflag:s13] =	ssyncadd.s32 $0xFFFFC000  }
0x3c: {  	[hbm4b:s14+s2] =	stream.linear.scatter [tilespmem:s7], [sflag:$0x5], $0x4000, $0x38;
	[tilespmem:$0x10200] =	vst v63  }
0x3d: {  	_ =	swait.ge [sflag:s15], $0x4000  }
0x3e: {  	[sflag:s15] =	ssyncset.done $0x0  }
0x3f: {  	[sflag:s15] =	ssyncadd.s32 $0xFFFFC000  }
0x40: {  	[hbm4b:s16+s2] =	stream.linear.scatter [tilespmem:s8], [sflag:$0x6], $0x4000, $0x38;
	[tilespmem:$0x10200] =	vst v63  }
0x41: {  	_ =	swait.ge [sflag:s17], $0x4000  }
0x42: {  	[sflag:s17] =	ssyncset.done $0x0  }
0x43: {  	[sflag:s17] =	ssyncadd.s32 $0xFFFFC000  }
0x44: {  	[hbm4b:s18+s2] =	stream.linear.scatter [tilespmem:s10], [sflag:$0x7], $0x4000, $0x38;
	[tilespmem:$0x10200] =	vst v63  }
0x45: {  	_ =	swait.ge [sflag:s19], $0x4000  }
0x46: {  	[sflag:s19] =	ssyncset.done $0x0  }
0x47: {  	[sflag:s19] =	ssyncadd.s32 $0xFFFFC000  }
0x48: {  	[hbm4b:s20+s2] =	stream.linear.scatter [tilespmem:s12], [sflag:$0x8], $0x4000, $0x38;
	[tilespmem:$0x10200] =	vst v63  }
0x49: {  	_ =	swait.ge [sflag:s21], $0x4000  }
0x4a: {  	[sflag:s21] =	ssyncset.done $0x0  }
0x4b: {  	[sflag:s21] =	ssyncadd.s32 $0xFFFFC000  }
0x4c: {  	_ =	swait.ge [sflag:s22], $0x4000  }
0x4d: {  	[sflag:s22] =	ssyncset.done $0x0  }
0x4e: {  	[sflag:s22] =	ssyncadd.s32 $0xFFFFC000  }
.Ltmp1:
0x4f: {  	_ =	swait.ge [sflag:s23], $0x4000;
	(pc) =	sbr.rel @p0 .LBB2_1-.Ltmp1, $4  }
0x50: {  	[sflag:s23] =	ssyncset.done $0x0  }
0x51: {  	[sflag:s23] =	ssyncadd.s32 $0xFFFFC000  }
0x52: {  	_ =	swait.ge [sflag:s24], $0x4000  }
0x53: {  	[sflag:s24] =	ssyncset.done $0x0  }
.LBB2_2:
0x54: {  	[sflag:s24] =	ssyncadd.s32 $0xFFFFC000  }
0x55: {  	_ =	sfence.sel $0x180000  }
0x56: {  	[bflag:$0x0] =	sbarrier.arrive $0xFFFF  }
0x57: {  	p0 =	sne.s32 s0, $0x0;
	_ =	strace $0x9000004A  }
0x58: {  	s0 =	sadd.s32 @!p0 $0x100000, s1;
	[bflag:$0x2] =	sbarrier.arrive $0xFFFF  }
0x59: {  	[sflag:s0] =	ssyncadd.tile.s32 @!p0 $0x1;
	_ =	shalt  }
.Lfunc_end2:
_tile_overlayer_lowered:
.L_overlay_start_2:
0x5a: {  	(tag) =	ssettag $0x2  }
0x5b: {  	s0 =	rddreg [dreg:$0x0];
	s2 =	stileid.u32  }
0x5c: {  	s1 =	rddreg [dreg:$0x1];
	p0 =	sne.s32 s2, $0x0  }
0x5d: {  	s3 =	rddreg [dreg:$0x2];
	[bflag:$0x3] =	sbarrier.arrive $0xFFFF;
	s2 =	simm.s32 @!p0 $0x1C09  }
0x5e: {  	[timem:s3], [sflag:s2] =	dma.local @!p0 [hbm:s0], s1  }
0x5f: {  	s0 =	simm.s32 @!p0 $0x9  }
0x60: {  	_ =	swait.ge @!p0 [sflag:s0], s1  }
0x61: {  	s1 =	ssub.s32 @!p0 $0x0, s1;
	[sflag:s0] =	ssyncset.done @!p0 $0x0  }
0x62: {  	[sflag:s0] =	ssyncadd.s32 @!p0 s1  }
0x63: {  	[bflag:$0x3] =	sbarrier.arrive $0xFFFF  }
0x64: {  	_ =	shalt  }

// kernel: kernel.24.cloned.1.call-start
scs
__scs_entry_jumppad:
0x0: {  	(pc) =	sbr.rel $0x88, $3  }
0x1: {  	(tag) =	ssettag $0x0;
	lr =	simm.s32 $0x1  }
0x2: {  	[smem:$0x3F86] =	sst lr;
	_ =	strace $0xD0000000  }
0x3: {  	_ = 	snop  }
0x4: {  	_ = 	snop  }
0x5: {  	_ = 	snop  }
0x6: {  	_ = 	snop  }
0x7: {  	_ = 	snop  }
__scs_overlays_trampoline_lowered:
0x8: {  	[smem:$0x3F95] =	sst s0  }
0x9: {  	[smem:$0x3F96] =	sst s1  }
0xa: {  	[smem:$0x3F97] =	sst s2  }
0xb: {  	[smem:$0x3F98] =	sst s3  }
0xc: {  	[smem:$0x3F99] =	sst s4  }
0xd: {  	[smem:$0x3F9A] =	sst s5  }
0xe: {  	[smem:$0x3F9B] =	sst s6  }
0xf: {  	[smem:$0x3F9C] =	sst s7  }
0x10: {  	[smem:$0x3F9D] =	sst s8  }
0x11: {  	[smem:$0x3F9E] =	sst s9;
	s0 =	simm.s32 @!p0 $0x0  }
0x12: {  	s1 =	sld [smem:$0x3F84];
	s0 =	simm.s32 @p0 $0x1  }
0x13: {  	[smem:$0x3F9F] =	sst s0;
	s0 =	simm.s32 @!p1 $0x0  }
0x14: {  	s2 =	sld [smem:$0x3F83];
	s0 =	simm.s32 @p1 $0x1  }
0x15: {  	[smem:$0x3FA0] =	sst s0;
	s0 =	simm.s32 @!p2 $0x0  }
0x16: {  	s3 =	sld [smem:$0x3FDB];
	s0 =	simm.s32 @p2 $0x1  }
0x17: {  	s4 =	simm.s32 $0x1BF5;
	[smem:$0x3FA2] =	sst s0  }
0x18: {  	s0 =	sld [smem:$0x3F85];
	_ =	swait.ge [sflag:s4], $0x0  }
0x19: {  	s7 =	sld [smem:$0x3F86]  }
0x1a: {  	s8 =	sadd.s32 $0xFFFFE003, lr  }
0x1b: {  	s9 =	sadd.s32 $0xFFFFFEF7, lr;
	s5 =	simm.s32 $0xFFFFFFFF;
	p2 =	slt.u32 s8, $0xFFFFF086  }
0x1c: {  	p1 =	slt.u32 s9, $0xF7A;
	s5 =	simm.s32 @!p2 $0x0  }
0x1d: {  	s5 =	simm.s32 @p1 $0x1;
	p0 =	seq.s32 s7, s2  }
0x1e: {  	s7 =	smul.u32 @!p0 $0xF7A, s2;
	p2 =	seq.s32 @!p0 s5, $0x0  }
0x1f: {  	s9 =	smul.u32 $0xF7A, s1;
	s8 =	simm.s32 @!p0 $0x1BF5;
	p2 =	por !p2, p0  }
0x20: {  	[sflag:s8] =	ssyncset.s32 @!p0 $0xFFFFF086;
	s6 =	sadd.s32 @!p0 s3, s7;
	s7 =	simm.s32 @!p0 $0x108  }
0x21: {  	s3 =	sadd.s32 s3, s9;
	s6 =	sadd.s32 @!p0 $0x88, s6;
	s7 =	simm.s32 @p2 $0x1082  }
0x22: {  	[simem:s7], [sflag:s8] =	dma.local @!p0 [hbm:s6], $0xF7A  }
0x23: {  	s9 =	sor.u32 $0xD0000000, s2;
	s6 =	simm.s32 $0x108;
	_ =	swait.ge @!p0 [sflag:s8], $0x0  }
0x24: {  	s3 =	sadd.s32 $0x88, s3;
	s6 =	simm.s32 @!p1 $0x1082;
	[sflag:s4] =	ssyncset.s32 $0xFFFFF086  }
0x25: {  	[simem:s6], [sflag:s4] =	dma.local [hbm:s3], $0xF7A  }
0x26: {  	[smem:$0x3F86] =	sst s1;
	(tag) =	ssettag s2;
	_ =	strace s9  }
0x27: {  	s1 =	sld [smem:$0x3F96]  }
0x28: {  	s2 =	sld [smem:$0x3F97]  }
0x29: {  	s4 =	sld [smem:$0x3F99]  }
0x2a: {  	p0 =	seq.s32 s5, $0x0;
	s5 =	sld [smem:$0x3F9A]  }
0x2b: {  	s6 =	sld [smem:$0x3F9B]  }
0x2c: {  	s7 =	sld [smem:$0x3F9C]  }
0x2d: {  	s3 =	simm.s32 $0x108;
	s8 =	sld [smem:$0x3F9D]  }
0x2e: {  	s3 =	simm.s32 @!p0 $0x1082;
	s9 =	sld [smem:$0x3F9E]  }
0x2f: {  	lr =	sadd.s32 s0, s3;
	s0 =	sld [smem:$0x3F95]  }
0x30: {  	s3 =	sld [smem:$0x3F98]  }
0x31: {  	[smem:$0x3FA1] =	sst s10  }
0x32: {  	s10 =	sld [smem:$0x3F9F];
	_ =	sdelay $0x3  }
0x33: {  	p0 =	seq.s32 s10, $0x1;
	s10 =	sld [smem:$0x3FA1];
	_ =	sdelay $0x3  }
0x34: {  	[smem:$0x3FA1] =	sst s10  }
0x35: {  	s10 =	sld [smem:$0x3FA0];
	_ =	sdelay $0x3  }
0x36: {  	p1 =	seq.s32 s10, $0x1;
	s10 =	sld [smem:$0x3FA1];
	_ =	sdelay $0x3  }
0x37: {  	[smem:$0x3FA1] =	sst s10  }
0x38: {  	s10 =	sld [smem:$0x3FA2]  }
0x39: {  	_ = 	snop;
	(pc) =	sbr.ind lr, $3  }
0x3a: {  	_ = 	snop  }
0x3b: {  	_ = 	snop  }
0x3c: {  	p2 =	seq.s32 s10, $0x1;
	s10 =	sld [smem:$0x3FA1]  }
0x3d: {  	_ =	shalt  }
0x3e: {  	_ =	shalt  }
0x3f: {  	_ =	shalt  }
0x40: {  	_ =	shalt  }
0x41: {  	_ =	shalt  }
0x42: {  	_ =	shalt  }
0x43: {  	_ =	shalt  }
0x44: {  	_ =	shalt  }
0x45: {  	_ =	shalt  }
0x46: {  	_ =	shalt  }
0x47: {  	_ =	shalt  }
0x48: {  	_ =	shalt  }
0x49: {  	_ =	shalt  }
0x4a: {  	_ =	shalt  }
0x4b: {  	_ =	shalt  }
0x4c: {  	_ =	shalt  }
0x4d: {  	_ =	shalt  }
0x4e: {  	_ =	shalt  }
0x4f: {  	_ =	shalt  }
0x50: {  	_ =	shalt  }
0x51: {  	_ =	shalt  }
0x52: {  	_ =	shalt  }
0x53: {  	_ =	shalt  }
0x54: {  	_ =	shalt  }
0x55: {  	_ =	shalt  }
0x56: {  	_ =	shalt  }
0x57: {  	_ =	shalt  }
0x58: {  	_ =	shalt  }
0x59: {  	_ =	shalt  }
0x5a: {  	_ =	shalt  }
0x5b: {  	_ =	shalt  }
0x5c: {  	_ =	shalt  }
0x5d: {  	_ =	shalt  }
0x5e: {  	_ =	shalt  }
0x5f: {  	_ =	shalt  }
0x60: {  	_ =	shalt  }
0x61: {  	_ =	shalt  }
0x62: {  	_ =	shalt  }
0x63: {  	_ =	shalt  }
0x64: {  	_ =	shalt  }
0x65: {  	_ =	shalt  }
0x66: {  	_ =	shalt  }
0x67: {  	_ =	shalt  }
0x68: {  	_ =	shalt  }
0x69: {  	_ =	shalt  }
0x6a: {  	_ =	shalt  }
0x6b: {  	_ =	shalt  }
0x6c: {  	_ =	shalt  }
0x6d: {  	_ =	shalt  }
0x6e: {  	_ =	shalt  }
0x6f: {  	_ =	shalt  }
0x70: {  	_ =	shalt  }
0x71: {  	_ =	shalt  }
0x72: {  	_ =	shalt  }
0x73: {  	_ =	shalt  }
0x74: {  	_ =	shalt  }
0x75: {  	_ =	shalt  }
0x76: {  	_ =	shalt  }
0x77: {  	_ =	shalt  }
0x78: {  	_ =	shalt  }
0x79: {  	_ =	shalt  }
0x7a: {  	_ =	shalt  }
0x7b: {  	_ =	shalt  }
0x7c: {  	_ =	shalt  }
0x7d: {  	_ =	shalt  }
0x7e: {  	_ =	shalt  }
0x7f: {  	_ =	shalt  }
0x80: {  	_ =	shalt  }
0x81: {  	_ =	shalt  }
0x82: {  	_ =	shalt  }
0x83: {  	_ =	shalt  }
0x84: {  	_ =	shalt  }
0x85: {  	_ =	shalt  }
0x86: {  	_ =	shalt  }
0x87: {  	_ =	shalt  }
.Lfunc_end0:
.L_simem_size_0:
called_computation.2_lowered:
.L_overlay_start_0:
0x88: {  	s2 =	sld [smem:$0x3FD9]  }
0x89: {  	s3 =	sld [smem:$0x3FFE];
	_ =	sdelay $0x1  }
0x8a: {  	s1 =	srdreg.scid  }
0x8b: {  	s0 =	sand.u32 $0x1, s1  }
0x8c: {  	s17 =	sshll.u32 s0, $0xA;
	s2 =	sadd.s32 s3, s2  }
0x8d: {  	s2 =	sadd.s32 s2, s17  }
0x8e: {  	[smem:$0x3FAD] =	sst s2  }
0x8f: {  	_ = 	snop  }
0x90: {  	(tm) =	ssettm $0x1  }
0x91: {  	s18 =	sld [smem:$0x3FFB];
	_ =	sdelay $0x3  }
0x92: {  	_ =	strace s18  }
0x93: {  	s2 =	sld [smem:$0x3FFC];
	_ =	sdelay $0x3  }
0x94: {  	_ =	strace s2  }
0x95: {  	s2 =	sld [smem:$0x3FFD];
	_ =	sdelay $0x3  }
0x96: {  	_ =	strace s2  }
0x97: {  	_ =	strace $0x8FFFFFFF  }
0x98: {  	s19 =	sld [smem:$0x3FDB];
	_ =	sdelay $0x1  }
0x99: {  	s20 =	simm.s32 $_scs_section_size  }
0x9a: {  	s4 =	simm.s32 $_size__tile_overlayer_lowered;
	s5 =	simm.s32 $_tile_overlayer_lowered  }
0x9b: {  	s6 =	simm.s32 $0x1BFF;
	s21 =	sshll.u32 s5, $0x1;
	s3 =	sadd.s32 s20, s19  }
0x9c: {  	s22 =	simm.s32 $0x0;
	s4 =	sshll.u32 s4, $0x1;
	s5 =	sadd.s32 s21, s3  }
0x9d: {  	[timem:s22], [sflag:s6] =	dma.local [hbm:s5], s4  }
0x9e: {  	_ =	swait.ge [sflag:s6], s4  }
0x9f: {  	s4 =	ssub.s32 $0x0, s4;
	[sflag:s6] =	ssyncset.done $0x0  }
0xa0: {  	[sflag:s6] =	ssyncadd.s32 s4;
	_ =	sdelay $0x1  }
0xa1: {  	s23 =	simm.s32 $0x1B8B  }
0xa2: {  	_ =	swait.ge [sflag:s23], $0x1  }
0xa3: {  	[sflag:s23] =	ssyncset.done $0x0  }
0xa4: {  	[sflag:s23] =	ssyncadd.s32 $0xFFFFFFFF  }
0xa5: {  	s4 =	sld [smem:$0x0]  }
0xa6: {  	s5 =	sand.u32 $0xFFFFFFFE, s1  }
0xa7: {  	p0 =	sne.s32 s1, s5  }
0xa8: {  	s5 =	sshll.u32 @p0 s5, $0xE  }
0xa9: {  	s5 =	sadd.s32 @p0 $0x11B8D, s5;
	s6 =	sshll.u32 @p0 s4, $0x11  }
0xaa: {  	s5 =	sor.u32 @p0 s6, s5  }
0xab: {  	[sflag:s5] =	ssyncadd.remote.s32 @p0 $0x1;
	_ =	sdelay $0x1  }
0xac: {  	s5 =	simm.s32 @p0 $0x1B8D  }
0xad: {  	_ =	swait.eq @p0 [sflag:s5], $0x1  }
0xae: {  	[sflag:s5] =	ssyncadd.s32 @p0 $0xFFFFFFFF  }
0xaf: {  	s6 =	sshll.u32 @!p0 s1, $0xE  }
0xb0: {  	s6 =	sor.u32 @!p0 $0x4000, s6;
	s5 =	simm.s32 @!p0 $0x1B8D  }
0xb1: {  	s4 =	sshll.u32 @!p0 s4, $0x11;
	s6 =	sadd.s32 @!p0 $0x11B8D, s6;
	_ =	swait.eq @!p0 [sflag:s5], $0x1  }
0xb2: {  	s4 =	sor.u32 @!p0 s4, s6;
	[sflag:s5] =	ssyncadd.s32 @!p0 $0xFFFFFFFF  }
0xb3: {  	s25 =	simm.s32 $0x1B8E;
	s24 =	sld [smem:$0x3FFE];
	[sflag:s4] =	ssyncadd.remote.s32 @!p0 $0x1  }
0xb4: {  	s26 =	simm.s32 $execute0_lowered;
	[smem:$0x3FD2] =	sst s25  }
0xb5: {  	s5 =	sshll.u32 s26, $0x1;
	_ =	strace $0x8000004C;
	[dreg:$0x1] =	wrdreg $0xFFFFFFFF  }
0xb6: {  	s28 =	simm.s32 $_size_execute0_lowered;
	s3 =	sadd.s32 s3, s5;
	[dreg:$0x0] =	wrdreg $0x0  }
0xb7: {  	s5 =	sshll.u32 s28, $0x1;
	[dreg:$0x2] =	wrdreg s3  }
0xb8: {  	[dreg:$0x3] =	wrdreg s5  }
0xb9: {  	[dreg:$0x4] =	wrdreg $0xC0  }
0xba: {  	_ =	task [dreg:s22], $0x5FFFF  }
0xbb: {  	[dreg:$0x1] =	wrdreg $0xFFFFFFFF  }
0xbc: {  	[dreg:$0x0] =	wrdreg $0x60  }
0xbd: {  	[dreg:$0x2] =	wrdreg s24  }
0xbe: {  	[dreg:$0x3] =	wrdreg $0x0  }
0xbf: {  	[dreg:$0x4] =	wrdreg $0xA  }
0xc0: {  	_ =	task.clear_ibuf [dreg:s22], $0x5FFFF;
	_ =	strace $0x9000004C  }
0xc1: {  	s29 =	simm.s32 $0xA;
	_ =	strace $0x8000004E  }
0xc2: {  	_ =	swait.ge [sflag:s29], $0x1  }
0xc3: {  	[sflag:s29] =	ssyncadd.s32 $0xFFFFFFFF  }
0xc4: {  	_ =	strace $0x9000004E  }
0xc5: {  	_ =	sfence  }
0xc6: {  	s30 =	sld [smem:$0x0];
	_ =	sdelay $0x2  }
0xc7: {  	s31 =	sshll.u32 s1, $0xD;
	s1 =	sshrl.u32 s1, $0x2  }
0xc8: {  	s4 =	sand.u32 $0x4000, s31;
	s1 =	sadd.s32 s1, s30  }
0xc9: {  	s0 =	sor.u32 s4, s0;
	s1 =	sshll.u32 s1, $0x11  }
0xca: {  	s0 =	sor.u32 s1, s0  }
0xcb: {  	s0 =	sadd.s32 $0x8F2B, s0  }
0xcc: {  	[sflag:s0] =	ssyncadd.remote.s32 $0x1  }
0xcd: {  	_ =	sfence.sel $0xFFFF  }
0xce: {  	[dreg:$0x0] =	wrdreg $0xFFFFFFFF;
	(pc) =	sbr.abs _section_cstart, $3  }
0xcf: {  	[dreg:$0x1] =	wrdreg $0xFFFFFFFF  }
0xd0: {  	_ =	task.clear_ibuf [dreg:s22], $0x2FFFF;
	_ =	strace $0x9FFFFFFF  }
0xd1: {  	(tm) =	ssettm $0x7FFFFFFF  }
tec
execute0_lowered:
.L_overlay_start_1:
0x0: {  	(tag) =	ssettag $0x1  }
0x1: {  	s5 =	rddreg [dreg:$0x0]  }
0x2: {  	s2 =	rddreg [dreg:$0x1]  }
0x3: {  	s0 =	rddreg [dreg:$0x2]  }
0x4: {  	s4 =	srdreg.scid;
	s1 =	stileid.u32  }
0x5: {  	s3 =	simm.s32 $0x0;
	s16 =	simm.s32 $0x19400;
	s17 =	simm.s32 $0x1  }
0x6: {  	s18 =	simm.s32 $0x80;
	s19 =	simm.s32 $0x2;
	s20 =	simm.s32 $0x3  }
0x7: {  	s21 =	simm.s32 $0x4;
	s22 =	simm.s32 $0x15300;
	s12 =	smul.u32 $0x50000, s1  }
0x8: {  	s23 =	simm.s32 $0x15380;
	s6 =	sand.u32 $0x1, s4;
	s14 =	smul.u32 $0x50, s1  }
0x9: {  	s25 =	sshll.u32 s1, $0x1;
	[smem:$0x7FF] =	sst s3;
	s8 =	smul.u32 $0x28000, s6  }
0xa: {  	s7 =	sor.u32 s6, s25;
	s11 =	ssub.s32 $0x2, s6;
	s6 =	smul.u32 $0x28, s6  }
0xb: {  	s9 =	sadd.s32 $0x7ECE00, s5;
	s28 =	sshll.u32 s1, $0x6;
	s25 =	smul.u32 $0x2800, s1  }
0xc: {  	_ =	strace $0x8000004D;
	s4 =	smul.u32 $0x280, s7;
	s13 =	sshrl.u32 s11, $0x1  }
0xd: {  	s26 =	sshrl.u32 s12, $0x2;
	s7 =	smul.u32 $0x14000, s7;
	s15 =	sadd.s32 s8, s5  }
0xe: {  	s11 =	ssub.s32 s11, s13;
	s12 =	sadd.s32 s26, s2;
	s29 =	sadd.s32 s6, s14  }
0xf: {  	s13 =	simm.s32 $0x5;
	s14 =	simm.s32 $0x14000;
	s10 =	sadd.s32 s4, s5  }
0x10: {  	s4 =	sadd.s32 $0x300E00, s5;
	s5 =	sor.u32 $0x1C05, s28;
	s7 =	sadd.s32 s9, s7  }
0x11: {  	s30 =	sshll.u32 s29, $0xB;
	s24 =	sadd.s32 $0x303600, s15;
	s12 =	sshrl.u32 s12, $0x3  }
0x12: {  	s15 =	simm.s32 $0x15400;
	s6 =	sadd.s32 $0x2FBE00, s10;
	s8 =	sadd.s32 $0x800, s7  }
0x13: {  	s31 =	sadd.s32 s30, s9;
	s9 =	smax.u32 s11, $0x1;
	s24 =	sadd.s32 s25, s24  }
0x14: {  	s25 =	simm.s32 $0x0;
	s10 =	sadd.s32 $0x1800, s31;
	s11 =	sadd.s32 $0x1000, s31  }
.LBB2_1:
0x15: {  	[spmem:s12], [sflag:s5] =	dma.local [hbm:s4], $0x2800  }
0x16: {  	_ =	swait.ge [sflag:s13], $0x2800  }
0x17: {  	[sflag:s13] =	ssyncset.done $0x0  }
0x18: {  	[sflag:s13] =	ssyncadd.s32 $0xFFFFD800  }
0x19: {  	[tilespmem:s14], [sflag:$0x5] =	stream.linear.gather [hbm4b:s6+s3], $0x1400, $0x38;
	[tilespmem:$0x1D400] =	vst v63  }
0x1a: {  	_ =	swait.ge [sflag:s13], $0x1400  }
0x1b: {  	[sflag:s13] =	ssyncset.done $0x0  }
0x1c: {  	[sflag:s13] =	ssyncadd.s32 $0xFFFFEC00  }
0x1d: {  	[bflag:$0x0] =	sbarrier.arrive $0xFFFF  }
0x1e: {  	[tilespmem:s15], [sflag:$0x1] =	stream.linear.gather [hbm4b:s7+s3], $0x4000, $0x38;
	[tilespmem:$0x1D400] =	vst v63  }
0x1f: {  	_ = 	snop  }
0x20: {  	[tilespmem:s16], [sflag:$0x2] =	stream.linear.gather [hbm4b:s8+s3], $0x4000, $0x38;
	[tilespmem:$0x1D400] =	vst v63  }
0x21: {  	_ =	swait.ge [sflag:s17], $0x4000  }
0x22: {  	[sflag:s17] =	ssyncset.done $0x0  }
0x23: {  	s26 =	simm.s32 $0x14000;
	[sflag:s17] =	ssyncadd.s32 $0xFFFFC000  }
0x24: {  	[spmem:s2] =	stream.indirect.scatter.add.f32 [tilespmem:s15], [sflag:$0x3], $0x80, s26, s18, $0xb8;
	[tilespmem:$0x1D400] =	vst v63  }
0x25: {  	_ =	swait.ge [sflag:s19], $0x4000  }
0x26: {  	[sflag:s19] =	ssyncset.done $0x0  }
0x27: {  	s30 =	simm.s32 $0x14080;
	[sflag:s19] =	ssyncadd.s32 $0xFFFFC000  }
0x28: {  	[spmem:s2] =	stream.indirect.scatter.add.f32 [tilespmem:s16], [sflag:$0x4], $0x80, s30, s18, $0xb8;
	[tilespmem:$0x1D400] =	vst v63  }
0x29: {  	_ =	swait.ge [sflag:s20], $0x4000  }
0x2a: {  	[sflag:s20] =	ssyncset.done $0x0  }
0x2b: {  	s31 =	sadd.s32 $0x0, s11;
	[sflag:s20] =	ssyncadd.s32 $0xFFFFC000  }
0x2c: {  	[tilespmem:s15], [sflag:$0x1] =	stream.linear.gather [hbm4b:s31+s3], $0x4000, $0x38;
	[tilespmem:$0x1D400] =	vst v63  }
0x2d: {  	_ =	swait.ge [sflag:s21], $0x4000  }
0x2e: {  	s29 =	sadd.s32 $0x0, s10;
	[sflag:s21] =	ssyncset.done $0x0  }
0x2f: {  	s28 =	simm.s32 $0x14180;
	s26 =	simm.s32 $0x1000;
	[sflag:s21] =	ssyncadd.s32 $0xFFFFC000  }
.LBB2_2:
0x30: {  	[tilespmem:s16], [sflag:$0x2] =	stream.linear.gather [hbm4b:s29+s3], $0x4000, $0x38;
	[tilespmem:$0x1D400] =	vst v63  }
0x31: {  	s29 =	smov.u32 s26  }
0x32: {  	p0 =	sne.s32 s26, $0x12000;
	s26 =	sadd.s32 $0x1000, s26;
	_ =	swait.ge [sflag:s17], $0x4000  }
0x33: {  	[sflag:s17] =	ssyncset.done $0x0  }
0x34: {  	s30 =	sadd.s32 $0xFFFFFF80, s28;
	[sflag:s17] =	ssyncadd.s32 $0xFFFFC000  }
0x35: {  	[spmem:s2] =	stream.indirect.scatter.add.f32 [tilespmem:s15], [sflag:$0x3], $0x80, s30, s18, $0xb8;
	[tilespmem:$0x1D400] =	vst v63  }
0x36: {  	_ =	swait.ge [sflag:s19], $0x4000  }
0x37: {  	[sflag:s19] =	ssyncset.done $0x0  }
0x38: {  	[sflag:s19] =	ssyncadd.s32 $0xFFFFC000  }
0x39: {  	[spmem:s2] =	stream.indirect.scatter.add.f32 [tilespmem:s16], [sflag:$0x4], $0x80, s28, s18, $0xb8;
	[tilespmem:$0x1D400] =	vst v63  }
0x3a: {  	_ =	swait.ge [sflag:s20], $0x4000  }
0x3b: {  	[sflag:s20] =	ssyncset.done $0x0  }
.Ltmp0:
0x3c: {  	s30 =	sadd.s32 s29, s11;
	[sflag:s20] =	ssyncadd.s32 $0xFFFFC000;
	(pc) =	sbr.rel @p0 .LBB2_2-.Ltmp0, $4  }
0x3d: {  	[tilespmem:s15], [sflag:$0x1] =	stream.linear.gather [hbm4b:s30+s3], $0x4000, $0x38;
	[tilespmem:$0x1D400] =	vst v63  }
0x3e: {  	_ =	swait.ge [sflag:s21], $0x4000  }
0x3f: {  	[sflag:s21] =	ssyncset.done $0x0  }
0x40: {  	s29 =	sadd.s32 s29, s10;
	s28 =	sadd.s32 $0x100, s28;
	[sflag:s21] =	ssyncadd.s32 $0xFFFFC000  }
0x41: {  	[tilespmem:s16], [sflag:$0x2] =	stream.linear.gather [hbm4b:s29+s3], $0x4000, $0x38;
	[tilespmem:$0x1D400] =	vst v63  }
0x42: {  	_ =	swait.ge [sflag:s17], $0x4000  }
0x43: {  	[sflag:s17] =	ssyncset.done $0x0  }
0x44: {  	[sflag:s17] =	ssyncadd.s32 $0xFFFFC000  }
0x45: {  	[spmem:s2] =	stream.indirect.scatter.add.f32 [tilespmem:s15], [sflag:$0x3], $0x80, s22, s18, $0xb8;
	[tilespmem:$0x1D400] =	vst v63  }
0x46: {  	_ =	swait.ge [sflag:s19], $0x4000  }
0x47: {  	[sflag:s19] =	ssyncset.done $0x0  }
0x48: {  	[sflag:s19] =	ssyncadd.s32 $0xFFFFC000  }
0x49: {  	[spmem:s2] =	stream.indirect.scatter.add.f32 [tilespmem:s16], [sflag:$0x4], $0x80, s23, s18, $0xb8;
	[tilespmem:$0x1D400] =	vst v63  }
0x4a: {  	_ =	swait.ge [sflag:s20], $0x4000  }
0x4b: {  	[sflag:s20] =	ssyncset.done $0x0  }
0x4c: {  	[sflag:s20] =	ssyncadd.s32 $0xFFFFC000  }
0x4d: {  	_ =	swait.ge [sflag:s21], $0x4000  }
0x4e: {  	s25 =	sadd.s32 $0x1, s25;
	[sflag:s21] =	ssyncset.done $0x0  }
0x4f: {  	p0 =	sne.s32 s25, s9;
	[sflag:s21] =	ssyncadd.s32 $0xFFFFC000  }
.Ltmp1:
0x50: {  	[bflag:$0x0] =	sbarrier.arrive $0xFFFF;
	(pc) =	sbr.rel @p0 .LBB2_1-.Ltmp1, $4  }
0x51: {  	[hbm:s24], [sflag:s5] =	dma.local [spmem:s12], $0x2800  }
0x52: {  	_ =	swait.ge [sflag:s13], $0x2800  }
0x53: {  	[sflag:s13] =	ssyncset.done $0x0  }
0x54: {  	[sflag:s13] =	ssyncadd.s32 $0xFFFFD800  }
0x55: {  	_ =	sfence.sel $0x180000  }
0x56: {  	[bflag:$0x0] =	sbarrier.arrive $0xFFFF  }
0x57: {  	p0 =	sne.s32 s1, $0x0;
	_ =	strace $0x9000004D  }
0x58: {  	s0 =	sadd.s32 @!p0 $0x100000, s0;
	[bflag:$0x2] =	sbarrier.arrive $0xFFFF  }
0x59: {  	[sflag:s0] =	ssyncadd.tile.s32 @!p0 $0x1;
	_ =	shalt  }
.Lfunc_end2:
_tile_overlayer_lowered:
.L_overlay_start_2:
0x5a: {  	(tag) =	ssettag $0x2  }
0x5b: {  	s0 =	rddreg [dreg:$0x0];
	s2 =	stileid.u32  }
0x5c: {  	s1 =	rddreg [dreg:$0x1];
	p0 =	sne.s32 s2, $0x0  }
0x5d: {  	s3 =	rddreg [dreg:$0x2];
	[bflag:$0x3] =	sbarrier.arrive $0xFFFF;
	s2 =	simm.s32 @!p0 $0x1C05  }
0x5e: {  	[timem:s3], [sflag:s2] =	dma.local @!p0 [hbm:s0], s1  }
0x5f: {  	s0 =	simm.s32 @!p0 $0x5  }
0x60: {  	_ =	swait.ge @!p0 [sflag:s0], s1  }
0x61: {  	s1 =	ssub.s32 @!p0 $0x0, s1;
	[sflag:s0] =	ssyncset.done @!p0 $0x0  }
0x62: {  	[sflag:s0] =	ssyncadd.s32 @!p0 s1  }
0x63: {  	[bflag:$0x3] =	sbarrier.arrive $0xFFFF  }
0x64: {  	_ =	shalt  }

// kernel: kernel.27.cloned.1.call-start
scs
__scs_entry_jumppad:
0x0: {  	(pc) =	sbr.rel $0x88, $3  }
0x1: {  	(tag) =	ssettag $0x0;
	lr =	simm.s32 $0x1  }
0x2: {  	[smem:$0x3F86] =	sst lr;
	_ =	strace $0xD0000000  }
0x3: {  	_ = 	snop  }
0x4: {  	_ = 	snop  }
0x5: {  	_ = 	snop  }
0x6: {  	_ = 	snop  }
0x7: {  	_ = 	snop  }
__scs_overlays_trampoline_lowered:
0x8: {  	[smem:$0x3F95] =	sst s0  }
0x9: {  	[smem:$0x3F96] =	sst s1  }
0xa: {  	[smem:$0x3F97] =	sst s2  }
0xb: {  	[smem:$0x3F98] =	sst s3  }
0xc: {  	[smem:$0x3F99] =	sst s4  }
0xd: {  	[smem:$0x3F9A] =	sst s5  }
0xe: {  	[smem:$0x3F9B] =	sst s6  }
0xf: {  	[smem:$0x3F9C] =	sst s7  }
0x10: {  	[smem:$0x3F9D] =	sst s8  }
0x11: {  	[smem:$0x3F9E] =	sst s9;
	s0 =	simm.s32 @!p0 $0x0  }
0x12: {  	s1 =	sld [smem:$0x3F84];
	s0 =	simm.s32 @p0 $0x1  }
0x13: {  	[smem:$0x3F9F] =	sst s0;
	s0 =	simm.s32 @!p1 $0x0  }
0x14: {  	s2 =	sld [smem:$0x3F83];
	s0 =	simm.s32 @p1 $0x1  }
0x15: {  	[smem:$0x3FA0] =	sst s0;
	s0 =	simm.s32 @!p2 $0x0  }
0x16: {  	s3 =	sld [smem:$0x3FDB];
	s0 =	simm.s32 @p2 $0x1  }
0x17: {  	s4 =	simm.s32 $0x1BF5;
	[smem:$0x3FA2] =	sst s0  }
0x18: {  	s0 =	sld [smem:$0x3F85];
	_ =	swait.ge [sflag:s4], $0x0  }
0x19: {  	s7 =	sld [smem:$0x3F86]  }
0x1a: {  	s8 =	sadd.s32 $0xFFFFE003, lr  }
0x1b: {  	s9 =	sadd.s32 $0xFFFFFEF7, lr;
	s5 =	simm.s32 $0xFFFFFFFF;
	p2 =	slt.u32 s8, $0xFFFFF086  }
0x1c: {  	p1 =	slt.u32 s9, $0xF7A;
	s5 =	simm.s32 @!p2 $0x0  }
0x1d: {  	s5 =	simm.s32 @p1 $0x1;
	p0 =	seq.s32 s7, s2  }
0x1e: {  	s7 =	smul.u32 @!p0 $0xF7A, s2;
	p2 =	seq.s32 @!p0 s5, $0x0  }
0x1f: {  	s9 =	smul.u32 $0xF7A, s1;
	s8 =	simm.s32 @!p0 $0x1BF5;
	p2 =	por !p2, p0  }
0x20: {  	[sflag:s8] =	ssyncset.s32 @!p0 $0xFFFFF086;
	s6 =	sadd.s32 @!p0 s3, s7;
	s7 =	simm.s32 @!p0 $0x108  }
0x21: {  	s3 =	sadd.s32 s3, s9;
	s6 =	sadd.s32 @!p0 $0x88, s6;
	s7 =	simm.s32 @p2 $0x1082  }
0x22: {  	[simem:s7], [sflag:s8] =	dma.local @!p0 [hbm:s6], $0xF7A  }
0x23: {  	s9 =	sor.u32 $0xD0000000, s2;
	s6 =	simm.s32 $0x108;
	_ =	swait.ge @!p0 [sflag:s8], $0x0  }
0x24: {  	s3 =	sadd.s32 $0x88, s3;
	s6 =	simm.s32 @!p1 $0x1082;
	[sflag:s4] =	ssyncset.s32 $0xFFFFF086  }
0x25: {  	[simem:s6], [sflag:s4] =	dma.local [hbm:s3], $0xF7A  }
0x26: {  	[smem:$0x3F86] =	sst s1;
	(tag) =	ssettag s2;
	_ =	strace s9  }
0x27: {  	s1 =	sld [smem:$0x3F96]  }
0x28: {  	s2 =	sld [smem:$0x3F97]  }
0x29: {  	s4 =	sld [smem:$0x3F99]  }
0x2a: {  	p0 =	seq.s32 s5, $0x0;
	s5 =	sld [smem:$0x3F9A]  }
0x2b: {  	s6 =	sld [smem:$0x3F9B]  }
0x2c: {  	s7 =	sld [smem:$0x3F9C]  }
0x2d: {  	s3 =	simm.s32 $0x108;
	s8 =	sld [smem:$0x3F9D]  }
0x2e: {  	s3 =	simm.s32 @!p0 $0x1082;
	s9 =	sld [smem:$0x3F9E]  }
0x2f: {  	lr =	sadd.s32 s0, s3;
	s0 =	sld [smem:$0x3F95]  }
0x30: {  	s3 =	sld [smem:$0x3F98]  }
0x31: {  	[smem:$0x3FA1] =	sst s10  }
0x32: {  	s10 =	sld [smem:$0x3F9F];
	_ =	sdelay $0x3  }
0x33: {  	p0 =	seq.s32 s10, $0x1;
	s10 =	sld [smem:$0x3FA1];
	_ =	sdelay $0x3  }
0x34: {  	[smem:$0x3FA1] =	sst s10  }
0x35: {  	s10 =	sld [smem:$0x3FA0];
	_ =	sdelay $0x3  }
0x36: {  	p1 =	seq.s32 s10, $0x1;
	s10 =	sld [smem:$0x3FA1];
	_ =	sdelay $0x3  }
0x37: {  	[smem:$0x3FA1] =	sst s10  }
0x38: {  	s10 =	sld [smem:$0x3FA2]  }
0x39: {  	_ = 	snop;
	(pc) =	sbr.ind lr, $3  }
0x3a: {  	_ = 	snop  }
0x3b: {  	_ = 	snop  }
0x3c: {  	p2 =	seq.s32 s10, $0x1;
	s10 =	sld [smem:$0x3FA1]  }
0x3d: {  	_ =	shalt  }
0x3e: {  	_ =	shalt  }
0x3f: {  	_ =	shalt  }
0x40: {  	_ =	shalt  }
0x41: {  	_ =	shalt  }
0x42: {  	_ =	shalt  }
0x43: {  	_ =	shalt  }
0x44: {  	_ =	shalt  }
0x45: {  	_ =	shalt  }
0x46: {  	_ =	shalt  }
0x47: {  	_ =	shalt  }
0x48: {  	_ =	shalt  }
0x49: {  	_ =	shalt  }
0x4a: {  	_ =	shalt  }
0x4b: {  	_ =	shalt  }
0x4c: {  	_ =	shalt  }
0x4d: {  	_ =	shalt  }
0x4e: {  	_ =	shalt  }
0x4f: {  	_ =	shalt  }
0x50: {  	_ =	shalt  }
0x51: {  	_ =	shalt  }
0x52: {  	_ =	shalt  }
0x53: {  	_ =	shalt  }
0x54: {  	_ =	shalt  }
0x55: {  	_ =	shalt  }
0x56: {  	_ =	shalt  }
0x57: {  	_ =	shalt  }
0x58: {  	_ =	shalt  }
0x59: {  	_ =	shalt  }
0x5a: {  	_ =	shalt  }
0x5b: {  	_ =	shalt  }
0x5c: {  	_ =	shalt  }
0x5d: {  	_ =	shalt  }
0x5e: {  	_ =	shalt  }
0x5f: {  	_ =	shalt  }
0x60: {  	_ =	shalt  }
0x61: {  	_ =	shalt  }
0x62: {  	_ =	shalt  }
0x63: {  	_ =	shalt  }
0x64: {  	_ =	shalt  }
0x65: {  	_ =	shalt  }
0x66: {  	_ =	shalt  }
0x67: {  	_ =	shalt  }
0x68: {  	_ =	shalt  }
0x69: {  	_ =	shalt  }
0x6a: {  	_ =	shalt  }
0x6b: {  	_ =	shalt  }
0x6c: {  	_ =	shalt  }
0x6d: {  	_ =	shalt  }
0x6e: {  	_ =	shalt  }
0x6f: {  	_ =	shalt  }
0x70: {  	_ =	shalt  }
0x71: {  	_ =	shalt  }
0x72: {  	_ =	shalt  }
0x73: {  	_ =	shalt  }
0x74: {  	_ =	shalt  }
0x75: {  	_ =	shalt  }
0x76: {  	_ =	shalt  }
0x77: {  	_ =	shalt  }
0x78: {  	_ =	shalt  }
0x79: {  	_ =	shalt  }
0x7a: {  	_ =	shalt  }
0x7b: {  	_ =	shalt  }
0x7c: {  	_ =	shalt  }
0x7d: {  	_ =	shalt  }
0x7e: {  	_ =	shalt  }
0x7f: {  	_ =	shalt  }
0x80: {  	_ =	shalt  }
0x81: {  	_ =	shalt  }
0x82: {  	_ =	shalt  }
0x83: {  	_ =	shalt  }
0x84: {  	_ =	shalt  }
0x85: {  	_ =	shalt  }
0x86: {  	_ =	shalt  }
0x87: {  	_ =	shalt  }
.Lfunc_end0:
.L_simem_size_0:
called_computation.3_lowered:
.L_overlay_start_0:
0x88: {  	s2 =	sld [smem:$0x3FD9]  }
0x89: {  	s3 =	sld [smem:$0x3FFE];
	_ =	sdelay $0x1  }
0x8a: {  	s1 =	srdreg.scid  }
0x8b: {  	s0 =	sand.u32 $0x1, s1  }
0x8c: {  	s17 =	sshll.u32 s0, $0xA;
	s2 =	sadd.s32 s3, s2  }
0x8d: {  	s2 =	sadd.s32 s2, s17  }
0x8e: {  	[smem:$0x3FAD] =	sst s2  }
0x8f: {  	_ = 	snop  }
0x90: {  	(tm) =	ssettm $0x1  }
0x91: {  	s18 =	sld [smem:$0x3FFB];
	_ =	sdelay $0x3  }
0x92: {  	_ =	strace s18  }
0x93: {  	s2 =	sld [smem:$0x3FFC];
	_ =	sdelay $0x3  }
0x94: {  	_ =	strace s2  }
0x95: {  	s2 =	sld [smem:$0x3FFD];
	_ =	sdelay $0x3  }
0x96: {  	_ =	strace s2  }
0x97: {  	_ =	strace $0x8FFFFFFF  }
0x98: {  	s19 =	sld [smem:$0x3FDB];
	_ =	sdelay $0x1  }
0x99: {  	s20 =	simm.s32 $_scs_section_size  }
0x9a: {  	s4 =	simm.s32 $_size__tile_overlayer_lowered;
	s5 =	simm.s32 $_tile_overlayer_lowered  }
0x9b: {  	s6 =	simm.s32 $0x1BFF;
	s21 =	sshll.u32 s5, $0x1;
	s3 =	sadd.s32 s20, s19  }
0x9c: {  	s22 =	simm.s32 $0x0;
	s4 =	sshll.u32 s4, $0x1;
	s5 =	sadd.s32 s21, s3  }
0x9d: {  	[timem:s22], [sflag:s6] =	dma.local [hbm:s5], s4  }
0x9e: {  	_ =	swait.ge [sflag:s6], s4  }
0x9f: {  	s4 =	ssub.s32 $0x0, s4;
	[sflag:s6] =	ssyncset.done $0x0  }
0xa0: {  	[sflag:s6] =	ssyncadd.s32 s4;
	_ =	sdelay $0x1  }
0xa1: {  	s23 =	simm.s32 $0x1B8B  }
0xa2: {  	_ =	swait.ge [sflag:s23], $0x1  }
0xa3: {  	[sflag:s23] =	ssyncset.done $0x0  }
0xa4: {  	[sflag:s23] =	ssyncadd.s32 $0xFFFFFFFF  }
0xa5: {  	s4 =	sld [smem:$0x0]  }
0xa6: {  	s5 =	sand.u32 $0xFFFFFFFE, s1  }
0xa7: {  	p0 =	sne.s32 s1, s5  }
0xa8: {  	s5 =	sshll.u32 @p0 s5, $0xE  }
0xa9: {  	s5 =	sadd.s32 @p0 $0x11B8D, s5;
	s6 =	sshll.u32 @p0 s4, $0x11  }
0xaa: {  	s5 =	sor.u32 @p0 s6, s5  }
0xab: {  	[sflag:s5] =	ssyncadd.remote.s32 @p0 $0x1;
	_ =	sdelay $0x1  }
0xac: {  	s5 =	simm.s32 @p0 $0x1B8D  }
0xad: {  	_ =	swait.eq @p0 [sflag:s5], $0x1  }
0xae: {  	[sflag:s5] =	ssyncadd.s32 @p0 $0xFFFFFFFF  }
0xaf: {  	s6 =	sshll.u32 @!p0 s1, $0xE  }
0xb0: {  	s6 =	sor.u32 @!p0 $0x4000, s6;
	s5 =	simm.s32 @!p0 $0x1B8D  }
0xb1: {  	s4 =	sshll.u32 @!p0 s4, $0x11;
	s6 =	sadd.s32 @!p0 $0x11B8D, s6;
	_ =	swait.eq @!p0 [sflag:s5], $0x1  }
0xb2: {  	s4 =	sor.u32 @!p0 s4, s6;
	[sflag:s5] =	ssyncadd.s32 @!p0 $0xFFFFFFFF  }
0xb3: {  	s25 =	simm.s32 $0x1B8E;
	s24 =	sld [smem:$0x3FFE];
	[sflag:s4] =	ssyncadd.remote.s32 @!p0 $0x1  }
0xb4: {  	s26 =	simm.s32 $execute0_lowered;
	[smem:$0x3FD2] =	sst s25  }
0xb5: {  	s5 =	sshll.u32 s26, $0x1;
	_ =	strace $0x8000004F;
	[dreg:$0x1] =	wrdreg $0xFFFFFFFF  }
0xb6: {  	s28 =	simm.s32 $_size_execute0_lowered;
	s3 =	sadd.s32 s3, s5;
	[dreg:$0x0] =	wrdreg $0x0  }
0xb7: {  	s5 =	sshll.u32 s28, $0x1;
	[dreg:$0x2] =	wrdreg s3  }
0xb8: {  	[dreg:$0x3] =	wrdreg s5  }
0xb9: {  	[dreg:$0x4] =	wrdreg $0xC0  }
0xba: {  	_ =	task [dreg:s22], $0x5FFFF  }
0xbb: {  	[dreg:$0x1] =	wrdreg $0xFFFFFFFF  }
0xbc: {  	[dreg:$0x0] =	wrdreg $0x60  }
0xbd: {  	[dreg:$0x2] =	wrdreg s24  }
0xbe: {  	[dreg:$0x3] =	wrdreg $0x0  }
0xbf: {  	[dreg:$0x4] =	wrdreg $0x9  }
0xc0: {  	_ =	task.clear_ibuf [dreg:s22], $0x5FFFF;
	_ =	strace $0x9000004F  }
0xc1: {  	s29 =	simm.s32 $0x9;
	_ =	strace $0x80000051  }
0xc2: {  	_ =	swait.ge [sflag:s29], $0x1  }
0xc3: {  	[sflag:s29] =	ssyncadd.s32 $0xFFFFFFFF  }
0xc4: {  	_ =	strace $0x90000051  }
0xc5: {  	_ =	sfence  }
0xc6: {  	s30 =	sld [smem:$0x0];
	_ =	sdelay $0x2  }
0xc7: {  	s31 =	sshll.u32 s1, $0xD;
	s1 =	sshrl.u32 s1, $0x2  }
0xc8: {  	s4 =	sand.u32 $0x4000, s31;
	s1 =	sadd.s32 s1, s30  }
0xc9: {  	s0 =	sor.u32 s4, s0;
	s1 =	sshll.u32 s1, $0x11  }
0xca: {  	s0 =	sor.u32 s1, s0  }
0xcb: {  	s0 =	sadd.s32 $0x8F2B, s0  }
0xcc: {  	[sflag:s0] =	ssyncadd.remote.s32 $0x1  }
0xcd: {  	_ =	sfence.sel $0xFFFF  }
0xce: {  	[dreg:$0x0] =	wrdreg $0xFFFFFFFF;
	(pc) =	sbr.abs _section_cstart, $3  }
0xcf: {  	[dreg:$0x1] =	wrdreg $0xFFFFFFFF  }
0xd0: {  	_ =	task.clear_ibuf [dreg:s22], $0x2FFFF;
	_ =	strace $0x9FFFFFFF  }
0xd1: {  	(tm) =	ssettm $0x7FFFFFFF  }
tec
execute0_lowered:
.L_overlay_start_1:
0x0: {  	(tag) =	ssettag $0x1  }
0x1: {  	s24 =	rddreg [dreg:$0x0]  }
0x2: {  	s2 =	rddreg [dreg:$0x1]  }
0x3: {  	s0 =	rddreg [dreg:$0x2];
	s1 =	stileid.u32  }
0x4: {  	s3 =	simm.s32 $0x0;
	s4 =	srdreg.scid;
	s5 =	smul.u32 $0x50000, s1  }
0x5: {  	[smem:$0x7FF] =	sst s3;
	s25 =	sand.u32 $0x1, s4;
	s29 =	sshll.u32 s1, $0x1  }
0x6: {  	s4 =	sadd.s32 $0x300E00, s24;
	s30 =	sshll.u32 s1, $0x6;
	s5 =	sshrl.u32 s5, $0x2  }
0x7: {  	_ =	strace $0x80000050;
	s10 =	sor.u32 s25, s29;
	s6 =	sadd.s32 s5, s2  }
0x8: {  	s5 =	sor.u32 $0x1C05, s30;
	s7 =	sshrl.u32 s6, $0x3;
	s6 =	simm.s32 $0x5  }
0x9: {  	[spmem:s7], [sflag:s5] =	dma.local [hbm:s4], $0x2800  }
0xa: {  	s8 =	sshll.u32 s10, $0x6;
	_ =	swait.ge [sflag:s6], $0x2800  }
0xb: {  	s8 =	sadd.s32 s8, s24;
	[sflag:s6] =	ssyncset.done $0x0  }
0xc: {  	s9 =	simm.s32 $0x14000;
	s8 =	sadd.s32 $0x393600, s8;
	[sflag:s6] =	ssyncadd.s32 $0xFFFFD800  }
0xd: {  	[tilespmem:s9], [sflag:$0x5] =	stream.linear.gather [hbm4b:s8+s3], $0x200, $0x38;
	[tilespmem:$0x1C200] =	vst v63  }
0xe: {  	_ =	swait.ge [sflag:s6], $0x200  }
0xf: {  	s10 =	sshll.u32 s10, $0xD;
	[sflag:s6] =	ssyncset.done $0x0  }
0x10: {  	s21 =	sadd.s32 s10, s24;
	[sflag:s6] =	ssyncadd.s32 $0xFFFFFE00  }
0x11: {  	s11 =	simm.s32 $0x14200;
	s10 =	sadd.s32 $0x2BBE00, s21;
	[bflag:$0x0] =	sbarrier.arrive $0xFFFF  }
0x12: {  	[tilespmem:s11], [sflag:$0x1] =	stream.linear.gather [hbm4b:s10+s3], $0x4000, $0x38;
	[tilespmem:$0x1C200] =	vst v63  }
0x13: {  	s13 =	simm.s32 $0x18200;
	s14 =	simm.s32 $0x1;
	s12 =	sadd.s32 $0x2BC600, s21  }
0x14: {  	[tilespmem:s13], [sflag:$0x2] =	stream.linear.gather [hbm4b:s12+s3], $0x4000, $0x38;
	[tilespmem:$0x1C200] =	vst v63  }
0x15: {  	_ =	swait.ge [sflag:s14], $0x4000  }
0x16: {  	[sflag:s14] =	ssyncset.done $0x0  }
0x17: {  	s15 =	simm.s32 $0x80;
	s16 =	simm.s32 $0x2;
	[sflag:s14] =	ssyncadd.s32 $0xFFFFC000  }
0x18: {  	[spmem:s2] =	stream.indirect.scatter.add.f32 [tilespmem:s11], [sflag:$0x3], $0x80, s9, s15, $0xb8;
	[tilespmem:$0x1C200] =	vst v63  }
0x19: {  	_ =	swait.ge [sflag:s16], $0x4000  }
0x1a: {  	[sflag:s16] =	ssyncset.done $0x0  }
0x1b: {  	s17 =	simm.s32 $0x14080;
	s18 =	simm.s32 $0x3;
	[sflag:s16] =	ssyncadd.s32 $0xFFFFC000  }
0x1c: {  	[spmem:s2] =	stream.indirect.scatter.add.f32 [tilespmem:s13], [sflag:$0x4], $0x80, s17, s15, $0xb8;
	[tilespmem:$0x1C200] =	vst v63  }
0x1d: {  	_ =	swait.ge [sflag:s18], $0x4000  }
0x1e: {  	[sflag:s18] =	ssyncset.done $0x0  }
0x1f: {  	s20 =	simm.s32 $0x4;
	s19 =	sadd.s32 $0x2BCE00, s21;
	[sflag:s18] =	ssyncadd.s32 $0xFFFFC000  }
0x20: {  	[tilespmem:s11], [sflag:$0x1] =	stream.linear.gather [hbm4b:s19+s3], $0x4000, $0x38;
	[tilespmem:$0x1C200] =	vst v63  }
0x21: {  	_ =	swait.ge [sflag:s20], $0x4000  }
0x22: {  	[sflag:s20] =	ssyncset.done $0x0  }
0x23: {  	s21 =	sadd.s32 $0x2BD600, s21;
	[sflag:s20] =	ssyncadd.s32 $0xFFFFC000  }
0x24: {  	[tilespmem:s13], [sflag:$0x2] =	stream.linear.gather [hbm4b:s21+s3], $0x4000, $0x38;
	[tilespmem:$0x1C200] =	vst v63  }
0x25: {  	_ =	swait.ge [sflag:s14], $0x4000  }
0x26: {  	[sflag:s14] =	ssyncset.done $0x0  }
0x27: {  	s22 =	simm.s32 $0x14100;
	[sflag:s14] =	ssyncadd.s32 $0xFFFFC000  }
0x28: {  	[spmem:s2] =	stream.indirect.scatter.add.f32 [tilespmem:s11], [sflag:$0x3], $0x80, s22, s15, $0xb8;
	[tilespmem:$0x1C200] =	vst v63  }
0x29: {  	_ =	swait.ge [sflag:s16], $0x4000  }
0x2a: {  	[sflag:s16] =	ssyncset.done $0x0  }
0x2b: {  	s23 =	simm.s32 $0x14180;
	[sflag:s16] =	ssyncadd.s32 $0xFFFFC000  }
0x2c: {  	[spmem:s2] =	stream.indirect.scatter.add.f32 [tilespmem:s13], [sflag:$0x4], $0x80, s23, s15, $0xb8;
	[tilespmem:$0x1C200] =	vst v63  }
0x2d: {  	s26 =	smul.u32 $0x28000, s25;
	s25 =	ssub.s32 $0x2, s25;
	_ =	swait.ge [sflag:s18], $0x4000  }
0x2e: {  	s31 =	sshrl.u32 s25, $0x1;
	[sflag:s18] =	ssyncset.done $0x0  }
0x2f: {  	s25 =	ssub.s32 s25, s31;
	[sflag:s18] =	ssyncadd.s32 $0xFFFFC000  }
0x30: {  	s28 =	smul.u32 $0x2800, s1;
	s25 =	smax.u32 s25, $0x1;
	_ =	swait.ge [sflag:s20], $0x4000  }
0x31: {  	s24 =	sadd.s32 s26, s24;
	p0 =	sne.s32 s25, $0x1;
	[sflag:s20] =	ssyncset.done $0x0  }
.Ltmp0:
0x32: {  	s24 =	sadd.s32 $0x393E00, s24;
	[sflag:s20] =	ssyncadd.s32 $0xFFFFC000;
	(pc) =	sbr.rel @!p0 .LBB2_2-.Ltmp0, $4  }
0x33: {  	s24 =	sadd.s32 s28, s24;
	[bflag:$0x0] =	sbarrier.arrive $0xFFFF  }
0x34: {  	[hbm:s24], [sflag:s5] =	dma.local [spmem:s7], $0x2800  }
0x35: {  	_ =	swait.ge [sflag:s6], $0x2800  }
0x36: {  	s25 =	sadd.s32 $0xFFFFFFFF, s25;
	[sflag:s6] =	ssyncset.done $0x0  }
.LBB2_1:
0x37: {  	p0 =	sne.s32 s25, $0x1;
	s25 =	sadd.s32 $0xFFFFFFFF, s25;
	[sflag:s6] =	ssyncadd.s32 $0xFFFFD800  }
0x38: {  	[spmem:s7], [sflag:s5] =	dma.local [hbm:s4], $0x2800  }
0x39: {  	_ =	swait.ge [sflag:s6], $0x2800  }
0x3a: {  	[sflag:s6] =	ssyncset.done $0x0  }
0x3b: {  	[sflag:s6] =	ssyncadd.s32 $0xFFFFD800  }
0x3c: {  	[tilespmem:s9], [sflag:$0x5] =	stream.linear.gather [hbm4b:s8+s3], $0x200, $0x38;
	[tilespmem:$0x1C200] =	vst v63  }
0x3d: {  	_ =	swait.ge [sflag:s6], $0x200  }
0x3e: {  	[sflag:s6] =	ssyncset.done $0x0  }
0x3f: {  	[sflag:s6] =	ssyncadd.s32 $0xFFFFFE00  }
0x40: {  	[bflag:$0x0] =	sbarrier.arrive $0xFFFF  }
0x41: {  	[tilespmem:s11], [sflag:$0x1] =	stream.linear.gather [hbm4b:s10+s3], $0x4000, $0x38;
	[tilespmem:$0x1C200] =	vst v63  }
0x42: {  	_ = 	snop  }
0x43: {  	[tilespmem:s13], [sflag:$0x2] =	stream.linear.gather [hbm4b:s12+s3], $0x4000, $0x38;
	[tilespmem:$0x1C200] =	vst v63  }
0x44: {  	_ =	swait.ge [sflag:s14], $0x4000  }
0x45: {  	[sflag:s14] =	ssyncset.done $0x0  }
0x46: {  	[sflag:s14] =	ssyncadd.s32 $0xFFFFC000  }
0x47: {  	[spmem:s2] =	stream.indirect.scatter.add.f32 [tilespmem:s11], [sflag:$0x3], $0x80, s9, s15, $0xb8;
	[tilespmem:$0x1C200] =	vst v63  }
0x48: {  	_ =	swait.ge [sflag:s16], $0x4000  }
0x49: {  	[sflag:s16] =	ssyncset.done $0x0  }
0x4a: {  	[sflag:s16] =	ssyncadd.s32 $0xFFFFC000  }
0x4b: {  	[spmem:s2] =	stream.indirect.scatter.add.f32 [tilespmem:s13], [sflag:$0x4], $0x80, s17, s15, $0xb8;
	[tilespmem:$0x1C200] =	vst v63  }
0x4c: {  	_ =	swait.ge [sflag:s18], $0x4000  }
0x4d: {  	[sflag:s18] =	ssyncset.done $0x0  }
0x4e: {  	[sflag:s18] =	ssyncadd.s32 $0xFFFFC000  }
0x4f: {  	[tilespmem:s11], [sflag:$0x1] =	stream.linear.gather [hbm4b:s19+s3], $0x4000, $0x38;
	[tilespmem:$0x1C200] =	vst v63  }
0x50: {  	_ =	swait.ge [sflag:s20], $0x4000  }
0x51: {  	[sflag:s20] =	ssyncset.done $0x0  }
0x52: {  	[sflag:s20] =	ssyncadd.s32 $0xFFFFC000  }
0x53: {  	[tilespmem:s13], [sflag:$0x2] =	stream.linear.gather [hbm4b:s21+s3], $0x4000, $0x38;
	[tilespmem:$0x1C200] =	vst v63  }
0x54: {  	_ =	swait.ge [sflag:s14], $0x4000  }
0x55: {  	[sflag:s14] =	ssyncset.done $0x0  }
0x56: {  	[sflag:s14] =	ssyncadd.s32 $0xFFFFC000  }
0x57: {  	[spmem:s2] =	stream.indirect.scatter.add.f32 [tilespmem:s11], [sflag:$0x3], $0x80, s22, s15, $0xb8;
	[tilespmem:$0x1C200] =	vst v63  }
0x58: {  	_ =	swait.ge [sflag:s16], $0x4000  }
0x59: {  	[sflag:s16] =	ssyncset.done $0x0  }
0x5a: {  	[sflag:s16] =	ssyncadd.s32 $0xFFFFC000  }
0x5b: {  	[spmem:s2] =	stream.indirect.scatter.add.f32 [tilespmem:s13], [sflag:$0x4], $0x80, s23, s15, $0xb8;
	[tilespmem:$0x1C200] =	vst v63  }
0x5c: {  	_ =	swait.ge [sflag:s18], $0x4000  }
0x5d: {  	[sflag:s18] =	ssyncset.done $0x0  }
0x5e: {  	[sflag:s18] =	ssyncadd.s32 $0xFFFFC000  }
0x5f: {  	_ =	swait.ge [sflag:s20], $0x4000  }
0x60: {  	[sflag:s20] =	ssyncset.done $0x0  }
.Ltmp1:
0x61: {  	[sflag:s20] =	ssyncadd.s32 $0xFFFFC000;
	(pc) =	sbr.rel @p0 .LBB2_1-.Ltmp1, $4  }
0x62: {  	[bflag:$0x0] =	sbarrier.arrive $0xFFFF  }
0x63: {  	[hbm:s24], [sflag:s5] =	dma.local [spmem:s7], $0x2800  }
0x64: {  	_ =	swait.ge [sflag:s6], $0x2800  }
0x65: {  	[sflag:s6] =	ssyncset.done $0x0  }
.LBB2_2:
0x66: {  	[sflag:s6] =	ssyncadd.s32 $0xFFFFD800  }
0x67: {  	_ =	sfence.sel $0x180000  }
0x68: {  	[bflag:$0x0] =	sbarrier.arrive $0xFFFF  }
0x69: {  	p0 =	sne.s32 s1, $0x0;
	_ =	strace $0x90000050  }
0x6a: {  	s0 =	sadd.s32 @!p0 $0x100000, s0;
	[bflag:$0x2] =	sbarrier.arrive $0xFFFF  }
0x6b: {  	[sflag:s0] =	ssyncadd.tile.s32 @!p0 $0x1;
	_ =	shalt  }
.Lfunc_end2:
_tile_overlayer_lowered:
.L_overlay_start_2:
0x6c: {  	(tag) =	ssettag $0x2  }
0x6d: {  	s0 =	rddreg [dreg:$0x0];
	s2 =	stileid.u32  }
0x6e: {  	s1 =	rddreg [dreg:$0x1];
	p0 =	sne.s32 s2, $0x0  }
0x6f: {  	s3 =	rddreg [dreg:$0x2];
	[bflag:$0x3] =	sbarrier.arrive $0xFFFF;
	s2 =	simm.s32 @!p0 $0x1C05  }
0x70: {  	[timem:s3], [sflag:s2] =	dma.local @!p0 [hbm:s0], s1  }
0x71: {  	s0 =	simm.s32 @!p0 $0x5  }
0x72: {  	_ =	swait.ge @!p0 [sflag:s0], s1  }
0x73: {  	s1 =	ssub.s32 @!p0 $0x0, s1;
	[sflag:s0] =	ssyncset.done @!p0 $0x0  }
0x74: {  	[sflag:s0] =	ssyncadd.s32 @!p0 s1  }
0x75: {  	[bflag:$0x3] =	sbarrier.arrive $0xFFFF  }
0x76: {  	_ =	shalt  }

// kernel: kernel.30.cloned.1.call-start
scs
__scs_entry_jumppad:
0x0: {  	(pc) =	sbr.rel $0x88, $3  }
0x1: {  	(tag) =	ssettag $0x0;
	lr =	simm.s32 $0x1  }
0x2: {  	[smem:$0x3F86] =	sst lr;
	_ =	strace $0xD0000000  }
0x3: {  	_ = 	snop  }
0x4: {  	_ = 	snop  }
0x5: {  	_ = 	snop  }
0x6: {  	_ = 	snop  }
0x7: {  	_ = 	snop  }
__scs_overlays_trampoline_lowered:
0x8: {  	[smem:$0x3F95] =	sst s0  }
0x9: {  	[smem:$0x3F96] =	sst s1  }
0xa: {  	[smem:$0x3F97] =	sst s2  }
0xb: {  	[smem:$0x3F98] =	sst s3  }
0xc: {  	[smem:$0x3F99] =	sst s4  }
0xd: {  	[smem:$0x3F9A] =	sst s5  }
0xe: {  	[smem:$0x3F9B] =	sst s6  }
0xf: {  	[smem:$0x3F9C] =	sst s7  }
0x10: {  	[smem:$0x3F9D] =	sst s8  }
0x11: {  	[smem:$0x3F9E] =	sst s9;
	s0 =	simm.s32 @!p0 $0x0  }
0x12: {  	s1 =	sld [smem:$0x3F84];
	s0 =	simm.s32 @p0 $0x1  }
0x13: {  	[smem:$0x3F9F] =	sst s0;
	s0 =	simm.s32 @!p1 $0x0  }
0x14: {  	s2 =	sld [smem:$0x3F83];
	s0 =	simm.s32 @p1 $0x1  }
0x15: {  	[smem:$0x3FA0] =	sst s0;
	s0 =	simm.s32 @!p2 $0x0  }
0x16: {  	s3 =	sld [smem:$0x3FDB];
	s0 =	simm.s32 @p2 $0x1  }
0x17: {  	s4 =	simm.s32 $0x1BF5;
	[smem:$0x3FA2] =	sst s0  }
0x18: {  	s0 =	sld [smem:$0x3F85];
	_ =	swait.ge [sflag:s4], $0x0  }
0x19: {  	s7 =	sld [smem:$0x3F86]  }
0x1a: {  	s8 =	sadd.s32 $0xFFFFE003, lr  }
0x1b: {  	s9 =	sadd.s32 $0xFFFFFEF7, lr;
	s5 =	simm.s32 $0xFFFFFFFF;
	p2 =	slt.u32 s8, $0xFFFFF086  }
0x1c: {  	p1 =	slt.u32 s9, $0xF7A;
	s5 =	simm.s32 @!p2 $0x0  }
0x1d: {  	s5 =	simm.s32 @p1 $0x1;
	p0 =	seq.s32 s7, s2  }
0x1e: {  	s7 =	smul.u32 @!p0 $0xF7A, s2;
	p2 =	seq.s32 @!p0 s5, $0x0  }
0x1f: {  	s9 =	smul.u32 $0xF7A, s1;
	s8 =	simm.s32 @!p0 $0x1BF5;
	p2 =	por !p2, p0  }
0x20: {  	[sflag:s8] =	ssyncset.s32 @!p0 $0xFFFFF086;
	s6 =	sadd.s32 @!p0 s3, s7;
	s7 =	simm.s32 @!p0 $0x108  }
0x21: {  	s3 =	sadd.s32 s3, s9;
	s6 =	sadd.s32 @!p0 $0x88, s6;
	s7 =	simm.s32 @p2 $0x1082  }
0x22: {  	[simem:s7], [sflag:s8] =	dma.local @!p0 [hbm:s6], $0xF7A  }
0x23: {  	s9 =	sor.u32 $0xD0000000, s2;
	s6 =	simm.s32 $0x108;
	_ =	swait.ge @!p0 [sflag:s8], $0x0  }
0x24: {  	s3 =	sadd.s32 $0x88, s3;
	s6 =	simm.s32 @!p1 $0x1082;
	[sflag:s4] =	ssyncset.s32 $0xFFFFF086  }
0x25: {  	[simem:s6], [sflag:s4] =	dma.local [hbm:s3], $0xF7A  }
0x26: {  	[smem:$0x3F86] =	sst s1;
	(tag) =	ssettag s2;
	_ =	strace s9  }
0x27: {  	s1 =	sld [smem:$0x3F96]  }
0x28: {  	s2 =	sld [smem:$0x3F97]  }
0x29: {  	s4 =	sld [smem:$0x3F99]  }
0x2a: {  	p0 =	seq.s32 s5, $0x0;
	s5 =	sld [smem:$0x3F9A]  }
0x2b: {  	s6 =	sld [smem:$0x3F9B]  }
0x2c: {  	s7 =	sld [smem:$0x3F9C]  }
0x2d: {  	s3 =	simm.s32 $0x108;
	s8 =	sld [smem:$0x3F9D]  }
0x2e: {  	s3 =	simm.s32 @!p0 $0x1082;
	s9 =	sld [smem:$0x3F9E]  }
0x2f: {  	lr =	sadd.s32 s0, s3;
	s0 =	sld [smem:$0x3F95]  }
0x30: {  	s3 =	sld [smem:$0x3F98]  }
0x31: {  	[smem:$0x3FA1] =	sst s10  }
0x32: {  	s10 =	sld [smem:$0x3F9F];
	_ =	sdelay $0x3  }
0x33: {  	p0 =	seq.s32 s10, $0x1;
	s10 =	sld [smem:$0x3FA1];
	_ =	sdelay $0x3  }
0x34: {  	[smem:$0x3FA1] =	sst s10  }
0x35: {  	s10 =	sld [smem:$0x3FA0];
	_ =	sdelay $0x3  }
0x36: {  	p1 =	seq.s32 s10, $0x1;
	s10 =	sld [smem:$0x3FA1];
	_ =	sdelay $0x3  }
0x37: {  	[smem:$0x3FA1] =	sst s10  }
0x38: {  	s10 =	sld [smem:$0x3FA2]  }
0x39: {  	_ = 	snop;
	(pc) =	sbr.ind lr, $3  }
0x3a: {  	_ = 	snop  }
0x3b: {  	_ = 	snop  }
0x3c: {  	p2 =	seq.s32 s10, $0x1;
	s10 =	sld [smem:$0x3FA1]  }
0x3d: {  	_ =	shalt  }
0x3e: {  	_ =	shalt  }
0x3f: {  	_ =	shalt  }
0x40: {  	_ =	shalt  }
0x41: {  	_ =	shalt  }
0x42: {  	_ =	shalt  }
0x43: {  	_ =	shalt  }
0x44: {  	_ =	shalt  }
0x45: {  	_ =	shalt  }
0x46: {  	_ =	shalt  }
0x47: {  	_ =	shalt  }
0x48: {  	_ =	shalt  }
0x49: {  	_ =	shalt  }
0x4a: {  	_ =	shalt  }
0x4b: {  	_ =	shalt  }
0x4c: {  	_ =	shalt  }
0x4d: {  	_ =	shalt  }
0x4e: {  	_ =	shalt  }
0x4f: {  	_ =	shalt  }
0x50: {  	_ =	shalt  }
0x51: {  	_ =	shalt  }
0x52: {  	_ =	shalt  }
0x53: {  	_ =	shalt  }
0x54: {  	_ =	shalt  }
0x55: {  	_ =	shalt  }
0x56: {  	_ =	shalt  }
0x57: {  	_ =	shalt  }
0x58: {  	_ =	shalt  }
0x59: {  	_ =	shalt  }
0x5a: {  	_ =	shalt  }
0x5b: {  	_ =	shalt  }
0x5c: {  	_ =	shalt  }
0x5d: {  	_ =	shalt  }
0x5e: {  	_ =	shalt  }
0x5f: {  	_ =	shalt  }
0x60: {  	_ =	shalt  }
0x61: {  	_ =	shalt  }
0x62: {  	_ =	shalt  }
0x63: {  	_ =	shalt  }
0x64: {  	_ =	shalt  }
0x65: {  	_ =	shalt  }
0x66: {  	_ =	shalt  }
0x67: {  	_ =	shalt  }
0x68: {  	_ =	shalt  }
0x69: {  	_ =	shalt  }
0x6a: {  	_ =	shalt  }
0x6b: {  	_ =	shalt  }
0x6c: {  	_ =	shalt  }
0x6d: {  	_ =	shalt  }
0x6e: {  	_ =	shalt  }
0x6f: {  	_ =	shalt  }
0x70: {  	_ =	shalt  }
0x71: {  	_ =	shalt  }
0x72: {  	_ =	shalt  }
0x73: {  	_ =	shalt  }
0x74: {  	_ =	shalt  }
0x75: {  	_ =	shalt  }
0x76: {  	_ =	shalt  }
0x77: {  	_ =	shalt  }
0x78: {  	_ =	shalt  }
0x79: {  	_ =	shalt  }
0x7a: {  	_ =	shalt  }
0x7b: {  	_ =	shalt  }
0x7c: {  	_ =	shalt  }
0x7d: {  	_ =	shalt  }
0x7e: {  	_ =	shalt  }
0x7f: {  	_ =	shalt  }
0x80: {  	_ =	shalt  }
0x81: {  	_ =	shalt  }
0x82: {  	_ =	shalt  }
0x83: {  	_ =	shalt  }
0x84: {  	_ =	shalt  }
0x85: {  	_ =	shalt  }
0x86: {  	_ =	shalt  }
0x87: {  	_ =	shalt  }
.Lfunc_end0:
.L_simem_size_0:
called_computation.4_lowered:
.L_overlay_start_0:
0x88: {  	s2 =	sld [smem:$0x3FD9]  }
0x89: {  	s3 =	sld [smem:$0x3FFE];
	_ =	sdelay $0x1  }
0x8a: {  	s1 =	srdreg.scid  }
0x8b: {  	s0 =	sand.u32 $0x1, s1  }
0x8c: {  	s16 =	sshll.u32 s0, $0xA;
	s2 =	sadd.s32 s3, s2  }
0x8d: {  	s2 =	sadd.s32 s2, s16  }
0x8e: {  	[smem:$0x3FAD] =	sst s2  }
0x8f: {  	_ = 	snop  }
0x90: {  	(tm) =	ssettm $0x1  }
0x91: {  	s17 =	sld [smem:$0x3FFB];
	_ =	sdelay $0x3  }
0x92: {  	_ =	strace s17  }
0x93: {  	s2 =	sld [smem:$0x3FFC];
	_ =	sdelay $0x3  }
0x94: {  	_ =	strace s2  }
0x95: {  	s2 =	sld [smem:$0x3FFD];
	_ =	sdelay $0x3  }
0x96: {  	_ =	strace s2  }
0x97: {  	_ =	strace $0x8FFFFFFF  }
0x98: {  	s18 =	sld [smem:$0x3FDB];
	_ =	sdelay $0x1  }
0x99: {  	s19 =	simm.s32 $_scs_section_size  }
0x9a: {  	s4 =	simm.s32 $_size__tile_overlayer_lowered;
	s5 =	simm.s32 $_tile_overlayer_lowered  }
0x9b: {  	s22 =	simm.s32 $0x1BFF;
	s21 =	sshll.u32 s5, $0x1;
	s2 =	sadd.s32 s19, s18  }
0x9c: {  	s6 =	simm.s32 $0x0;
	s20 =	sshll.u32 s4, $0x1;
	s4 =	sadd.s32 s21, s2  }
0x9d: {  	[timem:s6], [sflag:s22] =	dma.local [hbm:s4], s20  }
0x9e: {  	_ =	swait.ge [sflag:s22], s20  }
0x9f: {  	s3 =	ssub.s32 $0x0, s20;
	[sflag:s22] =	ssyncset.done $0x0  }
0xa0: {  	[sflag:s22] =	ssyncadd.s32 s3;
	_ =	sdelay $0x1  }
0xa1: {  	s23 =	simm.s32 $0x1B8B  }
0xa2: {  	_ =	swait.ge [sflag:s23], $0x1  }
0xa3: {  	[sflag:s23] =	ssyncset.done $0x0  }
0xa4: {  	s25 =	simm.s32 $0x1B8E;
	s24 =	sld [smem:$0x3FFE];
	[sflag:s23] =	ssyncadd.s32 $0xFFFFFFFF  }
0xa5: {  	s26 =	simm.s32 $execute0_lowered;
	[smem:$0x3FD2] =	sst s25  }
0xa6: {  	s4 =	sshll.u32 s26, $0x1;
	_ =	strace $0x80000052;
	[dreg:$0x1] =	wrdreg $0xFFFFFFFF  }
0xa7: {  	s28 =	simm.s32 $_size_execute0_lowered;
	s2 =	sadd.s32 s2, s4;
	[dreg:$0x0] =	wrdreg $0x0  }
0xa8: {  	s4 =	sshll.u32 s28, $0x1;
	[dreg:$0x2] =	wrdreg s2  }
0xa9: {  	[dreg:$0x3] =	wrdreg s4  }
0xaa: {  	[dreg:$0x4] =	wrdreg $0xC0  }
0xab: {  	_ =	task [dreg:s6], $0x5FFFF  }
0xac: {  	[dreg:$0x1] =	wrdreg $0xFFFFFFFF  }
0xad: {  	[dreg:$0x0] =	wrdreg $0x60  }
0xae: {  	[dreg:$0x2] =	wrdreg s24  }
0xaf: {  	[dreg:$0x3] =	wrdreg $0xA  }
0xb0: {  	_ =	task.clear_ibuf [dreg:s6], $0x4FFFF;
	_ =	strace $0x90000052  }
0xb1: {  	s29 =	simm.s32 $0xA;
	_ =	strace $0x80000054  }
0xb2: {  	_ =	swait.ge [sflag:s29], $0x1  }
0xb3: {  	[sflag:s29] =	ssyncadd.s32 $0xFFFFFFFF  }
0xb4: {  	_ =	strace $0x90000054  }
0xb5: {  	_ =	sfence  }
0xb6: {  	s30 =	sld [smem:$0x0];
	_ =	sdelay $0x2  }
0xb7: {  	s31 =	sshll.u32 s1, $0xD;
	s1 =	sshrl.u32 s1, $0x2  }
0xb8: {  	s3 =	sand.u32 $0x4000, s31;
	s1 =	sadd.s32 s1, s30  }
0xb9: {  	s0 =	sor.u32 s3, s0;
	s1 =	sshll.u32 s1, $0x11  }
0xba: {  	s0 =	sor.u32 s1, s0  }
0xbb: {  	s0 =	sadd.s32 $0x8F2B, s0  }
0xbc: {  	[sflag:s0] =	ssyncadd.remote.s32 $0x1  }
0xbd: {  	_ =	sfence.sel $0xFFFF  }
0xbe: {  	[dreg:$0x0] =	wrdreg $0xFFFFFFFF;
	(pc) =	sbr.abs _section_cstart, $3  }
0xbf: {  	[dreg:$0x1] =	wrdreg $0xFFFFFFFF  }
0xc0: {  	_ =	task.clear_ibuf [dreg:s6], $0x2FFFF;
	_ =	strace $0x9FFFFFFF  }
0xc1: {  	(tm) =	ssettm $0x7FFFFFFF  }
tec
execute0_lowered:
.L_overlay_start_1:
0x0: {  	(tag) =	ssettag $0x1  }
0x1: {  	s1 =	srdreg.scid;
	s0 =	stileid.u32  }
0x2: {  	s4 =	rddreg [dreg:$0x0];
	s2 =	simm.s32 $0x0;
	s12 =	simm.s32 $0x5400  }
0x3: {  	s13 =	simm.s32 $0x100;
	s14 =	simm.s32 $0x9400;
	s15 =	simm.s32 $0x180  }
0x4: {  	s16 =	simm.s32 $0xD400;
	s17 =	simm.s32 $0x1;
	s18 =	simm.s32 $0x2  }
0x5: {  	s19 =	simm.s32 $0x3;
	s20 =	simm.s32 $0x4;
	s21 =	simm.s32 $0x5  }
0x6: {  	s22 =	simm.s32 $0x6;
	s23 =	simm.s32 $0x7;
	s24 =	simm.s32 $0x8  }
0x7: {  	s25 =	simm.s32 $0x0;
	s6 =	sand.u32 $0x1, s1;
	s7 =	smul.u32 $0x50, s0  }
0x8: {  	s29 =	sshll.u32 s0, $0x1;
	[smem:$0x7FF] =	sst s2;
	s30 =	smul.u32 $0x28000, s0  }
0x9: {  	s11 =	sadd.s32 $0x3AE00, s4;
	s3 =	sor.u32 s6, s29;
	s9 =	smul.u32 $0x28, s6  }
0xa: {  	_ =	strace $0x80000053;
	s8 =	ssub.s32 $0x2, s6;
	s31 =	smul.u32 $0x14000, s6  }
0xb: {  	s5 =	smul.u32 $0x280, s3;
	s3 =	sadd.s32 $0x2BBE00, s4;
	s10 =	sshrl.u32 s8, $0x1  }
.Ltmp0:
0xc: {  	s8 =	ssub.s32 s8, s10;
	s7 =	sadd.s32 s9, s7;
	(pc) =	sbr.rel .LBB2_1-.Ltmp0, $4  }
0xd: {  	s9 =	sadd.s32 s30, s11;
	s10 =	simm.s32 $0x80;
	s5 =	sadd.s32 s5, s4  }
0xe: {  	s7 =	sshll.u32 s7, $0xB;
	s4 =	sadd.s32 $0xEC00, s5;
	s5 =	smax.u32 s8, $0x1  }
0xf: {  	s7 =	sadd.s32 s7, s11;
	s8 =	sadd.s32 s31, s9;
	s9 =	simm.s32 $0x9  }
0x10: {  	s11 =	simm.s32 $0x1400;
	s6 =	sadd.s32 $0x1800, s7;
	s7 =	sadd.s32 $0x1000, s7  }
.LBB2_4:
0x11: {  	_ =	swait.ge [sflag:s22], $0x4000  }
0x12: {  	[sflag:s22] =	ssyncset.done $0x0  }
0x13: {  	s25 =	sadd.s32 $0x1, s25;
	[sflag:s22] =	ssyncadd.s32 $0xFFFFC000  }
0x14: {  	p0 =	sne.s32 s25, s5;
	_ =	swait.ge [sflag:s23], $0x4000  }
.Ltmp1:
0x15: {  	[sflag:s23] =	ssyncset.done $0x0;
	(pc) =	sbr.rel @!p0 .LBB2_5-.Ltmp1, $4  }
0x16: {  	[sflag:s23] =	ssyncadd.s32 $0xFFFFC000  }
0x17: {  	_ =	swait.ge [sflag:s24], $0x4000  }
0x18: {  	[sflag:s24] =	ssyncset.done $0x0  }
0x19: {  	[sflag:s24] =	ssyncadd.s32 $0xFFFFC000  }
.LBB2_1:
0x1a: {  	[tilespmem:s2], [sflag:$0x9] =	stream.linear.gather [hbm4b:s4+s2], $0x1400, $0x38;
	[tilespmem:$0x11400] =	vst v63  }
0x1b: {  	_ =	swait.ge [sflag:s9], $0x1400  }
0x1c: {  	[sflag:s9] =	ssyncset.done $0x0  }
0x1d: {  	[sflag:s9] =	ssyncadd.s32 $0xFFFFEC00  }
0x1e: {  	[tilespmem:s11], [sflag:$0x1] =	stream.indirect.gather [hbm4b:s3+s10], $0x80, s2, s10, $0xb8;
	[tilespmem:$0x11400] =	vst v63  }
0x1f: {  	_ = 	snop  }
0x20: {  	[tilespmem:s12], [sflag:$0x2] =	stream.indirect.gather [hbm4b:s3+s10], $0x80, s10, s10, $0xb8;
	[tilespmem:$0x11400] =	vst v63  }
0x21: {  	s26 =	smov.u32 s8  }
0x22: {  	[tilespmem:s14], [sflag:$0x3] =	stream.indirect.gather [hbm4b:s3+s10], $0x80, s13, s10, $0xb8;
	[tilespmem:$0x11400] =	vst v63  }
0x23: {  	s28 =	smov.u32 s7;
	s29 =	smov.u32 s6;
	s30 =	simm.s32 $0x0  }
0x24: {  	[tilespmem:s16], [sflag:$0x4] =	stream.indirect.gather [hbm4b:s3+s10], $0x80, s15, s10, $0xb8;
	[tilespmem:$0x11400] =	vst v63  }
.LBB2_2:
0x25: {  	_ =	swait.ge [sflag:s17], $0x4000  }
0x26: {  	[sflag:s17] =	ssyncset.done $0x0  }
0x27: {  	[sflag:s17] =	ssyncadd.s32 $0xFFFFC000  }
0x28: {  	[hbm4b:s26+s2] =	stream.linear.scatter [tilespmem:s11], [sflag:$0x5], $0x4000, $0x38;
	[tilespmem:$0x11400] =	vst v63  }
0x29: {  	_ =	swait.ge [sflag:s18], $0x4000  }
0x2a: {  	[sflag:s18] =	ssyncset.done $0x0  }
0x2b: {  	s31 =	sadd.s32 $0xFFFFF000, s29;
	[sflag:s18] =	ssyncadd.s32 $0xFFFFC000  }
0x2c: {  	[hbm4b:s31+s2] =	stream.linear.scatter [tilespmem:s12], [sflag:$0x6], $0x4000, $0x38;
	[tilespmem:$0x11400] =	vst v63  }
0x2d: {  	_ =	swait.ge [sflag:s19], $0x4000  }
0x2e: {  	[sflag:s19] =	ssyncset.done $0x0  }
0x2f: {  	[sflag:s19] =	ssyncadd.s32 $0xFFFFC000  }
0x30: {  	[hbm4b:s28+s2] =	stream.linear.scatter [tilespmem:s14], [sflag:$0x7], $0x4000, $0x38;
	[tilespmem:$0x11400] =	vst v63  }
0x31: {  	_ =	swait.ge [sflag:s20], $0x4000  }
0x32: {  	p0 =	seq.s32 s30, $0x4800;
	[sflag:s20] =	ssyncset.done $0x0  }
.Ltmp2:
0x33: {  	[sflag:s20] =	ssyncadd.s32 $0xFFFFC000;
	(pc) =	sbr.rel @p0 .LBB2_4-.Ltmp2, $4  }
0x34: {  	[hbm4b:s29+s2] =	stream.linear.scatter [tilespmem:s16], [sflag:$0x8], $0x4000, $0x38;
	[tilespmem:$0x11400] =	vst v63  }
0x35: {  	_ =	swait.ge [sflag:s21], $0x4000  }
0x36: {  	[sflag:s21] =	ssyncset.done $0x0  }
0x37: {  	[sflag:s21] =	ssyncadd.s32 $0xFFFFC000  }
0x38: {  	s31 =	sshra.s32 s30, $0x2  }
0x39: {  	s1 =	sadd.s32 $0x200, s31  }
0x3a: {  	[tilespmem:s11], [sflag:$0x1] =	stream.indirect.gather [hbm4b:s3+s10], $0x80, s1, s10, $0xb8;
	[tilespmem:$0x11400] =	vst v63  }
0x3b: {  	_ =	swait.ge [sflag:s22], $0x4000  }
0x3c: {  	[sflag:s22] =	ssyncset.done $0x0  }
0x3d: {  	s1 =	sadd.s32 $0x280, s31;
	[sflag:s22] =	ssyncadd.s32 $0xFFFFC000  }
0x3e: {  	[tilespmem:s12], [sflag:$0x2] =	stream.indirect.gather [hbm4b:s3+s10], $0x80, s1, s10, $0xb8;
	[tilespmem:$0x11400] =	vst v63  }
0x3f: {  	_ =	swait.ge [sflag:s23], $0x4000  }
0x40: {  	[sflag:s23] =	ssyncset.done $0x0  }
0x41: {  	s1 =	sadd.s32 $0x300, s31;
	[sflag:s23] =	ssyncadd.s32 $0xFFFFC000  }
0x42: {  	[tilespmem:s14], [sflag:$0x3] =	stream.indirect.gather [hbm4b:s3+s10], $0x80, s1, s10, $0xb8;
	[tilespmem:$0x11400] =	vst v63  }
.Ltmp3:
0x43: {  	_ = 	snop;
	(pc) =	sbr.rel .LBB2_2-.Ltmp3, $4  }
0x44: {  	s30 =	sadd.s32 $0x800, s30;
	_ =	swait.ge [sflag:s24], $0x4000  }
0x45: {  	s29 =	sadd.s32 $0x2000, s29;
	s28 =	sadd.s32 $0x2000, s28;
	[sflag:s24] =	ssyncset.done $0x0  }
0x46: {  	s26 =	sadd.s32 $0x2000, s26;
	s31 =	sadd.s32 $0x380, s31;
	[sflag:s24] =	ssyncadd.s32 $0xFFFFC000  }
0x47: {  	[tilespmem:s16], [sflag:$0x4] =	stream.indirect.gather [hbm4b:s3+s10], $0x80, s31, s10, $0xb8;
	[tilespmem:$0x11400] =	vst v63  }
.LBB2_5:
0x48: {  	_ =	sfence.sel $0x180000  }
0x49: {  	[bflag:$0x0] =	sbarrier.arrive $0xFFFF  }
0x4a: {  	_ =	strace $0x90000053  }
0x4b: {  	[bflag:$0x2] =	sbarrier.arrive $0xFFFF  }
0x4c: {  	p0 =	sne.s32 s0, $0x0;
	s0 =	rddreg [dreg:$0x1]  }
0x4d: {  	s0 =	sadd.s32 @!p0 $0x100000, s0  }
0x4e: {  	[sflag:s0] =	ssyncadd.tile.s32 @!p0 $0x1;
	_ =	shalt  }
.Lfunc_end2:
_tile_overlayer_lowered:
.L_overlay_start_2:
0x4f: {  	(tag) =	ssettag $0x2  }
0x50: {  	s0 =	rddreg [dreg:$0x0];
	s2 =	stileid.u32  }
0x51: {  	s1 =	rddreg [dreg:$0x1];
	p0 =	sne.s32 s2, $0x0  }
0x52: {  	s3 =	rddreg [dreg:$0x2];
	[bflag:$0x3] =	sbarrier.arrive $0xFFFF;
	s2 =	simm.s32 @!p0 $0x1C09  }
0x53: {  	[timem:s3], [sflag:s2] =	dma.local @!p0 [hbm:s0], s1  }
0x54: {  	s0 =	simm.s32 @!p0 $0x9  }
0x55: {  	_ =	swait.ge @!p0 [sflag:s0], s1  }
0x56: {  	s1 =	ssub.s32 @!p0 $0x0, s1;
	[sflag:s0] =	ssyncset.done @!p0 $0x0  }
0x57: {  	[sflag:s0] =	ssyncadd.s32 @!p0 s1  }
0x58: {  	[bflag:$0x3] =	sbarrier.arrive $0xFFFF  }
0x59: {  	_ =	shalt  }

// kernel: kernel.33.cloned.1.call-start
scs
__scs_entry_jumppad:
0x0: {  	(pc) =	sbr.rel $0x88, $3  }
0x1: {  	(tag) =	ssettag $0x0;
	lr =	simm.s32 $0x1  }
0x2: {  	[smem:$0x3F86] =	sst lr;
	_ =	strace $0xD0000000  }
0x3: {  	_ = 	snop  }
0x4: {  	_ = 	snop  }
0x5: {  	_ = 	snop  }
0x6: {  	_ = 	snop  }
0x7: {  	_ = 	snop  }
__scs_overlays_trampoline_lowered:
0x8: {  	[smem:$0x3F95] =	sst s0  }
0x9: {  	[smem:$0x3F96] =	sst s1  }
0xa: {  	[smem:$0x3F97] =	sst s2  }
0xb: {  	[smem:$0x3F98] =	sst s3  }
0xc: {  	[smem:$0x3F99] =	sst s4  }
0xd: {  	[smem:$0x3F9A] =	sst s5  }
0xe: {  	[smem:$0x3F9B] =	sst s6  }
0xf: {  	[smem:$0x3F9C] =	sst s7  }
0x10: {  	[smem:$0x3F9D] =	sst s8  }
0x11: {  	[smem:$0x3F9E] =	sst s9;
	s0 =	simm.s32 @!p0 $0x0  }
0x12: {  	s1 =	sld [smem:$0x3F84];
	s0 =	simm.s32 @p0 $0x1  }
0x13: {  	[smem:$0x3F9F] =	sst s0;
	s0 =	simm.s32 @!p1 $0x0  }
0x14: {  	s2 =	sld [smem:$0x3F83];
	s0 =	simm.s32 @p1 $0x1  }
0x15: {  	[smem:$0x3FA0] =	sst s0;
	s0 =	simm.s32 @!p2 $0x0  }
0x16: {  	s3 =	sld [smem:$0x3FDB];
	s0 =	simm.s32 @p2 $0x1  }
0x17: {  	s4 =	simm.s32 $0x1BF5;
	[smem:$0x3FA2] =	sst s0  }
0x18: {  	s0 =	sld [smem:$0x3F85];
	_ =	swait.ge [sflag:s4], $0x0  }
0x19: {  	s7 =	sld [smem:$0x3F86]  }
0x1a: {  	s8 =	sadd.s32 $0xFFFFE003, lr  }
0x1b: {  	s9 =	sadd.s32 $0xFFFFFEF7, lr;
	s5 =	simm.s32 $0xFFFFFFFF;
	p2 =	slt.u32 s8, $0xFFFFF086  }
0x1c: {  	p1 =	slt.u32 s9, $0xF7A;
	s5 =	simm.s32 @!p2 $0x0  }
0x1d: {  	s5 =	simm.s32 @p1 $0x1;
	p0 =	seq.s32 s7, s2  }
0x1e: {  	s7 =	smul.u32 @!p0 $0xF7A, s2;
	p2 =	seq.s32 @!p0 s5, $0x0  }
0x1f: {  	s9 =	smul.u32 $0xF7A, s1;
	s8 =	simm.s32 @!p0 $0x1BF5;
	p2 =	por !p2, p0  }
0x20: {  	[sflag:s8] =	ssyncset.s32 @!p0 $0xFFFFF086;
	s6 =	sadd.s32 @!p0 s3, s7;
	s7 =	simm.s32 @!p0 $0x108  }
0x21: {  	s3 =	sadd.s32 s3, s9;
	s6 =	sadd.s32 @!p0 $0x88, s6;
	s7 =	simm.s32 @p2 $0x1082  }
0x22: {  	[simem:s7], [sflag:s8] =	dma.local @!p0 [hbm:s6], $0xF7A  }
0x23: {  	s9 =	sor.u32 $0xD0000000, s2;
	s6 =	simm.s32 $0x108;
	_ =	swait.ge @!p0 [sflag:s8], $0x0  }
0x24: {  	s3 =	sadd.s32 $0x88, s3;
	s6 =	simm.s32 @!p1 $0x1082;
	[sflag:s4] =	ssyncset.s32 $0xFFFFF086  }
0x25: {  	[simem:s6], [sflag:s4] =	dma.local [hbm:s3], $0xF7A  }
0x26: {  	[smem:$0x3F86] =	sst s1;
	(tag) =	ssettag s2;
	_ =	strace s9  }
0x27: {  	s1 =	sld [smem:$0x3F96]  }
0x28: {  	s2 =	sld [smem:$0x3F97]  }
0x29: {  	s4 =	sld [smem:$0x3F99]  }
0x2a: {  	p0 =	seq.s32 s5, $0x0;
	s5 =	sld [smem:$0x3F9A]  }
0x2b: {  	s6 =	sld [smem:$0x3F9B]  }
0x2c: {  	s7 =	sld [smem:$0x3F9C]  }
0x2d: {  	s3 =	simm.s32 $0x108;
	s8 =	sld [smem:$0x3F9D]  }
0x2e: {  	s3 =	simm.s32 @!p0 $0x1082;
	s9 =	sld [smem:$0x3F9E]  }
0x2f: {  	lr =	sadd.s32 s0, s3;
	s0 =	sld [smem:$0x3F95]  }
0x30: {  	s3 =	sld [smem:$0x3F98]  }
0x31: {  	[smem:$0x3FA1] =	sst s10  }
0x32: {  	s10 =	sld [smem:$0x3F9F];
	_ =	sdelay $0x3  }
0x33: {  	p0 =	seq.s32 s10, $0x1;
	s10 =	sld [smem:$0x3FA1];
	_ =	sdelay $0x3  }
0x34: {  	[smem:$0x3FA1] =	sst s10  }
0x35: {  	s10 =	sld [smem:$0x3FA0];
	_ =	sdelay $0x3  }
0x36: {  	p1 =	seq.s32 s10, $0x1;
	s10 =	sld [smem:$0x3FA1];
	_ =	sdelay $0x3  }
0x37: {  	[smem:$0x3FA1] =	sst s10  }
0x38: {  	s10 =	sld [smem:$0x3FA2]  }
0x39: {  	_ = 	snop;
	(pc) =	sbr.ind lr, $3  }
0x3a: {  	_ = 	snop  }
0x3b: {  	_ = 	snop  }
0x3c: {  	p2 =	seq.s32 s10, $0x1;
	s10 =	sld [smem:$0x3FA1]  }
0x3d: {  	_ =	shalt  }
0x3e: {  	_ =	shalt  }
0x3f: {  	_ =	shalt  }
0x40: {  	_ =	shalt  }
0x41: {  	_ =	shalt  }
0x42: {  	_ =	shalt  }
0x43: {  	_ =	shalt  }
0x44: {  	_ =	shalt  }
0x45: {  	_ =	shalt  }
0x46: {  	_ =	shalt  }
0x47: {  	_ =	shalt  }
0x48: {  	_ =	shalt  }
0x49: {  	_ =	shalt  }
0x4a: {  	_ =	shalt  }
0x4b: {  	_ =	shalt  }
0x4c: {  	_ =	shalt  }
0x4d: {  	_ =	shalt  }
0x4e: {  	_ =	shalt  }
0x4f: {  	_ =	shalt  }
0x50: {  	_ =	shalt  }
0x51: {  	_ =	shalt  }
0x52: {  	_ =	shalt  }
0x53: {  	_ =	shalt  }
0x54: {  	_ =	shalt  }
0x55: {  	_ =	shalt  }
0x56: {  	_ =	shalt  }
0x57: {  	_ =	shalt  }
0x58: {  	_ =	shalt  }
0x59: {  	_ =	shalt  }
0x5a: {  	_ =	shalt  }
0x5b: {  	_ =	shalt  }
0x5c: {  	_ =	shalt  }
0x5d: {  	_ =	shalt  }
0x5e: {  	_ =	shalt  }
0x5f: {  	_ =	shalt  }
0x60: {  	_ =	shalt  }
0x61: {  	_ =	shalt  }
0x62: {  	_ =	shalt  }
0x63: {  	_ =	shalt  }
0x64: {  	_ =	shalt  }
0x65: {  	_ =	shalt  }
0x66: {  	_ =	shalt  }
0x67: {  	_ =	shalt  }
0x68: {  	_ =	shalt  }
0x69: {  	_ =	shalt  }
0x6a: {  	_ =	shalt  }
0x6b: {  	_ =	shalt  }
0x6c: {  	_ =	shalt  }
0x6d: {  	_ =	shalt  }
0x6e: {  	_ =	shalt  }
0x6f: {  	_ =	shalt  }
0x70: {  	_ =	shalt  }
0x71: {  	_ =	shalt  }
0x72: {  	_ =	shalt  }
0x73: {  	_ =	shalt  }
0x74: {  	_ =	shalt  }
0x75: {  	_ =	shalt  }
0x76: {  	_ =	shalt  }
0x77: {  	_ =	shalt  }
0x78: {  	_ =	shalt  }
0x79: {  	_ =	shalt  }
0x7a: {  	_ =	shalt  }
0x7b: {  	_ =	shalt  }
0x7c: {  	_ =	shalt  }
0x7d: {  	_ =	shalt  }
0x7e: {  	_ =	shalt  }
0x7f: {  	_ =	shalt  }
0x80: {  	_ =	shalt  }
0x81: {  	_ =	shalt  }
0x82: {  	_ =	shalt  }
0x83: {  	_ =	shalt  }
0x84: {  	_ =	shalt  }
0x85: {  	_ =	shalt  }
0x86: {  	_ =	shalt  }
0x87: {  	_ =	shalt  }
.Lfunc_end0:
.L_simem_size_0:
called_computation.5_lowered:
.L_overlay_start_0:
0x88: {  	s2 =	sld [smem:$0x3FD9]  }
0x89: {  	s3 =	sld [smem:$0x3FFE];
	_ =	sdelay $0x1  }
0x8a: {  	s1 =	srdreg.scid  }
0x8b: {  	s0 =	sand.u32 $0x1, s1  }
0x8c: {  	s17 =	sshll.u32 s0, $0xA;
	s2 =	sadd.s32 s3, s2  }
0x8d: {  	s2 =	sadd.s32 s2, s17  }
0x8e: {  	[smem:$0x3FAD] =	sst s2  }
0x8f: {  	_ = 	snop  }
0x90: {  	(tm) =	ssettm $0x1  }
0x91: {  	s18 =	sld [smem:$0x3FFB];
	_ =	sdelay $0x3  }
0x92: {  	_ =	strace s18  }
0x93: {  	s2 =	sld [smem:$0x3FFC];
	_ =	sdelay $0x3  }
0x94: {  	_ =	strace s2  }
0x95: {  	s2 =	sld [smem:$0x3FFD];
	_ =	sdelay $0x3  }
0x96: {  	_ =	strace s2  }
0x97: {  	_ =	strace $0x8FFFFFFF  }
0x98: {  	s19 =	sld [smem:$0x3FDB];
	_ =	sdelay $0x1  }
0x99: {  	s20 =	simm.s32 $_scs_section_size  }
0x9a: {  	s4 =	simm.s32 $_size__tile_overlayer_lowered;
	s5 =	simm.s32 $_tile_overlayer_lowered  }
0x9b: {  	s6 =	simm.s32 $0x1BFF;
	s21 =	sshll.u32 s5, $0x1;
	s3 =	sadd.s32 s20, s19  }
0x9c: {  	s22 =	simm.s32 $0x0;
	s4 =	sshll.u32 s4, $0x1;
	s5 =	sadd.s32 s21, s3  }
0x9d: {  	[timem:s22], [sflag:s6] =	dma.local [hbm:s5], s4  }
0x9e: {  	_ =	swait.ge [sflag:s6], s4  }
0x9f: {  	s4 =	ssub.s32 $0x0, s4;
	[sflag:s6] =	ssyncset.done $0x0  }
0xa0: {  	[sflag:s6] =	ssyncadd.s32 s4;
	_ =	sdelay $0x1  }
0xa1: {  	s23 =	simm.s32 $0x1B8B  }
0xa2: {  	_ =	swait.ge [sflag:s23], $0x1  }
0xa3: {  	[sflag:s23] =	ssyncset.done $0x0  }
0xa4: {  	[sflag:s23] =	ssyncadd.s32 $0xFFFFFFFF  }
0xa5: {  	s4 =	sld [smem:$0x0]  }
0xa6: {  	s5 =	sand.u32 $0xFFFFFFFE, s1  }
0xa7: {  	p0 =	sne.s32 s1, s5  }
0xa8: {  	s5 =	sshll.u32 @p0 s5, $0xE  }
0xa9: {  	s5 =	sadd.s32 @p0 $0x11B8D, s5;
	s6 =	sshll.u32 @p0 s4, $0x11  }
0xaa: {  	s5 =	sor.u32 @p0 s6, s5  }
0xab: {  	[sflag:s5] =	ssyncadd.remote.s32 @p0 $0x1;
	_ =	sdelay $0x1  }
0xac: {  	s5 =	simm.s32 @p0 $0x1B8D  }
0xad: {  	_ =	swait.eq @p0 [sflag:s5], $0x1  }
0xae: {  	[sflag:s5] =	ssyncadd.s32 @p0 $0xFFFFFFFF  }
0xaf: {  	s6 =	sshll.u32 @!p0 s1, $0xE  }
0xb0: {  	s6 =	sor.u32 @!p0 $0x4000, s6;
	s5 =	simm.s32 @!p0 $0x1B8D  }
0xb1: {  	s4 =	sshll.u32 @!p0 s4, $0x11;
	s6 =	sadd.s32 @!p0 $0x11B8D, s6;
	_ =	swait.eq @!p0 [sflag:s5], $0x1  }
0xb2: {  	s4 =	sor.u32 @!p0 s4, s6;
	[sflag:s5] =	ssyncadd.s32 @!p0 $0xFFFFFFFF  }
0xb3: {  	s25 =	simm.s32 $0x1B8E;
	s24 =	sld [smem:$0x3FFE];
	[sflag:s4] =	ssyncadd.remote.s32 @!p0 $0x1  }
0xb4: {  	s26 =	simm.s32 $execute0_lowered;
	[smem:$0x3FD2] =	sst s25  }
0xb5: {  	s5 =	sshll.u32 s26, $0x1;
	_ =	strace $0x80000055;
	[dreg:$0x1] =	wrdreg $0xFFFFFFFF  }
0xb6: {  	s28 =	simm.s32 $_size_execute0_lowered;
	s3 =	sadd.s32 s3, s5;
	[dreg:$0x0] =	wrdreg $0x0  }
0xb7: {  	s5 =	sshll.u32 s28, $0x1;
	[dreg:$0x2] =	wrdreg s3  }
0xb8: {  	[dreg:$0x3] =	wrdreg s5  }
0xb9: {  	[dreg:$0x4] =	wrdreg $0xC0  }
0xba: {  	_ =	task [dreg:s22], $0x5FFFF  }
0xbb: {  	[dreg:$0x1] =	wrdreg $0xFFFFFFFF  }
0xbc: {  	[dreg:$0x0] =	wrdreg $0x60  }
0xbd: {  	[dreg:$0x2] =	wrdreg s24  }
0xbe: {  	[dreg:$0x3] =	wrdreg $0x9  }
0xbf: {  	_ =	task.clear_ibuf [dreg:s22], $0x4FFFF;
	_ =	strace $0x90000055  }
0xc0: {  	s29 =	simm.s32 $0x9;
	_ =	strace $0x80000057  }
0xc1: {  	_ =	swait.ge [sflag:s29], $0x1  }
0xc2: {  	[sflag:s29] =	ssyncadd.s32 $0xFFFFFFFF  }
0xc3: {  	_ =	strace $0x90000057  }
0xc4: {  	_ =	sfence  }
0xc5: {  	s30 =	sld [smem:$0x0];
	_ =	sdelay $0x2  }
0xc6: {  	s31 =	sshll.u32 s1, $0xD;
	s1 =	sshrl.u32 s1, $0x2  }
0xc7: {  	s4 =	sand.u32 $0x4000, s31;
	s1 =	sadd.s32 s1, s30  }
0xc8: {  	s0 =	sor.u32 s4, s0;
	s1 =	sshll.u32 s1, $0x11  }
0xc9: {  	s0 =	sor.u32 s1, s0  }
0xca: {  	s0 =	sadd.s32 $0x8F2B, s0  }
0xcb: {  	[sflag:s0] =	ssyncadd.remote.s32 $0x1  }
0xcc: {  	_ =	sfence.sel $0xFFFF  }
0xcd: {  	[dreg:$0x0] =	wrdreg $0xFFFFFFFF;
	(pc) =	sbr.abs _section_cstart, $3  }
0xce: {  	[dreg:$0x1] =	wrdreg $0xFFFFFFFF  }
0xcf: {  	_ =	task.clear_ibuf [dreg:s22], $0x2FFFF;
	_ =	strace $0x9FFFFFFF  }
0xd0: {  	(tm) =	ssettm $0x7FFFFFFF  }
0xd1: {  	_ =	shalt  }
tec
execute0_lowered:
.L_overlay_start_1:
0x0: {  	(tag) =	ssettag $0x1  }
0x1: {  	s1 =	srdreg.scid;
	s0 =	stileid.u32  }
0x2: {  	s23 =	sand.u32 $0x1, s1;
	s3 =	sshll.u32 s0, $0x1  }
0x3: {  	s15 =	sor.u32 s23, s3  }
0x4: {  	s14 =	rddreg [dreg:$0x0];
	s2 =	simm.s32 $0x0;
	s3 =	sshll.u32 s15, $0x6  }
0x5: {  	s4 =	simm.s32 $0x9;
	[smem:$0x7FF] =	sst s2;
	s3 =	sadd.s32 s3, s14  }
0x6: {  	s1 =	rddreg [dreg:$0x1];
	_ =	strace $0x80000056;
	s3 =	sadd.s32 $0x2BB600, s3  }
0x7: {  	[tilespmem:s2], [sflag:$0x9] =	stream.linear.gather [hbm4b:s3+s2], $0x200, $0x38;
	[tilespmem:$0x10200] =	vst v63  }
0x8: {  	_ =	swait.ge [sflag:s4], $0x200  }
0x9: {  	s6 =	simm.s32 $0x80;
	[sflag:s4] =	ssyncset.done $0x0  }
0xa: {  	s7 =	simm.s32 $0x200;
	s5 =	sadd.s32 $0x2BBE00, s14;
	[sflag:s4] =	ssyncadd.s32 $0xFFFFFE00  }
0xb: {  	[tilespmem:s7], [sflag:$0x1] =	stream.indirect.gather [hbm4b:s5+s6], $0x80, s2, s6, $0xb8;
	[tilespmem:$0x10200] =	vst v63  }
0xc: {  	s8 =	simm.s32 $0x4200  }
0xd: {  	[tilespmem:s8], [sflag:$0x2] =	stream.indirect.gather [hbm4b:s5+s6], $0x80, s6, s6, $0xb8;
	[tilespmem:$0x10200] =	vst v63  }
0xe: {  	s9 =	simm.s32 $0x100;
	s10 =	simm.s32 $0x8200  }
0xf: {  	[tilespmem:s10], [sflag:$0x3] =	stream.indirect.gather [hbm4b:s5+s6], $0x80, s9, s6, $0xb8;
	[tilespmem:$0x10200] =	vst v63  }
0x10: {  	s11 =	simm.s32 $0x180;
	s12 =	simm.s32 $0xC200;
	s13 =	simm.s32 $0x1  }
0x11: {  	[tilespmem:s12], [sflag:$0x4] =	stream.indirect.gather [hbm4b:s5+s6], $0x80, s11, s6, $0xb8;
	[tilespmem:$0x10200] =	vst v63  }
0x12: {  	s15 =	sshll.u32 s15, $0xD;
	_ =	swait.ge [sflag:s13], $0x4000  }
0x13: {  	s20 =	sadd.s32 s15, s14;
	[sflag:s13] =	ssyncset.done $0x0  }
0x14: {  	s15 =	simm.s32 $0x2;
	s14 =	sadd.s32 $0x303600, s20;
	[sflag:s13] =	ssyncadd.s32 $0xFFFFC000  }
0x15: {  	[hbm4b:s14+s2] =	stream.linear.scatter [tilespmem:s7], [sflag:$0x5], $0x4000, $0x38;
	[tilespmem:$0x10200] =	vst v63  }
0x16: {  	_ =	swait.ge [sflag:s15], $0x4000  }
0x17: {  	[sflag:s15] =	ssyncset.done $0x0  }
0x18: {  	s17 =	simm.s32 $0x3;
	s16 =	sadd.s32 $0x303E00, s20;
	[sflag:s15] =	ssyncadd.s32 $0xFFFFC000  }
0x19: {  	[hbm4b:s16+s2] =	stream.linear.scatter [tilespmem:s8], [sflag:$0x6], $0x4000, $0x38;
	[tilespmem:$0x10200] =	vst v63  }
0x1a: {  	_ =	swait.ge [sflag:s17], $0x4000  }
0x1b: {  	[sflag:s17] =	ssyncset.done $0x0  }
0x1c: {  	s19 =	simm.s32 $0x4;
	s18 =	sadd.s32 $0x304600, s20;
	[sflag:s17] =	ssyncadd.s32 $0xFFFFC000  }
0x1d: {  	[hbm4b:s18+s2] =	stream.linear.scatter [tilespmem:s10], [sflag:$0x7], $0x4000, $0x38;
	[tilespmem:$0x10200] =	vst v63  }
0x1e: {  	_ =	swait.ge [sflag:s19], $0x4000  }
0x1f: {  	[sflag:s19] =	ssyncset.done $0x0  }
0x20: {  	s21 =	simm.s32 $0x5;
	s20 =	sadd.s32 $0x304E00, s20;
	[sflag:s19] =	ssyncadd.s32 $0xFFFFC000  }
0x21: {  	[hbm4b:s20+s2] =	stream.linear.scatter [tilespmem:s12], [sflag:$0x8], $0x4000, $0x38;
	[tilespmem:$0x10200] =	vst v63  }
0x22: {  	_ =	swait.ge [sflag:s21], $0x4000  }
0x23: {  	s24 =	ssub.s32 $0x2, s23;
	[sflag:s21] =	ssyncset.done $0x0  }
0x24: {  	s22 =	simm.s32 $0x6;
	s25 =	sshrl.u32 s24, $0x1;
	[sflag:s21] =	ssyncadd.s32 $0xFFFFC000  }
0x25: {  	s24 =	ssub.s32 s24, s25;
	_ =	swait.ge [sflag:s22], $0x4000  }
0x26: {  	s25 =	smax.u32 s24, $0x1;
	[sflag:s22] =	ssyncset.done $0x0  }
0x27: {  	s23 =	simm.s32 $0x7;
	p0 =	sne.s32 s25, $0x1;
	[sflag:s22] =	ssyncadd.s32 $0xFFFFC000  }
.Ltmp0:
0x28: {  	_ =	swait.ge [sflag:s23], $0x4000;
	(pc) =	sbr.rel @!p0 .LBB2_2-.Ltmp0, $4  }
0x29: {  	[sflag:s23] =	ssyncset.done $0x0  }
0x2a: {  	s24 =	simm.s32 $0x8;
	[sflag:s23] =	ssyncadd.s32 $0xFFFFC000  }
0x2b: {  	_ =	swait.ge [sflag:s24], $0x4000  }
0x2c: {  	s25 =	sadd.s32 $0xFFFFFFFF, s25;
	[sflag:s24] =	ssyncset.done $0x0  }
.LBB2_1:
0x2d: {  	p0 =	sne.s32 s25, $0x1;
	s25 =	sadd.s32 $0xFFFFFFFF, s25;
	[sflag:s24] =	ssyncadd.s32 $0xFFFFC000  }
0x2e: {  	[tilespmem:s2], [sflag:$0x9] =	stream.linear.gather [hbm4b:s3+s2], $0x200, $0x38;
	[tilespmem:$0x10200] =	vst v63  }
0x2f: {  	_ =	swait.ge [sflag:s4], $0x200  }
0x30: {  	[sflag:s4] =	ssyncset.done $0x0  }
0x31: {  	[sflag:s4] =	ssyncadd.s32 $0xFFFFFE00  }
0x32: {  	[tilespmem:s7], [sflag:$0x1] =	stream.indirect.gather [hbm4b:s5+s6], $0x80, s2, s6, $0xb8;
	[tilespmem:$0x10200] =	vst v63  }
0x33: {  	_ = 	snop  }
0x34: {  	[tilespmem:s8], [sflag:$0x2] =	stream.indirect.gather [hbm4b:s5+s6], $0x80, s6, s6, $0xb8;
	[tilespmem:$0x10200] =	vst v63  }
0x35: {  	_ = 	snop  }
0x36: {  	[tilespmem:s10], [sflag:$0x3] =	stream.indirect.gather [hbm4b:s5+s6], $0x80, s9, s6, $0xb8;
	[tilespmem:$0x10200] =	vst v63  }
0x37: {  	_ = 	snop  }
0x38: {  	[tilespmem:s12], [sflag:$0x4] =	stream.indirect.gather [hbm4b:s5+s6], $0x80, s11, s6, $0xb8;
	[tilespmem:$0x10200] =	vst v63  }
0x39: {  	_ =	swait.ge [sflag:s13], $0x4000  }
0x3a: {  	[sflag:s13] =	ssyncset.done $0x0  }
0x3b: {  	[sflag:s13] =	ssyncadd.s32 $0xFFFFC000  }
0x3c: {  	[hbm4b:s14+s2] =	stream.linear.scatter [tilespmem:s7], [sflag:$0x5], $0x4000, $0x38;
	[tilespmem:$0x10200] =	vst v63  }
0x3d: {  	_ =	swait.ge [sflag:s15], $0x4000  }
0x3e: {  	[sflag:s15] =	ssyncset.done $0x0  }
0x3f: {  	[sflag:s15] =	ssyncadd.s32 $0xFFFFC000  }
0x40: {  	[hbm4b:s16+s2] =	stream.linear.scatter [tilespmem:s8], [sflag:$0x6], $0x4000, $0x38;
	[tilespmem:$0x10200] =	vst v63  }
0x41: {  	_ =	swait.ge [sflag:s17], $0x4000  }
0x42: {  	[sflag:s17] =	ssyncset.done $0x0  }
0x43: {  	[sflag:s17] =	ssyncadd.s32 $0xFFFFC000  }
0x44: {  	[hbm4b:s18+s2] =	stream.linear.scatter [tilespmem:s10], [sflag:$0x7], $0x4000, $0x38;
	[tilespmem:$0x10200] =	vst v63  }
0x45: {  	_ =	swait.ge [sflag:s19], $0x4000  }
0x46: {  	[sflag:s19] =	ssyncset.done $0x0  }
0x47: {  	[sflag:s19] =	ssyncadd.s32 $0xFFFFC000  }
0x48: {  	[hbm4b:s20+s2] =	stream.linear.scatter [tilespmem:s12], [sflag:$0x8], $0x4000, $0x38;
	[tilespmem:$0x10200] =	vst v63  }
0x49: {  	_ =	swait.ge [sflag:s21], $0x4000  }
0x4a: {  	[sflag:s21] =	ssyncset.done $0x0  }
0x4b: {  	[sflag:s21] =	ssyncadd.s32 $0xFFFFC000  }
0x4c: {  	_ =	swait.ge [sflag:s22], $0x4000  }
0x4d: {  	[sflag:s22] =	ssyncset.done $0x0  }
0x4e: {  	[sflag:s22] =	ssyncadd.s32 $0xFFFFC000  }
.Ltmp1:
0x4f: {  	_ =	swait.ge [sflag:s23], $0x4000;
	(pc) =	sbr.rel @p0 .LBB2_1-.Ltmp1, $4  }
0x50: {  	[sflag:s23] =	ssyncset.done $0x0  }
0x51: {  	[sflag:s23] =	ssyncadd.s32 $0xFFFFC000  }
0x52: {  	_ =	swait.ge [sflag:s24], $0x4000  }
0x53: {  	[sflag:s24] =	ssyncset.done $0x0  }
.LBB2_2:
0x54: {  	[sflag:s24] =	ssyncadd.s32 $0xFFFFC000  }
0x55: {  	_ =	sfence.sel $0x180000  }
0x56: {  	[bflag:$0x0] =	sbarrier.arrive $0xFFFF  }
0x57: {  	p0 =	sne.s32 s0, $0x0;
	_ =	strace $0x90000056  }
0x58: {  	s0 =	sadd.s32 @!p0 $0x100000, s1;
	[bflag:$0x2] =	sbarrier.arrive $0xFFFF  }
0x59: {  	[sflag:s0] =	ssyncadd.tile.s32 @!p0 $0x1;
	_ =	shalt  }
.Lfunc_end2:
_tile_overlayer_lowered:
.L_overlay_start_2:
0x5a: {  	(tag) =	ssettag $0x2  }
0x5b: {  	s0 =	rddreg [dreg:$0x0];
	s2 =	stileid.u32  }
0x5c: {  	s1 =	rddreg [dreg:$0x1];
	p0 =	sne.s32 s2, $0x0  }
0x5d: {  	s3 =	rddreg [dreg:$0x2];
	[bflag:$0x3] =	sbarrier.arrive $0xFFFF;
	s2 =	simm.s32 @!p0 $0x1C09  }
0x5e: {  	[timem:s3], [sflag:s2] =	dma.local @!p0 [hbm:s0], s1  }
0x5f: {  	s0 =	simm.s32 @!p0 $0x9  }
0x60: {  	_ =	swait.ge @!p0 [sflag:s0], s1  }
0x61: {  	s1 =	ssub.s32 @!p0 $0x0, s1;
	[sflag:s0] =	ssyncset.done @!p0 $0x0  }
0x62: {  	[sflag:s0] =	ssyncadd.s32 @!p0 s1  }
0x63: {  	[bflag:$0x3] =	sbarrier.arrive $0xFFFF  }
0x64: {  	_ =	shalt  }

// kernel: kernel.36.cloned.1.call-start
scs
__scs_entry_jumppad:
0x0: {  	(pc) =	sbr.rel $0x88, $3  }
0x1: {  	(tag) =	ssettag $0x0;
	lr =	simm.s32 $0x1  }
0x2: {  	[smem:$0x3F86] =	sst lr;
	_ =	strace $0xD0000000  }
0x3: {  	_ = 	snop  }
0x4: {  	_ = 	snop  }
0x5: {  	_ = 	snop  }
0x6: {  	_ = 	snop  }
0x7: {  	_ = 	snop  }
__scs_overlays_trampoline_lowered:
0x8: {  	[smem:$0x3F95] =	sst s0  }
0x9: {  	[smem:$0x3F96] =	sst s1  }
0xa: {  	[smem:$0x3F97] =	sst s2  }
0xb: {  	[smem:$0x3F98] =	sst s3  }
0xc: {  	[smem:$0x3F99] =	sst s4  }
0xd: {  	[smem:$0x3F9A] =	sst s5  }
0xe: {  	[smem:$0x3F9B] =	sst s6  }
0xf: {  	[smem:$0x3F9C] =	sst s7  }
0x10: {  	[smem:$0x3F9D] =	sst s8  }
0x11: {  	[smem:$0x3F9E] =	sst s9;
	s0 =	simm.s32 @!p0 $0x0  }
0x12: {  	s1 =	sld [smem:$0x3F84];
	s0 =	simm.s32 @p0 $0x1  }
0x13: {  	[smem:$0x3F9F] =	sst s0;
	s0 =	simm.s32 @!p1 $0x0  }
0x14: {  	s2 =	sld [smem:$0x3F83];
	s0 =	simm.s32 @p1 $0x1  }
0x15: {  	[smem:$0x3FA0] =	sst s0;
	s0 =	simm.s32 @!p2 $0x0  }
0x16: {  	s3 =	sld [smem:$0x3FDB];
	s0 =	simm.s32 @p2 $0x1  }
0x17: {  	s4 =	simm.s32 $0x1BF5;
	[smem:$0x3FA2] =	sst s0  }
0x18: {  	s0 =	sld [smem:$0x3F85];
	_ =	swait.ge [sflag:s4], $0x0  }
0x19: {  	s7 =	sld [smem:$0x3F86]  }
0x1a: {  	s8 =	sadd.s32 $0xFFFFE003, lr  }
0x1b: {  	s9 =	sadd.s32 $0xFFFFFEF7, lr;
	s5 =	simm.s32 $0xFFFFFFFF;
	p2 =	slt.u32 s8, $0xFFFFF086  }
0x1c: {  	p1 =	slt.u32 s9, $0xF7A;
	s5 =	simm.s32 @!p2 $0x0  }
0x1d: {  	s5 =	simm.s32 @p1 $0x1;
	p0 =	seq.s32 s7, s2  }
0x1e: {  	s7 =	smul.u32 @!p0 $0xF7A, s2;
	p2 =	seq.s32 @!p0 s5, $0x0  }
0x1f: {  	s9 =	smul.u32 $0xF7A, s1;
	s8 =	simm.s32 @!p0 $0x1BF5;
	p2 =	por !p2, p0  }
0x20: {  	[sflag:s8] =	ssyncset.s32 @!p0 $0xFFFFF086;
	s6 =	sadd.s32 @!p0 s3, s7;
	s7 =	simm.s32 @!p0 $0x108  }
0x21: {  	s3 =	sadd.s32 s3, s9;
	s6 =	sadd.s32 @!p0 $0x88, s6;
	s7 =	simm.s32 @p2 $0x1082  }
0x22: {  	[simem:s7], [sflag:s8] =	dma.local @!p0 [hbm:s6], $0xF7A  }
0x23: {  	s9 =	sor.u32 $0xD0000000, s2;
	s6 =	simm.s32 $0x108;
	_ =	swait.ge @!p0 [sflag:s8], $0x0  }
0x24: {  	s3 =	sadd.s32 $0x88, s3;
	s6 =	simm.s32 @!p1 $0x1082;
	[sflag:s4] =	ssyncset.s32 $0xFFFFF086  }
0x25: {  	[simem:s6], [sflag:s4] =	dma.local [hbm:s3], $0xF7A  }
0x26: {  	[smem:$0x3F86] =	sst s1;
	(tag) =	ssettag s2;
	_ =	strace s9  }
0x27: {  	s1 =	sld [smem:$0x3F96]  }
0x28: {  	s2 =	sld [smem:$0x3F97]  }
0x29: {  	s4 =	sld [smem:$0x3F99]  }
0x2a: {  	p0 =	seq.s32 s5, $0x0;
	s5 =	sld [smem:$0x3F9A]  }
0x2b: {  	s6 =	sld [smem:$0x3F9B]  }
0x2c: {  	s7 =	sld [smem:$0x3F9C]  }
0x2d: {  	s3 =	simm.s32 $0x108;
	s8 =	sld [smem:$0x3F9D]  }
0x2e: {  	s3 =	simm.s32 @!p0 $0x1082;
	s9 =	sld [smem:$0x3F9E]  }
0x2f: {  	lr =	sadd.s32 s0, s3;
	s0 =	sld [smem:$0x3F95]  }
0x30: {  	s3 =	sld [smem:$0x3F98]  }
0x31: {  	[smem:$0x3FA1] =	sst s10  }
0x32: {  	s10 =	sld [smem:$0x3F9F];
	_ =	sdelay $0x3  }
0x33: {  	p0 =	seq.s32 s10, $0x1;
	s10 =	sld [smem:$0x3FA1];
	_ =	sdelay $0x3  }
0x34: {  	[smem:$0x3FA1] =	sst s10  }
0x35: {  	s10 =	sld [smem:$0x3FA0];
	_ =	sdelay $0x3  }
0x36: {  	p1 =	seq.s32 s10, $0x1;
	s10 =	sld [smem:$0x3FA1];
	_ =	sdelay $0x3  }
0x37: {  	[smem:$0x3FA1] =	sst s10  }
0x38: {  	s10 =	sld [smem:$0x3FA2]  }
0x39: {  	_ = 	snop;
	(pc) =	sbr.ind lr, $3  }
0x3a: {  	_ = 	snop  }
0x3b: {  	_ = 	snop  }
0x3c: {  	p2 =	seq.s32 s10, $0x1;
	s10 =	sld [smem:$0x3FA1]  }
0x3d: {  	_ =	shalt  }
0x3e: {  	_ =	shalt  }
0x3f: {  	_ =	shalt  }
0x40: {  	_ =	shalt  }
0x41: {  	_ =	shalt  }
0x42: {  	_ =	shalt  }
0x43: {  	_ =	shalt  }
0x44: {  	_ =	shalt  }
0x45: {  	_ =	shalt  }
0x46: {  	_ =	shalt  }
0x47: {  	_ =	shalt  }
0x48: {  	_ =	shalt  }
0x49: {  	_ =	shalt  }
0x4a: {  	_ =	shalt  }
0x4b: {  	_ =	shalt  }
0x4c: {  	_ =	shalt  }
0x4d: {  	_ =	shalt  }
0x4e: {  	_ =	shalt  }
0x4f: {  	_ =	shalt  }
0x50: {  	_ =	shalt  }
0x51: {  	_ =	shalt  }
0x52: {  	_ =	shalt  }
0x53: {  	_ =	shalt  }
0x54: {  	_ =	shalt  }
0x55: {  	_ =	shalt  }
0x56: {  	_ =	shalt  }
0x57: {  	_ =	shalt  }
0x58: {  	_ =	shalt  }
0x59: {  	_ =	shalt  }
0x5a: {  	_ =	shalt  }
0x5b: {  	_ =	shalt  }
0x5c: {  	_ =	shalt  }
0x5d: {  	_ =	shalt  }
0x5e: {  	_ =	shalt  }
0x5f: {  	_ =	shalt  }
0x60: {  	_ =	shalt  }
0x61: {  	_ =	shalt  }
0x62: {  	_ =	shalt  }
0x63: {  	_ =	shalt  }
0x64: {  	_ =	shalt  }
0x65: {  	_ =	shalt  }
0x66: {  	_ =	shalt  }
0x67: {  	_ =	shalt  }
0x68: {  	_ =	shalt  }
0x69: {  	_ =	shalt  }
0x6a: {  	_ =	shalt  }
0x6b: {  	_ =	shalt  }
0x6c: {  	_ =	shalt  }
0x6d: {  	_ =	shalt  }
0x6e: {  	_ =	shalt  }
0x6f: {  	_ =	shalt  }
0x70: {  	_ =	shalt  }
0x71: {  	_ =	shalt  }
0x72: {  	_ =	shalt  }
0x73: {  	_ =	shalt  }
0x74: {  	_ =	shalt  }
0x75: {  	_ =	shalt  }
0x76: {  	_ =	shalt  }
0x77: {  	_ =	shalt  }
0x78: {  	_ =	shalt  }
0x79: {  	_ =	shalt  }
0x7a: {  	_ =	shalt  }
0x7b: {  	_ =	shalt  }
0x7c: {  	_ =	shalt  }
0x7d: {  	_ =	shalt  }
0x7e: {  	_ =	shalt  }
0x7f: {  	_ =	shalt  }
0x80: {  	_ =	shalt  }
0x81: {  	_ =	shalt  }
0x82: {  	_ =	shalt  }
0x83: {  	_ =	shalt  }
0x84: {  	_ =	shalt  }
0x85: {  	_ =	shalt  }
0x86: {  	_ =	shalt  }
0x87: {  	_ =	shalt  }
.Lfunc_end0:
.L_simem_size_0:
called_computation.6_lowered:
.L_overlay_start_0:
0x88: {  	s2 =	sld [smem:$0x3FD9]  }
0x89: {  	s3 =	sld [smem:$0x3FFE];
	_ =	sdelay $0x1  }
0x8a: {  	s1 =	srdreg.scid  }
0x8b: {  	s0 =	sand.u32 $0x1, s1  }
0x8c: {  	s17 =	sshll.u32 s0, $0xA;
	s2 =	sadd.s32 s3, s2  }
0x8d: {  	s2 =	sadd.s32 s2, s17  }
0x8e: {  	[smem:$0x3FAD] =	sst s2  }
0x8f: {  	_ = 	snop  }
0x90: {  	(tm) =	ssettm $0x1  }
0x91: {  	s18 =	sld [smem:$0x3FFB];
	_ =	sdelay $0x3  }
0x92: {  	_ =	strace s18  }
0x93: {  	s2 =	sld [smem:$0x3FFC];
	_ =	sdelay $0x3  }
0x94: {  	_ =	strace s2  }
0x95: {  	s2 =	sld [smem:$0x3FFD];
	_ =	sdelay $0x3  }
0x96: {  	_ =	strace s2  }
0x97: {  	_ =	strace $0x8FFFFFFF  }
0x98: {  	s19 =	sld [smem:$0x3FDB];
	_ =	sdelay $0x1  }
0x99: {  	s20 =	simm.s32 $_scs_section_size  }
0x9a: {  	s4 =	simm.s32 $_size__tile_overlayer_lowered;
	s5 =	simm.s32 $_tile_overlayer_lowered  }
0x9b: {  	s6 =	simm.s32 $0x1BFF;
	s21 =	sshll.u32 s5, $0x1;
	s3 =	sadd.s32 s20, s19  }
0x9c: {  	s22 =	simm.s32 $0x0;
	s4 =	sshll.u32 s4, $0x1;
	s5 =	sadd.s32 s21, s3  }
0x9d: {  	[timem:s22], [sflag:s6] =	dma.local [hbm:s5], s4  }
0x9e: {  	_ =	swait.ge [sflag:s6], s4  }
0x9f: {  	s4 =	ssub.s32 $0x0, s4;
	[sflag:s6] =	ssyncset.done $0x0  }
0xa0: {  	[sflag:s6] =	ssyncadd.s32 s4;
	_ =	sdelay $0x1  }
0xa1: {  	s23 =	simm.s32 $0x1B8B  }
0xa2: {  	_ =	swait.ge [sflag:s23], $0x1  }
0xa3: {  	[sflag:s23] =	ssyncset.done $0x0  }
0xa4: {  	[sflag:s23] =	ssyncadd.s32 $0xFFFFFFFF  }
0xa5: {  	s4 =	sld [smem:$0x0]  }
0xa6: {  	s5 =	sand.u32 $0xFFFFFFFE, s1  }
0xa7: {  	p0 =	sne.s32 s1, s5  }
0xa8: {  	s5 =	sshll.u32 @p0 s5, $0xE  }
0xa9: {  	s5 =	sadd.s32 @p0 $0x11B8D, s5;
	s6 =	sshll.u32 @p0 s4, $0x11  }
0xaa: {  	s5 =	sor.u32 @p0 s6, s5  }
0xab: {  	[sflag:s5] =	ssyncadd.remote.s32 @p0 $0x1;
	_ =	sdelay $0x1  }
0xac: {  	s5 =	simm.s32 @p0 $0x1B8D  }
0xad: {  	_ =	swait.eq @p0 [sflag:s5], $0x1  }
0xae: {  	[sflag:s5] =	ssyncadd.s32 @p0 $0xFFFFFFFF  }
0xaf: {  	s6 =	sshll.u32 @!p0 s1, $0xE  }
0xb0: {  	s6 =	sor.u32 @!p0 $0x4000, s6;
	s5 =	simm.s32 @!p0 $0x1B8D  }
0xb1: {  	s4 =	sshll.u32 @!p0 s4, $0x11;
	s6 =	sadd.s32 @!p0 $0x11B8D, s6;
	_ =	swait.eq @!p0 [sflag:s5], $0x1  }
0xb2: {  	s4 =	sor.u32 @!p0 s4, s6;
	[sflag:s5] =	ssyncadd.s32 @!p0 $0xFFFFFFFF  }
0xb3: {  	s25 =	simm.s32 $0x1B8E;
	s24 =	sld [smem:$0x3FFE];
	[sflag:s4] =	ssyncadd.remote.s32 @!p0 $0x1  }
0xb4: {  	s26 =	simm.s32 $execute0_lowered;
	[smem:$0x3FD2] =	sst s25  }
0xb5: {  	s5 =	sshll.u32 s26, $0x1;
	_ =	strace $0x80000058;
	[dreg:$0x1] =	wrdreg $0xFFFFFFFF  }
0xb6: {  	s28 =	simm.s32 $_size_execute0_lowered;
	s3 =	sadd.s32 s3, s5;
	[dreg:$0x0] =	wrdreg $0x0  }
0xb7: {  	s5 =	sshll.u32 s28, $0x1;
	[dreg:$0x2] =	wrdreg s3  }
0xb8: {  	[dreg:$0x3] =	wrdreg s5  }
0xb9: {  	[dreg:$0x4] =	wrdreg $0xC0  }
0xba: {  	_ =	task [dreg:s22], $0x5FFFF  }
0xbb: {  	[dreg:$0x1] =	wrdreg $0xFFFFFFFF  }
0xbc: {  	[dreg:$0x0] =	wrdreg $0x60  }
0xbd: {  	[dreg:$0x2] =	wrdreg s24  }
0xbe: {  	[dreg:$0x3] =	wrdreg $0x0  }
0xbf: {  	[dreg:$0x4] =	wrdreg $0xA  }
0xc0: {  	_ =	task.clear_ibuf [dreg:s22], $0x5FFFF;
	_ =	strace $0x90000058  }
0xc1: {  	s29 =	simm.s32 $0xA;
	_ =	strace $0x8000005A  }
0xc2: {  	_ =	swait.ge [sflag:s29], $0x1  }
0xc3: {  	[sflag:s29] =	ssyncadd.s32 $0xFFFFFFFF  }
0xc4: {  	_ =	strace $0x9000005A  }
0xc5: {  	_ =	sfence  }
0xc6: {  	s30 =	sld [smem:$0x0];
	_ =	sdelay $0x2  }
0xc7: {  	s31 =	sshll.u32 s1, $0xD;
	s1 =	sshrl.u32 s1, $0x2  }
0xc8: {  	s4 =	sand.u32 $0x4000, s31;
	s1 =	sadd.s32 s1, s30  }
0xc9: {  	s0 =	sor.u32 s4, s0;
	s1 =	sshll.u32 s1, $0x11  }
0xca: {  	s0 =	sor.u32 s1, s0  }
0xcb: {  	s0 =	sadd.s32 $0x8F2B, s0  }
0xcc: {  	[sflag:s0] =	ssyncadd.remote.s32 $0x1  }
0xcd: {  	_ =	sfence.sel $0xFFFF  }
0xce: {  	[dreg:$0x0] =	wrdreg $0xFFFFFFFF;
	(pc) =	sbr.abs _section_cstart, $3  }
0xcf: {  	[dreg:$0x1] =	wrdreg $0xFFFFFFFF  }
0xd0: {  	_ =	task.clear_ibuf [dreg:s22], $0x2FFFF;
	_ =	strace $0x9FFFFFFF  }
0xd1: {  	(tm) =	ssettm $0x7FFFFFFF  }
tec
execute0_lowered:
.L_overlay_start_1:
0x0: {  	(tag) =	ssettag $0x1  }
0x1: {  	s5 =	rddreg [dreg:$0x0]  }
0x2: {  	s2 =	rddreg [dreg:$0x1]  }
0x3: {  	s0 =	rddreg [dreg:$0x2]  }
0x4: {  	s4 =	srdreg.scid;
	s1 =	stileid.u32  }
0x5: {  	s3 =	simm.s32 $0x0;
	s16 =	simm.s32 $0x19400;
	s17 =	simm.s32 $0x1  }
0x6: {  	s18 =	simm.s32 $0x80;
	s19 =	simm.s32 $0x2;
	s20 =	simm.s32 $0x3  }
0x7: {  	s21 =	simm.s32 $0x4;
	s22 =	simm.s32 $0x15300;
	s12 =	smul.u32 $0x50000, s1  }
0x8: {  	s23 =	simm.s32 $0x15380;
	s6 =	sand.u32 $0x1, s4;
	s14 =	smul.u32 $0x50, s1  }
0x9: {  	s25 =	sshll.u32 s1, $0x1;
	[smem:$0x7FF] =	sst s3;
	s8 =	smul.u32 $0x28000, s6  }
0xa: {  	s7 =	sor.u32 s6, s25;
	s11 =	ssub.s32 $0x2, s6;
	s6 =	smul.u32 $0x28, s6  }
0xb: {  	s9 =	sadd.s32 $0x7ECE00, s5;
	s28 =	sshll.u32 s1, $0x6;
	s25 =	smul.u32 $0x2800, s1  }
0xc: {  	_ =	strace $0x80000059;
	s4 =	smul.u32 $0x280, s7;
	s13 =	sshrl.u32 s11, $0x1  }
0xd: {  	s26 =	sshrl.u32 s12, $0x2;
	s7 =	smul.u32 $0x14000, s7;
	s15 =	sadd.s32 s8, s5  }
0xe: {  	s11 =	ssub.s32 s11, s13;
	s12 =	sadd.s32 s26, s2;
	s29 =	sadd.s32 s6, s14  }
0xf: {  	s13 =	simm.s32 $0x5;
	s14 =	simm.s32 $0x14000;
	s10 =	sadd.s32 s4, s5  }
0x10: {  	s4 =	sadd.s32 $0x300E00, s5;
	s5 =	sor.u32 $0x1C05, s28;
	s7 =	sadd.s32 s9, s7  }
0x11: {  	s30 =	sshll.u32 s29, $0xB;
	s24 =	sadd.s32 $0x3AE00, s15;
	s12 =	sshrl.u32 s12, $0x3  }
0x12: {  	s15 =	simm.s32 $0x15400;
	s6 =	sadd.s32 $0x2FBE00, s10;
	s8 =	sadd.s32 $0x800, s7  }
0x13: {  	s31 =	sadd.s32 s30, s9;
	s9 =	smax.u32 s11, $0x1;
	s24 =	sadd.s32 s25, s24  }
0x14: {  	s25 =	simm.s32 $0x0;
	s10 =	sadd.s32 $0x1800, s31;
	s11 =	sadd.s32 $0x1000, s31  }
.LBB2_1:
0x15: {  	[spmem:s12], [sflag:s5] =	dma.local [hbm:s4], $0x2800  }
0x16: {  	_ =	swait.ge [sflag:s13], $0x2800  }
0x17: {  	[sflag:s13] =	ssyncset.done $0x0  }
0x18: {  	[sflag:s13] =	ssyncadd.s32 $0xFFFFD800  }
0x19: {  	[tilespmem:s14], [sflag:$0x5] =	stream.linear.gather [hbm4b:s6+s3], $0x1400, $0x38;
	[tilespmem:$0x1D400] =	vst v63  }
0x1a: {  	_ =	swait.ge [sflag:s13], $0x1400  }
0x1b: {  	[sflag:s13] =	ssyncset.done $0x0  }
0x1c: {  	[sflag:s13] =	ssyncadd.s32 $0xFFFFEC00  }
0x1d: {  	[bflag:$0x0] =	sbarrier.arrive $0xFFFF  }
0x1e: {  	[tilespmem:s15], [sflag:$0x1] =	stream.linear.gather [hbm4b:s7+s3], $0x4000, $0x38;
	[tilespmem:$0x1D400] =	vst v63  }
0x1f: {  	_ = 	snop  }
0x20: {  	[tilespmem:s16], [sflag:$0x2] =	stream.linear.gather [hbm4b:s8+s3], $0x4000, $0x38;
	[tilespmem:$0x1D400] =	vst v63  }
0x21: {  	_ =	swait.ge [sflag:s17], $0x4000  }
0x22: {  	[sflag:s17] =	ssyncset.done $0x0  }
0x23: {  	s26 =	simm.s32 $0x14000;
	[sflag:s17] =	ssyncadd.s32 $0xFFFFC000  }
0x24: {  	[spmem:s2] =	stream.indirect.scatter.add.f32 [tilespmem:s15], [sflag:$0x3], $0x80, s26, s18, $0xb8;
	[tilespmem:$0x1D400] =	vst v63  }
0x25: {  	_ =	swait.ge [sflag:s19], $0x4000  }
0x26: {  	[sflag:s19] =	ssyncset.done $0x0  }
0x27: {  	s30 =	simm.s32 $0x14080;
	[sflag:s19] =	ssyncadd.s32 $0xFFFFC000  }
0x28: {  	[spmem:s2] =	stream.indirect.scatter.add.f32 [tilespmem:s16], [sflag:$0x4], $0x80, s30, s18, $0xb8;
	[tilespmem:$0x1D400] =	vst v63  }
0x29: {  	_ =	swait.ge [sflag:s20], $0x4000  }
0x2a: {  	[sflag:s20] =	ssyncset.done $0x0  }
0x2b: {  	s31 =	sadd.s32 $0x0, s11;
	[sflag:s20] =	ssyncadd.s32 $0xFFFFC000  }
0x2c: {  	[tilespmem:s15], [sflag:$0x1] =	stream.linear.gather [hbm4b:s31+s3], $0x4000, $0x38;
	[tilespmem:$0x1D400] =	vst v63  }
0x2d: {  	_ =	swait.ge [sflag:s21], $0x4000  }
0x2e: {  	s29 =	sadd.s32 $0x0, s10;
	[sflag:s21] =	ssyncset.done $0x0  }
0x2f: {  	s28 =	simm.s32 $0x14180;
	s26 =	simm.s32 $0x1000;
	[sflag:s21] =	ssyncadd.s32 $0xFFFFC000  }
.LBB2_2:
0x30: {  	[tilespmem:s16], [sflag:$0x2] =	stream.linear.gather [hbm4b:s29+s3], $0x4000, $0x38;
	[tilespmem:$0x1D400] =	vst v63  }
0x31: {  	s29 =	smov.u32 s26  }
0x32: {  	p0 =	sne.s32 s26, $0x12000;
	s26 =	sadd.s32 $0x1000, s26;
	_ =	swait.ge [sflag:s17], $0x4000  }
0x33: {  	[sflag:s17] =	ssyncset.done $0x0  }
0x34: {  	s30 =	sadd.s32 $0xFFFFFF80, s28;
	[sflag:s17] =	ssyncadd.s32 $0xFFFFC000  }
0x35: {  	[spmem:s2] =	stream.indirect.scatter.add.f32 [tilespmem:s15], [sflag:$0x3], $0x80, s30, s18, $0xb8;
	[tilespmem:$0x1D400] =	vst v63  }
0x36: {  	_ =	swait.ge [sflag:s19], $0x4000  }
0x37: {  	[sflag:s19] =	ssyncset.done $0x0  }
0x38: {  	[sflag:s19] =	ssyncadd.s32 $0xFFFFC000  }
0x39: {  	[spmem:s2] =	stream.indirect.scatter.add.f32 [tilespmem:s16], [sflag:$0x4], $0x80, s28, s18, $0xb8;
	[tilespmem:$0x1D400] =	vst v63  }
0x3a: {  	_ =	swait.ge [sflag:s20], $0x4000  }
0x3b: {  	[sflag:s20] =	ssyncset.done $0x0  }
.Ltmp0:
0x3c: {  	s30 =	sadd.s32 s29, s11;
	[sflag:s20] =	ssyncadd.s32 $0xFFFFC000;
	(pc) =	sbr.rel @p0 .LBB2_2-.Ltmp0, $4  }
0x3d: {  	[tilespmem:s15], [sflag:$0x1] =	stream.linear.gather [hbm4b:s30+s3], $0x4000, $0x38;
	[tilespmem:$0x1D400] =	vst v63  }
0x3e: {  	_ =	swait.ge [sflag:s21], $0x4000  }
0x3f: {  	[sflag:s21] =	ssyncset.done $0x0  }
0x40: {  	s29 =	sadd.s32 s29, s10;
	s28 =	sadd.s32 $0x100, s28;
	[sflag:s21] =	ssyncadd.s32 $0xFFFFC000  }
0x41: {  	[tilespmem:s16], [sflag:$0x2] =	stream.linear.gather [hbm4b:s29+s3], $0x4000, $0x38;
	[tilespmem:$0x1D400] =	vst v63  }
0x42: {  	_ =	swait.ge [sflag:s17], $0x4000  }
0x43: {  	[sflag:s17] =	ssyncset.done $0x0  }
0x44: {  	[sflag:s17] =	ssyncadd.s32 $0xFFFFC000  }
0x45: {  	[spmem:s2] =	stream.indirect.scatter.add.f32 [tilespmem:s15], [sflag:$0x3], $0x80, s22, s18, $0xb8;
	[tilespmem:$0x1D400] =	vst v63  }
0x46: {  	_ =	swait.ge [sflag:s19], $0x4000  }
0x47: {  	[sflag:s19] =	ssyncset.done $0x0  }
0x48: {  	[sflag:s19] =	ssyncadd.s32 $0xFFFFC000  }
0x49: {  	[spmem:s2] =	stream.indirect.scatter.add.f32 [tilespmem:s16], [sflag:$0x4], $0x80, s23, s18, $0xb8;
	[tilespmem:$0x1D400] =	vst v63  }
0x4a: {  	_ =	swait.ge [sflag:s20], $0x4000  }
0x4b: {  	[sflag:s20] =	ssyncset.done $0x0  }
0x4c: {  	[sflag:s20] =	ssyncadd.s32 $0xFFFFC000  }
0x4d: {  	_ =	swait.ge [sflag:s21], $0x4000  }
0x4e: {  	s25 =	sadd.s32 $0x1, s25;
	[sflag:s21] =	ssyncset.done $0x0  }
0x4f: {  	p0 =	sne.s32 s25, s9;
	[sflag:s21] =	ssyncadd.s32 $0xFFFFC000  }
.Ltmp1:
0x50: {  	[bflag:$0x0] =	sbarrier.arrive $0xFFFF;
	(pc) =	sbr.rel @p0 .LBB2_1-.Ltmp1, $4  }
0x51: {  	[hbm:s24], [sflag:s5] =	dma.local [spmem:s12], $0x2800  }
0x52: {  	_ =	swait.ge [sflag:s13], $0x2800  }
0x53: {  	[sflag:s13] =	ssyncset.done $0x0  }
0x54: {  	[sflag:s13] =	ssyncadd.s32 $0xFFFFD800  }
0x55: {  	_ =	sfence.sel $0x180000  }
0x56: {  	[bflag:$0x0] =	sbarrier.arrive $0xFFFF  }
0x57: {  	p0 =	sne.s32 s1, $0x0;
	_ =	strace $0x90000059  }
0x58: {  	s0 =	sadd.s32 @!p0 $0x100000, s0;
	[bflag:$0x2] =	sbarrier.arrive $0xFFFF  }
0x59: {  	[sflag:s0] =	ssyncadd.tile.s32 @!p0 $0x1;
	_ =	shalt  }
.Lfunc_end2:
_tile_overlayer_lowered:
.L_overlay_start_2:
0x5a: {  	(tag) =	ssettag $0x2  }
0x5b: {  	s0 =	rddreg [dreg:$0x0];
	s2 =	stileid.u32  }
0x5c: {  	s1 =	rddreg [dreg:$0x1];
	p0 =	sne.s32 s2, $0x0  }
0x5d: {  	s3 =	rddreg [dreg:$0x2];
	[bflag:$0x3] =	sbarrier.arrive $0xFFFF;
	s2 =	simm.s32 @!p0 $0x1C05  }
0x5e: {  	[timem:s3], [sflag:s2] =	dma.local @!p0 [hbm:s0], s1  }
0x5f: {  	s0 =	simm.s32 @!p0 $0x5  }
0x60: {  	_ =	swait.ge @!p0 [sflag:s0], s1  }
0x61: {  	s1 =	ssub.s32 @!p0 $0x0, s1;
	[sflag:s0] =	ssyncset.done @!p0 $0x0  }
0x62: {  	[sflag:s0] =	ssyncadd.s32 @!p0 s1  }
0x63: {  	[bflag:$0x3] =	sbarrier.arrive $0xFFFF  }
0x64: {  	_ =	shalt  }

// kernel: kernel.39.cloned.1.call-start
scs
__scs_entry_jumppad:
0x0: {  	(pc) =	sbr.rel $0x88, $3  }
0x1: {  	(tag) =	ssettag $0x0;
	lr =	simm.s32 $0x1  }
0x2: {  	[smem:$0x3F86] =	sst lr;
	_ =	strace $0xD0000000  }
0x3: {  	_ = 	snop  }
0x4: {  	_ = 	snop  }
0x5: {  	_ = 	snop  }
0x6: {  	_ = 	snop  }
0x7: {  	_ = 	snop  }
__scs_overlays_trampoline_lowered:
0x8: {  	[smem:$0x3F95] =	sst s0  }
0x9: {  	[smem:$0x3F96] =	sst s1  }
0xa: {  	[smem:$0x3F97] =	sst s2  }
0xb: {  	[smem:$0x3F98] =	sst s3  }
0xc: {  	[smem:$0x3F99] =	sst s4  }
0xd: {  	[smem:$0x3F9A] =	sst s5  }
0xe: {  	[smem:$0x3F9B] =	sst s6  }
0xf: {  	[smem:$0x3F9C] =	sst s7  }
0x10: {  	[smem:$0x3F9D] =	sst s8  }
0x11: {  	[smem:$0x3F9E] =	sst s9;
	s0 =	simm.s32 @!p0 $0x0  }
0x12: {  	s1 =	sld [smem:$0x3F84];
	s0 =	simm.s32 @p0 $0x1  }
0x13: {  	[smem:$0x3F9F] =	sst s0;
	s0 =	simm.s32 @!p1 $0x0  }
0x14: {  	s2 =	sld [smem:$0x3F83];
	s0 =	simm.s32 @p1 $0x1  }
0x15: {  	[smem:$0x3FA0] =	sst s0;
	s0 =	simm.s32 @!p2 $0x0  }
0x16: {  	s3 =	sld [smem:$0x3FDB];
	s0 =	simm.s32 @p2 $0x1  }
0x17: {  	s4 =	simm.s32 $0x1BF5;
	[smem:$0x3FA2] =	sst s0  }
0x18: {  	s0 =	sld [smem:$0x3F85];
	_ =	swait.ge [sflag:s4], $0x0  }
0x19: {  	s7 =	sld [smem:$0x3F86]  }
0x1a: {  	s8 =	sadd.s32 $0xFFFFE003, lr  }
0x1b: {  	s9 =	sadd.s32 $0xFFFFFEF7, lr;
	s5 =	simm.s32 $0xFFFFFFFF;
	p2 =	slt.u32 s8, $0xFFFFF086  }
0x1c: {  	p1 =	slt.u32 s9, $0xF7A;
	s5 =	simm.s32 @!p2 $0x0  }
0x1d: {  	s5 =	simm.s32 @p1 $0x1;
	p0 =	seq.s32 s7, s2  }
0x1e: {  	s7 =	smul.u32 @!p0 $0xF7A, s2;
	p2 =	seq.s32 @!p0 s5, $0x0  }
0x1f: {  	s9 =	smul.u32 $0xF7A, s1;
	s8 =	simm.s32 @!p0 $0x1BF5;
	p2 =	por !p2, p0  }
0x20: {  	[sflag:s8] =	ssyncset.s32 @!p0 $0xFFFFF086;
	s6 =	sadd.s32 @!p0 s3, s7;
	s7 =	simm.s32 @!p0 $0x108  }
0x21: {  	s3 =	sadd.s32 s3, s9;
	s6 =	sadd.s32 @!p0 $0x88, s6;
	s7 =	simm.s32 @p2 $0x1082  }
0x22: {  	[simem:s7], [sflag:s8] =	dma.local @!p0 [hbm:s6], $0xF7A  }
0x23: {  	s9 =	sor.u32 $0xD0000000, s2;
	s6 =	simm.s32 $0x108;
	_ =	swait.ge @!p0 [sflag:s8], $0x0  }
0x24: {  	s3 =	sadd.s32 $0x88, s3;
	s6 =	simm.s32 @!p1 $0x1082;
	[sflag:s4] =	ssyncset.s32 $0xFFFFF086  }
0x25: {  	[simem:s6], [sflag:s4] =	dma.local [hbm:s3], $0xF7A  }
0x26: {  	[smem:$0x3F86] =	sst s1;
	(tag) =	ssettag s2;
	_ =	strace s9  }
0x27: {  	s1 =	sld [smem:$0x3F96]  }
0x28: {  	s2 =	sld [smem:$0x3F97]  }
0x29: {  	s4 =	sld [smem:$0x3F99]  }
0x2a: {  	p0 =	seq.s32 s5, $0x0;
	s5 =	sld [smem:$0x3F9A]  }
0x2b: {  	s6 =	sld [smem:$0x3F9B]  }
0x2c: {  	s7 =	sld [smem:$0x3F9C]  }
0x2d: {  	s3 =	simm.s32 $0x108;
	s8 =	sld [smem:$0x3F9D]  }
0x2e: {  	s3 =	simm.s32 @!p0 $0x1082;
	s9 =	sld [smem:$0x3F9E]  }
0x2f: {  	lr =	sadd.s32 s0, s3;
	s0 =	sld [smem:$0x3F95]  }
0x30: {  	s3 =	sld [smem:$0x3F98]  }
0x31: {  	[smem:$0x3FA1] =	sst s10  }
0x32: {  	s10 =	sld [smem:$0x3F9F];
	_ =	sdelay $0x3  }
0x33: {  	p0 =	seq.s32 s10, $0x1;
	s10 =	sld [smem:$0x3FA1];
	_ =	sdelay $0x3  }
0x34: {  	[smem:$0x3FA1] =	sst s10  }
0x35: {  	s10 =	sld [smem:$0x3FA0];
	_ =	sdelay $0x3  }
0x36: {  	p1 =	seq.s32 s10, $0x1;
	s10 =	sld [smem:$0x3FA1];
	_ =	sdelay $0x3  }
0x37: {  	[smem:$0x3FA1] =	sst s10  }
0x38: {  	s10 =	sld [smem:$0x3FA2]  }
0x39: {  	_ = 	snop;
	(pc) =	sbr.ind lr, $3  }
0x3a: {  	_ = 	snop  }
0x3b: {  	_ = 	snop  }
0x3c: {  	p2 =	seq.s32 s10, $0x1;
	s10 =	sld [smem:$0x3FA1]  }
0x3d: {  	_ =	shalt  }
0x3e: {  	_ =	shalt  }
0x3f: {  	_ =	shalt  }
0x40: {  	_ =	shalt  }
0x41: {  	_ =	shalt  }
0x42: {  	_ =	shalt  }
0x43: {  	_ =	shalt  }
0x44: {  	_ =	shalt  }
0x45: {  	_ =	shalt  }
0x46: {  	_ =	shalt  }
0x47: {  	_ =	shalt  }
0x48: {  	_ =	shalt  }
0x49: {  	_ =	shalt  }
0x4a: {  	_ =	shalt  }
0x4b: {  	_ =	shalt  }
0x4c: {  	_ =	shalt  }
0x4d: {  	_ =	shalt  }
0x4e: {  	_ =	shalt  }
0x4f: {  	_ =	shalt  }
0x50: {  	_ =	shalt  }
0x51: {  	_ =	shalt  }
0x52: {  	_ =	shalt  }
0x53: {  	_ =	shalt  }
0x54: {  	_ =	shalt  }
0x55: {  	_ =	shalt  }
0x56: {  	_ =	shalt  }
0x57: {  	_ =	shalt  }
0x58: {  	_ =	shalt  }
0x59: {  	_ =	shalt  }
0x5a: {  	_ =	shalt  }
0x5b: {  	_ =	shalt  }
0x5c: {  	_ =	shalt  }
0x5d: {  	_ =	shalt  }
0x5e: {  	_ =	shalt  }
0x5f: {  	_ =	shalt  }
0x60: {  	_ =	shalt  }
0x61: {  	_ =	shalt  }
0x62: {  	_ =	shalt  }
0x63: {  	_ =	shalt  }
0x64: {  	_ =	shalt  }
0x65: {  	_ =	shalt  }
0x66: {  	_ =	shalt  }
0x67: {  	_ =	shalt  }
0x68: {  	_ =	shalt  }
0x69: {  	_ =	shalt  }
0x6a: {  	_ =	shalt  }
0x6b: {  	_ =	shalt  }
0x6c: {  	_ =	shalt  }
0x6d: {  	_ =	shalt  }
0x6e: {  	_ =	shalt  }
0x6f: {  	_ =	shalt  }
0x70: {  	_ =	shalt  }
0x71: {  	_ =	shalt  }
0x72: {  	_ =	shalt  }
0x73: {  	_ =	shalt  }
0x74: {  	_ =	shalt  }
0x75: {  	_ =	shalt  }
0x76: {  	_ =	shalt  }
0x77: {  	_ =	shalt  }
0x78: {  	_ =	shalt  }
0x79: {  	_ =	shalt  }
0x7a: {  	_ =	shalt  }
0x7b: {  	_ =	shalt  }
0x7c: {  	_ =	shalt  }
0x7d: {  	_ =	shalt  }
0x7e: {  	_ =	shalt  }
0x7f: {  	_ =	shalt  }
0x80: {  	_ =	shalt  }
0x81: {  	_ =	shalt  }
0x82: {  	_ =	shalt  }
0x83: {  	_ =	shalt  }
0x84: {  	_ =	shalt  }
0x85: {  	_ =	shalt  }
0x86: {  	_ =	shalt  }
0x87: {  	_ =	shalt  }
.Lfunc_end0:
.L_simem_size_0:
called_computation.7_lowered:
.L_overlay_start_0:
0x88: {  	s2 =	sld [smem:$0x3FD9]  }
0x89: {  	s3 =	sld [smem:$0x3FFE];
	_ =	sdelay $0x1  }
0x8a: {  	s1 =	srdreg.scid  }
0x8b: {  	s0 =	sand.u32 $0x1, s1  }
0x8c: {  	s17 =	sshll.u32 s0, $0xA;
	s2 =	sadd.s32 s3, s2  }
0x8d: {  	s2 =	sadd.s32 s2, s17  }
0x8e: {  	[smem:$0x3FAD] =	sst s2  }
0x8f: {  	_ = 	snop  }
0x90: {  	(tm) =	ssettm $0x1  }
0x91: {  	s18 =	sld [smem:$0x3FFB];
	_ =	sdelay $0x3  }
0x92: {  	_ =	strace s18  }
0x93: {  	s2 =	sld [smem:$0x3FFC];
	_ =	sdelay $0x3  }
0x94: {  	_ =	strace s2  }
0x95: {  	s2 =	sld [smem:$0x3FFD];
	_ =	sdelay $0x3  }
0x96: {  	_ =	strace s2  }
0x97: {  	_ =	strace $0x8FFFFFFF  }
0x98: {  	s19 =	sld [smem:$0x3FDB];
	_ =	sdelay $0x1  }
0x99: {  	s20 =	simm.s32 $_scs_section_size  }
0x9a: {  	s4 =	simm.s32 $_size__tile_overlayer_lowered;
	s5 =	simm.s32 $_tile_overlayer_lowered  }
0x9b: {  	s6 =	simm.s32 $0x1BFF;
	s21 =	sshll.u32 s5, $0x1;
	s3 =	sadd.s32 s20, s19  }
0x9c: {  	s22 =	simm.s32 $0x0;
	s4 =	sshll.u32 s4, $0x1;
	s5 =	sadd.s32 s21, s3  }
0x9d: {  	[timem:s22], [sflag:s6] =	dma.local [hbm:s5], s4  }
0x9e: {  	_ =	swait.ge [sflag:s6], s4  }
0x9f: {  	s4 =	ssub.s32 $0x0, s4;
	[sflag:s6] =	ssyncset.done $0x0  }
0xa0: {  	[sflag:s6] =	ssyncadd.s32 s4;
	_ =	sdelay $0x1  }
0xa1: {  	s23 =	simm.s32 $0x1B8B  }
0xa2: {  	_ =	swait.ge [sflag:s23], $0x1  }
0xa3: {  	[sflag:s23] =	ssyncset.done $0x0  }
0xa4: {  	[sflag:s23] =	ssyncadd.s32 $0xFFFFFFFF  }
0xa5: {  	s4 =	sld [smem:$0x0]  }
0xa6: {  	s5 =	sand.u32 $0xFFFFFFFE, s1  }
0xa7: {  	p0 =	sne.s32 s1, s5  }
0xa8: {  	s5 =	sshll.u32 @p0 s5, $0xE  }
0xa9: {  	s5 =	sadd.s32 @p0 $0x11B8D, s5;
	s6 =	sshll.u32 @p0 s4, $0x11  }
0xaa: {  	s5 =	sor.u32 @p0 s6, s5  }
0xab: {  	[sflag:s5] =	ssyncadd.remote.s32 @p0 $0x1;
	_ =	sdelay $0x1  }
0xac: {  	s5 =	simm.s32 @p0 $0x1B8D  }
0xad: {  	_ =	swait.eq @p0 [sflag:s5], $0x1  }
0xae: {  	[sflag:s5] =	ssyncadd.s32 @p0 $0xFFFFFFFF  }
0xaf: {  	s6 =	sshll.u32 @!p0 s1, $0xE  }
0xb0: {  	s6 =	sor.u32 @!p0 $0x4000, s6;
	s5 =	simm.s32 @!p0 $0x1B8D  }
0xb1: {  	s4 =	sshll.u32 @!p0 s4, $0x11;
	s6 =	sadd.s32 @!p0 $0x11B8D, s6;
	_ =	swait.eq @!p0 [sflag:s5], $0x1  }
0xb2: {  	s4 =	sor.u32 @!p0 s4, s6;
	[sflag:s5] =	ssyncadd.s32 @!p0 $0xFFFFFFFF  }
0xb3: {  	s25 =	simm.s32 $0x1B8E;
	s24 =	sld [smem:$0x3FFE];
	[sflag:s4] =	ssyncadd.remote.s32 @!p0 $0x1  }
0xb4: {  	s26 =	simm.s32 $execute0_lowered;
	[smem:$0x3FD2] =	sst s25  }
0xb5: {  	s5 =	sshll.u32 s26, $0x1;
	_ =	strace $0x8000005B;
	[dreg:$0x1] =	wrdreg $0xFFFFFFFF  }
0xb6: {  	s28 =	simm.s32 $_size_execute0_lowered;
	s3 =	sadd.s32 s3, s5;
	[dreg:$0x0] =	wrdreg $0x0  }
0xb7: {  	s5 =	sshll.u32 s28, $0x1;
	[dreg:$0x2] =	wrdreg s3  }
0xb8: {  	[dreg:$0x3] =	wrdreg s5  }
0xb9: {  	[dreg:$0x4] =	wrdreg $0xC0  }
0xba: {  	_ =	task [dreg:s22], $0x5FFFF  }
0xbb: {  	[dreg:$0x1] =	wrdreg $0xFFFFFFFF  }
0xbc: {  	[dreg:$0x0] =	wrdreg $0x60  }
0xbd: {  	[dreg:$0x2] =	wrdreg s24  }
0xbe: {  	[dreg:$0x3] =	wrdreg $0x0  }
0xbf: {  	[dreg:$0x4] =	wrdreg $0x9  }
0xc0: {  	_ =	task.clear_ibuf [dreg:s22], $0x5FFFF;
	_ =	strace $0x9000005B  }
0xc1: {  	s29 =	simm.s32 $0x9;
	_ =	strace $0x8000005D  }
0xc2: {  	_ =	swait.ge [sflag:s29], $0x1  }
0xc3: {  	[sflag:s29] =	ssyncadd.s32 $0xFFFFFFFF  }
0xc4: {  	_ =	strace $0x9000005D  }
0xc5: {  	_ =	sfence  }
0xc6: {  	s30 =	sld [smem:$0x0];
	_ =	sdelay $0x2  }
0xc7: {  	s31 =	sshll.u32 s1, $0xD;
	s1 =	sshrl.u32 s1, $0x2  }
0xc8: {  	s4 =	sand.u32 $0x4000, s31;
	s1 =	sadd.s32 s1, s30  }
0xc9: {  	s0 =	sor.u32 s4, s0;
	s1 =	sshll.u32 s1, $0x11  }
0xca: {  	s0 =	sor.u32 s1, s0  }
0xcb: {  	s0 =	sadd.s32 $0x8F2B, s0  }
0xcc: {  	[sflag:s0] =	ssyncadd.remote.s32 $0x1  }
0xcd: {  	_ =	sfence.sel $0xFFFF  }
0xce: {  	[dreg:$0x0] =	wrdreg $0xFFFFFFFF;
	(pc) =	sbr.abs _section_cstart, $3  }
0xcf: {  	[dreg:$0x1] =	wrdreg $0xFFFFFFFF  }
0xd0: {  	_ =	task.clear_ibuf [dreg:s22], $0x2FFFF;
	_ =	strace $0x9FFFFFFF  }
0xd1: {  	(tm) =	ssettm $0x7FFFFFFF  }
tec
execute0_lowered:
.L_overlay_start_1:
0x0: {  	(tag) =	ssettag $0x1  }
0x1: {  	s24 =	rddreg [dreg:$0x0]  }
0x2: {  	s2 =	rddreg [dreg:$0x1]  }
0x3: {  	s0 =	rddreg [dreg:$0x2];
	s1 =	stileid.u32  }
0x4: {  	s3 =	simm.s32 $0x0;
	s4 =	srdreg.scid;
	s5 =	smul.u32 $0x50000, s1  }
0x5: {  	[smem:$0x7FF] =	sst s3;
	s25 =	sand.u32 $0x1, s4;
	s29 =	sshll.u32 s1, $0x1  }
0x6: {  	s4 =	sadd.s32 $0x300E00, s24;
	s30 =	sshll.u32 s1, $0x6;
	s5 =	sshrl.u32 s5, $0x2  }
0x7: {  	_ =	strace $0x8000005C;
	s10 =	sor.u32 s25, s29;
	s6 =	sadd.s32 s5, s2  }
0x8: {  	s5 =	sor.u32 $0x1C05, s30;
	s7 =	sshrl.u32 s6, $0x3;
	s6 =	simm.s32 $0x5  }
0x9: {  	[spmem:s7], [sflag:s5] =	dma.local [hbm:s4], $0x2800  }
0xa: {  	s8 =	sshll.u32 s10, $0x6;
	_ =	swait.ge [sflag:s6], $0x2800  }
0xb: {  	s8 =	sadd.s32 s8, s24;
	[sflag:s6] =	ssyncset.done $0x0  }
0xc: {  	s9 =	simm.s32 $0x14000;
	s8 =	sadd.s32 $0x393600, s8;
	[sflag:s6] =	ssyncadd.s32 $0xFFFFD800  }
0xd: {  	[tilespmem:s9], [sflag:$0x5] =	stream.linear.gather [hbm4b:s8+s3], $0x200, $0x38;
	[tilespmem:$0x1C200] =	vst v63  }
0xe: {  	_ =	swait.ge [sflag:s6], $0x200  }
0xf: {  	s10 =	sshll.u32 s10, $0xD;
	[sflag:s6] =	ssyncset.done $0x0  }
0x10: {  	s21 =	sadd.s32 s10, s24;
	[sflag:s6] =	ssyncadd.s32 $0xFFFFFE00  }
0x11: {  	s11 =	simm.s32 $0x14200;
	s10 =	sadd.s32 $0x303600, s21;
	[bflag:$0x0] =	sbarrier.arrive $0xFFFF  }
0x12: {  	[tilespmem:s11], [sflag:$0x1] =	stream.linear.gather [hbm4b:s10+s3], $0x4000, $0x38;
	[tilespmem:$0x1C200] =	vst v63  }
0x13: {  	s13 =	simm.s32 $0x18200;
	s14 =	simm.s32 $0x1;
	s12 =	sadd.s32 $0x303E00, s21  }
0x14: {  	[tilespmem:s13], [sflag:$0x2] =	stream.linear.gather [hbm4b:s12+s3], $0x4000, $0x38;
	[tilespmem:$0x1C200] =	vst v63  }
0x15: {  	_ =	swait.ge [sflag:s14], $0x4000  }
0x16: {  	[sflag:s14] =	ssyncset.done $0x0  }
0x17: {  	s15 =	simm.s32 $0x80;
	s16 =	simm.s32 $0x2;
	[sflag:s14] =	ssyncadd.s32 $0xFFFFC000  }
0x18: {  	[spmem:s2] =	stream.indirect.scatter.add.f32 [tilespmem:s11], [sflag:$0x3], $0x80, s9, s15, $0xb8;
	[tilespmem:$0x1C200] =	vst v63  }
0x19: {  	_ =	swait.ge [sflag:s16], $0x4000  }
0x1a: {  	[sflag:s16] =	ssyncset.done $0x0  }
0x1b: {  	s17 =	simm.s32 $0x14080;
	s18 =	simm.s32 $0x3;
	[sflag:s16] =	ssyncadd.s32 $0xFFFFC000  }
0x1c: {  	[spmem:s2] =	stream.indirect.scatter.add.f32 [tilespmem:s13], [sflag:$0x4], $0x80, s17, s15, $0xb8;
	[tilespmem:$0x1C200] =	vst v63  }
0x1d: {  	_ =	swait.ge [sflag:s18], $0x4000  }
0x1e: {  	[sflag:s18] =	ssyncset.done $0x0  }
0x1f: {  	s20 =	simm.s32 $0x4;
	s19 =	sadd.s32 $0x304600, s21;
	[sflag:s18] =	ssyncadd.s32 $0xFFFFC000  }
0x20: {  	[tilespmem:s11], [sflag:$0x1] =	stream.linear.gather [hbm4b:s19+s3], $0x4000, $0x38;
	[tilespmem:$0x1C200] =	vst v63  }
0x21: {  	_ =	swait.ge [sflag:s20], $0x4000  }
0x22: {  	[sflag:s20] =	ssyncset.done $0x0  }
0x23: {  	s21 =	sadd.s32 $0x304E00, s21;
	[sflag:s20] =	ssyncadd.s32 $0xFFFFC000  }
0x24: {  	[tilespmem:s13], [sflag:$0x2] =	stream.linear.gather [hbm4b:s21+s3], $0x4000, $0x38;
	[tilespmem:$0x1C200] =	vst v63  }
0x25: {  	_ =	swait.ge [sflag:s14], $0x4000  }
0x26: {  	[sflag:s14] =	ssyncset.done $0x0  }
0x27: {  	s22 =	simm.s32 $0x14100;
	[sflag:s14] =	ssyncadd.s32 $0xFFFFC000  }
0x28: {  	[spmem:s2] =	stream.indirect.scatter.add.f32 [tilespmem:s11], [sflag:$0x3], $0x80, s22, s15, $0xb8;
	[tilespmem:$0x1C200] =	vst v63  }
0x29: {  	_ =	swait.ge [sflag:s16], $0x4000  }
0x2a: {  	[sflag:s16] =	ssyncset.done $0x0  }
0x2b: {  	s23 =	simm.s32 $0x14180;
	[sflag:s16] =	ssyncadd.s32 $0xFFFFC000  }
0x2c: {  	[spmem:s2] =	stream.indirect.scatter.add.f32 [tilespmem:s13], [sflag:$0x4], $0x80, s23, s15, $0xb8;
	[tilespmem:$0x1C200] =	vst v63  }
0x2d: {  	s26 =	smul.u32 $0x28000, s25;
	s25 =	ssub.s32 $0x2, s25;
	_ =	swait.ge [sflag:s18], $0x4000  }
0x2e: {  	s31 =	sshrl.u32 s25, $0x1;
	[sflag:s18] =	ssyncset.done $0x0  }
0x2f: {  	s25 =	ssub.s32 s25, s31;
	[sflag:s18] =	ssyncadd.s32 $0xFFFFC000  }
0x30: {  	s28 =	smul.u32 $0x2800, s1;
	s25 =	smax.u32 s25, $0x1;
	_ =	swait.ge [sflag:s20], $0x4000  }
0x31: {  	s24 =	sadd.s32 s26, s24;
	p0 =	sne.s32 s25, $0x1;
	[sflag:s20] =	ssyncset.done $0x0  }
.Ltmp0:
0x32: {  	s24 =	sadd.s32 $0x343600, s24;
	[sflag:s20] =	ssyncadd.s32 $0xFFFFC000;
	(pc) =	sbr.rel @!p0 .LBB2_2-.Ltmp0, $4  }
0x33: {  	s24 =	sadd.s32 s28, s24;
	[bflag:$0x0] =	sbarrier.arrive $0xFFFF  }
0x34: {  	[hbm:s24], [sflag:s5] =	dma.local [spmem:s7], $0x2800  }
0x35: {  	_ =	swait.ge [sflag:s6], $0x2800  }
0x36: {  	s25 =	sadd.s32 $0xFFFFFFFF, s25;
	[sflag:s6] =	ssyncset.done $0x0  }
.LBB2_1:
0x37: {  	p0 =	sne.s32 s25, $0x1;
	s25 =	sadd.s32 $0xFFFFFFFF, s25;
	[sflag:s6] =	ssyncadd.s32 $0xFFFFD800  }
0x38: {  	[spmem:s7], [sflag:s5] =	dma.local [hbm:s4], $0x2800  }
0x39: {  	_ =	swait.ge [sflag:s6], $0x2800  }
0x3a: {  	[sflag:s6] =	ssyncset.done $0x0  }
0x3b: {  	[sflag:s6] =	ssyncadd.s32 $0xFFFFD800  }
0x3c: {  	[tilespmem:s9], [sflag:$0x5] =	stream.linear.gather [hbm4b:s8+s3], $0x200, $0x38;
	[tilespmem:$0x1C200] =	vst v63  }
0x3d: {  	_ =	swait.ge [sflag:s6], $0x200  }
0x3e: {  	[sflag:s6] =	ssyncset.done $0x0  }
0x3f: {  	[sflag:s6] =	ssyncadd.s32 $0xFFFFFE00  }
0x40: {  	[bflag:$0x0] =	sbarrier.arrive $0xFFFF  }
0x41: {  	[tilespmem:s11], [sflag:$0x1] =	stream.linear.gather [hbm4b:s10+s3], $0x4000, $0x38;
	[tilespmem:$0x1C200] =	vst v63  }
0x42: {  	_ = 	snop  }
0x43: {  	[tilespmem:s13], [sflag:$0x2] =	stream.linear.gather [hbm4b:s12+s3], $0x4000, $0x38;
	[tilespmem:$0x1C200] =	vst v63  }
0x44: {  	_ =	swait.ge [sflag:s14], $0x4000  }
0x45: {  	[sflag:s14] =	ssyncset.done $0x0  }
0x46: {  	[sflag:s14] =	ssyncadd.s32 $0xFFFFC000  }
0x47: {  	[spmem:s2] =	stream.indirect.scatter.add.f32 [tilespmem:s11], [sflag:$0x3], $0x80, s9, s15, $0xb8;
	[tilespmem:$0x1C200] =	vst v63  }
0x48: {  	_ =	swait.ge [sflag:s16], $0x4000  }
0x49: {  	[sflag:s16] =	ssyncset.done $0x0  }
0x4a: {  	[sflag:s16] =	ssyncadd.s32 $0xFFFFC000  }
0x4b: {  	[spmem:s2] =	stream.indirect.scatter.add.f32 [tilespmem:s13], [sflag:$0x4], $0x80, s17, s15, $0xb8;
	[tilespmem:$0x1C200] =	vst v63  }
0x4c: {  	_ =	swait.ge [sflag:s18], $0x4000  }
0x4d: {  	[sflag:s18] =	ssyncset.done $0x0  }
0x4e: {  	[sflag:s18] =	ssyncadd.s32 $0xFFFFC000  }
0x4f: {  	[tilespmem:s11], [sflag:$0x1] =	stream.linear.gather [hbm4b:s19+s3], $0x4000, $0x38;
	[tilespmem:$0x1C200] =	vst v63  }
0x50: {  	_ =	swait.ge [sflag:s20], $0x4000  }
0x51: {  	[sflag:s20] =	ssyncset.done $0x0  }
0x52: {  	[sflag:s20] =	ssyncadd.s32 $0xFFFFC000  }
0x53: {  	[tilespmem:s13], [sflag:$0x2] =	stream.linear.gather [hbm4b:s21+s3], $0x4000, $0x38;
	[tilespmem:$0x1C200] =	vst v63  }
0x54: {  	_ =	swait.ge [sflag:s14], $0x4000  }
0x55: {  	[sflag:s14] =	ssyncset.done $0x0  }
0x56: {  	[sflag:s14] =	ssyncadd.s32 $0xFFFFC000  }
0x57: {  	[spmem:s2] =	stream.indirect.scatter.add.f32 [tilespmem:s11], [sflag:$0x3], $0x80, s22, s15, $0xb8;
	[tilespmem:$0x1C200] =	vst v63  }
0x58: {  	_ =	swait.ge [sflag:s16], $0x4000  }
0x59: {  	[sflag:s16] =	ssyncset.done $0x0  }
0x5a: {  	[sflag:s16] =	ssyncadd.s32 $0xFFFFC000  }
0x5b: {  	[spmem:s2] =	stream.indirect.scatter.add.f32 [tilespmem:s13], [sflag:$0x4], $0x80, s23, s15, $0xb8;
	[tilespmem:$0x1C200] =	vst v63  }
0x5c: {  	_ =	swait.ge [sflag:s18], $0x4000  }
0x5d: {  	[sflag:s18] =	ssyncset.done $0x0  }
0x5e: {  	[sflag:s18] =	ssyncadd.s32 $0xFFFFC000  }
0x5f: {  	_ =	swait.ge [sflag:s20], $0x4000  }
0x60: {  	[sflag:s20] =	ssyncset.done $0x0  }
.Ltmp1:
0x61: {  	[sflag:s20] =	ssyncadd.s32 $0xFFFFC000;
	(pc) =	sbr.rel @p0 .LBB2_1-.Ltmp1, $4  }
0x62: {  	[bflag:$0x0] =	sbarrier.arrive $0xFFFF  }
0x63: {  	[hbm:s24], [sflag:s5] =	dma.local [spmem:s7], $0x2800  }
0x64: {  	_ =	swait.ge [sflag:s6], $0x2800  }
0x65: {  	[sflag:s6] =	ssyncset.done $0x0  }
.LBB2_2:
0x66: {  	[sflag:s6] =	ssyncadd.s32 $0xFFFFD800  }
0x67: {  	_ =	sfence.sel $0x180000  }
0x68: {  	[bflag:$0x0] =	sbarrier.arrive $0xFFFF  }
0x69: {  	p0 =	sne.s32 s1, $0x0;
	_ =	strace $0x9000005C  }
0x6a: {  	s0 =	sadd.s32 @!p0 $0x100000, s0;
	[bflag:$0x2] =	sbarrier.arrive $0xFFFF  }
0x6b: {  	[sflag:s0] =	ssyncadd.tile.s32 @!p0 $0x1;
	_ =	shalt  }
.Lfunc_end2:
_tile_overlayer_lowered:
.L_overlay_start_2:
0x6c: {  	(tag) =	ssettag $0x2  }
0x6d: {  	s0 =	rddreg [dreg:$0x0];
	s2 =	stileid.u32  }
0x6e: {  	s1 =	rddreg [dreg:$0x1];
	p0 =	sne.s32 s2, $0x0  }
0x6f: {  	s3 =	rddreg [dreg:$0x2];
	[bflag:$0x3] =	sbarrier.arrive $0xFFFF;
	s2 =	simm.s32 @!p0 $0x1C05  }
0x70: {  	[timem:s3], [sflag:s2] =	dma.local @!p0 [hbm:s0], s1  }
0x71: {  	s0 =	simm.s32 @!p0 $0x5  }
0x72: {  	_ =	swait.ge @!p0 [sflag:s0], s1  }
0x73: {  	s1 =	ssub.s32 @!p0 $0x0, s1;
	[sflag:s0] =	ssyncset.done @!p0 $0x0  }
0x74: {  	[sflag:s0] =	ssyncadd.s32 @!p0 s1  }
0x75: {  	[bflag:$0x3] =	sbarrier.arrive $0xFFFF  }
0x76: {  	_ =	shalt  }

</sc_bundles>
